<compile_context>
chip_gen: v7x
topology: tpu7x:2x2x1
jax: 0.10.2.dev20260603
libtpu: 0.0.44.dev20260713+nightly
codegen_flags: <defaults>
</compile_context>

<pallas_src>
import jax
import jax.numpy as jnp
from jax.experimental import pallas as pl

_DIM = 32
_ATOMS = 512
_K = 8
_CH = 56


def _body(xp_ref, xl_ref, dct_ref, wd_ref, b_ref,
          rep_ref, rec_ref, sq_ref, reg_ref, cnt_ref):
    first = jnp.logical_and(pl.program_id(0) == 0, pl.program_id(1) == 0)
    xl = xl_ref[0, 0]
    dct = dct_ref[...]
    wd = wd_ref[...]
    bias = b_ref[...]

    dt = wd[:, _ATOMS:]
    dsq = jnp.sum(dt * dt, axis=0, keepdims=True)

    R = xl.shape[0]
    xb = xp_ref[...]
    ch = _CH if R % _CH == 0 else R
    inf = jnp.float32(jnp.inf)
    sq_acc = jnp.zeros((1, 1), jnp.float32)
    reg_acc = jnp.zeros((1, 1), jnp.float32)
    cnt_acc = jnp.zeros((1, _ATOMS), jnp.float32)

    for r0 in range(0, R, ch):
        mc = jax.lax.dot_general(
            xb[r0:r0 + ch], wd, (((1,), (0,)), ((), ())),
            preferred_element_type=jnp.float32)
        score = dsq - 2.0 * mc[:, _ATOMS:]

        q = _ATOMS // 4
        s1, s2 = score[:, 0:q], score[:, q:2 * q]
        s3, s4 = score[:, 2 * q:3 * q], score[:, 3 * q:]
        a, b_ = jnp.minimum(s1, s2), jnp.maximum(s1, s2)
        c, d_ = jnp.minimum(s3, s4), jnp.maximum(s3, s4)
        t1, t4 = jnp.minimum(a, c), jnp.maximum(b_, d_)
        u, v = jnp.maximum(a, c), jnp.minimum(b_, d_)
        t2, t3 = jnp.minimum(u, v), jnp.maximum(u, v)
        for k in range(_K):
            mn = jnp.min(t1, axis=1, keepdims=True)
            if k == _K - 1:
                break
            hit = t1 == mn
            t1 = jnp.where(hit, t2, t1)
            t2 = jnp.where(hit, t3, t2)
            if k < _K - 2:
                t3 = jnp.where(hit, t4, t3)
            if k < _K - 3:
                t4 = jnp.where(hit, inf, t4)
        mask = score <= mn

        logits = mc[:, :_ATOMS] + bias
        e = jnp.exp(logits)
        recip = 1.0 / jnp.sum(e, axis=1, keepdims=True)
        rep = jnp.where(mask, e * recip, 0.0)
        rep_ref[pl.ds(r0, ch), :] = rep

        y = jax.lax.dot_general(
            rep, dct, (((1,), (0,)), ((), ())),
            preferred_element_type=jnp.float32)
        xlc = xl[r0:r0 + ch]
        rec_ref[pl.ds(r0, ch), :] = xlc + (y - xlc)

        diff = xlc - y
        sq_acc += jnp.sum(diff * diff, axis=(0, 1), keepdims=True)
        reg_acc += jnp.sum(rep, axis=(0, 1), keepdims=True)
        cnt_acc += jnp.sum(mask.astype(jnp.float32), axis=0, keepdims=True)

    @pl.when(first)
    def _():
        sq_ref[...] = jnp.zeros_like(sq_ref)
        reg_ref[...] = jnp.zeros_like(reg_ref)
        cnt_ref[...] = jnp.zeros_like(cnt_ref)

    sq_ref[...] += sq_acc
    reg_ref[...] += reg_acc
    cnt_ref[...] += cnt_acc


def kernel(x, dictionary, W, b):
    B, C, H, Wd = x.shape
    HW = H * Wd
    N = B * HW
    R = HW // _DIM
    NB = _DIM

    xp = jnp.transpose(x.reshape(B, C, HW), (0, 2, 1)).reshape(N, _DIM)
    xls = x.reshape(B, C, R, _DIM)
    wd = jnp.concatenate([W.T, dictionary.T], axis=1)
    br = b.reshape(1, _ATOMS)

    rep, rec, sq, reg, cnt = pl.pallas_call(
        _body,
        grid=(B, NB),
        in_specs=[
            pl.BlockSpec((R, _DIM), lambda bb, ii: (bb * NB + ii, 0)),
            pl.BlockSpec((1, 1, R, _DIM), lambda bb, ii: (bb, ii, 0, 0)),
            pl.BlockSpec((_ATOMS, _DIM), lambda bb, ii: (0, 0)),
            pl.BlockSpec((_DIM, 2 * _ATOMS), lambda bb, ii: (0, 0)),
            pl.BlockSpec((1, _ATOMS), lambda bb, ii: (0, 0)),
        ],
        out_specs=(
            pl.BlockSpec((R, _ATOMS), lambda bb, ii: (bb * NB + ii, 0)),
            pl.BlockSpec((R, _DIM), lambda bb, ii: (bb * NB + ii, 0)),
            pl.BlockSpec((1, 1), lambda bb, ii: (0, 0)),
            pl.BlockSpec((1, 1), lambda bb, ii: (0, 0)),
            pl.BlockSpec((1, _ATOMS), lambda bb, ii: (0, 0)),
        ),
        out_shape=(
            jax.ShapeDtypeStruct((N, _ATOMS), jnp.float32),
            jax.ShapeDtypeStruct((N, _DIM), jnp.float32),
            jax.ShapeDtypeStruct((1, 1), jnp.float32),
            jax.ShapeDtypeStruct((1, 1), jnp.float32),
            jax.ShapeDtypeStruct((1, _ATOMS), jnp.float32),
        ),
    )(xp, xls, dictionary, wd, br)

    loss = 2.0 * sq[0, 0] / jnp.float32(N * _DIM) + reg[0, 0]
    avg_probs = cnt[0] / jnp.float32(N)
    avg_probs = avg_probs / jnp.sum(avg_probs)
    perplexity = jnp.exp(-jnp.sum(avg_probs * jnp.log(avg_probs + 1e-10)))
    reconstruction = rec.reshape(B, C, H, Wd)
    return (loss, reconstruction, perplexity, rep)

# --- scband reference (transcript-rebuilt; emitter-appended) ---
"""Pipeline reference for scband-dict-learn-61091614818894 (READ-ONLY COPY).

The authoritative reference and input builder live on the scoring server;
editing this copy changes nothing except your own understanding.
"""

import jax, jax.numpy as jnp
import numpy as np

DIM = 32
NUM_ATOMS = 512
SPARSITY = 8

def setup_inputs(seed: int = 0) -> dict:
    key = jax.random.key(seed)
    k1, k2, k3, k4 = jax.random.split(key, 4)
    x = jax.random.normal(k1, (8, 32, 224, 224), dtype=jnp.float32)
    # dictionary initialized as torch.rand (uniform [0,1))
    dictionary = jax.random.uniform(k2, (NUM_ATOMS, DIM), dtype=jnp.float32)
    # nn.Linear(dim, num_atoms): weight [num_atoms, dim], bias [num_atoms]
    lim = 1.0 / np.sqrt(DIM)
    W = jax.random.uniform(k3, (NUM_ATOMS, DIM), minval=-lim, maxval=lim, dtype=jnp.float32)
    b = jax.random.uniform(k4, (NUM_ATOMS,), minval=-lim, maxval=lim, dtype=jnp.float32)
    return {"x": x, "dictionary": dictionary, "W": W, "b": b}

def reference(x, dictionary, W, b):
    B, C, H, Wd = x.shape
    # x.permute(0,2,3,1).view(-1, dim)
    xp = jnp.transpose(x, (0, 2, 3, 1)).reshape(-1, DIM)
    # representation = Softmax(Linear(x_flattened))
    rep = jax.nn.softmax(xp @ W.T + b, axis=1)
    # squared L2 distances to dictionary atoms
    distances = (jnp.sum(xp ** 2, axis=1, keepdims=True)
                 + jnp.sum(dictionary ** 2, axis=1)
                 - 2.0 * (xp @ dictionary.T))
    # topk smallest distances
    _, indices = jax.lax.top_k(-distances, SPARSITY)
    N = xp.shape[0]
    encodings = jnp.zeros((N, NUM_ATOMS), dtype=jnp.float32).at[
        jnp.arange(N)[:, None], indices].set(1.0)
    rep = rep * encodings
    reconstruction = (rep @ dictionary).reshape(B, DIM, H, Wd)
    # x.permute(0,3,1,2).view(B, dim, H, W) (from [B,H,W,C] layout)
    x2 = jnp.transpose(xp.reshape(B, H, Wd, DIM), (0, 3, 1, 2)).reshape(B, DIM, H, Wd)
    recon_loss = (jnp.mean((x2 - jax.lax.stop_gradient(reconstruction)) ** 2)
                  + jnp.mean((jax.lax.stop_gradient(x2) - reconstruction) ** 2))
    regularization = jnp.sum(jnp.abs(rep))
    reconstruction = x2 + jax.lax.stop_gradient(reconstruction - x2)
    avg_probs = jnp.mean(encodings, axis=0)
    avg_probs = avg_probs / jnp.sum(avg_probs)
    perplexity = jnp.exp(-jnp.sum(avg_probs * jnp.log(avg_probs + 1e-10)))
    return (recon_loss + regularization, reconstruction, perplexity, rep)

if __name__ == "__main__":
    import jax
    _d = setup_inputs()
    print(jax.jit(kernel)(*tuple(_d.values())))

</pallas_src>

<mosaic_0001>
module attributes {stable_mosaic.version = 14 : i64} {
  func.func @_body(%arg0: i32, %arg1: i32, %arg2: memref<1568x32xf32, #tpu.memory_space<vmem>>, %arg3: memref<1x1x1568x32xf32, #tpu.memory_space<vmem>>, %arg4: memref<512x32xf32, #tpu.memory_space<vmem>>, %arg5: memref<32x1024xf32, #tpu.memory_space<vmem>>, %arg6: memref<1x512xf32, #tpu.memory_space<vmem>>, %arg7: memref<1568x512xf32, #tpu.memory_space<vmem>>, %arg8: memref<1568x32xf32, #tpu.memory_space<vmem>>, %arg9: memref<1x1xf32, #tpu.memory_space<vmem>>, %arg10: memref<1x1xf32, #tpu.memory_space<vmem>>, %arg11: memref<1x512xf32, #tpu.memory_space<vmem>>) attributes {dimension_semantics = [#tpu.dimension_semantics<arbitrary>, #tpu.dimension_semantics<arbitrary>], iteration_bounds = array<i64: 8, 32>, scalar_prefetch = 0 : i64, scratch_operands = 0 : i64, tpu.core_type = #tpu.core_type<tc>, window_params = [{transform_indices = @transform_0, window_bounds = array<i64: 1568, 32>}, {transform_indices = @transform_1, window_bounds = array<i64: 1, 1, 1568, 32>}, {pipeline_mode = #tpu.pipeline_mode<synchronous>, transform_indices = @transform_2, window_bounds = array<i64: 512, 32>}, {pipeline_mode = #tpu.pipeline_mode<synchronous>, transform_indices = @transform_3, window_bounds = array<i64: 32, 1024>}, {pipeline_mode = #tpu.pipeline_mode<synchronous>, transform_indices = @transform_4, window_bounds = array<i64: 1, 512>}, {transform_indices = @transform_5, window_bounds = array<i64: 1568, 512>}, {transform_indices = @transform_6, window_bounds = array<i64: 1568, 32>}, {pipeline_mode = #tpu.pipeline_mode<synchronous>, transform_indices = @transform_7, window_bounds = array<i64: 1, 1>}, {pipeline_mode = #tpu.pipeline_mode<synchronous>, transform_indices = @transform_8, window_bounds = array<i64: 1, 1>}, {pipeline_mode = #tpu.pipeline_mode<synchronous>, transform_indices = @transform_9, window_bounds = array<i64: 1, 512>}]} {
    %eq3A = arith.constant 0 : i32
    %eq3A_0 = arith.cmpi eq, %arg0, %eq3A : i32
    %eq3A_1 = arith.constant 0 : i32
    %eq3A_2 = arith.cmpi eq, %arg1, %eq3A_1 : i32
    %and3A = arith.andi %eq3A_0, %eq3A_2 : i1
    %get3A = arith.constant 0 : index
    %get3A_3 = arith.constant 0 : index
    %get3A_4 = arith.constant 0 : index
    %get3A_5 = arith.constant 0 : index
    %get3A_6 = vector.load %arg3[%get3A, %get3A_3, %get3A_4, %get3A_5] : memref<1x1x1568x32xf32, #tpu.memory_space<vmem>>, vector<1x1x1568x32xf32>
    %get3A_7 = vector.shape_cast %get3A_6 : vector<1x1x1568x32xf32> to vector<1568x32xf32>
    %get3A_8 = arith.constant 0 : index
    %get3A_9 = arith.constant 0 : index
    %get3A_10 = vector.load %arg4[%get3A_8, %get3A_9] : memref<512x32xf32, #tpu.memory_space<vmem>>, vector<512x32xf32>
    %get3A_11 = arith.constant 0 : index
    %get3A_12 = arith.constant 0 : index
    %get3A_13 = vector.load %arg5[%get3A_11, %get3A_12] : memref<32x1024xf32, #tpu.memory_space<vmem>>, vector<32x1024xf32>
    %get3A_14 = arith.constant 0 : index
    %get3A_15 = arith.constant 0 : index
    %get3A_16 = vector.load %arg6[%get3A_14, %get3A_15] : memref<1x512xf32, #tpu.memory_space<vmem>>, vector<1x512xf32>
    %slice3A = vector.extract_strided_slice %get3A_13 {offsets = [0, 512], sizes = [32, 512], strides = [1, 1]} : vector<32x1024xf32> to vector<32x512xf32>
    %mul3A = arith.mulf %slice3A, %slice3A : vector<32x512xf32>
    %reduce_sum3A = arith.constant dense<0.000000e+00> : vector<512xf32>
    %reduce_sum3A_17 = vector.multi_reduction <add>, %mul3A, %reduce_sum3A [0] : vector<32x512xf32> to vector<512xf32>
    %broadcast_in_dim3A = vector.shape_cast %reduce_sum3A_17 : vector<512xf32> to vector<1x512xf32>
    %get3A_18 = arith.constant 0 : index
    %get3A_19 = arith.constant 0 : index
    %get3A_20 = vector.load %arg2[%get3A_18, %get3A_19] : memref<1568x32xf32, #tpu.memory_space<vmem>>, vector<1568x32xf32>
    %broadcast_in_dim3A_21 = arith.constant 0.000000e+00 : f32
    %broadcast_in_dim3A_22 = vector.broadcast %broadcast_in_dim3A_21 : f32 to vector<1x1xf32>
    %broadcast_in_dim3A_23 = arith.constant 0.000000e+00 : f32
    %broadcast_in_dim3A_24 = vector.broadcast %broadcast_in_dim3A_23 : f32 to vector<1x1xf32>
    %broadcast_in_dim3A_25 = arith.constant 0.000000e+00 : f32
    %broadcast_in_dim3A_26 = vector.broadcast %broadcast_in_dim3A_25 : f32 to vector<1x512xf32>
    %slice3A_27 = vector.extract_strided_slice %get3A_20 {offsets = [0, 0], sizes = [56, 32], strides = [1, 1]} : vector<1568x32xf32> to vector<56x32xf32>
    %dot_general3A = arith.constant dense<0.000000e+00> : vector<56x1024xf32>
    %dot_general3A_28 = tpu.matmul %slice3A_27, %get3A_13, %dot_general3A {dimension_numbers = #tpu.dot_dimension_numbers<[1], [0], [0], [1], [0, 0, 1, 1], [], []>, transpose_lhs_hint = false} : vector<56x32xf32>, vector<32x1024xf32>, vector<56x1024xf32> -> vector<56x1024xf32>
    %slice3A_29 = vector.extract_strided_slice %dot_general3A_28 {offsets = [0, 512], sizes = [56, 512], strides = [1, 1]} : vector<56x1024xf32> to vector<56x512xf32>
    %mul3A_30 = arith.constant 2.000000e+00 : f32
    %mul3A_31 = vector.broadcast %mul3A_30 : f32 to vector<56x512xf32>
    %mul3A_32 = arith.mulf %mul3A_31, %slice3A_29 : vector<56x512xf32>
    %sub3A = vector.broadcast %broadcast_in_dim3A : vector<1x512xf32> to vector<56x512xf32>
    %sub3A_33 = arith.subf %sub3A, %mul3A_32 : vector<56x512xf32>
    %slice3A_34 = vector.extract_strided_slice %sub3A_33 {offsets = [0, 0], sizes = [56, 128], strides = [1, 1]} : vector<56x512xf32> to vector<56x128xf32>
    %slice3A_35 = vector.extract_strided_slice %sub3A_33 {offsets = [0, 128], sizes = [56, 128], strides = [1, 1]} : vector<56x512xf32> to vector<56x128xf32>
    %slice3A_36 = vector.extract_strided_slice %sub3A_33 {offsets = [0, 256], sizes = [56, 128], strides = [1, 1]} : vector<56x512xf32> to vector<56x128xf32>
    %slice3A_37 = vector.extract_strided_slice %sub3A_33 {offsets = [0, 384], sizes = [56, 128], strides = [1, 1]} : vector<56x512xf32> to vector<56x128xf32>
    %min3A = arith.minimumf %slice3A_34, %slice3A_35 : vector<56x128xf32>
    %max3A = arith.maximumf %slice3A_34, %slice3A_35 : vector<56x128xf32>
    %min3A_38 = arith.minimumf %slice3A_36, %slice3A_37 : vector<56x128xf32>
    %max3A_39 = arith.maximumf %slice3A_36, %slice3A_37 : vector<56x128xf32>
    %min3A_40 = arith.minimumf %min3A, %min3A_38 : vector<56x128xf32>
    %max3A_41 = arith.maximumf %max3A, %max3A_39 : vector<56x128xf32>
    %max3A_42 = arith.maximumf %min3A, %min3A_38 : vector<56x128xf32>
    %min3A_43 = arith.minimumf %max3A, %max3A_39 : vector<56x128xf32>
    %min3A_44 = arith.minimumf %max3A_42, %min3A_43 : vector<56x128xf32>
    %max3A_45 = arith.maximumf %max3A_42, %min3A_43 : vector<56x128xf32>
    %reduce_min3A = arith.constant dense<0x7F800000> : vector<56xf32>
    %reduce_min3A_46 = vector.multi_reduction <minimumf>, %min3A_40, %reduce_min3A [1] : vector<56x128xf32> to vector<56xf32>
    %broadcast_in_dim3A_47 = vector.shape_cast %reduce_min3A_46 : vector<56xf32> to vector<56x1xf32>
    %eq3A_48 = vector.broadcast %broadcast_in_dim3A_47 : vector<56x1xf32> to vector<56x128xf32>
    %eq3A_49 = arith.cmpf oeq, %min3A_40, %eq3A_48 : vector<56x128xf32>
    %select_n3A = arith.select %eq3A_49, %min3A_44, %min3A_40 : vector<56x128xi1>, vector<56x128xf32>
    %select_n3A_50 = arith.select %eq3A_49, %max3A_45, %min3A_44 : vector<56x128xi1>, vector<56x128xf32>
    %select_n3A_51 = arith.select %eq3A_49, %max3A_41, %max3A_45 : vector<56x128xi1>, vector<56x128xf32>
    %jit3A = arith.constant 0x7F800000 : f32
    %broadcast_in_dim3A_52 = vector.broadcast %jit3A : f32 to vector<56x128xf32>
    %select_n3A_53 = arith.select %eq3A_49, %broadcast_in_dim3A_52, %max3A_41 : vector<56x128xi1>, vector<56x128xf32>
    %reduce_min3A_54 = arith.constant dense<0x7F800000> : vector<56xf32>
    %reduce_min3A_55 = vector.multi_reduction <minimumf>, %select_n3A, %reduce_min3A_54 [1] : vector<56x128xf32> to vector<56xf32>
    %broadcast_in_dim3A_56 = vector.shape_cast %reduce_min3A_55 : vector<56xf32> to vector<56x1xf32>
    %eq3A_57 = vector.broadcast %broadcast_in_dim3A_56 : vector<56x1xf32> to vector<56x128xf32>
    %eq3A_58 = arith.cmpf oeq, %select_n3A, %eq3A_57 : vector<56x128xf32>
    %select_n3A_59 = arith.select %eq3A_58, %select_n3A_50, %select_n3A : vector<56x128xi1>, vector<56x128xf32>
    %select_n3A_60 = arith.select %eq3A_58, %select_n3A_51, %select_n3A_50 : vector<56x128xi1>, vector<56x128xf32>
    %select_n3A_61 = arith.select %eq3A_58, %select_n3A_53, %select_n3A_51 : vector<56x128xi1>, vector<56x128xf32>
    %jit3A_62 = arith.constant 0x7F800000 : f32
    %broadcast_in_dim3A_63 = vector.broadcast %jit3A_62 : f32 to vector<56x128xf32>
    %select_n3A_64 = arith.select %eq3A_58, %broadcast_in_dim3A_63, %select_n3A_53 : vector<56x128xi1>, vector<56x128xf32>
    %reduce_min3A_65 = arith.constant dense<0x7F800000> : vector<56xf32>
    %reduce_min3A_66 = vector.multi_reduction <minimumf>, %select_n3A_59, %reduce_min3A_65 [1] : vector<56x128xf32> to vector<56xf32>
    %broadcast_in_dim3A_67 = vector.shape_cast %reduce_min3A_66 : vector<56xf32> to vector<56x1xf32>
    %eq3A_68 = vector.broadcast %broadcast_in_dim3A_67 : vector<56x1xf32> to vector<56x128xf32>
    %eq3A_69 = arith.cmpf oeq, %select_n3A_59, %eq3A_68 : vector<56x128xf32>
    %select_n3A_70 = arith.select %eq3A_69, %select_n3A_60, %select_n3A_59 : vector<56x128xi1>, vector<56x128xf32>
    %select_n3A_71 = arith.select %eq3A_69, %select_n3A_61, %select_n3A_60 : vector<56x128xi1>, vector<56x128xf32>
    %select_n3A_72 = arith.select %eq3A_69, %select_n3A_64, %select_n3A_61 : vector<56x128xi1>, vector<56x128xf32>
    %jit3A_73 = arith.constant 0x7F800000 : f32
    %broadcast_in_dim3A_74 = vector.broadcast %jit3A_73 : f32 to vector<56x128xf32>
    %select_n3A_75 = arith.select %eq3A_69, %broadcast_in_dim3A_74, %select_n3A_64 : vector<56x128xi1>, vector<56x128xf32>
    %reduce_min3A_76 = arith.constant dense<0x7F800000> : vector<56xf32>
    %reduce_min3A_77 = vector.multi_reduction <minimumf>, %select_n3A_70, %reduce_min3A_76 [1] : vector<56x128xf32> to vector<56xf32>
    %broadcast_in_dim3A_78 = vector.shape_cast %reduce_min3A_77 : vector<56xf32> to vector<56x1xf32>
    %eq3A_79 = vector.broadcast %broadcast_in_dim3A_78 : vector<56x1xf32> to vector<56x128xf32>
    %eq3A_80 = arith.cmpf oeq, %select_n3A_70, %eq3A_79 : vector<56x128xf32>
    %select_n3A_81 = arith.select %eq3A_80, %select_n3A_71, %select_n3A_70 : vector<56x128xi1>, vector<56x128xf32>
    %select_n3A_82 = arith.select %eq3A_80, %select_n3A_72, %select_n3A_71 : vector<56x128xi1>, vector<56x128xf32>
    %select_n3A_83 = arith.select %eq3A_80, %select_n3A_75, %select_n3A_72 : vector<56x128xi1>, vector<56x128xf32>
    %jit3A_84 = arith.constant 0x7F800000 : f32
    %broadcast_in_dim3A_85 = vector.broadcast %jit3A_84 : f32 to vector<56x128xf32>
    %select_n3A_86 = arith.select %eq3A_80, %broadcast_in_dim3A_85, %select_n3A_75 : vector<56x128xi1>, vector<56x128xf32>
    %reduce_min3A_87 = arith.constant dense<0x7F800000> : vector<56xf32>
    %reduce_min3A_88 = vector.multi_reduction <minimumf>, %select_n3A_81, %reduce_min3A_87 [1] : vector<56x128xf32> to vector<56xf32>
    %broadcast_in_dim3A_89 = vector.shape_cast %reduce_min3A_88 : vector<56xf32> to vector<56x1xf32>
    %eq3A_90 = vector.broadcast %broadcast_in_dim3A_89 : vector<56x1xf32> to vector<56x128xf32>
    %eq3A_91 = arith.cmpf oeq, %select_n3A_81, %eq3A_90 : vector<56x128xf32>
    %select_n3A_92 = arith.select %eq3A_91, %select_n3A_82, %select_n3A_81 : vector<56x128xi1>, vector<56x128xf32>
    %select_n3A_93 = arith.select %eq3A_91, %select_n3A_83, %select_n3A_82 : vector<56x128xi1>, vector<56x128xf32>
    %select_n3A_94 = arith.select %eq3A_91, %select_n3A_86, %select_n3A_83 : vector<56x128xi1>, vector<56x128xf32>
    %reduce_min3A_95 = arith.constant dense<0x7F800000> : vector<56xf32>
    %reduce_min3A_96 = vector.multi_reduction <minimumf>, %select_n3A_92, %reduce_min3A_95 [1] : vector<56x128xf32> to vector<56xf32>
    %broadcast_in_dim3A_97 = vector.shape_cast %reduce_min3A_96 : vector<56xf32> to vector<56x1xf32>
    %eq3A_98 = vector.broadcast %broadcast_in_dim3A_97 : vector<56x1xf32> to vector<56x128xf32>
    %eq3A_99 = arith.cmpf oeq, %select_n3A_92, %eq3A_98 : vector<56x128xf32>
    %select_n3A_100 = arith.select %eq3A_99, %select_n3A_93, %select_n3A_92 : vector<56x128xi1>, vector<56x128xf32>
    %select_n3A_101 = arith.select %eq3A_99, %select_n3A_94, %select_n3A_93 : vector<56x128xi1>, vector<56x128xf32>
    %reduce_min3A_102 = arith.constant dense<0x7F800000> : vector<56xf32>
    %reduce_min3A_103 = vector.multi_reduction <minimumf>, %select_n3A_100, %reduce_min3A_102 [1] : vector<56x128xf32> to vector<56xf32>
    %broadcast_in_dim3A_104 = vector.shape_cast %reduce_min3A_103 : vector<56xf32> to vector<56x1xf32>
    %eq3A_105 = vector.broadcast %broadcast_in_dim3A_104 : vector<56x1xf32> to vector<56x128xf32>
    %eq3A_106 = arith.cmpf oeq, %select_n3A_100, %eq3A_105 : vector<56x128xf32>
    %select_n3A_107 = arith.select %eq3A_106, %select_n3A_101, %select_n3A_100 : vector<56x128xi1>, vector<56x128xf32>
    %reduce_min3A_108 = arith.constant dense<0x7F800000> : vector<56xf32>
    %reduce_min3A_109 = vector.multi_reduction <minimumf>, %select_n3A_107, %reduce_min3A_108 [1] : vector<56x128xf32> to vector<56xf32>
    %broadcast_in_dim3A_110 = vector.shape_cast %reduce_min3A_109 : vector<56xf32> to vector<56x1xf32>
    %le3A = vector.broadcast %broadcast_in_dim3A_110 : vector<56x1xf32> to vector<56x512xf32>
    %le3A_111 = arith.cmpf ole, %sub3A_33, %le3A : vector<56x512xf32>
    %slice3A_112 = vector.extract_strided_slice %dot_general3A_28 {offsets = [0, 0], sizes = [56, 512], strides = [1, 1]} : vector<56x1024xf32> to vector<56x512xf32>
    %add3A = vector.broadcast %get3A_16 : vector<1x512xf32> to vector<56x512xf32>
    %add3A_113 = arith.addf %slice3A_112, %add3A : vector<56x512xf32>
    %exp3A = math.exp %add3A_113 : vector<56x512xf32>
    %reduce_sum3A_114 = arith.constant dense<0.000000e+00> : vector<56xf32>
    %reduce_sum3A_115 = vector.multi_reduction <add>, %exp3A, %reduce_sum3A_114 [1] : vector<56x512xf32> to vector<56xf32>
    %broadcast_in_dim3A_116 = vector.shape_cast %reduce_sum3A_115 : vector<56xf32> to vector<56x1xf32>
    %div3A = arith.constant 1.000000e+00 : f32
    %div3A_117 = vector.broadcast %div3A : f32 to vector<56x1xf32>
    %div3A_118 = arith.divf %div3A_117, %broadcast_in_dim3A_116 : vector<56x1xf32>
    %mul3A_119 = vector.broadcast %div3A_118 : vector<56x1xf32> to vector<56x512xf32>
    %mul3A_120 = arith.mulf %exp3A, %mul3A_119 : vector<56x512xf32>
    %jit3A_121 = arith.constant 0.000000e+00 : f32
    %broadcast_in_dim3A_122 = vector.broadcast %jit3A_121 : f32 to vector<56x512xf32>
    %select_n3A_123 = arith.select %le3A_111, %mul3A_120, %broadcast_in_dim3A_122 : vector<56x512xi1>, vector<56x512xf32>
    %swap3A = arith.constant 0 : index
    %swap3A_124 = arith.constant 0 : index
    %swap3A_125 = vector.load %arg7[%swap3A, %swap3A_124] : memref<1568x512xf32, #tpu.memory_space<vmem>>, vector<56x512xf32>
    tpu.vector_store %arg7[%swap3A, %swap3A_124], %select_n3A_123 {strides = array<i32>} : memref<1568x512xf32, #tpu.memory_space<vmem>>, vector<56x512xf32>,
    %dot_general3A_126 = arith.constant dense<0.000000e+00> : vector<56x32xf32>
    %dot_general3A_127 = tpu.matmul %select_n3A_123, %get3A_10, %dot_general3A_126 {dimension_numbers = #tpu.dot_dimension_numbers<[1], [0], [0], [1], [0, 0, 1, 1], [], []>, transpose_lhs_hint = false} : vector<56x512xf32>, vector<512x32xf32>, vector<56x32xf32> -> vector<56x32xf32>
    %slice3A_128 = vector.extract_strided_slice %get3A_7 {offsets = [0, 0], sizes = [56, 32], strides = [1, 1]} : vector<1568x32xf32> to vector<56x32xf32>
    %sub3A_129 = arith.subf %dot_general3A_127, %slice3A_128 : vector<56x32xf32>
    %add3A_130 = arith.addf %slice3A_128, %sub3A_129 : vector<56x32xf32>
    %swap3A_131 = arith.constant 0 : index
    %swap3A_132 = arith.constant 0 : index
    %swap3A_133 = vector.load %arg8[%swap3A_131, %swap3A_132] : memref<1568x32xf32, #tpu.memory_space<vmem>>, vector<56x32xf32>
    tpu.vector_store %arg8[%swap3A_131, %swap3A_132], %add3A_130 {strides = array<i32>} : memref<1568x32xf32, #tpu.memory_space<vmem>>, vector<56x32xf32>,
    %sub3A_134 = arith.subf %slice3A_128, %dot_general3A_127 : vector<56x32xf32>
    %mul3A_135 = arith.mulf %sub3A_134, %sub3A_134 : vector<56x32xf32>
    %reduce_sum3A_136 = vector.shape_cast %mul3A_135 : vector<56x32xf32> to vector<1x56x32xf32>
    %reduce_sum3A_137 = arith.constant dense<0.000000e+00> : vector<1xf32>
    %reduce_sum3A_138 = vector.multi_reduction <add>, %reduce_sum3A_136, %reduce_sum3A_137 [1, 2] : vector<1x56x32xf32> to vector<1xf32>
    %reduce_sum3A_139 = vector.shape_cast %reduce_sum3A_138 : vector<1xf32> to vector<1x1x1xf32>
    %reduce_sum3A_140 = vector.extract %reduce_sum3A_139[0, 0, 0] : f32 from vector<1x1x1xf32>
    %broadcast_in_dim3A_141 = vector.broadcast %reduce_sum3A_140 : f32 to vector<1x1xf32>
    %add3A_142 = arith.addf %broadcast_in_dim3A_22, %broadcast_in_dim3A_141 : vector<1x1xf32>
    %reduce_sum3A_143 = vector.shape_cast %select_n3A_123 : vector<56x512xf32> to vector<1x56x512xf32>
    %reduce_sum3A_144 = arith.constant dense<0.000000e+00> : vector<1xf32>
    %reduce_sum3A_145 = vector.multi_reduction <add>, %reduce_sum3A_143, %reduce_sum3A_144 [1, 2] : vector<1x56x512xf32> to vector<1xf32>
    %reduce_sum3A_146 = vector.shape_cast %reduce_sum3A_145 : vector<1xf32> to vector<1x1x1xf32>
    %reduce_sum3A_147 = vector.extract %reduce_sum3A_146[0, 0, 0] : f32 from vector<1x1x1xf32>
    %broadcast_in_dim3A_148 = vector.broadcast %reduce_sum3A_147 : f32 to vector<1x1xf32>
    %add3A_149 = arith.addf %broadcast_in_dim3A_24, %broadcast_in_dim3A_148 : vector<1x1xf32>
    %convert_element_type3A = arith.extui %le3A_111 : vector<56x512xi1> to vector<56x512xi32>
    %convert_element_type3A_150 = arith.sitofp %convert_element_type3A : vector<56x512xi32> to vector<56x512xf32>
    %reduce_sum3A_151 = arith.constant dense<0.000000e+00> : vector<512xf32>
    %reduce_sum3A_152 = vector.multi_reduction <add>, %convert_element_type3A_150, %reduce_sum3A_151 [0] : vector<56x512xf32> to vector<512xf32>
    %broadcast_in_dim3A_153 = vector.shape_cast %reduce_sum3A_152 : vector<512xf32> to vector<1x512xf32>
    %add3A_154 = arith.addf %broadcast_in_dim3A_26, %broadcast_in_dim3A_153 : vector<1x512xf32>
    %slice3A_155 = vector.extract_strided_slice %get3A_20 {offsets = [56, 0], sizes = [56, 32], strides = [1, 1]} : vector<1568x32xf32> to vector<56x32xf32>
    %dot_general3A_156 = arith.constant dense<0.000000e+00> : vector<56x1024xf32>
    %dot_general3A_157 = tpu.matmul %slice3A_155, %get3A_13, %dot_general3A_156 {dimension_numbers = #tpu.dot_dimension_numbers<[1], [0], [0], [1], [0, 0, 1, 1], [], []>, transpose_lhs_hint = false} : vector<56x32xf32>, vector<32x1024xf32>, vector<56x1024xf32> -> vector<56x1024xf32>
    %slice3A_158 = vector.extract_strided_slice %dot_general3A_157 {offsets = [0, 512], sizes = [56, 512], strides = [1, 1]} : vector<56x1024xf32> to vector<56x512xf32>
    %mul3A_159 = arith.constant 2.000000e+00 : f32
    %mul3A_160 = vector.broadcast %mul3A_159 : f32 to vector<56x512xf32>
    %mul3A_161 = arith.mulf %mul3A_160, %slice3A_158 : vector<56x512xf32>
    %sub3A_162 = vector.broadcast %broadcast_in_dim3A : vector<1x512xf32> to vector<56x512xf32>
    %sub3A_163 = arith.subf %sub3A_162, %mul3A_161 : vector<56x512xf32>
    %slice3A_164 = vector.extract_strided_slice %sub3A_163 {offsets = [0, 0], sizes = [56, 128], strides = [1, 1]} : vector<56x512xf32> to vector<56x128xf32>
    %slice3A_165 = vector.extract_strided_slice %sub3A_163 {offsets = [0, 128], sizes = [56, 128], strides = [1, 1]} : vector<56x512xf32> to vector<56x128xf32>
    %slice3A_166 = vector.extract_strided_slice %sub3A_163 {offsets = [0, 256], sizes = [56, 128], strides = [1, 1]} : vector<56x512xf32> to vector<56x128xf32>
    %slice3A_167 = vector.extract_strided_slice %sub3A_163 {offsets = [0, 384], sizes = [56, 128], strides = [1, 1]} : vector<56x512xf32> to vector<56x128xf32>
    %min3A_168 = arith.minimumf %slice3A_164, %slice3A_165 : vector<56x128xf32>
    %max3A_169 = arith.maximumf %slice3A_164, %slice3A_165 : vector<56x128xf32>
    %min3A_170 = arith.minimumf %slice3A_166, %slice3A_167 : vector<56x128xf32>
    %max3A_171 = arith.maximumf %slice3A_166, %slice3A_167 : vector<56x128xf32>
    %min3A_172 = arith.minimumf %min3A_168, %min3A_170 : vector<56x128xf32>
    %max3A_173 = arith.maximumf %max3A_169, %max3A_171 : vector<56x128xf32>
    %max3A_174 = arith.maximumf %min3A_168, %min3A_170 : vector<56x128xf32>
    %min3A_175 = arith.minimumf %max3A_169, %max3A_171 : vector<56x128xf32>
    %min3A_176 = arith.minimumf %max3A_174, %min3A_175 : vector<56x128xf32>
    %max3A_177 = arith.maximumf %max3A_174, %min3A_175 : vector<56x128xf32>
    %reduce_min3A_178 = arith.constant dense<0x7F800000> : vector<56xf32>
    %reduce_min3A_179 = vector.multi_reduction <minimumf>, %min3A_172, %reduce_min3A_178 [1] : vector<56x128xf32> to vector<56xf32>
    %broadcast_in_dim3A_180 = vector.shape_cast %reduce_min3A_179 : vector<56xf32> to vector<56x1xf32>
    %eq3A_181 = vector.broadcast %broadcast_in_dim3A_180 : vector<56x1xf32> to vector<56x128xf32>
    %eq3A_182 = arith.cmpf oeq, %min3A_172, %eq3A_181 : vector<56x128xf32>
    %select_n3A_183 = arith.select %eq3A_182, %min3A_176, %min3A_172 : vector<56x128xi1>, vector<56x128xf32>
    %select_n3A_184 = arith.select %eq3A_182, %max3A_177, %min3A_176 : vector<56x128xi1>, vector<56x128xf32>
    %select_n3A_185 = arith.select %eq3A_182, %max3A_173, %max3A_177 : vector<56x128xi1>, vector<56x128xf32>
    %jit3A_186 = arith.constant 0x7F800000 : f32
    %broadcast_in_dim3A_187 = vector.broadcast %jit3A_186 : f32 to vector<56x128xf32>
    %select_n3A_188 = arith.select %eq3A_182, %broadcast_in_dim3A_187, %max3A_173 : vector<56x128xi1>, vector<56x128xf32>
    %reduce_min3A_189 = arith.constant dense<0x7F800000> : vector<56xf32>
    %reduce_min3A_190 = vector.multi_reduction <minimumf>, %select_n3A_183, %reduce_min3A_189 [1] : vector<56x128xf32> to vector<56xf32>
    %broadcast_in_dim3A_191 = vector.shape_cast %reduce_min3A_190 : vector<56xf32> to vector<56x1xf32>
    %eq3A_192 = vector.broadcast %broadcast_in_dim3A_191 : vector<56x1xf32> to vector<56x128xf32>
    %eq3A_193 = arith.cmpf oeq, %select_n3A_183, %eq3A_192 : vector<56x128xf32>
    %select_n3A_194 = arith.select %eq3A_193, %select_n3A_184, %select_n3A_183 : vector<56x128xi1>, vector<56x128xf32>
    %select_n3A_195 = arith.select %eq3A_193, %select_n3A_185, %select_n3A_184 : vector<56x128xi1>, vector<56x128xf32>
    %select_n3A_196 = arith.select %eq3A_193, %select_n3A_188, %select_n3A_185 : vector<56x128xi1>, vector<56x128xf32>
    %jit3A_197 = arith.constant 0x7F800000 : f32
    %broadcast_in_dim3A_198 = vector.broadcast %jit3A_197 : f32 to vector<56x128xf32>
    %select_n3A_199 = arith.select %eq3A_193, %broadcast_in_dim3A_198, %select_n3A_188 : vector<56x128xi1>, vector<56x128xf32>
    %reduce_min3A_200 = arith.constant dense<0x7F800000> : vector<56xf32>
    %reduce_min3A_201 = vector.multi_reduction <minimumf>, %select_n3A_194, %reduce_min3A_200 [1] : vector<56x128xf32> to vector<56xf32>
    %broadcast_in_dim3A_202 = vector.shape_cast %reduce_min3A_201 : vector<56xf32> to vector<56x1xf32>
    %eq3A_203 = vector.broadcast %broadcast_in_dim3A_202 : vector<56x1xf32> to vector<56x128xf32>
    %eq3A_204 = arith.cmpf oeq, %select_n3A_194, %eq3A_203 : vector<56x128xf32>
    %select_n3A_205 = arith.select %eq3A_204, %select_n3A_195, %select_n3A_194 : vector<56x128xi1>, vector<56x128xf32>
    %select_n3A_206 = arith.select %eq3A_204, %select_n3A_196, %select_n3A_195 : vector<56x128xi1>, vector<56x128xf32>
    %select_n3A_207 = arith.select %eq3A_204, %select_n3A_199, %select_n3A_196 : vector<56x128xi1>, vector<56x128xf32>
    %jit3A_208 = arith.constant 0x7F800000 : f32
    %broadcast_in_dim3A_209 = vector.broadcast %jit3A_208 : f32 to vector<56x128xf32>
    %select_n3A_210 = arith.select %eq3A_204, %broadcast_in_dim3A_209, %select_n3A_199 : vector<56x128xi1>, vector<56x128xf32>
    %reduce_min3A_211 = arith.constant dense<0x7F800000> : vector<56xf32>
    %reduce_min3A_212 = vector.multi_reduction <minimumf>, %select_n3A_205, %reduce_min3A_211 [1] : vector<56x128xf32> to vector<56xf32>
    %broadcast_in_dim3A_213 = vector.shape_cast %reduce_min3A_212 : vector<56xf32> to vector<56x1xf32>
    %eq3A_214 = vector.broadcast %broadcast_in_dim3A_213 : vector<56x1xf32> to vector<56x128xf32>
    %eq3A_215 = arith.cmpf oeq, %select_n3A_205, %eq3A_214 : vector<56x128xf32>
    %select_n3A_216 = arith.select %eq3A_215, %select_n3A_206, %select_n3A_205 : vector<56x128xi1>, vector<56x128xf32>
    %select_n3A_217 = arith.select %eq3A_215, %select_n3A_207, %select_n3A_206 : vector<56x128xi1>, vector<56x128xf32>
    %select_n3A_218 = arith.select %eq3A_215, %select_n3A_210, %select_n3A_207 : vector<56x128xi1>, vector<56x128xf32>
    %jit3A_219 = arith.constant 0x7F800000 : f32
    %broadcast_in_dim3A_220 = vector.broadcast %jit3A_219 : f32 to vector<56x128xf32>
    %select_n3A_221 = arith.select %eq3A_215, %broadcast_in_dim3A_220, %select_n3A_210 : vector<56x128xi1>, vector<56x128xf32>
    %reduce_min3A_222 = arith.constant dense<0x7F800000> : vector<56xf32>
    %reduce_min3A_223 = vector.multi_reduction <minimumf>, %select_n3A_216, %reduce_min3A_222 [1] : vector<56x128xf32> to vector<56xf32>
    %broadcast_in_dim3A_224 = vector.shape_cast %reduce_min3A_223 : vector<56xf32> to vector<56x1xf32>
    %eq3A_225 = vector.broadcast %broadcast_in_dim3A_224 : vector<56x1xf32> to vector<56x128xf32>
    %eq3A_226 = arith.cmpf oeq, %select_n3A_216, %eq3A_225 : vector<56x128xf32>
    %select_n3A_227 = arith.select %eq3A_226, %select_n3A_217, %select_n3A_216 : vector<56x128xi1>, vector<56x128xf32>
    %select_n3A_228 = arith.select %eq3A_226, %select_n3A_218, %select_n3A_217 : vector<56x128xi1>, vector<56x128xf32>
    %select_n3A_229 = arith.select %eq3A_226, %select_n3A_221, %select_n3A_218 : vector<56x128xi1>, vector<56x128xf32>
    %reduce_min3A_230 = arith.constant dense<0x7F800000> : vector<56xf32>
    %reduce_min3A_231 = vector.multi_reduction <minimumf>, %select_n3A_227, %reduce_min3A_230 [1] : vector<56x128xf32> to vector<56xf32>
    %broadcast_in_dim3A_232 = vector.shape_cast %reduce_min3A_231 : vector<56xf32> to vector<56x1xf32>
    %eq3A_233 = vector.broadcast %broadcast_in_dim3A_232 : vector<56x1xf32> to vector<56x128xf32>
    %eq3A_234 = arith.cmpf oeq, %select_n3A_227, %eq3A_233 : vector<56x128xf32>
    %select_n3A_235 = arith.select %eq3A_234, %select_n3A_228, %select_n3A_227 : vector<56x128xi1>, vector<56x128xf32>
    %select_n3A_236 = arith.select %eq3A_234, %select_n3A_229, %select_n3A_228 : vector<56x128xi1>, vector<56x128xf32>
    %reduce_min3A_237 = arith.constant dense<0x7F800000> : vector<56xf32>
    %reduce_min3A_238 = vector.multi_reduction <minimumf>, %select_n3A_235, %reduce_min3A_237 [1] : vector<56x128xf32> to vector<56xf32>
    %broadcast_in_dim3A_239 = vector.shape_cast %reduce_min3A_238 : vector<56xf32> to vector<56x1xf32>
    %eq3A_240 = vector.broadcast %broadcast_in_dim3A_239 : vector<56x1xf32> to vector<56x128xf32>
    %eq3A_241 = arith.cmpf oeq, %select_n3A_235, %eq3A_240 : vector<56x128xf32>
    %select_n3A_242 = arith.select %eq3A_241, %select_n3A_236, %select_n3A_235 : vector<56x128xi1>, vector<56x128xf32>
    %reduce_min3A_243 = arith.constant dense<0x7F800000> : vector<56xf32>
    %reduce_min3A_244 = vector.multi_reduction <minimumf>, %select_n3A_242, %reduce_min3A_243 [1] : vector<56x128xf32> to vector<56xf32>
    %broadcast_in_dim3A_245 = vector.shape_cast %reduce_min3A_244 : vector<56xf32> to vector<56x1xf32>
    %le3A_246 = vector.broadcast %broadcast_in_dim3A_245 : vector<56x1xf32> to vector<56x512xf32>
    %le3A_247 = arith.cmpf ole, %sub3A_163, %le3A_246 : vector<56x512xf32>
    %slice3A_248 = vector.extract_strided_slice %dot_general3A_157 {offsets = [0, 0], sizes = [56, 512], strides = [1, 1]} : vector<56x1024xf32> to vector<56x512xf32>
    %add3A_249 = vector.broadcast %get3A_16 : vector<1x512xf32> to vector<56x512xf32>
    %add3A_250 = arith.addf %slice3A_248, %add3A_249 : vector<56x512xf32>
    %exp3A_251 = math.exp %add3A_250 : vector<56x512xf32>
    %reduce_sum3A_252 = arith.constant dense<0.000000e+00> : vector<56xf32>
    %reduce_sum3A_253 = vector.multi_reduction <add>, %exp3A_251, %reduce_sum3A_252 [1] : vector<56x512xf32> to vector<56xf32>
    %broadcast_in_dim3A_254 = vector.shape_cast %reduce_sum3A_253 : vector<56xf32> to vector<56x1xf32>
    %div3A_255 = arith.constant 1.000000e+00 : f32
    %div3A_256 = vector.broadcast %div3A_255 : f32 to vector<56x1xf32>
    %div3A_257 = arith.divf %div3A_256, %broadcast_in_dim3A_254 : vector<56x1xf32>
    %mul3A_258 = vector.broadcast %div3A_257 : vector<56x1xf32> to vector<56x512xf32>
    %mul3A_259 = arith.mulf %exp3A_251, %mul3A_258 : vector<56x512xf32>
    %jit3A_260 = arith.constant 0.000000e+00 : f32
    %broadcast_in_dim3A_261 = vector.broadcast %jit3A_260 : f32 to vector<56x512xf32>
    %select_n3A_262 = arith.select %le3A_247, %mul3A_259, %broadcast_in_dim3A_261 : vector<56x512xi1>, vector<56x512xf32>
    %swap3A_263 = arith.constant 56 : index
    %swap3A_264 = arith.constant 0 : index
    %swap3A_265 = vector.load %arg7[%swap3A_263, %swap3A_264] : memref<1568x512xf32, #tpu.memory_space<vmem>>, vector<56x512xf32>
    tpu.vector_store %arg7[%swap3A_263, %swap3A_264], %select_n3A_262 {strides = array<i32>} : memref<1568x512xf32, #tpu.memory_space<vmem>>, vector<56x512xf32>,
    %dot_general3A_266 = arith.constant dense<0.000000e+00> : vector<56x32xf32>
    %dot_general3A_267 = tpu.matmul %select_n3A_262, %get3A_10, %dot_general3A_266 {dimension_numbers = #tpu.dot_dimension_numbers<[1], [0], [0], [1], [0, 0, 1, 1], [], []>, transpose_lhs_hint = false} : vector<56x512xf32>, vector<512x32xf32>, vector<56x32xf32> -> vector<56x32xf32>
    %slice3A_268 = vector.extract_strided_slice %get3A_7 {offsets = [56, 0], sizes = [56, 32], strides = [1, 1]} : vector<1568x32xf32> to vector<56x32xf32>
    %sub3A_269 = arith.subf %dot_general3A_267, %slice3A_268 : vector<56x32xf32>
    %add3A_270 = arith.addf %slice3A_268, %sub3A_269 : vector<56x32xf32>
    %swap3A_271 = arith.constant 56 : index
    %swap3A_272 = arith.constant 0 : index
    %swap3A_273 = vector.load %arg8[%swap3A_271, %swap3A_272] : memref<1568x32xf32, #tpu.memory_space<vmem>>, vector<56x32xf32>
    tpu.vector_store %arg8[%swap3A_271, %swap3A_272], %add3A_270 {strides = array<i32>} : memref<1568x32xf32, #tpu.memory_space<vmem>>, vector<56x32xf32>,
    %sub3A_274 = arith.subf %slice3A_268, %dot_general3A_267 : vector<56x32xf32>
    %mul3A_275 = arith.mulf %sub3A_274, %sub3A_274 : vector<56x32xf32>
    %reduce_sum3A_276 = vector.shape_cast %mul3A_275 : vector<56x32xf32> to vector<1x56x32xf32>
    %reduce_sum3A_277 = arith.constant dense<0.000000e+00> : vector<1xf32>
    %reduce_sum3A_278 = vector.multi_reduction <add>, %reduce_sum3A_276, %reduce_sum3A_277 [1, 2] : vector<1x56x32xf32> to vector<1xf32>
    %reduce_sum3A_279 = vector.shape_cast %reduce_sum3A_278 : vector<1xf32> to vector<1x1x1xf32>
    %reduce_sum3A_280 = vector.extract %reduce_sum3A_279[0, 0, 0] : f32 from vector<1x1x1xf32>
    %broadcast_in_dim3A_281 = vector.broadcast %reduce_sum3A_280 : f32 to vector<1x1xf32>
    %add3A_282 = arith.addf %add3A_142, %broadcast_in_dim3A_281 : vector<1x1xf32>
    %reduce_sum3A_283 = vector.shape_cast %select_n3A_262 : vector<56x512xf32> to vector<1x56x512xf32>
    %reduce_sum3A_284 = arith.constant dense<0.000000e+00> : vector<1xf32>
    %reduce_sum3A_285 = vector.multi_reduction <add>, %reduce_sum3A_283, %reduce_sum3A_284 [1, 2] : vector<1x56x512xf32> to vector<1xf32>
    %reduce_sum3A_286 = vector.shape_cast %reduce_sum3A_285 : vector<1xf32> to vector<1x1x1xf32>
    %reduce_sum3A_287 = vector.extract %reduce_sum3A_286[0, 0, 0] : f32 from vector<1x1x1xf32>
    %broadcast_in_dim3A_288 = vector.broadcast %reduce_sum3A_287 : f32 to vector<1x1xf32>
    %add3A_289 = arith.addf %add3A_149, %broadcast_in_dim3A_288 : vector<1x1xf32>
    %convert_element_type3A_290 = arith.extui %le3A_247 : vector<56x512xi1> to vector<56x512xi32>
    %convert_element_type3A_291 = arith.sitofp %convert_element_type3A_290 : vector<56x512xi32> to vector<56x512xf32>
    %reduce_sum3A_292 = arith.constant dense<0.000000e+00> : vector<512xf32>
    %reduce_sum3A_293 = vector.multi_reduction <add>, %convert_element_type3A_291, %reduce_sum3A_292 [0] : vector<56x512xf32> to vector<512xf32>
    %broadcast_in_dim3A_294 = vector.shape_cast %reduce_sum3A_293 : vector<512xf32> to vector<1x512xf32>
    %add3A_295 = arith.addf %add3A_154, %broadcast_in_dim3A_294 : vector<1x512xf32>
    %slice3A_296 = vector.extract_strided_slice %get3A_20 {offsets = [112, 0], sizes = [56, 32], strides = [1, 1]} : vector<1568x32xf32> to vector<56x32xf32>
    %dot_general3A_297 = arith.constant dense<0.000000e+00> : vector<56x1024xf32>
    %dot_general3A_298 = tpu.matmul %slice3A_296, %get3A_13, %dot_general3A_297 {dimension_numbers = #tpu.dot_dimension_numbers<[1], [0], [0], [1], [0, 0, 1, 1], [], []>, transpose_lhs_hint = false} : vector<56x32xf32>, vector<32x1024xf32>, vector<56x1024xf32> -> vector<56x1024xf32>
    %slice3A_299 = vector.extract_strided_slice %dot_general3A_298 {offsets = [0, 512], sizes = [56, 512], strides = [1, 1]} : vector<56x1024xf32> to vector<56x512xf32>
    %mul3A_300 = arith.constant 2.000000e+00 : f32
    %mul3A_301 = vector.broadcast %mul3A_300 : f32 to vector<56x512xf32>
    %mul3A_302 = arith.mulf %mul3A_301, %slice3A_299 : vector<56x512xf32>
    %sub3A_303 = vector.broadcast %broadcast_in_dim3A : vector<1x512xf32> to vector<56x512xf32>
    %sub3A_304 = arith.subf %sub3A_303, %mul3A_302 : vector<56x512xf32>
    %slice3A_305 = vector.extract_strided_slice %sub3A_304 {offsets = [0, 0], sizes = [56, 128], strides = [1, 1]} : vector<56x512xf32> to vector<56x128xf32>
    %slice3A_306 = vector.extract_strided_slice %sub3A_304 {offsets = [0, 128], sizes = [56, 128], strides = [1, 1]} : vector<56x512xf32> to vector<56x128xf32>
    %slice3A_307 = vector.extract_strided_slice %sub3A_304 {offsets = [0, 256], sizes = [56, 128], strides = [1, 1]} : vector<56x512xf32> to vector<56x128xf32>
    %slice3A_308 = vector.extract_strided_slice %sub3A_304 {offsets = [0, 384], sizes = [56, 128], strides = [1, 1]} : vector<56x512xf32> to vector<56x128xf32>
    %min3A_309 = arith.minimumf %slice3A_305, %slice3A_306 : vector<56x128xf32>
    %max3A_310 = arith.maximumf %slice3A_305, %slice3A_306 : vector<56x128xf32>
    %min3A_311 = arith.minimumf %slice3A_307, %slice3A_308 : vector<56x128xf32>
    %max3A_312 = arith.maximumf %slice3A_307, %slice3A_308 : vector<56x128xf32>
    %min3A_313 = arith.minimumf %min3A_309, %min3A_311 : vector<56x128xf32>
    %max3A_314 = arith.maximumf %max3A_310, %max3A_312 : vector<56x128xf32>
    %max3A_315 = arith.maximumf %min3A_309, %min3A_311 : vector<56x128xf32>
    %min3A_316 = arith.minimumf %max3A_310, %max3A_312 : vector<56x128xf32>
    %min3A_317 = arith.minimumf %max3A_315, %min3A_316 : vector<56x128xf32>
    %max3A_318 = arith.maximumf %max3A_315, %min3A_316 : vector<56x128xf32>
    %reduce_min3A_319 = arith.constant dense<0x7F800000> : vector<56xf32>
    %reduce_min3A_320 = vector.multi_reduction <minimumf>, %min3A_313, %reduce_min3A_319 [1] : vector<56x128xf32> to vector<56xf32>
    %broadcast_in_dim3A_321 = vector.shape_cast %reduce_min3A_320 : vector<56xf32> to vector<56x1xf32>
    %eq3A_322 = vector.broadcast %broadcast_in_dim3A_321 : vector<56x1xf32> to vector<56x128xf32>
    %eq3A_323 = arith.cmpf oeq, %min3A_313, %eq3A_322 : vector<56x128xf32>
    %select_n3A_324 = arith.select %eq3A_323, %min3A_317, %min3A_313 : vector<56x128xi1>, vector<56x128xf32>
    %select_n3A_325 = arith.select %eq3A_323, %max3A_318, %min3A_317 : vector<56x128xi1>, vector<56x128xf32>
    %select_n3A_326 = arith.select %eq3A_323, %max3A_314, %max3A_318 : vector<56x128xi1>, vector<56x128xf32>
    %jit3A_327 = arith.constant 0x7F800000 : f32
    %broadcast_in_dim3A_328 = vector.broadcast %jit3A_327 : f32 to vector<56x128xf32>
    %select_n3A_329 = arith.select %eq3A_323, %broadcast_in_dim3A_328, %max3A_314 : vector<56x128xi1>, vector<56x128xf32>
    %reduce_min3A_330 = arith.constant dense<0x7F800000> : vector<56xf32>
    %reduce_min3A_331 = vector.multi_reduction <minimumf>, %select_n3A_324, %reduce_min3A_330 [1] : vector<56x128xf32> to vector<56xf32>
    %broadcast_in_dim3A_332 = vector.shape_cast %reduce_min3A_331 : vector<56xf32> to vector<56x1xf32>
    %eq3A_333 = vector.broadcast %broadcast_in_dim3A_332 : vector<56x1xf32> to vector<56x128xf32>
    %eq3A_334 = arith.cmpf oeq, %select_n3A_324, %eq3A_333 : vector<56x128xf32>
    %select_n3A_335 = arith.select %eq3A_334, %select_n3A_325, %select_n3A_324 : vector<56x128xi1>, vector<56x128xf32>
    %select_n3A_336 = arith.select %eq3A_334, %select_n3A_326, %select_n3A_325 : vector<56x128xi1>, vector<56x128xf32>
    %select_n3A_337 = arith.select %eq3A_334, %select_n3A_329, %select_n3A_326 : vector<56x128xi1>, vector<56x128xf32>
    %jit3A_338 = arith.constant 0x7F800000 : f32
    %broadcast_in_dim3A_339 = vector.broadcast %jit3A_338 : f32 to vector<56x128xf32>
    %select_n3A_340 = arith.select %eq3A_334, %broadcast_in_dim3A_339, %select_n3A_329 : vector<56x128xi1>, vector<56x128xf32>
    %reduce_min3A_341 = arith.constant dense<0x7F800000> : vector<56xf32>
    %reduce_min3A_342 = vector.multi_reduction <minimumf>, %select_n3A_335, %reduce_min3A_341 [1] : vector<56x128xf32> to vector<56xf32>
    %broadcast_in_dim3A_343 = vector.shape_cast %reduce_min3A_342 : vector<56xf32> to vector<56x1xf32>
    %eq3A_344 = vector.broadcast %broadcast_in_dim3A_343 : vector<56x1xf32> to vector<56x128xf32>
    %eq3A_345 = arith.cmpf oeq, %select_n3A_335, %eq3A_344 : vector<56x128xf32>
    %select_n3A_346 = arith.select %eq3A_345, %select_n3A_336, %select_n3A_335 : vector<56x128xi1>, vector<56x128xf32>
    %select_n3A_347 = arith.select %eq3A_345, %select_n3A_337, %select_n3A_336 : vector<56x128xi1>, vector<56x128xf32>
    %select_n3A_348 = arith.select %eq3A_345, %select_n3A_340, %select_n3A_337 : vector<56x128xi1>, vector<56x128xf32>
    %jit3A_349 = arith.constant 0x7F800000 : f32
    %broadcast_in_dim3A_350 = vector.broadcast %jit3A_349 : f32 to vector<56x128xf32>
    %select_n3A_351 = arith.select %eq3A_345, %broadcast_in_dim3A_350, %select_n3A_340 : vector<56x128xi1>, vector<56x128xf32>
    %reduce_min3A_352 = arith.constant dense<0x7F800000> : vector<56xf32>
    %reduce_min3A_353 = vector.multi_reduction <minimumf>, %select_n3A_346, %reduce_min3A_352 [1] : vector<56x128xf32> to vector<56xf32>
    %broadcast_in_dim3A_354 = vector.shape_cast %reduce_min3A_353 : vector<56xf32> to vector<56x1xf32>
    %eq3A_355 = vector.broadcast %broadcast_in_dim3A_354 : vector<56x1xf32> to vector<56x128xf32>
    %eq3A_356 = arith.cmpf oeq, %select_n3A_346, %eq3A_355 : vector<56x128xf32>
    %select_n3A_357 = arith.select %eq3A_356, %select_n3A_347, %select_n3A_346 : vector<56x128xi1>, vector<56x128xf32>
    %select_n3A_358 = arith.select %eq3A_356, %select_n3A_348, %select_n3A_347 : vector<56x128xi1>, vector<56x128xf32>
    %select_n3A_359 = arith.select %eq3A_356, %select_n3A_351, %select_n3A_348 : vector<56x128xi1>, vector<56x128xf32>
    %jit3A_360 = arith.constant 0x7F800000 : f32
    %broadcast_in_dim3A_361 = vector.broadcast %jit3A_360 : f32 to vector<56x128xf32>
    %select_n3A_362 = arith.select %eq3A_356, %broadcast_in_dim3A_361, %select_n3A_351 : vector<56x128xi1>, vector<56x128xf32>
    %reduce_min3A_363 = arith.constant dense<0x7F800000> : vector<56xf32>
    %reduce_min3A_364 = vector.multi_reduction <minimumf>, %select_n3A_357, %reduce_min3A_363 [1] : vector<56x128xf32> to vector<56xf32>
    %broadcast_in_dim3A_365 = vector.shape_cast %reduce_min3A_364 : vector<56xf32> to vector<56x1xf32>
    %eq3A_366 = vector.broadcast %broadcast_in_dim3A_365 : vector<56x1xf32> to vector<56x128xf32>
    %eq3A_367 = arith.cmpf oeq, %select_n3A_357, %eq3A_366 : vector<56x128xf32>
    %select_n3A_368 = arith.select %eq3A_367, %select_n3A_358, %select_n3A_357 : vector<56x128xi1>, vector<56x128xf32>
    %select_n3A_369 = arith.select %eq3A_367, %select_n3A_359, %select_n3A_358 : vector<56x128xi1>, vector<56x128xf32>
    %select_n3A_370 = arith.select %eq3A_367, %select_n3A_362, %select_n3A_359 : vector<56x128xi1>, vector<56x128xf32>
    %reduce_min3A_371 = arith.constant dense<0x7F800000> : vector<56xf32>
    %reduce_min3A_372 = vector.multi_reduction <minimumf>, %select_n3A_368, %reduce_min3A_371 [1] : vector<56x128xf32> to vector<56xf32>
    %broadcast_in_dim3A_373 = vector.shape_cast %reduce_min3A_372 : vector<56xf32> to vector<56x1xf32>
    %eq3A_374 = vector.broadcast %broadcast_in_dim3A_373 : vector<56x1xf32> to vector<56x128xf32>
    %eq3A_375 = arith.cmpf oeq, %select_n3A_368, %eq3A_374 : vector<56x128xf32>
    %select_n3A_376 = arith.select %eq3A_375, %select_n3A_369, %select_n3A_368 : vector<56x128xi1>, vector<56x128xf32>
    %select_n3A_377 = arith.select %eq3A_375, %select_n3A_370, %select_n3A_369 : vector<56x128xi1>, vector<56x128xf32>
    %reduce_min3A_378 = arith.constant dense<0x7F800000> : vector<56xf32>
    %reduce_min3A_379 = vector.multi_reduction <minimumf>, %select_n3A_376, %reduce_min3A_378 [1] : vector<56x128xf32> to vector<56xf32>
    %broadcast_in_dim3A_380 = vector.shape_cast %reduce_min3A_379 : vector<56xf32> to vector<56x1xf32>
    %eq3A_381 = vector.broadcast %broadcast_in_dim3A_380 : vector<56x1xf32> to vector<56x128xf32>
    %eq3A_382 = arith.cmpf oeq, %select_n3A_376, %eq3A_381 : vector<56x128xf32>
    %select_n3A_383 = arith.select %eq3A_382, %select_n3A_377, %select_n3A_376 : vector<56x128xi1>, vector<56x128xf32>
    %reduce_min3A_384 = arith.constant dense<0x7F800000> : vector<56xf32>
    %reduce_min3A_385 = vector.multi_reduction <minimumf>, %select_n3A_383, %reduce_min3A_384 [1] : vector<56x128xf32> to vector<56xf32>
    %broadcast_in_dim3A_386 = vector.shape_cast %reduce_min3A_385 : vector<56xf32> to vector<56x1xf32>
    %le3A_387 = vector.broadcast %broadcast_in_dim3A_386 : vector<56x1xf32> to vector<56x512xf32>
    %le3A_388 = arith.cmpf ole, %sub3A_304, %le3A_387 : vector<56x512xf32>
    %slice3A_389 = vector.extract_strided_slice %dot_general3A_298 {offsets = [0, 0], sizes = [56, 512], strides = [1, 1]} : vector<56x1024xf32> to vector<56x512xf32>
    %add3A_390 = vector.broadcast %get3A_16 : vector<1x512xf32> to vector<56x512xf32>
    %add3A_391 = arith.addf %slice3A_389, %add3A_390 : vector<56x512xf32>
    %exp3A_392 = math.exp %add3A_391 : vector<56x512xf32>
    %reduce_sum3A_393 = arith.constant dense<0.000000e+00> : vector<56xf32>
    %reduce_sum3A_394 = vector.multi_reduction <add>, %exp3A_392, %reduce_sum3A_393 [1] : vector<56x512xf32> to vector<56xf32>
    %broadcast_in_dim3A_395 = vector.shape_cast %reduce_sum3A_394 : vector<56xf32> to vector<56x1xf32>
    %div3A_396 = arith.constant 1.000000e+00 : f32
    %div3A_397 = vector.broadcast %div3A_396 : f32 to vector<56x1xf32>
    %div3A_398 = arith.divf %div3A_397, %broadcast_in_dim3A_395 : vector<56x1xf32>
    %mul3A_399 = vector.broadcast %div3A_398 : vector<56x1xf32> to vector<56x512xf32>
    %mul3A_400 = arith.mulf %exp3A_392, %mul3A_399 : vector<56x512xf32>
    %jit3A_401 = arith.constant 0.000000e+00 : f32
    %broadcast_in_dim3A_402 = vector.broadcast %jit3A_401 : f32 to vector<56x512xf32>
    %select_n3A_403 = arith.select %le3A_388, %mul3A_400, %broadcast_in_dim3A_402 : vector<56x512xi1>, vector<56x512xf32>
    %swap3A_404 = arith.constant 112 : index
    %swap3A_405 = arith.constant 0 : index
    %swap3A_406 = vector.load %arg7[%swap3A_404, %swap3A_405] : memref<1568x512xf32, #tpu.memory_space<vmem>>, vector<56x512xf32>
    tpu.vector_store %arg7[%swap3A_404, %swap3A_405], %select_n3A_403 {strides = array<i32>} : memref<1568x512xf32, #tpu.memory_space<vmem>>, vector<56x512xf32>,
    %dot_general3A_407 = arith.constant dense<0.000000e+00> : vector<56x32xf32>
    %dot_general3A_408 = tpu.matmul %select_n3A_403, %get3A_10, %dot_general3A_407 {dimension_numbers = #tpu.dot_dimension_numbers<[1], [0], [0], [1], [0, 0, 1, 1], [], []>, transpose_lhs_hint = false} : vector<56x512xf32>, vector<512x32xf32>, vector<56x32xf32> -> vector<56x32xf32>
    %slice3A_409 = vector.extract_strided_slice %get3A_7 {offsets = [112, 0], sizes = [56, 32], strides = [1, 1]} : vector<1568x32xf32> to vector<56x32xf32>
    %sub3A_410 = arith.subf %dot_general3A_408, %slice3A_409 : vector<56x32xf32>
    %add3A_411 = arith.addf %slice3A_409, %sub3A_410 : vector<56x32xf32>
    %swap3A_412 = arith.constant 112 : index
    %swap3A_413 = arith.constant 0 : index
    %swap3A_414 = vector.load %arg8[%swap3A_412, %swap3A_413] : memref<1568x32xf32, #tpu.memory_space<vmem>>, vector<56x32xf32>
    tpu.vector_store %arg8[%swap3A_412, %swap3A_413], %add3A_411 {strides = array<i32>} : memref<1568x32xf32, #tpu.memory_space<vmem>>, vector<56x32xf32>,
    %sub3A_415 = arith.subf %slice3A_409, %dot_general3A_408 : vector<56x32xf32>
    %mul3A_416 = arith.mulf %sub3A_415, %sub3A_415 : vector<56x32xf32>
    %reduce_sum3A_417 = vector.shape_cast %mul3A_416 : vector<56x32xf32> to vector<1x56x32xf32>
    %reduce_sum3A_418 = arith.constant dense<0.000000e+00> : vector<1xf32>
    %reduce_sum3A_419 = vector.multi_reduction <add>, %reduce_sum3A_417, %reduce_sum3A_418 [1, 2] : vector<1x56x32xf32> to vector<1xf32>
    %reduce_sum3A_420 = vector.shape_cast %reduce_sum3A_419 : vector<1xf32> to vector<1x1x1xf32>
    %reduce_sum3A_421 = vector.extract %reduce_sum3A_420[0, 0, 0] : f32 from vector<1x1x1xf32>
    %broadcast_in_dim3A_422 = vector.broadcast %reduce_sum3A_421 : f32 to vector<1x1xf32>
    %add3A_423 = arith.addf %add3A_282, %broadcast_in_dim3A_422 : vector<1x1xf32>
    %reduce_sum3A_424 = vector.shape_cast %select_n3A_403 : vector<56x512xf32> to vector<1x56x512xf32>
    %reduce_sum3A_425 = arith.constant dense<0.000000e+00> : vector<1xf32>
    %reduce_sum3A_426 = vector.multi_reduction <add>, %reduce_sum3A_424, %reduce_sum3A_425 [1, 2] : vector<1x56x512xf32> to vector<1xf32>
    %reduce_sum3A_427 = vector.shape_cast %reduce_sum3A_426 : vector<1xf32> to vector<1x1x1xf32>
    %reduce_sum3A_428 = vector.extract %reduce_sum3A_427[0, 0, 0] : f32 from vector<1x1x1xf32>
    %broadcast_in_dim3A_429 = vector.broadcast %reduce_sum3A_428 : f32 to vector<1x1xf32>
    %add3A_430 = arith.addf %add3A_289, %broadcast_in_dim3A_429 : vector<1x1xf32>
    %convert_element_type3A_431 = arith.extui %le3A_388 : vector<56x512xi1> to vector<56x512xi32>
    %convert_element_type3A_432 = arith.sitofp %convert_element_type3A_431 : vector<56x512xi32> to vector<56x512xf32>
    %reduce_sum3A_433 = arith.constant dense<0.000000e+00> : vector<512xf32>
    %reduce_sum3A_434 = vector.multi_reduction <add>, %convert_element_type3A_432, %reduce_sum3A_433 [0] : vector<56x512xf32> to vector<512xf32>
    %broadcast_in_dim3A_435 = vector.shape_cast %reduce_sum3A_434 : vector<512xf32> to vector<1x512xf32>
    %add3A_436 = arith.addf %add3A_295, %broadcast_in_dim3A_435 : vector<1x512xf32>
    %slice3A_437 = vector.extract_strided_slice %get3A_20 {offsets = [168, 0], sizes = [56, 32], strides = [1, 1]} : vector<1568x32xf32> to vector<56x32xf32>
    %dot_general3A_438 = arith.constant dense<0.000000e+00> : vector<56x1024xf32>
    %dot_general3A_439 = tpu.matmul %slice3A_437, %get3A_13, %dot_general3A_438 {dimension_numbers = #tpu.dot_dimension_numbers<[1], [0], [0], [1], [0, 0, 1, 1], [], []>, transpose_lhs_hint = false} : vector<56x32xf32>, vector<32x1024xf32>, vector<56x1024xf32> -> vector<56x1024xf32>
    %slice3A_440 = vector.extract_strided_slice %dot_general3A_439 {offsets = [0, 512], sizes = [56, 512], strides = [1, 1]} : vector<56x1024xf32> to vector<56x512xf32>
    %mul3A_441 = arith.constant 2.000000e+00 : f32
    %mul3A_442 = vector.broadcast %mul3A_441 : f32 to vector<56x512xf32>
    %mul3A_443 = arith.mulf %mul3A_442, %slice3A_440 : vector<56x512xf32>
    %sub3A_444 = vector.broadcast %broadcast_in_dim3A : vector<1x512xf32> to vector<56x512xf32>
    %sub3A_445 = arith.subf %sub3A_444, %mul3A_443 : vector<56x512xf32>
    %slice3A_446 = vector.extract_strided_slice %sub3A_445 {offsets = [0, 0], sizes = [56, 128], strides = [1, 1]} : vector<56x512xf32> to vector<56x128xf32>
    %slice3A_447 = vector.extract_strided_slice %sub3A_445 {offsets = [0, 128], sizes = [56, 128], strides = [1, 1]} : vector<56x512xf32> to vector<56x128xf32>
    %slice3A_448 = vector.extract_strided_slice %sub3A_445 {offsets = [0, 256], sizes = [56, 128], strides = [1, 1]} : vector<56x512xf32> to vector<56x128xf32>
    %slice3A_449 = vector.extract_strided_slice %sub3A_445 {offsets = [0, 384], sizes = [56, 128], strides = [1, 1]} : vector<56x512xf32> to vector<56x128xf32>
    %min3A_450 = arith.minimumf %slice3A_446, %slice3A_447 : vector<56x128xf32>
    %max3A_451 = arith.maximumf %slice3A_446, %slice3A_447 : vector<56x128xf32>
    %min3A_452 = arith.minimumf %slice3A_448, %slice3A_449 : vector<56x128xf32>
    %max3A_453 = arith.maximumf %slice3A_448, %slice3A_449 : vector<56x128xf32>
    %min3A_454 = arith.minimumf %min3A_450, %min3A_452 : vector<56x128xf32>
    %max3A_455 = arith.maximumf %max3A_451, %max3A_453 : vector<56x128xf32>
    %max3A_456 = arith.maximumf %min3A_450, %min3A_452 : vector<56x128xf32>
    %min3A_457 = arith.minimumf %max3A_451, %max3A_453 : vector<56x128xf32>
    %min3A_458 = arith.minimumf %max3A_456, %min3A_457 : vector<56x128xf32>
    %max3A_459 = arith.maximumf %max3A_456, %min3A_457 : vector<56x128xf32>
    %reduce_min3A_460 = arith.constant dense<0x7F800000> : vector<56xf32>
    %reduce_min3A_461 = vector.multi_reduction <minimumf>, %min3A_454, %reduce_min3A_460 [1] : vector<56x128xf32> to vector<56xf32>
    %broadcast_in_dim3A_462 = vector.shape_cast %reduce_min3A_461 : vector<56xf32> to vector<56x1xf32>
    %eq3A_463 = vector.broadcast %broadcast_in_dim3A_462 : vector<56x1xf32> to vector<56x128xf32>
    %eq3A_464 = arith.cmpf oeq, %min3A_454, %eq3A_463 : vector<56x128xf32>
    %select_n3A_465 = arith.select %eq3A_464, %min3A_458, %min3A_454 : vector<56x128xi1>, vector<56x128xf32>
    %select_n3A_466 = arith.select %eq3A_464, %max3A_459, %min3A_458 : vector<56x128xi1>, vector<56x128xf32>
    %select_n3A_467 = arith.select %eq3A_464, %max3A_455, %max3A_459 : vector<56x128xi1>, vector<56x128xf32>
    %jit3A_468 = arith.constant 0x7F800000 : f32
    %broadcast_in_dim3A_469 = vector.broadcast %jit3A_468 : f32 to vector<56x128xf32>
    %select_n3A_470 = arith.select %eq3A_464, %broadcast_in_dim3A_469, %max3A_455 : vector<56x128xi1>, vector<56x128xf32>
    %reduce_min3A_471 = arith.constant dense<0x7F800000> : vector<56xf32>
    %reduce_min3A_472 = vector.multi_reduction <minimumf>, %select_n3A_465, %reduce_min3A_471 [1] : vector<56x128xf32> to vector<56xf32>
    %broadcast_in_dim3A_473 = vector.shape_cast %reduce_min3A_472 : vector<56xf32> to vector<56x1xf32>
    %eq3A_474 = vector.broadcast %broadcast_in_dim3A_473 : vector<56x1xf32> to vector<56x128xf32>
    %eq3A_475 = arith.cmpf oeq, %select_n3A_465, %eq3A_474 : vector<56x128xf32>
    %select_n3A_476 = arith.select %eq3A_475, %select_n3A_466, %select_n3A_465 : vector<56x128xi1>, vector<56x128xf32>
    %select_n3A_477 = arith.select %eq3A_475, %select_n3A_467, %select_n3A_466 : vector<56x128xi1>, vector<56x128xf32>
    %select_n3A_478 = arith.select %eq3A_475, %select_n3A_470, %select_n3A_467 : vector<56x128xi1>, vector<56x128xf32>
    %jit3A_479 = arith.constant 0x7F800000 : f32
    %broadcast_in_dim3A_480 = vector.broadcast %jit3A_479 : f32 to vector<56x128xf32>
    %select_n3A_481 = arith.select %eq3A_475, %broadcast_in_dim3A_480, %select_n3A_470 : vector<56x128xi1>, vector<56x128xf32>
    %reduce_min3A_482 = arith.constant dense<0x7F800000> : vector<56xf32>
    %reduce_min3A_483 = vector.multi_reduction <minimumf>, %select_n3A_476, %reduce_min3A_482 [1] : vector<56x128xf32> to vector<56xf32>
    %broadcast_in_dim3A_484 = vector.shape_cast %reduce_min3A_483 : vector<56xf32> to vector<56x1xf32>
    %eq3A_485 = vector.broadcast %broadcast_in_dim3A_484 : vector<56x1xf32> to vector<56x128xf32>
    %eq3A_486 = arith.cmpf oeq, %select_n3A_476, %eq3A_485 : vector<56x128xf32>
    %select_n3A_487 = arith.select %eq3A_486, %select_n3A_477, %select_n3A_476 : vector<56x128xi1>, vector<56x128xf32>
    %select_n3A_488 = arith.select %eq3A_486, %select_n3A_478, %select_n3A_477 : vector<56x128xi1>, vector<56x128xf32>
    %select_n3A_489 = arith.select %eq3A_486, %select_n3A_481, %select_n3A_478 : vector<56x128xi1>, vector<56x128xf32>
    %jit3A_490 = arith.constant 0x7F800000 : f32
    %broadcast_in_dim3A_491 = vector.broadcast %jit3A_490 : f32 to vector<56x128xf32>
    %select_n3A_492 = arith.select %eq3A_486, %broadcast_in_dim3A_491, %select_n3A_481 : vector<56x128xi1>, vector<56x128xf32>
    %reduce_min3A_493 = arith.constant dense<0x7F800000> : vector<56xf32>
    %reduce_min3A_494 = vector.multi_reduction <minimumf>, %select_n3A_487, %reduce_min3A_493 [1] : vector<56x128xf32> to vector<56xf32>
    %broadcast_in_dim3A_495 = vector.shape_cast %reduce_min3A_494 : vector<56xf32> to vector<56x1xf32>
    %eq3A_496 = vector.broadcast %broadcast_in_dim3A_495 : vector<56x1xf32> to vector<56x128xf32>
    %eq3A_497 = arith.cmpf oeq, %select_n3A_487, %eq3A_496 : vector<56x128xf32>
    %select_n3A_498 = arith.select %eq3A_497, %select_n3A_488, %select_n3A_487 : vector<56x128xi1>, vector<56x128xf32>
    %select_n3A_499 = arith.select %eq3A_497, %select_n3A_489, %select_n3A_488 : vector<56x128xi1>, vector<56x128xf32>
    %select_n3A_500 = arith.select %eq3A_497, %select_n3A_492, %select_n3A_489 : vector<56x128xi1>, vector<56x128xf32>
    %jit3A_501 = arith.constant 0x7F800000 : f32
    %broadcast_in_dim3A_502 = vector.broadcast %jit3A_501 : f32 to vector<56x128xf32>
    %select_n3A_503 = arith.select %eq3A_497, %broadcast_in_dim3A_502, %select_n3A_492 : vector<56x128xi1>, vector<56x128xf32>
    %reduce_min3A_504 = arith.constant dense<0x7F800000> : vector<56xf32>
    %reduce_min3A_505 = vector.multi_reduction <minimumf>, %select_n3A_498, %reduce_min3A_504 [1] : vector<56x128xf32> to vector<56xf32>
    %broadcast_in_dim3A_506 = vector.shape_cast %reduce_min3A_505 : vector<56xf32> to vector<56x1xf32>
    %eq3A_507 = vector.broadcast %broadcast_in_dim3A_506 : vector<56x1xf32> to vector<56x128xf32>
    %eq3A_508 = arith.cmpf oeq, %select_n3A_498, %eq3A_507 : vector<56x128xf32>
    %select_n3A_509 = arith.select %eq3A_508, %select_n3A_499, %select_n3A_498 : vector<56x128xi1>, vector<56x128xf32>
    %select_n3A_510 = arith.select %eq3A_508, %select_n3A_500, %select_n3A_499 : vector<56x128xi1>, vector<56x128xf32>
    %select_n3A_511 = arith.select %eq3A_508, %select_n3A_503, %select_n3A_500 : vector<56x128xi1>, vector<56x128xf32>
    %reduce_min3A_512 = arith.constant dense<0x7F800000> : vector<56xf32>
    %reduce_min3A_513 = vector.multi_reduction <minimumf>, %select_n3A_509, %reduce_min3A_512 [1] : vector<56x128xf32> to vector<56xf32>
    %broadcast_in_dim3A_514 = vector.shape_cast %reduce_min3A_513 : vector<56xf32> to vector<56x1xf32>
    %eq3A_515 = vector.broadcast %broadcast_in_dim3A_514 : vector<56x1xf32> to vector<56x128xf32>
    %eq3A_516 = arith.cmpf oeq, %select_n3A_509, %eq3A_515 : vector<56x128xf32>
    %select_n3A_517 = arith.select %eq3A_516, %select_n3A_510, %select_n3A_509 : vector<56x128xi1>, vector<56x128xf32>
    %select_n3A_518 = arith.select %eq3A_516, %select_n3A_511, %select_n3A_510 : vector<56x128xi1>, vector<56x128xf32>
    %reduce_min3A_519 = arith.constant dense<0x7F800000> : vector<56xf32>
    %reduce_min3A_520 = vector.multi_reduction <minimumf>, %select_n3A_517, %reduce_min3A_519 [1] : vector<56x128xf32> to vector<56xf32>
    %broadcast_in_dim3A_521 = vector.shape_cast %reduce_min3A_520 : vector<56xf32> to vector<56x1xf32>
    %eq3A_522 = vector.broadcast %broadcast_in_dim3A_521 : vector<56x1xf32> to vector<56x128xf32>
    %eq3A_523 = arith.cmpf oeq, %select_n3A_517, %eq3A_522 : vector<56x128xf32>
    %select_n3A_524 = arith.select %eq3A_523, %select_n3A_518, %select_n3A_517 : vector<56x128xi1>, vector<56x128xf32>
    %reduce_min3A_525 = arith.constant dense<0x7F800000> : vector<56xf32>
    %reduce_min3A_526 = vector.multi_reduction <minimumf>, %select_n3A_524, %reduce_min3A_525 [1] : vector<56x128xf32> to vector<56xf32>
    %broadcast_in_dim3A_527 = vector.shape_cast %reduce_min3A_526 : vector<56xf32> to vector<56x1xf32>
    %le3A_528 = vector.broadcast %broadcast_in_dim3A_527 : vector<56x1xf32> to vector<56x512xf32>
    %le3A_529 = arith.cmpf ole, %sub3A_445, %le3A_528 : vector<56x512xf32>
    %slice3A_530 = vector.extract_strided_slice %dot_general3A_439 {offsets = [0, 0], sizes = [56, 512], strides = [1, 1]} : vector<56x1024xf32> to vector<56x512xf32>
    %add3A_531 = vector.broadcast %get3A_16 : vector<1x512xf32> to vector<56x512xf32>
    %add3A_532 = arith.addf %slice3A_530, %add3A_531 : vector<56x512xf32>
    %exp3A_533 = math.exp %add3A_532 : vector<56x512xf32>
    %reduce_sum3A_534 = arith.constant dense<0.000000e+00> : vector<56xf32>
    %reduce_sum3A_535 = vector.multi_reduction <add>, %exp3A_533, %reduce_sum3A_534 [1] : vector<56x512xf32> to vector<56xf32>
    %broadcast_in_dim3A_536 = vector.shape_cast %reduce_sum3A_535 : vector<56xf32> to vector<56x1xf32>
    %div3A_537 = arith.constant 1.000000e+00 : f32
    %div3A_538 = vector.broadcast %div3A_537 : f32 to vector<56x1xf32>
    %div3A_539 = arith.divf %div3A_538, %broadcast_in_dim3A_536 : vector<56x1xf32>
    %mul3A_540 = vector.broadcast %div3A_539 : vector<56x1xf32> to vector<56x512xf32>
    %mul3A_541 = arith.mulf %exp3A_533, %mul3A_540 : vector<56x512xf32>
    %jit3A_542 = arith.constant 0.000000e+00 : f32
    %broadcast_in_dim3A_543 = vector.broadcast %jit3A_542 : f32 to vector<56x512xf32>
    %select_n3A_544 = arith.select %le3A_529, %mul3A_541, %broadcast_in_dim3A_543 : vector<56x512xi1>, vector<56x512xf32>
    %swap3A_545 = arith.constant 168 : index
    %swap3A_546 = arith.constant 0 : index
    %swap3A_547 = vector.load %arg7[%swap3A_545, %swap3A_546] : memref<1568x512xf32, #tpu.memory_space<vmem>>, vector<56x512xf32>
    tpu.vector_store %arg7[%swap3A_545, %swap3A_546], %select_n3A_544 {strides = array<i32>} : memref<1568x512xf32, #tpu.memory_space<vmem>>, vector<56x512xf32>,
    %dot_general3A_548 = arith.constant dense<0.000000e+00> : vector<56x32xf32>
    %dot_general3A_549 = tpu.matmul %select_n3A_544, %get3A_10, %dot_general3A_548 {dimension_numbers = #tpu.dot_dimension_numbers<[1], [0], [0], [1], [0, 0, 1, 1], [], []>, transpose_lhs_hint = false} : vector<56x512xf32>, vector<512x32xf32>, vector<56x32xf32> -> vector<56x32xf32>
    %slice3A_550 = vector.extract_strided_slice %get3A_7 {offsets = [168, 0], sizes = [56, 32], strides = [1, 1]} : vector<1568x32xf32> to vector<56x32xf32>
    %sub3A_551 = arith.subf %dot_general3A_549, %slice3A_550 : vector<56x32xf32>
    %add3A_552 = arith.addf %slice3A_550, %sub3A_551 : vector<56x32xf32>
    %swap3A_553 = arith.constant 168 : index
    %swap3A_554 = arith.constant 0 : index
    %swap3A_555 = vector.load %arg8[%swap3A_553, %swap3A_554] : memref<1568x32xf32, #tpu.memory_space<vmem>>, vector<56x32xf32>
    tpu.vector_store %arg8[%swap3A_553, %swap3A_554], %add3A_552 {strides = array<i32>} : memref<1568x32xf32, #tpu.memory_space<vmem>>, vector<56x32xf32>,
    %sub3A_556 = arith.subf %slice3A_550, %dot_general3A_549 : vector<56x32xf32>
    %mul3A_557 = arith.mulf %sub3A_556, %sub3A_556 : vector<56x32xf32>
    %reduce_sum3A_558 = vector.shape_cast %mul3A_557 : vector<56x32xf32> to vector<1x56x32xf32>
    %reduce_sum3A_559 = arith.constant dense<0.000000e+00> : vector<1xf32>
    %reduce_sum3A_560 = vector.multi_reduction <add>, %reduce_sum3A_558, %reduce_sum3A_559 [1, 2] : vector<1x56x32xf32> to vector<1xf32>
    %reduce_sum3A_561 = vector.shape_cast %reduce_sum3A_560 : vector<1xf32> to vector<1x1x1xf32>
    %reduce_sum3A_562 = vector.extract %reduce_sum3A_561[0, 0, 0] : f32 from vector<1x1x1xf32>
    %broadcast_in_dim3A_563 = vector.broadcast %reduce_sum3A_562 : f32 to vector<1x1xf32>
    %add3A_564 = arith.addf %add3A_423, %broadcast_in_dim3A_563 : vector<1x1xf32>
    %reduce_sum3A_565 = vector.shape_cast %select_n3A_544 : vector<56x512xf32> to vector<1x56x512xf32>
    %reduce_sum3A_566 = arith.constant dense<0.000000e+00> : vector<1xf32>
    %reduce_sum3A_567 = vector.multi_reduction <add>, %reduce_sum3A_565, %reduce_sum3A_566 [1, 2] : vector<1x56x512xf32> to vector<1xf32>
    %reduce_sum3A_568 = vector.shape_cast %reduce_sum3A_567 : vector<1xf32> to vector<1x1x1xf32>
    %reduce_sum3A_569 = vector.extract %reduce_sum3A_568[0, 0, 0] : f32 from vector<1x1x1xf32>
    %broadcast_in_dim3A_570 = vector.broadcast %reduce_sum3A_569 : f32 to vector<1x1xf32>
    %add3A_571 = arith.addf %add3A_430, %broadcast_in_dim3A_570 : vector<1x1xf32>
    %convert_element_type3A_572 = arith.extui %le3A_529 : vector<56x512xi1> to vector<56x512xi32>
    %convert_element_type3A_573 = arith.sitofp %convert_element_type3A_572 : vector<56x512xi32> to vector<56x512xf32>
    %reduce_sum3A_574 = arith.constant dense<0.000000e+00> : vector<512xf32>
    %reduce_sum3A_575 = vector.multi_reduction <add>, %convert_element_type3A_573, %reduce_sum3A_574 [0] : vector<56x512xf32> to vector<512xf32>
    %broadcast_in_dim3A_576 = vector.shape_cast %reduce_sum3A_575 : vector<512xf32> to vector<1x512xf32>
    %add3A_577 = arith.addf %add3A_436, %broadcast_in_dim3A_576 : vector<1x512xf32>
    %slice3A_578 = vector.extract_strided_slice %get3A_20 {offsets = [224, 0], sizes = [56, 32], strides = [1, 1]} : vector<1568x32xf32> to vector<56x32xf32>
    %dot_general3A_579 = arith.constant dense<0.000000e+00> : vector<56x1024xf32>
    %dot_general3A_580 = tpu.matmul %slice3A_578, %get3A_13, %dot_general3A_579 {dimension_numbers = #tpu.dot_dimension_numbers<[1], [0], [0], [1], [0, 0, 1, 1], [], []>, transpose_lhs_hint = false} : vector<56x32xf32>, vector<32x1024xf32>, vector<56x1024xf32> -> vector<56x1024xf32>
    %slice3A_581 = vector.extract_strided_slice %dot_general3A_580 {offsets = [0, 512], sizes = [56, 512], strides = [1, 1]} : vector<56x1024xf32> to vector<56x512xf32>
    %mul3A_582 = arith.constant 2.000000e+00 : f32
    %mul3A_583 = vector.broadcast %mul3A_582 : f32 to vector<56x512xf32>
    %mul3A_584 = arith.mulf %mul3A_583, %slice3A_581 : vector<56x512xf32>
    %sub3A_585 = vector.broadcast %broadcast_in_dim3A : vector<1x512xf32> to vector<56x512xf32>
    %sub3A_586 = arith.subf %sub3A_585, %mul3A_584 : vector<56x512xf32>
    %slice3A_587 = vector.extract_strided_slice %sub3A_586 {offsets = [0, 0], sizes = [56, 128], strides = [1, 1]} : vector<56x512xf32> to vector<56x128xf32>
    %slice3A_588 = vector.extract_strided_slice %sub3A_586 {offsets = [0, 128], sizes = [56, 128], strides = [1, 1]} : vector<56x512xf32> to vector<56x128xf32>
    %slice3A_589 = vector.extract_strided_slice %sub3A_586 {offsets = [0, 256], sizes = [56, 128], strides = [1, 1]} : vector<56x512xf32> to vector<56x128xf32>
    %slice3A_590 = vector.extract_strided_slice %sub3A_586 {offsets = [0, 384], sizes = [56, 128], strides = [1, 1]} : vector<56x512xf32> to vector<56x128xf32>
    %min3A_591 = arith.minimumf %slice3A_587, %slice3A_588 : vector<56x128xf32>
    %max3A_592 = arith.maximumf %slice3A_587, %slice3A_588 : vector<56x128xf32>
    %min3A_593 = arith.minimumf %slice3A_589, %slice3A_590 : vector<56x128xf32>
    %max3A_594 = arith.maximumf %slice3A_589, %slice3A_590 : vector<56x128xf32>
    %min3A_595 = arith.minimumf %min3A_591, %min3A_593 : vector<56x128xf32>
    %max3A_596 = arith.maximumf %max3A_592, %max3A_594 : vector<56x128xf32>
    %max3A_597 = arith.maximumf %min3A_591, %min3A_593 : vector<56x128xf32>
    %min3A_598 = arith.minimumf %max3A_592, %max3A_594 : vector<56x128xf32>
    %min3A_599 = arith.minimumf %max3A_597, %min3A_598 : vector<56x128xf32>
    %max3A_600 = arith.maximumf %max3A_597, %min3A_598 : vector<56x128xf32>
    %reduce_min3A_601 = arith.constant dense<0x7F800000> : vector<56xf32>
    %reduce_min3A_602 = vector.multi_reduction <minimumf>, %min3A_595, %reduce_min3A_601 [1] : vector<56x128xf32> to vector<56xf32>
    %broadcast_in_dim3A_603 = vector.shape_cast %reduce_min3A_602 : vector<56xf32> to vector<56x1xf32>
    %eq3A_604 = vector.broadcast %broadcast_in_dim3A_603 : vector<56x1xf32> to vector<56x128xf32>
    %eq3A_605 = arith.cmpf oeq, %min3A_595, %eq3A_604 : vector<56x128xf32>
    %select_n3A_606 = arith.select %eq3A_605, %min3A_599, %min3A_595 : vector<56x128xi1>, vector<56x128xf32>
    %select_n3A_607 = arith.select %eq3A_605, %max3A_600, %min3A_599 : vector<56x128xi1>, vector<56x128xf32>
    %select_n3A_608 = arith.select %eq3A_605, %max3A_596, %max3A_600 : vector<56x128xi1>, vector<56x128xf32>
    %jit3A_609 = arith.constant 0x7F800000 : f32
    %broadcast_in_dim3A_610 = vector.broadcast %jit3A_609 : f32 to vector<56x128xf32>
    %select_n3A_611 = arith.select %eq3A_605, %broadcast_in_dim3A_610, %max3A_596 : vector<56x128xi1>, vector<56x128xf32>
    %reduce_min3A_612 = arith.constant dense<0x7F800000> : vector<56xf32>
    %reduce_min3A_613 = vector.multi_reduction <minimumf>, %select_n3A_606, %reduce_min3A_612 [1] : vector<56x128xf32> to vector<56xf32>
    %broadcast_in_dim3A_614 = vector.shape_cast %reduce_min3A_613 : vector<56xf32> to vector<56x1xf32>
    %eq3A_615 = vector.broadcast %broadcast_in_dim3A_614 : vector<56x1xf32> to vector<56x128xf32>
    %eq3A_616 = arith.cmpf oeq, %select_n3A_606, %eq3A_615 : vector<56x128xf32>
    %select_n3A_617 = arith.select %eq3A_616, %select_n3A_607, %select_n3A_606 : vector<56x128xi1>, vector<56x128xf32>
    %select_n3A_618 = arith.select %eq3A_616, %select_n3A_608, %select_n3A_607 : vector<56x128xi1>, vector<56x128xf32>
    %select_n3A_619 = arith.select %eq3A_616, %select_n3A_611, %select_n3A_608 : vector<56x128xi1>, vector<56x128xf32>
    %jit3A_620 = arith.constant 0x7F800000 : f32
    %broadcast_in_dim3A_621 = vector.broadcast %jit3A_620 : f32 to vector<56x128xf32>
    %select_n3A_622 = arith.select %eq3A_616, %broadcast_in_dim3A_621, %select_n3A_611 : vector<56x128xi1>, vector<56x128xf32>
    %reduce_min3A_623 = arith.constant dense<0x7F800000> : vector<56xf32>
    %reduce_min3A_624 = vector.multi_reduction <minimumf>, %select_n3A_617, %reduce_min3A_623 [1] : vector<56x128xf32> to vector<56xf32>
    %broadcast_in_dim3A_625 = vector.shape_cast %reduce_min3A_624 : vector<56xf32> to vector<56x1xf32>
    %eq3A_626 = vector.broadcast %broadcast_in_dim3A_625 : vector<56x1xf32> to vector<56x128xf32>
    %eq3A_627 = arith.cmpf oeq, %select_n3A_617, %eq3A_626 : vector<56x128xf32>
    %select_n3A_628 = arith.select %eq3A_627, %select_n3A_618, %select_n3A_617 : vector<56x128xi1>, vector<56x128xf32>
    %select_n3A_629 = arith.select %eq3A_627, %select_n3A_619, %select_n3A_618 : vector<56x128xi1>, vector<56x128xf32>
    %select_n3A_630 = arith.select %eq3A_627, %select_n3A_622, %select_n3A_619 : vector<56x128xi1>, vector<56x128xf32>
    %jit3A_631 = arith.constant 0x7F800000 : f32
    %broadcast_in_dim3A_632 = vector.broadcast %jit3A_631 : f32 to vector<56x128xf32>
    %select_n3A_633 = arith.select %eq3A_627, %broadcast_in_dim3A_632, %select_n3A_622 : vector<56x128xi1>, vector<56x128xf32>
    %reduce_min3A_634 = arith.constant dense<0x7F800000> : vector<56xf32>
    %reduce_min3A_635 = vector.multi_reduction <minimumf>, %select_n3A_628, %reduce_min3A_634 [1] : vector<56x128xf32> to vector<56xf32>
    %broadcast_in_dim3A_636 = vector.shape_cast %reduce_min3A_635 : vector<56xf32> to vector<56x1xf32>
    %eq3A_637 = vector.broadcast %broadcast_in_dim3A_636 : vector<56x1xf32> to vector<56x128xf32>
    %eq3A_638 = arith.cmpf oeq, %select_n3A_628, %eq3A_637 : vector<56x128xf32>
    %select_n3A_639 = arith.select %eq3A_638, %select_n3A_629, %select_n3A_628 : vector<56x128xi1>, vector<56x128xf32>
    %select_n3A_640 = arith.select %eq3A_638, %select_n3A_630, %select_n3A_629 : vector<56x128xi1>, vector<56x128xf32>
    %select_n3A_641 = arith.select %eq3A_638, %select_n3A_633, %select_n3A_630 : vector<56x128xi1>, vector<56x128xf32>
    %jit3A_642 = arith.constant 0x7F800000 : f32
    %broadcast_in_dim3A_643 = vector.broadcast %jit3A_642 : f32 to vector<56x128xf32>
    %select_n3A_644 = arith.select %eq3A_638, %broadcast_in_dim3A_643, %select_n3A_633 : vector<56x128xi1>, vector<56x128xf32>
    %reduce_min3A_645 = arith.constant dense<0x7F800000> : vector<56xf32>
    %reduce_min3A_646 = vector.multi_reduction <minimumf>, %select_n3A_639, %reduce_min3A_645 [1] : vector<56x128xf32> to vector<56xf32>
    %broadcast_in_dim3A_647 = vector.shape_cast %reduce_min3A_646 : vector<56xf32> to vector<56x1xf32>
    %eq3A_648 = vector.broadcast %broadcast_in_dim3A_647 : vector<56x1xf32> to vector<56x128xf32>
    %eq3A_649 = arith.cmpf oeq, %select_n3A_639, %eq3A_648 : vector<56x128xf32>
    %select_n3A_650 = arith.select %eq3A_649, %select_n3A_640, %select_n3A_639 : vector<56x128xi1>, vector<56x128xf32>
    %select_n3A_651 = arith.select %eq3A_649, %select_n3A_641, %select_n3A_640 : vector<56x128xi1>, vector<56x128xf32>
    %select_n3A_652 = arith.select %eq3A_649, %select_n3A_644, %select_n3A_641 : vector<56x128xi1>, vector<56x128xf32>
    %reduce_min3A_653 = arith.constant dense<0x7F800000> : vector<56xf32>
    %reduce_min3A_654 = vector.multi_reduction <minimumf>, %select_n3A_650, %reduce_min3A_653 [1] : vector<56x128xf32> to vector<56xf32>
    %broadcast_in_dim3A_655 = vector.shape_cast %reduce_min3A_654 : vector<56xf32> to vector<56x1xf32>
    %eq3A_656 = vector.broadcast %broadcast_in_dim3A_655 : vector<56x1xf32> to vector<56x128xf32>
    %eq3A_657 = arith.cmpf oeq, %select_n3A_650, %eq3A_656 : vector<56x128xf32>
    %select_n3A_658 = arith.select %eq3A_657, %select_n3A_651, %select_n3A_650 : vector<56x128xi1>, vector<56x128xf32>
    %select_n3A_659 = arith.select %eq3A_657, %select_n3A_652, %select_n3A_651 : vector<56x128xi1>, vector<56x128xf32>
    %reduce_min3A_660 = arith.constant dense<0x7F800000> : vector<56xf32>
    %reduce_min3A_661 = vector.multi_reduction <minimumf>, %select_n3A_658, %reduce_min3A_660 [1] : vector<56x128xf32> to vector<56xf32>
    %broadcast_in_dim3A_662 = vector.shape_cast %reduce_min3A_661 : vector<56xf32> to vector<56x1xf32>
    %eq3A_663 = vector.broadcast %broadcast_in_dim3A_662 : vector<56x1xf32> to vector<56x128xf32>
    %eq3A_664 = arith.cmpf oeq, %select_n3A_658, %eq3A_663 : vector<56x128xf32>
    %select_n3A_665 = arith.select %eq3A_664, %select_n3A_659, %select_n3A_658 : vector<56x128xi1>, vector<56x128xf32>
    %reduce_min3A_666 = arith.constant dense<0x7F800000> : vector<56xf32>
    %reduce_min3A_667 = vector.multi_reduction <minimumf>, %select_n3A_665, %reduce_min3A_666 [1] : vector<56x128xf32> to vector<56xf32>
    %broadcast_in_dim3A_668 = vector.shape_cast %reduce_min3A_667 : vector<56xf32> to vector<56x1xf32>
    %le3A_669 = vector.broadcast %broadcast_in_dim3A_668 : vector<56x1xf32> to vector<56x512xf32>
    %le3A_670 = arith.cmpf ole, %sub3A_586, %le3A_669 : vector<56x512xf32>
    %slice3A_671 = vector.extract_strided_slice %dot_general3A_580 {offsets = [0, 0], sizes = [56, 512], strides = [1, 1]} : vector<56x1024xf32> to vector<56x512xf32>
    %add3A_672 = vector.broadcast %get3A_16 : vector<1x512xf32> to vector<56x512xf32>
    %add3A_673 = arith.addf %slice3A_671, %add3A_672 : vector<56x512xf32>
    %exp3A_674 = math.exp %add3A_673 : vector<56x512xf32>
    %reduce_sum3A_675 = arith.constant dense<0.000000e+00> : vector<56xf32>
    %reduce_sum3A_676 = vector.multi_reduction <add>, %exp3A_674, %reduce_sum3A_675 [1] : vector<56x512xf32> to vector<56xf32>
    %broadcast_in_dim3A_677 = vector.shape_cast %reduce_sum3A_676 : vector<56xf32> to vector<56x1xf32>
    %div3A_678 = arith.constant 1.000000e+00 : f32
    %div3A_679 = vector.broadcast %div3A_678 : f32 to vector<56x1xf32>
    %div3A_680 = arith.divf %div3A_679, %broadcast_in_dim3A_677 : vector<56x1xf32>
    %mul3A_681 = vector.broadcast %div3A_680 : vector<56x1xf32> to vector<56x512xf32>
    %mul3A_682 = arith.mulf %exp3A_674, %mul3A_681 : vector<56x512xf32>
    %jit3A_683 = arith.constant 0.000000e+00 : f32
    %broadcast_in_dim3A_684 = vector.broadcast %jit3A_683 : f32 to vector<56x512xf32>
    %select_n3A_685 = arith.select %le3A_670, %mul3A_682, %broadcast_in_dim3A_684 : vector<56x512xi1>, vector<56x512xf32>
    %swap3A_686 = arith.constant 224 : index
    %swap3A_687 = arith.constant 0 : index
    %swap3A_688 = vector.load %arg7[%swap3A_686, %swap3A_687] : memref<1568x512xf32, #tpu.memory_space<vmem>>, vector<56x512xf32>
    tpu.vector_store %arg7[%swap3A_686, %swap3A_687], %select_n3A_685 {strides = array<i32>} : memref<1568x512xf32, #tpu.memory_space<vmem>>, vector<56x512xf32>,
    %dot_general3A_689 = arith.constant dense<0.000000e+00> : vector<56x32xf32>
    %dot_general3A_690 = tpu.matmul %select_n3A_685, %get3A_10, %dot_general3A_689 {dimension_numbers = #tpu.dot_dimension_numbers<[1], [0], [0], [1], [0, 0, 1, 1], [], []>, transpose_lhs_hint = false} : vector<56x512xf32>, vector<512x32xf32>, vector<56x32xf32> -> vector<56x32xf32>
    %slice3A_691 = vector.extract_strided_slice %get3A_7 {offsets = [224, 0], sizes = [56, 32], strides = [1, 1]} : vector<1568x32xf32> to vector<56x32xf32>
    %sub3A_692 = arith.subf %dot_general3A_690, %slice3A_691 : vector<56x32xf32>
    %add3A_693 = arith.addf %slice3A_691, %sub3A_692 : vector<56x32xf32>
    %swap3A_694 = arith.constant 224 : index
    %swap3A_695 = arith.constant 0 : index
    %swap3A_696 = vector.load %arg8[%swap3A_694, %swap3A_695] : memref<1568x32xf32, #tpu.memory_space<vmem>>, vector<56x32xf32>
    tpu.vector_store %arg8[%swap3A_694, %swap3A_695], %add3A_693 {strides = array<i32>} : memref<1568x32xf32, #tpu.memory_space<vmem>>, vector<56x32xf32>,
    %sub3A_697 = arith.subf %slice3A_691, %dot_general3A_690 : vector<56x32xf32>
    %mul3A_698 = arith.mulf %sub3A_697, %sub3A_697 : vector<56x32xf32>
    %reduce_sum3A_699 = vector.shape_cast %mul3A_698 : vector<56x32xf32> to vector<1x56x32xf32>
    %reduce_sum3A_700 = arith.constant dense<0.000000e+00> : vector<1xf32>
    %reduce_sum3A_701 = vector.multi_reduction <add>, %reduce_sum3A_699, %reduce_sum3A_700 [1, 2] : vector<1x56x32xf32> to vector<1xf32>
    %reduce_sum3A_702 = vector.shape_cast %reduce_sum3A_701 : vector<1xf32> to vector<1x1x1xf32>
    %reduce_sum3A_703 = vector.extract %reduce_sum3A_702[0, 0, 0] : f32 from vector<1x1x1xf32>
    %broadcast_in_dim3A_704 = vector.broadcast %reduce_sum3A_703 : f32 to vector<1x1xf32>
    %add3A_705 = arith.addf %add3A_564, %broadcast_in_dim3A_704 : vector<1x1xf32>
    %reduce_sum3A_706 = vector.shape_cast %select_n3A_685 : vector<56x512xf32> to vector<1x56x512xf32>
    %reduce_sum3A_707 = arith.constant dense<0.000000e+00> : vector<1xf32>
    %reduce_sum3A_708 = vector.multi_reduction <add>, %reduce_sum3A_706, %reduce_sum3A_707 [1, 2] : vector<1x56x512xf32> to vector<1xf32>
    %reduce_sum3A_709 = vector.shape_cast %reduce_sum3A_708 : vector<1xf32> to vector<1x1x1xf32>
    %reduce_sum3A_710 = vector.extract %reduce_sum3A_709[0, 0, 0] : f32 from vector<1x1x1xf32>
    %broadcast_in_dim3A_711 = vector.broadcast %reduce_sum3A_710 : f32 to vector<1x1xf32>
    %add3A_712 = arith.addf %add3A_571, %broadcast_in_dim3A_711 : vector<1x1xf32>
    %convert_element_type3A_713 = arith.extui %le3A_670 : vector<56x512xi1> to vector<56x512xi32>
    %convert_element_type3A_714 = arith.sitofp %convert_element_type3A_713 : vector<56x512xi32> to vector<56x512xf32>
    %reduce_sum3A_715 = arith.constant dense<0.000000e+00> : vector<512xf32>
    %reduce_sum3A_716 = vector.multi_reduction <add>, %convert_element_type3A_714, %reduce_sum3A_715 [0] : vector<56x512xf32> to vector<512xf32>
    %broadcast_in_dim3A_717 = vector.shape_cast %reduce_sum3A_716 : vector<512xf32> to vector<1x512xf32>
    %add3A_718 = arith.addf %add3A_577, %broadcast_in_dim3A_717 : vector<1x512xf32>
    %slice3A_719 = vector.extract_strided_slice %get3A_20 {offsets = [280, 0], sizes = [56, 32], strides = [1, 1]} : vector<1568x32xf32> to vector<56x32xf32>
    %dot_general3A_720 = arith.constant dense<0.000000e+00> : vector<56x1024xf32>
    %dot_general3A_721 = tpu.matmul %slice3A_719, %get3A_13, %dot_general3A_720 {dimension_numbers = #tpu.dot_dimension_numbers<[1], [0], [0], [1], [0, 0, 1, 1], [], []>, transpose_lhs_hint = false} : vector<56x32xf32>, vector<32x1024xf32>, vector<56x1024xf32> -> vector<56x1024xf32>
    %slice3A_722 = vector.extract_strided_slice %dot_general3A_721 {offsets = [0, 512], sizes = [56, 512], strides = [1, 1]} : vector<56x1024xf32> to vector<56x512xf32>
    %mul3A_723 = arith.constant 2.000000e+00 : f32
    %mul3A_724 = vector.broadcast %mul3A_723 : f32 to vector<56x512xf32>
    %mul3A_725 = arith.mulf %mul3A_724, %slice3A_722 : vector<56x512xf32>
    %sub3A_726 = vector.broadcast %broadcast_in_dim3A : vector<1x512xf32> to vector<56x512xf32>
    %sub3A_727 = arith.subf %sub3A_726, %mul3A_725 : vector<56x512xf32>
    %slice3A_728 = vector.extract_strided_slice %sub3A_727 {offsets = [0, 0], sizes = [56, 128], strides = [1, 1]} : vector<56x512xf32> to vector<56x128xf32>
    %slice3A_729 = vector.extract_strided_slice %sub3A_727 {offsets = [0, 128], sizes = [56, 128], strides = [1, 1]} : vector<56x512xf32> to vector<56x128xf32>
    %slice3A_730 = vector.extract_strided_slice %sub3A_727 {offsets = [0, 256], sizes = [56, 128], strides = [1, 1]} : vector<56x512xf32> to vector<56x128xf32>
    %slice3A_731 = vector.extract_strided_slice %sub3A_727 {offsets = [0, 384], sizes = [56, 128], strides = [1, 1]} : vector<56x512xf32> to vector<56x128xf32>
    %min3A_732 = arith.minimumf %slice3A_728, %slice3A_729 : vector<56x128xf32>
    %max3A_733 = arith.maximumf %slice3A_728, %slice3A_729 : vector<56x128xf32>
    %min3A_734 = arith.minimumf %slice3A_730, %slice3A_731 : vector<56x128xf32>
    %max3A_735 = arith.maximumf %slice3A_730, %slice3A_731 : vector<56x128xf32>
    %min3A_736 = arith.minimumf %min3A_732, %min3A_734 : vector<56x128xf32>
    %max3A_737 = arith.maximumf %max3A_733, %max3A_735 : vector<56x128xf32>
    %max3A_738 = arith.maximumf %min3A_732, %min3A_734 : vector<56x128xf32>
    %min3A_739 = arith.minimumf %max3A_733, %max3A_735 : vector<56x128xf32>
    %min3A_740 = arith.minimumf %max3A_738, %min3A_739 : vector<56x128xf32>
    %max3A_741 = arith.maximumf %max3A_738, %min3A_739 : vector<56x128xf32>
    %reduce_min3A_742 = arith.constant dense<0x7F800000> : vector<56xf32>
    %reduce_min3A_743 = vector.multi_reduction <minimumf>, %min3A_736, %reduce_min3A_742 [1] : vector<56x128xf32> to vector<56xf32>
    %broadcast_in_dim3A_744 = vector.shape_cast %reduce_min3A_743 : vector<56xf32> to vector<56x1xf32>
    %eq3A_745 = vector.broadcast %broadcast_in_dim3A_744 : vector<56x1xf32> to vector<56x128xf32>
    %eq3A_746 = arith.cmpf oeq, %min3A_736, %eq3A_745 : vector<56x128xf32>
    %select_n3A_747 = arith.select %eq3A_746, %min3A_740, %min3A_736 : vector<56x128xi1>, vector<56x128xf32>
    %select_n3A_748 = arith.select %eq3A_746, %max3A_741, %min3A_740 : vector<56x128xi1>, vector<56x128xf32>
    %select_n3A_749 = arith.select %eq3A_746, %max3A_737, %max3A_741 : vector<56x128xi1>, vector<56x128xf32>
    %jit3A_750 = arith.constant 0x7F800000 : f32
    %broadcast_in_dim3A_751 = vector.broadcast %jit3A_750 : f32 to vector<56x128xf32>
    %select_n3A_752 = arith.select %eq3A_746, %broadcast_in_dim3A_751, %max3A_737 : vector<56x128xi1>, vector<56x128xf32>
    %reduce_min3A_753 = arith.constant dense<0x7F800000> : vector<56xf32>
    %reduce_min3A_754 = vector.multi_reduction <minimumf>, %select_n3A_747, %reduce_min3A_753 [1] : vector<56x128xf32> to vector<56xf32>
    %broadcast_in_dim3A_755 = vector.shape_cast %reduce_min3A_754 : vector<56xf32> to vector<56x1xf32>
    %eq3A_756 = vector.broadcast %broadcast_in_dim3A_755 : vector<56x1xf32> to vector<56x128xf32>
    %eq3A_757 = arith.cmpf oeq, %select_n3A_747, %eq3A_756 : vector<56x128xf32>
    %select_n3A_758 = arith.select %eq3A_757, %select_n3A_748, %select_n3A_747 : vector<56x128xi1>, vector<56x128xf32>
    %select_n3A_759 = arith.select %eq3A_757, %select_n3A_749, %select_n3A_748 : vector<56x128xi1>, vector<56x128xf32>
    %select_n3A_760 = arith.select %eq3A_757, %select_n3A_752, %select_n3A_749 : vector<56x128xi1>, vector<56x128xf32>
    %jit3A_761 = arith.constant 0x7F800000 : f32
    %broadcast_in_dim3A_762 = vector.broadcast %jit3A_761 : f32 to vector<56x128xf32>
    %select_n3A_763 = arith.select %eq3A_757, %broadcast_in_dim3A_762, %select_n3A_752 : vector<56x128xi1>, vector<56x128xf32>
    %reduce_min3A_764 = arith.constant dense<0x7F800000> : vector<56xf32>
    %reduce_min3A_765 = vector.multi_reduction <minimumf>, %select_n3A_758, %reduce_min3A_764 [1] : vector<56x128xf32> to vector<56xf32>
    %broadcast_in_dim3A_766 = vector.shape_cast %reduce_min3A_765 : vector<56xf32> to vector<56x1xf32>
    %eq3A_767 = vector.broadcast %broadcast_in_dim3A_766 : vector<56x1xf32> to vector<56x128xf32>
    %eq3A_768 = arith.cmpf oeq, %select_n3A_758, %eq3A_767 : vector<56x128xf32>
    %select_n3A_769 = arith.select %eq3A_768, %select_n3A_759, %select_n3A_758 : vector<56x128xi1>, vector<56x128xf32>
    %select_n3A_770 = arith.select %eq3A_768, %select_n3A_760, %select_n3A_759 : vector<56x128xi1>, vector<56x128xf32>
    %select_n3A_771 = arith.select %eq3A_768, %select_n3A_763, %select_n3A_760 : vector<56x128xi1>, vector<56x128xf32>
    %jit3A_772 = arith.constant 0x7F800000 : f32
    %broadcast_in_dim3A_773 = vector.broadcast %jit3A_772 : f32 to vector<56x128xf32>
    %select_n3A_774 = arith.select %eq3A_768, %broadcast_in_dim3A_773, %select_n3A_763 : vector<56x128xi1>, vector<56x128xf32>
    %reduce_min3A_775 = arith.constant dense<0x7F800000> : vector<56xf32>
    %reduce_min3A_776 = vector.multi_reduction <minimumf>, %select_n3A_769, %reduce_min3A_775 [1] : vector<56x128xf32> to vector<56xf32>
    %broadcast_in_dim3A_777 = vector.shape_cast %reduce_min3A_776 : vector<56xf32> to vector<56x1xf32>
    %eq3A_778 = vector.broadcast %broadcast_in_dim3A_777 : vector<56x1xf32> to vector<56x128xf32>
    %eq3A_779 = arith.cmpf oeq, %select_n3A_769, %eq3A_778 : vector<56x128xf32>
    %select_n3A_780 = arith.select %eq3A_779, %select_n3A_770, %select_n3A_769 : vector<56x128xi1>, vector<56x128xf32>
    %select_n3A_781 = arith.select %eq3A_779, %select_n3A_771, %select_n3A_770 : vector<56x128xi1>, vector<56x128xf32>
    %select_n3A_782 = arith.select %eq3A_779, %select_n3A_774, %select_n3A_771 : vector<56x128xi1>, vector<56x128xf32>
    %jit3A_783 = arith.constant 0x7F800000 : f32
    %broadcast_in_dim3A_784 = vector.broadcast %jit3A_783 : f32 to vector<56x128xf32>
    %select_n3A_785 = arith.select %eq3A_779, %broadcast_in_dim3A_784, %select_n3A_774 : vector<56x128xi1>, vector<56x128xf32>
    %reduce_min3A_786 = arith.constant dense<0x7F800000> : vector<56xf32>
    %reduce_min3A_787 = vector.multi_reduction <minimumf>, %select_n3A_780, %reduce_min3A_786 [1] : vector<56x128xf32> to vector<56xf32>
    %broadcast_in_dim3A_788 = vector.shape_cast %reduce_min3A_787 : vector<56xf32> to vector<56x1xf32>
    %eq3A_789 = vector.broadcast %broadcast_in_dim3A_788 : vector<56x1xf32> to vector<56x128xf32>
    %eq3A_790 = arith.cmpf oeq, %select_n3A_780, %eq3A_789 : vector<56x128xf32>
    %select_n3A_791 = arith.select %eq3A_790, %select_n3A_781, %select_n3A_780 : vector<56x128xi1>, vector<56x128xf32>
    %select_n3A_792 = arith.select %eq3A_790, %select_n3A_782, %select_n3A_781 : vector<56x128xi1>, vector<56x128xf32>
    %select_n3A_793 = arith.select %eq3A_790, %select_n3A_785, %select_n3A_782 : vector<56x128xi1>, vector<56x128xf32>
    %reduce_min3A_794 = arith.constant dense<0x7F800000> : vector<56xf32>
    %reduce_min3A_795 = vector.multi_reduction <minimumf>, %select_n3A_791, %reduce_min3A_794 [1] : vector<56x128xf32> to vector<56xf32>
    %broadcast_in_dim3A_796 = vector.shape_cast %reduce_min3A_795 : vector<56xf32> to vector<56x1xf32>
    %eq3A_797 = vector.broadcast %broadcast_in_dim3A_796 : vector<56x1xf32> to vector<56x128xf32>
    %eq3A_798 = arith.cmpf oeq, %select_n3A_791, %eq3A_797 : vector<56x128xf32>
    %select_n3A_799 = arith.select %eq3A_798, %select_n3A_792, %select_n3A_791 : vector<56x128xi1>, vector<56x128xf32>
    %select_n3A_800 = arith.select %eq3A_798, %select_n3A_793, %select_n3A_792 : vector<56x128xi1>, vector<56x128xf32>
    %reduce_min3A_801 = arith.constant dense<0x7F800000> : vector<56xf32>
    %reduce_min3A_802 = vector.multi_reduction <minimumf>, %select_n3A_799, %reduce_min3A_801 [1] : vector<56x128xf32> to vector<56xf32>
    %broadcast_in_dim3A_803 = vector.shape_cast %reduce_min3A_802 : vector<56xf32> to vector<56x1xf32>
    %eq3A_804 = vector.broadcast %broadcast_in_dim3A_803 : vector<56x1xf32> to vector<56x128xf32>
    %eq3A_805 = arith.cmpf oeq, %select_n3A_799, %eq3A_804 : vector<56x128xf32>
    %select_n3A_806 = arith.select %eq3A_805, %select_n3A_800, %select_n3A_799 : vector<56x128xi1>, vector<56x128xf32>
    %reduce_min3A_807 = arith.constant dense<0x7F800000> : vector<56xf32>
    %reduce_min3A_808 = vector.multi_reduction <minimumf>, %select_n3A_806, %reduce_min3A_807 [1] : vector<56x128xf32> to vector<56xf32>
    %broadcast_in_dim3A_809 = vector.shape_cast %reduce_min3A_808 : vector<56xf32> to vector<56x1xf32>
    %le3A_810 = vector.broadcast %broadcast_in_dim3A_809 : vector<56x1xf32> to vector<56x512xf32>
    %le3A_811 = arith.cmpf ole, %sub3A_727, %le3A_810 : vector<56x512xf32>
    %slice3A_812 = vector.extract_strided_slice %dot_general3A_721 {offsets = [0, 0], sizes = [56, 512], strides = [1, 1]} : vector<56x1024xf32> to vector<56x512xf32>
    %add3A_813 = vector.broadcast %get3A_16 : vector<1x512xf32> to vector<56x512xf32>
    %add3A_814 = arith.addf %slice3A_812, %add3A_813 : vector<56x512xf32>
    %exp3A_815 = math.exp %add3A_814 : vector<56x512xf32>
    %reduce_sum3A_816 = arith.constant dense<0.000000e+00> : vector<56xf32>
    %reduce_sum3A_817 = vector.multi_reduction <add>, %exp3A_815, %reduce_sum3A_816 [1] : vector<56x512xf32> to vector<56xf32>
    %broadcast_in_dim3A_818 = vector.shape_cast %reduce_sum3A_817 : vector<56xf32> to vector<56x1xf32>
    %div3A_819 = arith.constant 1.000000e+00 : f32
    %div3A_820 = vector.broadcast %div3A_819 : f32 to vector<56x1xf32>
    %div3A_821 = arith.divf %div3A_820, %broadcast_in_dim3A_818 : vector<56x1xf32>
    %mul3A_822 = vector.broadcast %div3A_821 : vector<56x1xf32> to vector<56x512xf32>
    %mul3A_823 = arith.mulf %exp3A_815, %mul3A_822 : vector<56x512xf32>
    %jit3A_824 = arith.constant 0.000000e+00 : f32
    %broadcast_in_dim3A_825 = vector.broadcast %jit3A_824 : f32 to vector<56x512xf32>
    %select_n3A_826 = arith.select %le3A_811, %mul3A_823, %broadcast_in_dim3A_825 : vector<56x512xi1>, vector<56x512xf32>
    %swap3A_827 = arith.constant 280 : index
    %swap3A_828 = arith.constant 0 : index
    %swap3A_829 = vector.load %arg7[%swap3A_827, %swap3A_828] : memref<1568x512xf32, #tpu.memory_space<vmem>>, vector<56x512xf32>
    tpu.vector_store %arg7[%swap3A_827, %swap3A_828], %select_n3A_826 {strides = array<i32>} : memref<1568x512xf32, #tpu.memory_space<vmem>>, vector<56x512xf32>,
    %dot_general3A_830 = arith.constant dense<0.000000e+00> : vector<56x32xf32>
    %dot_general3A_831 = tpu.matmul %select_n3A_826, %get3A_10, %dot_general3A_830 {dimension_numbers = #tpu.dot_dimension_numbers<[1], [0], [0], [1], [0, 0, 1, 1], [], []>, transpose_lhs_hint = false} : vector<56x512xf32>, vector<512x32xf32>, vector<56x32xf32> -> vector<56x32xf32>
    %slice3A_832 = vector.extract_strided_slice %get3A_7 {offsets = [280, 0], sizes = [56, 32], strides = [1, 1]} : vector<1568x32xf32> to vector<56x32xf32>
    %sub3A_833 = arith.subf %dot_general3A_831, %slice3A_832 : vector<56x32xf32>
    %add3A_834 = arith.addf %slice3A_832, %sub3A_833 : vector<56x32xf32>
    %swap3A_835 = arith.constant 280 : index
    %swap3A_836 = arith.constant 0 : index
    %swap3A_837 = vector.load %arg8[%swap3A_835, %swap3A_836] : memref<1568x32xf32, #tpu.memory_space<vmem>>, vector<56x32xf32>
    tpu.vector_store %arg8[%swap3A_835, %swap3A_836], %add3A_834 {strides = array<i32>} : memref<1568x32xf32, #tpu.memory_space<vmem>>, vector<56x32xf32>,
    %sub3A_838 = arith.subf %slice3A_832, %dot_general3A_831 : vector<56x32xf32>
    %mul3A_839 = arith.mulf %sub3A_838, %sub3A_838 : vector<56x32xf32>
    %reduce_sum3A_840 = vector.shape_cast %mul3A_839 : vector<56x32xf32> to vector<1x56x32xf32>
    %reduce_sum3A_841 = arith.constant dense<0.000000e+00> : vector<1xf32>
    %reduce_sum3A_842 = vector.multi_reduction <add>, %reduce_sum3A_840, %reduce_sum3A_841 [1, 2] : vector<1x56x32xf32> to vector<1xf32>
    %reduce_sum3A_843 = vector.shape_cast %reduce_sum3A_842 : vector<1xf32> to vector<1x1x1xf32>
    %reduce_sum3A_844 = vector.extract %reduce_sum3A_843[0, 0, 0] : f32 from vector<1x1x1xf32>
    %broadcast_in_dim3A_845 = vector.broadcast %reduce_sum3A_844 : f32 to vector<1x1xf32>
    %add3A_846 = arith.addf %add3A_705, %broadcast_in_dim3A_845 : vector<1x1xf32>
    %reduce_sum3A_847 = vector.shape_cast %select_n3A_826 : vector<56x512xf32> to vector<1x56x512xf32>
    %reduce_sum3A_848 = arith.constant dense<0.000000e+00> : vector<1xf32>
    %reduce_sum3A_849 = vector.multi_reduction <add>, %reduce_sum3A_847, %reduce_sum3A_848 [1, 2] : vector<1x56x512xf32> to vector<1xf32>
    %reduce_sum3A_850 = vector.shape_cast %reduce_sum3A_849 : vector<1xf32> to vector<1x1x1xf32>
    %reduce_sum3A_851 = vector.extract %reduce_sum3A_850[0, 0, 0] : f32 from vector<1x1x1xf32>
    %broadcast_in_dim3A_852 = vector.broadcast %reduce_sum3A_851 : f32 to vector<1x1xf32>
    %add3A_853 = arith.addf %add3A_712, %broadcast_in_dim3A_852 : vector<1x1xf32>
    %convert_element_type3A_854 = arith.extui %le3A_811 : vector<56x512xi1> to vector<56x512xi32>
    %convert_element_type3A_855 = arith.sitofp %convert_element_type3A_854 : vector<56x512xi32> to vector<56x512xf32>
    %reduce_sum3A_856 = arith.constant dense<0.000000e+00> : vector<512xf32>
    %reduce_sum3A_857 = vector.multi_reduction <add>, %convert_element_type3A_855, %reduce_sum3A_856 [0] : vector<56x512xf32> to vector<512xf32>
    %broadcast_in_dim3A_858 = vector.shape_cast %reduce_sum3A_857 : vector<512xf32> to vector<1x512xf32>
    %add3A_859 = arith.addf %add3A_718, %broadcast_in_dim3A_858 : vector<1x512xf32>
    %slice3A_860 = vector.extract_strided_slice %get3A_20 {offsets = [336, 0], sizes = [56, 32], strides = [1, 1]} : vector<1568x32xf32> to vector<56x32xf32>
    %dot_general3A_861 = arith.constant dense<0.000000e+00> : vector<56x1024xf32>
    %dot_general3A_862 = tpu.matmul %slice3A_860, %get3A_13, %dot_general3A_861 {dimension_numbers = #tpu.dot_dimension_numbers<[1], [0], [0], [1], [0, 0, 1, 1], [], []>, transpose_lhs_hint = false} : vector<56x32xf32>, vector<32x1024xf32>, vector<56x1024xf32> -> vector<56x1024xf32>
    %slice3A_863 = vector.extract_strided_slice %dot_general3A_862 {offsets = [0, 512], sizes = [56, 512], strides = [1, 1]} : vector<56x1024xf32> to vector<56x512xf32>
    %mul3A_864 = arith.constant 2.000000e+00 : f32
    %mul3A_865 = vector.broadcast %mul3A_864 : f32 to vector<56x512xf32>
    %mul3A_866 = arith.mulf %mul3A_865, %slice3A_863 : vector<56x512xf32>
    %sub3A_867 = vector.broadcast %broadcast_in_dim3A : vector<1x512xf32> to vector<56x512xf32>
    %sub3A_868 = arith.subf %sub3A_867, %mul3A_866 : vector<56x512xf32>
    %slice3A_869 = vector.extract_strided_slice %sub3A_868 {offsets = [0, 0], sizes = [56, 128], strides = [1, 1]} : vector<56x512xf32> to vector<56x128xf32>
    %slice3A_870 = vector.extract_strided_slice %sub3A_868 {offsets = [0, 128], sizes = [56, 128], strides = [1, 1]} : vector<56x512xf32> to vector<56x128xf32>
    %slice3A_871 = vector.extract_strided_slice %sub3A_868 {offsets = [0, 256], sizes = [56, 128], strides = [1, 1]} : vector<56x512xf32> to vector<56x128xf32>
    %slice3A_872 = vector.extract_strided_slice %sub3A_868 {offsets = [0, 384], sizes = [56, 128], strides = [1, 1]} : vector<56x512xf32> to vector<56x128xf32>
    %min3A_873 = arith.minimumf %slice3A_869, %slice3A_870 : vector<56x128xf32>
    %max3A_874 = arith.maximumf %slice3A_869, %slice3A_870 : vector<56x128xf32>
    %min3A_875 = arith.minimumf %slice3A_871, %slice3A_872 : vector<56x128xf32>
    %max3A_876 = arith.maximumf %slice3A_871, %slice3A_872 : vector<56x128xf32>
    %min3A_877 = arith.minimumf %min3A_873, %min3A_875 : vector<56x128xf32>
    %max3A_878 = arith.maximumf %max3A_874, %max3A_876 : vector<56x128xf32>
    %max3A_879 = arith.maximumf %min3A_873, %min3A_875 : vector<56x128xf32>
    %min3A_880 = arith.minimumf %max3A_874, %max3A_876 : vector<56x128xf32>
    %min3A_881 = arith.minimumf %max3A_879, %min3A_880 : vector<56x128xf32>
    %max3A_882 = arith.maximumf %max3A_879, %min3A_880 : vector<56x128xf32>
    %reduce_min3A_883 = arith.constant dense<0x7F800000> : vector<56xf32>
    %reduce_min3A_884 = vector.multi_reduction <minimumf>, %min3A_877, %reduce_min3A_883 [1] : vector<56x128xf32> to vector<56xf32>
    %broadcast_in_dim3A_885 = vector.shape_cast %reduce_min3A_884 : vector<56xf32> to vector<56x1xf32>
    %eq3A_886 = vector.broadcast %broadcast_in_dim3A_885 : vector<56x1xf32> to vector<56x128xf32>
    %eq3A_887 = arith.cmpf oeq, %min3A_877, %eq3A_886 : vector<56x128xf32>
    %select_n3A_888 = arith.select %eq3A_887, %min3A_881, %min3A_877 : vector<56x128xi1>, vector<56x128xf32>
    %select_n3A_889 = arith.select %eq3A_887, %max3A_882, %min3A_881 : vector<56x128xi1>, vector<56x128xf32>
    %select_n3A_890 = arith.select %eq3A_887, %max3A_878, %max3A_882 : vector<56x128xi1>, vector<56x128xf32>
    %jit3A_891 = arith.constant 0x7F800000 : f32
    %broadcast_in_dim3A_892 = vector.broadcast %jit3A_891 : f32 to vector<56x128xf32>
    %select_n3A_893 = arith.select %eq3A_887, %broadcast_in_dim3A_892, %max3A_878 : vector<56x128xi1>, vector<56x128xf32>
    %reduce_min3A_894 = arith.constant dense<0x7F800000> : vector<56xf32>
    %reduce_min3A_895 = vector.multi_reduction <minimumf>, %select_n3A_888, %reduce_min3A_894 [1] : vector<56x128xf32> to vector<56xf32>
    %broadcast_in_dim3A_896 = vector.shape_cast %reduce_min3A_895 : vector<56xf32> to vector<56x1xf32>
    %eq3A_897 = vector.broadcast %broadcast_in_dim3A_896 : vector<56x1xf32> to vector<56x128xf32>
    %eq3A_898 = arith.cmpf oeq, %select_n3A_888, %eq3A_897 : vector<56x128xf32>
    %select_n3A_899 = arith.select %eq3A_898, %select_n3A_889, %select_n3A_888 : vector<56x128xi1>, vector<56x128xf32>
    %select_n3A_900 = arith.select %eq3A_898, %select_n3A_890, %select_n3A_889 : vector<56x128xi1>, vector<56x128xf32>
    %select_n3A_901 = arith.select %eq3A_898, %select_n3A_893, %select_n3A_890 : vector<56x128xi1>, vector<56x128xf32>
    %jit3A_902 = arith.constant 0x7F800000 : f32
    %broadcast_in_dim3A_903 = vector.broadcast %jit3A_902 : f32 to vector<56x128xf32>
    %select_n3A_904 = arith.select %eq3A_898, %broadcast_in_dim3A_903, %select_n3A_893 : vector<56x128xi1>, vector<56x128xf32>
    %reduce_min3A_905 = arith.constant dense<0x7F800000> : vector<56xf32>
    %reduce_min3A_906 = vector.multi_reduction <minimumf>, %select_n3A_899, %reduce_min3A_905 [1] : vector<56x128xf32> to vector<56xf32>
    %broadcast_in_dim3A_907 = vector.shape_cast %reduce_min3A_906 : vector<56xf32> to vector<56x1xf32>
    %eq3A_908 = vector.broadcast %broadcast_in_dim3A_907 : vector<56x1xf32> to vector<56x128xf32>
    %eq3A_909 = arith.cmpf oeq, %select_n3A_899, %eq3A_908 : vector<56x128xf32>
    %select_n3A_910 = arith.select %eq3A_909, %select_n3A_900, %select_n3A_899 : vector<56x128xi1>, vector<56x128xf32>
    %select_n3A_911 = arith.select %eq3A_909, %select_n3A_901, %select_n3A_900 : vector<56x128xi1>, vector<56x128xf32>
    %select_n3A_912 = arith.select %eq3A_909, %select_n3A_904, %select_n3A_901 : vector<56x128xi1>, vector<56x128xf32>
    %jit3A_913 = arith.constant 0x7F800000 : f32
    %broadcast_in_dim3A_914 = vector.broadcast %jit3A_913 : f32 to vector<56x128xf32>
    %select_n3A_915 = arith.select %eq3A_909, %broadcast_in_dim3A_914, %select_n3A_904 : vector<56x128xi1>, vector<56x128xf32>
    %reduce_min3A_916 = arith.constant dense<0x7F800000> : vector<56xf32>
    %reduce_min3A_917 = vector.multi_reduction <minimumf>, %select_n3A_910, %reduce_min3A_916 [1] : vector<56x128xf32> to vector<56xf32>
    %broadcast_in_dim3A_918 = vector.shape_cast %reduce_min3A_917 : vector<56xf32> to vector<56x1xf32>
    %eq3A_919 = vector.broadcast %broadcast_in_dim3A_918 : vector<56x1xf32> to vector<56x128xf32>
    %eq3A_920 = arith.cmpf oeq, %select_n3A_910, %eq3A_919 : vector<56x128xf32>
    %select_n3A_921 = arith.select %eq3A_920, %select_n3A_911, %select_n3A_910 : vector<56x128xi1>, vector<56x128xf32>
    %select_n3A_922 = arith.select %eq3A_920, %select_n3A_912, %select_n3A_911 : vector<56x128xi1>, vector<56x128xf32>
    %select_n3A_923 = arith.select %eq3A_920, %select_n3A_915, %select_n3A_912 : vector<56x128xi1>, vector<56x128xf32>
    %jit3A_924 = arith.constant 0x7F800000 : f32
    %broadcast_in_dim3A_925 = vector.broadcast %jit3A_924 : f32 to vector<56x128xf32>
    %select_n3A_926 = arith.select %eq3A_920, %broadcast_in_dim3A_925, %select_n3A_915 : vector<56x128xi1>, vector<56x128xf32>
    %reduce_min3A_927 = arith.constant dense<0x7F800000> : vector<56xf32>
    %reduce_min3A_928 = vector.multi_reduction <minimumf>, %select_n3A_921, %reduce_min3A_927 [1] : vector<56x128xf32> to vector<56xf32>
    %broadcast_in_dim3A_929 = vector.shape_cast %reduce_min3A_928 : vector<56xf32> to vector<56x1xf32>
    %eq3A_930 = vector.broadcast %broadcast_in_dim3A_929 : vector<56x1xf32> to vector<56x128xf32>
    %eq3A_931 = arith.cmpf oeq, %select_n3A_921, %eq3A_930 : vector<56x128xf32>
    %select_n3A_932 = arith.select %eq3A_931, %select_n3A_922, %select_n3A_921 : vector<56x128xi1>, vector<56x128xf32>
    %select_n3A_933 = arith.select %eq3A_931, %select_n3A_923, %select_n3A_922 : vector<56x128xi1>, vector<56x128xf32>
    %select_n3A_934 = arith.select %eq3A_931, %select_n3A_926, %select_n3A_923 : vector<56x128xi1>, vector<56x128xf32>
    %reduce_min3A_935 = arith.constant dense<0x7F800000> : vector<56xf32>
    %reduce_min3A_936 = vector.multi_reduction <minimumf>, %select_n3A_932, %reduce_min3A_935 [1] : vector<56x128xf32> to vector<56xf32>
    %broadcast_in_dim3A_937 = vector.shape_cast %reduce_min3A_936 : vector<56xf32> to vector<56x1xf32>
    %eq3A_938 = vector.broadcast %broadcast_in_dim3A_937 : vector<56x1xf32> to vector<56x128xf32>
    %eq3A_939 = arith.cmpf oeq, %select_n3A_932, %eq3A_938 : vector<56x128xf32>
    %select_n3A_940 = arith.select %eq3A_939, %select_n3A_933, %select_n3A_932 : vector<56x128xi1>, vector<56x128xf32>
    %select_n3A_941 = arith.select %eq3A_939, %select_n3A_934, %select_n3A_933 : vector<56x128xi1>, vector<56x128xf32>
    %reduce_min3A_942 = arith.constant dense<0x7F800000> : vector<56xf32>
    %reduce_min3A_943 = vector.multi_reduction <minimumf>, %select_n3A_940, %reduce_min3A_942 [1] : vector<56x128xf32> to vector<56xf32>
    %broadcast_in_dim3A_944 = vector.shape_cast %reduce_min3A_943 : vector<56xf32> to vector<56x1xf32>
    %eq3A_945 = vector.broadcast %broadcast_in_dim3A_944 : vector<56x1xf32> to vector<56x128xf32>
    %eq3A_946 = arith.cmpf oeq, %select_n3A_940, %eq3A_945 : vector<56x128xf32>
    %select_n3A_947 = arith.select %eq3A_946, %select_n3A_941, %select_n3A_940 : vector<56x128xi1>, vector<56x128xf32>
    %reduce_min3A_948 = arith.constant dense<0x7F800000> : vector<56xf32>
    %reduce_min3A_949 = vector.multi_reduction <minimumf>, %select_n3A_947, %reduce_min3A_948 [1] : vector<56x128xf32> to vector<56xf32>
    %broadcast_in_dim3A_950 = vector.shape_cast %reduce_min3A_949 : vector<56xf32> to vector<56x1xf32>
    %le3A_951 = vector.broadcast %broadcast_in_dim3A_950 : vector<56x1xf32> to vector<56x512xf32>
    %le3A_952 = arith.cmpf ole, %sub3A_868, %le3A_951 : vector<56x512xf32>
    %slice3A_953 = vector.extract_strided_slice %dot_general3A_862 {offsets = [0, 0], sizes = [56, 512], strides = [1, 1]} : vector<56x1024xf32> to vector<56x512xf32>
    %add3A_954 = vector.broadcast %get3A_16 : vector<1x512xf32> to vector<56x512xf32>
    %add3A_955 = arith.addf %slice3A_953, %add3A_954 : vector<56x512xf32>
    %exp3A_956 = math.exp %add3A_955 : vector<56x512xf32>
    %reduce_sum3A_957 = arith.constant dense<0.000000e+00> : vector<56xf32>
    %reduce_sum3A_958 = vector.multi_reduction <add>, %exp3A_956, %reduce_sum3A_957 [1] : vector<56x512xf32> to vector<56xf32>
    %broadcast_in_dim3A_959 = vector.shape_cast %reduce_sum3A_958 : vector<56xf32> to vector<56x1xf32>
    %div3A_960 = arith.constant 1.000000e+00 : f32
    %div3A_961 = vector.broadcast %div3A_960 : f32 to vector<56x1xf32>
    %div3A_962 = arith.divf %div3A_961, %broadcast_in_dim3A_959 : vector<56x1xf32>
    %mul3A_963 = vector.broadcast %div3A_962 : vector<56x1xf32> to vector<56x512xf32>
    %mul3A_964 = arith.mulf %exp3A_956, %mul3A_963 : vector<56x512xf32>
    %jit3A_965 = arith.constant 0.000000e+00 : f32
    %broadcast_in_dim3A_966 = vector.broadcast %jit3A_965 : f32 to vector<56x512xf32>
    %select_n3A_967 = arith.select %le3A_952, %mul3A_964, %broadcast_in_dim3A_966 : vector<56x512xi1>, vector<56x512xf32>
    %swap3A_968 = arith.constant 336 : index
    %swap3A_969 = arith.constant 0 : index
    %swap3A_970 = vector.load %arg7[%swap3A_968, %swap3A_969] : memref<1568x512xf32, #tpu.memory_space<vmem>>, vector<56x512xf32>
    tpu.vector_store %arg7[%swap3A_968, %swap3A_969], %select_n3A_967 {strides = array<i32>} : memref<1568x512xf32, #tpu.memory_space<vmem>>, vector<56x512xf32>,
    %dot_general3A_971 = arith.constant dense<0.000000e+00> : vector<56x32xf32>
    %dot_general3A_972 = tpu.matmul %select_n3A_967, %get3A_10, %dot_general3A_971 {dimension_numbers = #tpu.dot_dimension_numbers<[1], [0], [0], [1], [0, 0, 1, 1], [], []>, transpose_lhs_hint = false} : vector<56x512xf32>, vector<512x32xf32>, vector<56x32xf32> -> vector<56x32xf32>
    %slice3A_973 = vector.extract_strided_slice %get3A_7 {offsets = [336, 0], sizes = [56, 32], strides = [1, 1]} : vector<1568x32xf32> to vector<56x32xf32>
    %sub3A_974 = arith.subf %dot_general3A_972, %slice3A_973 : vector<56x32xf32>
    %add3A_975 = arith.addf %slice3A_973, %sub3A_974 : vector<56x32xf32>
    %swap3A_976 = arith.constant 336 : index
    %swap3A_977 = arith.constant 0 : index
    %swap3A_978 = vector.load %arg8[%swap3A_976, %swap3A_977] : memref<1568x32xf32, #tpu.memory_space<vmem>>, vector<56x32xf32>
    tpu.vector_store %arg8[%swap3A_976, %swap3A_977], %add3A_975 {strides = array<i32>} : memref<1568x32xf32, #tpu.memory_space<vmem>>, vector<56x32xf32>,
    %sub3A_979 = arith.subf %slice3A_973, %dot_general3A_972 : vector<56x32xf32>
    %mul3A_980 = arith.mulf %sub3A_979, %sub3A_979 : vector<56x32xf32>
    %reduce_sum3A_981 = vector.shape_cast %mul3A_980 : vector<56x32xf32> to vector<1x56x32xf32>
    %reduce_sum3A_982 = arith.constant dense<0.000000e+00> : vector<1xf32>
    %reduce_sum3A_983 = vector.multi_reduction <add>, %reduce_sum3A_981, %reduce_sum3A_982 [1, 2] : vector<1x56x32xf32> to vector<1xf32>
    %reduce_sum3A_984 = vector.shape_cast %reduce_sum3A_983 : vector<1xf32> to vector<1x1x1xf32>
    %reduce_sum3A_985 = vector.extract %reduce_sum3A_984[0, 0, 0] : f32 from vector<1x1x1xf32>
    %broadcast_in_dim3A_986 = vector.broadcast %reduce_sum3A_985 : f32 to vector<1x1xf32>
    %add3A_987 = arith.addf %add3A_846, %broadcast_in_dim3A_986 : vector<1x1xf32>
    %reduce_sum3A_988 = vector.shape_cast %select_n3A_967 : vector<56x512xf32> to vector<1x56x512xf32>
    %reduce_sum3A_989 = arith.constant dense<0.000000e+00> : vector<1xf32>
    %reduce_sum3A_990 = vector.multi_reduction <add>, %reduce_sum3A_988, %reduce_sum3A_989 [1, 2] : vector<1x56x512xf32> to vector<1xf32>
    %reduce_sum3A_991 = vector.shape_cast %reduce_sum3A_990 : vector<1xf32> to vector<1x1x1xf32>
    %reduce_sum3A_992 = vector.extract %reduce_sum3A_991[0, 0, 0] : f32 from vector<1x1x1xf32>
    %broadcast_in_dim3A_993 = vector.broadcast %reduce_sum3A_992 : f32 to vector<1x1xf32>
    %add3A_994 = arith.addf %add3A_853, %broadcast_in_dim3A_993 : vector<1x1xf32>
    %convert_element_type3A_995 = arith.extui %le3A_952 : vector<56x512xi1> to vector<56x512xi32>
    %convert_element_type3A_996 = arith.sitofp %convert_element_type3A_995 : vector<56x512xi32> to vector<56x512xf32>
    %reduce_sum3A_997 = arith.constant dense<0.000000e+00> : vector<512xf32>
    %reduce_sum3A_998 = vector.multi_reduction <add>, %convert_element_type3A_996, %reduce_sum3A_997 [0] : vector<56x512xf32> to vector<512xf32>
    %broadcast_in_dim3A_999 = vector.shape_cast %reduce_sum3A_998 : vector<512xf32> to vector<1x512xf32>
    %add3A_1000 = arith.addf %add3A_859, %broadcast_in_dim3A_999 : vector<1x512xf32>
    %slice3A_1001 = vector.extract_strided_slice %get3A_20 {offsets = [392, 0], sizes = [56, 32], strides = [1, 1]} : vector<1568x32xf32> to vector<56x32xf32>
    %dot_general3A_1002 = arith.constant dense<0.000000e+00> : vector<56x1024xf32>
    %dot_general3A_1003 = tpu.matmul %slice3A_1001, %get3A_13, %dot_general3A_1002 {dimension_numbers = #tpu.dot_dimension_numbers<[1], [0], [0], [1], [0, 0, 1, 1], [], []>, transpose_lhs_hint = false} : vector<56x32xf32>, vector<32x1024xf32>, vector<56x1024xf32> -> vector<56x1024xf32>
    %slice3A_1004 = vector.extract_strided_slice %dot_general3A_1003 {offsets = [0, 512], sizes = [56, 512], strides = [1, 1]} : vector<56x1024xf32> to vector<56x512xf32>
    %mul3A_1005 = arith.constant 2.000000e+00 : f32
    %mul3A_1006 = vector.broadcast %mul3A_1005 : f32 to vector<56x512xf32>
    %mul3A_1007 = arith.mulf %mul3A_1006, %slice3A_1004 : vector<56x512xf32>
    %sub3A_1008 = vector.broadcast %broadcast_in_dim3A : vector<1x512xf32> to vector<56x512xf32>
    %sub3A_1009 = arith.subf %sub3A_1008, %mul3A_1007 : vector<56x512xf32>
    %slice3A_1010 = vector.extract_strided_slice %sub3A_1009 {offsets = [0, 0], sizes = [56, 128], strides = [1, 1]} : vector<56x512xf32> to vector<56x128xf32>
    %slice3A_1011 = vector.extract_strided_slice %sub3A_1009 {offsets = [0, 128], sizes = [56, 128], strides = [1, 1]} : vector<56x512xf32> to vector<56x128xf32>
    %slice3A_1012 = vector.extract_strided_slice %sub3A_1009 {offsets = [0, 256], sizes = [56, 128], strides = [1, 1]} : vector<56x512xf32> to vector<56x128xf32>
    %slice3A_1013 = vector.extract_strided_slice %sub3A_1009 {offsets = [0, 384], sizes = [56, 128], strides = [1, 1]} : vector<56x512xf32> to vector<56x128xf32>
    %min3A_1014 = arith.minimumf %slice3A_1010, %slice3A_1011 : vector<56x128xf32>
    %max3A_1015 = arith.maximumf %slice3A_1010, %slice3A_1011 : vector<56x128xf32>
    %min3A_1016 = arith.minimumf %slice3A_1012, %slice3A_1013 : vector<56x128xf32>
    %max3A_1017 = arith.maximumf %slice3A_1012, %slice3A_1013 : vector<56x128xf32>
    %min3A_1018 = arith.minimumf %min3A_1014, %min3A_1016 : vector<56x128xf32>
    %max3A_1019 = arith.maximumf %max3A_1015, %max3A_1017 : vector<56x128xf32>
    %max3A_1020 = arith.maximumf %min3A_1014, %min3A_1016 : vector<56x128xf32>
    %min3A_1021 = arith.minimumf %max3A_1015, %max3A_1017 : vector<56x128xf32>
    %min3A_1022 = arith.minimumf %max3A_1020, %min3A_1021 : vector<56x128xf32>
    %max3A_1023 = arith.maximumf %max3A_1020, %min3A_1021 : vector<56x128xf32>
    %reduce_min3A_1024 = arith.constant dense<0x7F800000> : vector<56xf32>
    %reduce_min3A_1025 = vector.multi_reduction <minimumf>, %min3A_1018, %reduce_min3A_1024 [1] : vector<56x128xf32> to vector<56xf32>
    %broadcast_in_dim3A_1026 = vector.shape_cast %reduce_min3A_1025 : vector<56xf32> to vector<56x1xf32>
    %eq3A_1027 = vector.broadcast %broadcast_in_dim3A_1026 : vector<56x1xf32> to vector<56x128xf32>
    %eq3A_1028 = arith.cmpf oeq, %min3A_1018, %eq3A_1027 : vector<56x128xf32>
    %select_n3A_1029 = arith.select %eq3A_1028, %min3A_1022, %min3A_1018 : vector<56x128xi1>, vector<56x128xf32>
    %select_n3A_1030 = arith.select %eq3A_1028, %max3A_1023, %min3A_1022 : vector<56x128xi1>, vector<56x128xf32>
    %select_n3A_1031 = arith.select %eq3A_1028, %max3A_1019, %max3A_1023 : vector<56x128xi1>, vector<56x128xf32>
    %jit3A_1032 = arith.constant 0x7F800000 : f32
    %broadcast_in_dim3A_1033 = vector.broadcast %jit3A_1032 : f32 to vector<56x128xf32>
    %select_n3A_1034 = arith.select %eq3A_1028, %broadcast_in_dim3A_1033, %max3A_1019 : vector<56x128xi1>, vector<56x128xf32>
    %reduce_min3A_1035 = arith.constant dense<0x7F800000> : vector<56xf32>
    %reduce_min3A_1036 = vector.multi_reduction <minimumf>, %select_n3A_1029, %reduce_min3A_1035 [1] : vector<56x128xf32> to vector<56xf32>
    %broadcast_in_dim3A_1037 = vector.shape_cast %reduce_min3A_1036 : vector<56xf32> to vector<56x1xf32>
    %eq3A_1038 = vector.broadcast %broadcast_in_dim3A_1037 : vector<56x1xf32> to vector<56x128xf32>
    %eq3A_1039 = arith.cmpf oeq, %select_n3A_1029, %eq3A_1038 : vector<56x128xf32>
    %select_n3A_1040 = arith.select %eq3A_1039, %select_n3A_1030, %select_n3A_1029 : vector<56x128xi1>, vector<56x128xf32>
    %select_n3A_1041 = arith.select %eq3A_1039, %select_n3A_1031, %select_n3A_1030 : vector<56x128xi1>, vector<56x128xf32>
    %select_n3A_1042 = arith.select %eq3A_1039, %select_n3A_1034, %select_n3A_1031 : vector<56x128xi1>, vector<56x128xf32>
    %jit3A_1043 = arith.constant 0x7F800000 : f32
    %broadcast_in_dim3A_1044 = vector.broadcast %jit3A_1043 : f32 to vector<56x128xf32>
    %select_n3A_1045 = arith.select %eq3A_1039, %broadcast_in_dim3A_1044, %select_n3A_1034 : vector<56x128xi1>, vector<56x128xf32>
    %reduce_min3A_1046 = arith.constant dense<0x7F800000> : vector<56xf32>
    %reduce_min3A_1047 = vector.multi_reduction <minimumf>, %select_n3A_1040, %reduce_min3A_1046 [1] : vector<56x128xf32> to vector<56xf32>
    %broadcast_in_dim3A_1048 = vector.shape_cast %reduce_min3A_1047 : vector<56xf32> to vector<56x1xf32>
    %eq3A_1049 = vector.broadcast %broadcast_in_dim3A_1048 : vector<56x1xf32> to vector<56x128xf32>
    %eq3A_1050 = arith.cmpf oeq, %select_n3A_1040, %eq3A_1049 : vector<56x128xf32>
    %select_n3A_1051 = arith.select %eq3A_1050, %select_n3A_1041, %select_n3A_1040 : vector<56x128xi1>, vector<56x128xf32>
    %select_n3A_1052 = arith.select %eq3A_1050, %select_n3A_1042, %select_n3A_1041 : vector<56x128xi1>, vector<56x128xf32>
    %select_n3A_1053 = arith.select %eq3A_1050, %select_n3A_1045, %select_n3A_1042 : vector<56x128xi1>, vector<56x128xf32>
    %jit3A_1054 = arith.constant 0x7F800000 : f32
    %broadcast_in_dim3A_1055 = vector.broadcast %jit3A_1054 : f32 to vector<56x128xf32>
    %select_n3A_1056 = arith.select %eq3A_1050, %broadcast_in_dim3A_1055, %select_n3A_1045 : vector<56x128xi1>, vector<56x128xf32>
    %reduce_min3A_1057 = arith.constant dense<0x7F800000> : vector<56xf32>
    %reduce_min3A_1058 = vector.multi_reduction <minimumf>, %select_n3A_1051, %reduce_min3A_1057 [1] : vector<56x128xf32> to vector<56xf32>
    %broadcast_in_dim3A_1059 = vector.shape_cast %reduce_min3A_1058 : vector<56xf32> to vector<56x1xf32>
    %eq3A_1060 = vector.broadcast %broadcast_in_dim3A_1059 : vector<56x1xf32> to vector<56x128xf32>
    %eq3A_1061 = arith.cmpf oeq, %select_n3A_1051, %eq3A_1060 : vector<56x128xf32>
    %select_n3A_1062 = arith.select %eq3A_1061, %select_n3A_1052, %select_n3A_1051 : vector<56x128xi1>, vector<56x128xf32>
    %select_n3A_1063 = arith.select %eq3A_1061, %select_n3A_1053, %select_n3A_1052 : vector<56x128xi1>, vector<56x128xf32>
    %select_n3A_1064 = arith.select %eq3A_1061, %select_n3A_1056, %select_n3A_1053 : vector<56x128xi1>, vector<56x128xf32>
    %jit3A_1065 = arith.constant 0x7F800000 : f32
    %broadcast_in_dim3A_1066 = vector.broadcast %jit3A_1065 : f32 to vector<56x128xf32>
    %select_n3A_1067 = arith.select %eq3A_1061, %broadcast_in_dim3A_1066, %select_n3A_1056 : vector<56x128xi1>, vector<56x128xf32>
    %reduce_min3A_1068 = arith.constant dense<0x7F800000> : vector<56xf32>
    %reduce_min3A_1069 = vector.multi_reduction <minimumf>, %select_n3A_1062, %reduce_min3A_1068 [1] : vector<56x128xf32> to vector<56xf32>
    %broadcast_in_dim3A_1070 = vector.shape_cast %reduce_min3A_1069 : vector<56xf32> to vector<56x1xf32>
    %eq3A_1071 = vector.broadcast %broadcast_in_dim3A_1070 : vector<56x1xf32> to vector<56x128xf32>
    %eq3A_1072 = arith.cmpf oeq, %select_n3A_1062, %eq3A_1071 : vector<56x128xf32>
    %select_n3A_1073 = arith.select %eq3A_1072, %select_n3A_1063, %select_n3A_1062 : vector<56x128xi1>, vector<56x128xf32>
    %select_n3A_1074 = arith.select %eq3A_1072, %select_n3A_1064, %select_n3A_1063 : vector<56x128xi1>, vector<56x128xf32>
    %select_n3A_1075 = arith.select %eq3A_1072, %select_n3A_1067, %select_n3A_1064 : vector<56x128xi1>, vector<56x128xf32>
    %reduce_min3A_1076 = arith.constant dense<0x7F800000> : vector<56xf32>
    %reduce_min3A_1077 = vector.multi_reduction <minimumf>, %select_n3A_1073, %reduce_min3A_1076 [1] : vector<56x128xf32> to vector<56xf32>
    %broadcast_in_dim3A_1078 = vector.shape_cast %reduce_min3A_1077 : vector<56xf32> to vector<56x1xf32>
    %eq3A_1079 = vector.broadcast %broadcast_in_dim3A_1078 : vector<56x1xf32> to vector<56x128xf32>
    %eq3A_1080 = arith.cmpf oeq, %select_n3A_1073, %eq3A_1079 : vector<56x128xf32>
    %select_n3A_1081 = arith.select %eq3A_1080, %select_n3A_1074, %select_n3A_1073 : vector<56x128xi1>, vector<56x128xf32>
    %select_n3A_1082 = arith.select %eq3A_1080, %select_n3A_1075, %select_n3A_1074 : vector<56x128xi1>, vector<56x128xf32>
    %reduce_min3A_1083 = arith.constant dense<0x7F800000> : vector<56xf32>
    %reduce_min3A_1084 = vector.multi_reduction <minimumf>, %select_n3A_1081, %reduce_min3A_1083 [1] : vector<56x128xf32> to vector<56xf32>
    %broadcast_in_dim3A_1085 = vector.shape_cast %reduce_min3A_1084 : vector<56xf32> to vector<56x1xf32>
    %eq3A_1086 = vector.broadcast %broadcast_in_dim3A_1085 : vector<56x1xf32> to vector<56x128xf32>
    %eq3A_1087 = arith.cmpf oeq, %select_n3A_1081, %eq3A_1086 : vector<56x128xf32>
    %select_n3A_1088 = arith.select %eq3A_1087, %select_n3A_1082, %select_n3A_1081 : vector<56x128xi1>, vector<56x128xf32>
    %reduce_min3A_1089 = arith.constant dense<0x7F800000> : vector<56xf32>
    %reduce_min3A_1090 = vector.multi_reduction <minimumf>, %select_n3A_1088, %reduce_min3A_1089 [1] : vector<56x128xf32> to vector<56xf32>
    %broadcast_in_dim3A_1091 = vector.shape_cast %reduce_min3A_1090 : vector<56xf32> to vector<56x1xf32>
    %le3A_1092 = vector.broadcast %broadcast_in_dim3A_1091 : vector<56x1xf32> to vector<56x512xf32>
    %le3A_1093 = arith.cmpf ole, %sub3A_1009, %le3A_1092 : vector<56x512xf32>
    %slice3A_1094 = vector.extract_strided_slice %dot_general3A_1003 {offsets = [0, 0], sizes = [56, 512], strides = [1, 1]} : vector<56x1024xf32> to vector<56x512xf32>
    %add3A_1095 = vector.broadcast %get3A_16 : vector<1x512xf32> to vector<56x512xf32>
    %add3A_1096 = arith.addf %slice3A_1094, %add3A_1095 : vector<56x512xf32>
    %exp3A_1097 = math.exp %add3A_1096 : vector<56x512xf32>
    %reduce_sum3A_1098 = arith.constant dense<0.000000e+00> : vector<56xf32>
    %reduce_sum3A_1099 = vector.multi_reduction <add>, %exp3A_1097, %reduce_sum3A_1098 [1] : vector<56x512xf32> to vector<56xf32>
    %broadcast_in_dim3A_1100 = vector.shape_cast %reduce_sum3A_1099 : vector<56xf32> to vector<56x1xf32>
    %div3A_1101 = arith.constant 1.000000e+00 : f32
    %div3A_1102 = vector.broadcast %div3A_1101 : f32 to vector<56x1xf32>
    %div3A_1103 = arith.divf %div3A_1102, %broadcast_in_dim3A_1100 : vector<56x1xf32>
    %mul3A_1104 = vector.broadcast %div3A_1103 : vector<56x1xf32> to vector<56x512xf32>
    %mul3A_1105 = arith.mulf %exp3A_1097, %mul3A_1104 : vector<56x512xf32>
    %jit3A_1106 = arith.constant 0.000000e+00 : f32
    %broadcast_in_dim3A_1107 = vector.broadcast %jit3A_1106 : f32 to vector<56x512xf32>
    %select_n3A_1108 = arith.select %le3A_1093, %mul3A_1105, %broadcast_in_dim3A_1107 : vector<56x512xi1>, vector<56x512xf32>
    %swap3A_1109 = arith.constant 392 : index
    %swap3A_1110 = arith.constant 0 : index
    %swap3A_1111 = vector.load %arg7[%swap3A_1109, %swap3A_1110] : memref<1568x512xf32, #tpu.memory_space<vmem>>, vector<56x512xf32>
    tpu.vector_store %arg7[%swap3A_1109, %swap3A_1110], %select_n3A_1108 {strides = array<i32>} : memref<1568x512xf32, #tpu.memory_space<vmem>>, vector<56x512xf32>,
    %dot_general3A_1112 = arith.constant dense<0.000000e+00> : vector<56x32xf32>
    %dot_general3A_1113 = tpu.matmul %select_n3A_1108, %get3A_10, %dot_general3A_1112 {dimension_numbers = #tpu.dot_dimension_numbers<[1], [0], [0], [1], [0, 0, 1, 1], [], []>, transpose_lhs_hint = false} : vector<56x512xf32>, vector<512x32xf32>, vector<56x32xf32> -> vector<56x32xf32>
    %slice3A_1114 = vector.extract_strided_slice %get3A_7 {offsets = [392, 0], sizes = [56, 32], strides = [1, 1]} : vector<1568x32xf32> to vector<56x32xf32>
    %sub3A_1115 = arith.subf %dot_general3A_1113, %slice3A_1114 : vector<56x32xf32>
    %add3A_1116 = arith.addf %slice3A_1114, %sub3A_1115 : vector<56x32xf32>
    %swap3A_1117 = arith.constant 392 : index
    %swap3A_1118 = arith.constant 0 : index
    %swap3A_1119 = vector.load %arg8[%swap3A_1117, %swap3A_1118] : memref<1568x32xf32, #tpu.memory_space<vmem>>, vector<56x32xf32>
    tpu.vector_store %arg8[%swap3A_1117, %swap3A_1118], %add3A_1116 {strides = array<i32>} : memref<1568x32xf32, #tpu.memory_space<vmem>>, vector<56x32xf32>,
    %sub3A_1120 = arith.subf %slice3A_1114, %dot_general3A_1113 : vector<56x32xf32>
    %mul3A_1121 = arith.mulf %sub3A_1120, %sub3A_1120 : vector<56x32xf32>
    %reduce_sum3A_1122 = vector.shape_cast %mul3A_1121 : vector<56x32xf32> to vector<1x56x32xf32>
    %reduce_sum3A_1123 = arith.constant dense<0.000000e+00> : vector<1xf32>
    %reduce_sum3A_1124 = vector.multi_reduction <add>, %reduce_sum3A_1122, %reduce_sum3A_1123 [1, 2] : vector<1x56x32xf32> to vector<1xf32>
    %reduce_sum3A_1125 = vector.shape_cast %reduce_sum3A_1124 : vector<1xf32> to vector<1x1x1xf32>
    %reduce_sum3A_1126 = vector.extract %reduce_sum3A_1125[0, 0, 0] : f32 from vector<1x1x1xf32>
    %broadcast_in_dim3A_1127 = vector.broadcast %reduce_sum3A_1126 : f32 to vector<1x1xf32>
    %add3A_1128 = arith.addf %add3A_987, %broadcast_in_dim3A_1127 : vector<1x1xf32>
    %reduce_sum3A_1129 = vector.shape_cast %select_n3A_1108 : vector<56x512xf32> to vector<1x56x512xf32>
    %reduce_sum3A_1130 = arith.constant dense<0.000000e+00> : vector<1xf32>
    %reduce_sum3A_1131 = vector.multi_reduction <add>, %reduce_sum3A_1129, %reduce_sum3A_1130 [1, 2] : vector<1x56x512xf32> to vector<1xf32>
    %reduce_sum3A_1132 = vector.shape_cast %reduce_sum3A_1131 : vector<1xf32> to vector<1x1x1xf32>
    %reduce_sum3A_1133 = vector.extract %reduce_sum3A_1132[0, 0, 0] : f32 from vector<1x1x1xf32>
    %broadcast_in_dim3A_1134 = vector.broadcast %reduce_sum3A_1133 : f32 to vector<1x1xf32>
    %add3A_1135 = arith.addf %add3A_994, %broadcast_in_dim3A_1134 : vector<1x1xf32>
    %convert_element_type3A_1136 = arith.extui %le3A_1093 : vector<56x512xi1> to vector<56x512xi32>
    %convert_element_type3A_1137 = arith.sitofp %convert_element_type3A_1136 : vector<56x512xi32> to vector<56x512xf32>
    %reduce_sum3A_1138 = arith.constant dense<0.000000e+00> : vector<512xf32>
    %reduce_sum3A_1139 = vector.multi_reduction <add>, %convert_element_type3A_1137, %reduce_sum3A_1138 [0] : vector<56x512xf32> to vector<512xf32>
    %broadcast_in_dim3A_1140 = vector.shape_cast %reduce_sum3A_1139 : vector<512xf32> to vector<1x512xf32>
    %add3A_1141 = arith.addf %add3A_1000, %broadcast_in_dim3A_1140 : vector<1x512xf32>
    %slice3A_1142 = vector.extract_strided_slice %get3A_20 {offsets = [448, 0], sizes = [56, 32], strides = [1, 1]} : vector<1568x32xf32> to vector<56x32xf32>
    %dot_general3A_1143 = arith.constant dense<0.000000e+00> : vector<56x1024xf32>
    %dot_general3A_1144 = tpu.matmul %slice3A_1142, %get3A_13, %dot_general3A_1143 {dimension_numbers = #tpu.dot_dimension_numbers<[1], [0], [0], [1], [0, 0, 1, 1], [], []>, transpose_lhs_hint = false} : vector<56x32xf32>, vector<32x1024xf32>, vector<56x1024xf32> -> vector<56x1024xf32>
    %slice3A_1145 = vector.extract_strided_slice %dot_general3A_1144 {offsets = [0, 512], sizes = [56, 512], strides = [1, 1]} : vector<56x1024xf32> to vector<56x512xf32>
    %mul3A_1146 = arith.constant 2.000000e+00 : f32
    %mul3A_1147 = vector.broadcast %mul3A_1146 : f32 to vector<56x512xf32>
    %mul3A_1148 = arith.mulf %mul3A_1147, %slice3A_1145 : vector<56x512xf32>
    %sub3A_1149 = vector.broadcast %broadcast_in_dim3A : vector<1x512xf32> to vector<56x512xf32>
    %sub3A_1150 = arith.subf %sub3A_1149, %mul3A_1148 : vector<56x512xf32>
    %slice3A_1151 = vector.extract_strided_slice %sub3A_1150 {offsets = [0, 0], sizes = [56, 128], strides = [1, 1]} : vector<56x512xf32> to vector<56x128xf32>
    %slice3A_1152 = vector.extract_strided_slice %sub3A_1150 {offsets = [0, 128], sizes = [56, 128], strides = [1, 1]} : vector<56x512xf32> to vector<56x128xf32>
    %slice3A_1153 = vector.extract_strided_slice %sub3A_1150 {offsets = [0, 256], sizes = [56, 128], strides = [1, 1]} : vector<56x512xf32> to vector<56x128xf32>
    %slice3A_1154 = vector.extract_strided_slice %sub3A_1150 {offsets = [0, 384], sizes = [56, 128], strides = [1, 1]} : vector<56x512xf32> to vector<56x128xf32>
    %min3A_1155 = arith.minimumf %slice3A_1151, %slice3A_1152 : vector<56x128xf32>
    %max3A_1156 = arith.maximumf %slice3A_1151, %slice3A_1152 : vector<56x128xf32>
    %min3A_1157 = arith.minimumf %slice3A_1153, %slice3A_1154 : vector<56x128xf32>
    %max3A_1158 = arith.maximumf %slice3A_1153, %slice3A_1154 : vector<56x128xf32>
    %min3A_1159 = arith.minimumf %min3A_1155, %min3A_1157 : vector<56x128xf32>
    %max3A_1160 = arith.maximumf %max3A_1156, %max3A_1158 : vector<56x128xf32>
    %max3A_1161 = arith.maximumf %min3A_1155, %min3A_1157 : vector<56x128xf32>
    %min3A_1162 = arith.minimumf %max3A_1156, %max3A_1158 : vector<56x128xf32>
    %min3A_1163 = arith.minimumf %max3A_1161, %min3A_1162 : vector<56x128xf32>
    %max3A_1164 = arith.maximumf %max3A_1161, %min3A_1162 : vector<56x128xf32>
    %reduce_min3A_1165 = arith.constant dense<0x7F800000> : vector<56xf32>
    %reduce_min3A_1166 = vector.multi_reduction <minimumf>, %min3A_1159, %reduce_min3A_1165 [1] : vector<56x128xf32> to vector<56xf32>
    %broadcast_in_dim3A_1167 = vector.shape_cast %reduce_min3A_1166 : vector<56xf32> to vector<56x1xf32>
    %eq3A_1168 = vector.broadcast %broadcast_in_dim3A_1167 : vector<56x1xf32> to vector<56x128xf32>
    %eq3A_1169 = arith.cmpf oeq, %min3A_1159, %eq3A_1168 : vector<56x128xf32>
    %select_n3A_1170 = arith.select %eq3A_1169, %min3A_1163, %min3A_1159 : vector<56x128xi1>, vector<56x128xf32>
    %select_n3A_1171 = arith.select %eq3A_1169, %max3A_1164, %min3A_1163 : vector<56x128xi1>, vector<56x128xf32>
    %select_n3A_1172 = arith.select %eq3A_1169, %max3A_1160, %max3A_1164 : vector<56x128xi1>, vector<56x128xf32>
    %jit3A_1173 = arith.constant 0x7F800000 : f32
    %broadcast_in_dim3A_1174 = vector.broadcast %jit3A_1173 : f32 to vector<56x128xf32>
    %select_n3A_1175 = arith.select %eq3A_1169, %broadcast_in_dim3A_1174, %max3A_1160 : vector<56x128xi1>, vector<56x128xf32>
    %reduce_min3A_1176 = arith.constant dense<0x7F800000> : vector<56xf32>
    %reduce_min3A_1177 = vector.multi_reduction <minimumf>, %select_n3A_1170, %reduce_min3A_1176 [1] : vector<56x128xf32> to vector<56xf32>
    %broadcast_in_dim3A_1178 = vector.shape_cast %reduce_min3A_1177 : vector<56xf32> to vector<56x1xf32>
    %eq3A_1179 = vector.broadcast %broadcast_in_dim3A_1178 : vector<56x1xf32> to vector<56x128xf32>
    %eq3A_1180 = arith.cmpf oeq, %select_n3A_1170, %eq3A_1179 : vector<56x128xf32>
    %select_n3A_1181 = arith.select %eq3A_1180, %select_n3A_1171, %select_n3A_1170 : vector<56x128xi1>, vector<56x128xf32>
    %select_n3A_1182 = arith.select %eq3A_1180, %select_n3A_1172, %select_n3A_1171 : vector<56x128xi1>, vector<56x128xf32>
    %select_n3A_1183 = arith.select %eq3A_1180, %select_n3A_1175, %select_n3A_1172 : vector<56x128xi1>, vector<56x128xf32>
    %jit3A_1184 = arith.constant 0x7F800000 : f32
    %broadcast_in_dim3A_1185 = vector.broadcast %jit3A_1184 : f32 to vector<56x128xf32>
    %select_n3A_1186 = arith.select %eq3A_1180, %broadcast_in_dim3A_1185, %select_n3A_1175 : vector<56x128xi1>, vector<56x128xf32>
    %reduce_min3A_1187 = arith.constant dense<0x7F800000> : vector<56xf32>
    %reduce_min3A_1188 = vector.multi_reduction <minimumf>, %select_n3A_1181, %reduce_min3A_1187 [1] : vector<56x128xf32> to vector<56xf32>
    %broadcast_in_dim3A_1189 = vector.shape_cast %reduce_min3A_1188 : vector<56xf32> to vector<56x1xf32>
    %eq3A_1190 = vector.broadcast %broadcast_in_dim3A_1189 : vector<56x1xf32> to vector<56x128xf32>
    %eq3A_1191 = arith.cmpf oeq, %select_n3A_1181, %eq3A_1190 : vector<56x128xf32>
    %select_n3A_1192 = arith.select %eq3A_1191, %select_n3A_1182, %select_n3A_1181 : vector<56x128xi1>, vector<56x128xf32>
    %select_n3A_1193 = arith.select %eq3A_1191, %select_n3A_1183, %select_n3A_1182 : vector<56x128xi1>, vector<56x128xf32>
    %select_n3A_1194 = arith.select %eq3A_1191, %select_n3A_1186, %select_n3A_1183 : vector<56x128xi1>, vector<56x128xf32>
    %jit3A_1195 = arith.constant 0x7F800000 : f32
    %broadcast_in_dim3A_1196 = vector.broadcast %jit3A_1195 : f32 to vector<56x128xf32>
    %select_n3A_1197 = arith.select %eq3A_1191, %broadcast_in_dim3A_1196, %select_n3A_1186 : vector<56x128xi1>, vector<56x128xf32>
    %reduce_min3A_1198 = arith.constant dense<0x7F800000> : vector<56xf32>
    %reduce_min3A_1199 = vector.multi_reduction <minimumf>, %select_n3A_1192, %reduce_min3A_1198 [1] : vector<56x128xf32> to vector<56xf32>
    %broadcast_in_dim3A_1200 = vector.shape_cast %reduce_min3A_1199 : vector<56xf32> to vector<56x1xf32>
    %eq3A_1201 = vector.broadcast %broadcast_in_dim3A_1200 : vector<56x1xf32> to vector<56x128xf32>
    %eq3A_1202 = arith.cmpf oeq, %select_n3A_1192, %eq3A_1201 : vector<56x128xf32>
    %select_n3A_1203 = arith.select %eq3A_1202, %select_n3A_1193, %select_n3A_1192 : vector<56x128xi1>, vector<56x128xf32>
    %select_n3A_1204 = arith.select %eq3A_1202, %select_n3A_1194, %select_n3A_1193 : vector<56x128xi1>, vector<56x128xf32>
    %select_n3A_1205 = arith.select %eq3A_1202, %select_n3A_1197, %select_n3A_1194 : vector<56x128xi1>, vector<56x128xf32>
    %jit3A_1206 = arith.constant 0x7F800000 : f32
    %broadcast_in_dim3A_1207 = vector.broadcast %jit3A_1206 : f32 to vector<56x128xf32>
    %select_n3A_1208 = arith.select %eq3A_1202, %broadcast_in_dim3A_1207, %select_n3A_1197 : vector<56x128xi1>, vector<56x128xf32>
    %reduce_min3A_1209 = arith.constant dense<0x7F800000> : vector<56xf32>
    %reduce_min3A_1210 = vector.multi_reduction <minimumf>, %select_n3A_1203, %reduce_min3A_1209 [1] : vector<56x128xf32> to vector<56xf32>
    %broadcast_in_dim3A_1211 = vector.shape_cast %reduce_min3A_1210 : vector<56xf32> to vector<56x1xf32>
    %eq3A_1212 = vector.broadcast %broadcast_in_dim3A_1211 : vector<56x1xf32> to vector<56x128xf32>
    %eq3A_1213 = arith.cmpf oeq, %select_n3A_1203, %eq3A_1212 : vector<56x128xf32>
    %select_n3A_1214 = arith.select %eq3A_1213, %select_n3A_1204, %select_n3A_1203 : vector<56x128xi1>, vector<56x128xf32>
    %select_n3A_1215 = arith.select %eq3A_1213, %select_n3A_1205, %select_n3A_1204 : vector<56x128xi1>, vector<56x128xf32>
    %select_n3A_1216 = arith.select %eq3A_1213, %select_n3A_1208, %select_n3A_1205 : vector<56x128xi1>, vector<56x128xf32>
    %reduce_min3A_1217 = arith.constant dense<0x7F800000> : vector<56xf32>
    %reduce_min3A_1218 = vector.multi_reduction <minimumf>, %select_n3A_1214, %reduce_min3A_1217 [1] : vector<56x128xf32> to vector<56xf32>
    %broadcast_in_dim3A_1219 = vector.shape_cast %reduce_min3A_1218 : vector<56xf32> to vector<56x1xf32>
    %eq3A_1220 = vector.broadcast %broadcast_in_dim3A_1219 : vector<56x1xf32> to vector<56x128xf32>
    %eq3A_1221 = arith.cmpf oeq, %select_n3A_1214, %eq3A_1220 : vector<56x128xf32>
    %select_n3A_1222 = arith.select %eq3A_1221, %select_n3A_1215, %select_n3A_1214 : vector<56x128xi1>, vector<56x128xf32>
    %select_n3A_1223 = arith.select %eq3A_1221, %select_n3A_1216, %select_n3A_1215 : vector<56x128xi1>, vector<56x128xf32>
    %reduce_min3A_1224 = arith.constant dense<0x7F800000> : vector<56xf32>
    %reduce_min3A_1225 = vector.multi_reduction <minimumf>, %select_n3A_1222, %reduce_min3A_1224 [1] : vector<56x128xf32> to vector<56xf32>
    %broadcast_in_dim3A_1226 = vector.shape_cast %reduce_min3A_1225 : vector<56xf32> to vector<56x1xf32>
    %eq3A_1227 = vector.broadcast %broadcast_in_dim3A_1226 : vector<56x1xf32> to vector<56x128xf32>
    %eq3A_1228 = arith.cmpf oeq, %select_n3A_1222, %eq3A_1227 : vector<56x128xf32>
    %select_n3A_1229 = arith.select %eq3A_1228, %select_n3A_1223, %select_n3A_1222 : vector<56x128xi1>, vector<56x128xf32>
    %reduce_min3A_1230 = arith.constant dense<0x7F800000> : vector<56xf32>
    %reduce_min3A_1231 = vector.multi_reduction <minimumf>, %select_n3A_1229, %reduce_min3A_1230 [1] : vector<56x128xf32> to vector<56xf32>
    %broadcast_in_dim3A_1232 = vector.shape_cast %reduce_min3A_1231 : vector<56xf32> to vector<56x1xf32>
    %le3A_1233 = vector.broadcast %broadcast_in_dim3A_1232 : vector<56x1xf32> to vector<56x512xf32>
    %le3A_1234 = arith.cmpf ole, %sub3A_1150, %le3A_1233 : vector<56x512xf32>
    %slice3A_1235 = vector.extract_strided_slice %dot_general3A_1144 {offsets = [0, 0], sizes = [56, 512], strides = [1, 1]} : vector<56x1024xf32> to vector<56x512xf32>
    %add3A_1236 = vector.broadcast %get3A_16 : vector<1x512xf32> to vector<56x512xf32>
    %add3A_1237 = arith.addf %slice3A_1235, %add3A_1236 : vector<56x512xf32>
    %exp3A_1238 = math.exp %add3A_1237 : vector<56x512xf32>
    %reduce_sum3A_1239 = arith.constant dense<0.000000e+00> : vector<56xf32>
    %reduce_sum3A_1240 = vector.multi_reduction <add>, %exp3A_1238, %reduce_sum3A_1239 [1] : vector<56x512xf32> to vector<56xf32>
    %broadcast_in_dim3A_1241 = vector.shape_cast %reduce_sum3A_1240 : vector<56xf32> to vector<56x1xf32>
    %div3A_1242 = arith.constant 1.000000e+00 : f32
    %div3A_1243 = vector.broadcast %div3A_1242 : f32 to vector<56x1xf32>
    %div3A_1244 = arith.divf %div3A_1243, %broadcast_in_dim3A_1241 : vector<56x1xf32>
    %mul3A_1245 = vector.broadcast %div3A_1244 : vector<56x1xf32> to vector<56x512xf32>
    %mul3A_1246 = arith.mulf %exp3A_1238, %mul3A_1245 : vector<56x512xf32>
    %jit3A_1247 = arith.constant 0.000000e+00 : f32
    %broadcast_in_dim3A_1248 = vector.broadcast %jit3A_1247 : f32 to vector<56x512xf32>
    %select_n3A_1249 = arith.select %le3A_1234, %mul3A_1246, %broadcast_in_dim3A_1248 : vector<56x512xi1>, vector<56x512xf32>
    %swap3A_1250 = arith.constant 448 : index
    %swap3A_1251 = arith.constant 0 : index
    %swap3A_1252 = vector.load %arg7[%swap3A_1250, %swap3A_1251] : memref<1568x512xf32, #tpu.memory_space<vmem>>, vector<56x512xf32>
    tpu.vector_store %arg7[%swap3A_1250, %swap3A_1251], %select_n3A_1249 {strides = array<i32>} : memref<1568x512xf32, #tpu.memory_space<vmem>>, vector<56x512xf32>,
    %dot_general3A_1253 = arith.constant dense<0.000000e+00> : vector<56x32xf32>
    %dot_general3A_1254 = tpu.matmul %select_n3A_1249, %get3A_10, %dot_general3A_1253 {dimension_numbers = #tpu.dot_dimension_numbers<[1], [0], [0], [1], [0, 0, 1, 1], [], []>, transpose_lhs_hint = false} : vector<56x512xf32>, vector<512x32xf32>, vector<56x32xf32> -> vector<56x32xf32>
    %slice3A_1255 = vector.extract_strided_slice %get3A_7 {offsets = [448, 0], sizes = [56, 32], strides = [1, 1]} : vector<1568x32xf32> to vector<56x32xf32>
    %sub3A_1256 = arith.subf %dot_general3A_1254, %slice3A_1255 : vector<56x32xf32>
    %add3A_1257 = arith.addf %slice3A_1255, %sub3A_1256 : vector<56x32xf32>
    %swap3A_1258 = arith.constant 448 : index
    %swap3A_1259 = arith.constant 0 : index
    %swap3A_1260 = vector.load %arg8[%swap3A_1258, %swap3A_1259] : memref<1568x32xf32, #tpu.memory_space<vmem>>, vector<56x32xf32>
    tpu.vector_store %arg8[%swap3A_1258, %swap3A_1259], %add3A_1257 {strides = array<i32>} : memref<1568x32xf32, #tpu.memory_space<vmem>>, vector<56x32xf32>,
    %sub3A_1261 = arith.subf %slice3A_1255, %dot_general3A_1254 : vector<56x32xf32>
    %mul3A_1262 = arith.mulf %sub3A_1261, %sub3A_1261 : vector<56x32xf32>
    %reduce_sum3A_1263 = vector.shape_cast %mul3A_1262 : vector<56x32xf32> to vector<1x56x32xf32>
    %reduce_sum3A_1264 = arith.constant dense<0.000000e+00> : vector<1xf32>
    %reduce_sum3A_1265 = vector.multi_reduction <add>, %reduce_sum3A_1263, %reduce_sum3A_1264 [1, 2] : vector<1x56x32xf32> to vector<1xf32>
    %reduce_sum3A_1266 = vector.shape_cast %reduce_sum3A_1265 : vector<1xf32> to vector<1x1x1xf32>
    %reduce_sum3A_1267 = vector.extract %reduce_sum3A_1266[0, 0, 0] : f32 from vector<1x1x1xf32>
    %broadcast_in_dim3A_1268 = vector.broadcast %reduce_sum3A_1267 : f32 to vector<1x1xf32>
    %add3A_1269 = arith.addf %add3A_1128, %broadcast_in_dim3A_1268 : vector<1x1xf32>
    %reduce_sum3A_1270 = vector.shape_cast %select_n3A_1249 : vector<56x512xf32> to vector<1x56x512xf32>
    %reduce_sum3A_1271 = arith.constant dense<0.000000e+00> : vector<1xf32>
    %reduce_sum3A_1272 = vector.multi_reduction <add>, %reduce_sum3A_1270, %reduce_sum3A_1271 [1, 2] : vector<1x56x512xf32> to vector<1xf32>
    %reduce_sum3A_1273 = vector.shape_cast %reduce_sum3A_1272 : vector<1xf32> to vector<1x1x1xf32>
    %reduce_sum3A_1274 = vector.extract %reduce_sum3A_1273[0, 0, 0] : f32 from vector<1x1x1xf32>
    %broadcast_in_dim3A_1275 = vector.broadcast %reduce_sum3A_1274 : f32 to vector<1x1xf32>
    %add3A_1276 = arith.addf %add3A_1135, %broadcast_in_dim3A_1275 : vector<1x1xf32>
    %convert_element_type3A_1277 = arith.extui %le3A_1234 : vector<56x512xi1> to vector<56x512xi32>
    %convert_element_type3A_1278 = arith.sitofp %convert_element_type3A_1277 : vector<56x512xi32> to vector<56x512xf32>
    %reduce_sum3A_1279 = arith.constant dense<0.000000e+00> : vector<512xf32>
    %reduce_sum3A_1280 = vector.multi_reduction <add>, %convert_element_type3A_1278, %reduce_sum3A_1279 [0] : vector<56x512xf32> to vector<512xf32>
    %broadcast_in_dim3A_1281 = vector.shape_cast %reduce_sum3A_1280 : vector<512xf32> to vector<1x512xf32>
    %add3A_1282 = arith.addf %add3A_1141, %broadcast_in_dim3A_1281 : vector<1x512xf32>
    %slice3A_1283 = vector.extract_strided_slice %get3A_20 {offsets = [504, 0], sizes = [56, 32], strides = [1, 1]} : vector<1568x32xf32> to vector<56x32xf32>
    %dot_general3A_1284 = arith.constant dense<0.000000e+00> : vector<56x1024xf32>
    %dot_general3A_1285 = tpu.matmul %slice3A_1283, %get3A_13, %dot_general3A_1284 {dimension_numbers = #tpu.dot_dimension_numbers<[1], [0], [0], [1], [0, 0, 1, 1], [], []>, transpose_lhs_hint = false} : vector<56x32xf32>, vector<32x1024xf32>, vector<56x1024xf32> -> vector<56x1024xf32>
    %slice3A_1286 = vector.extract_strided_slice %dot_general3A_1285 {offsets = [0, 512], sizes = [56, 512], strides = [1, 1]} : vector<56x1024xf32> to vector<56x512xf32>
    %mul3A_1287 = arith.constant 2.000000e+00 : f32
    %mul3A_1288 = vector.broadcast %mul3A_1287 : f32 to vector<56x512xf32>
    %mul3A_1289 = arith.mulf %mul3A_1288, %slice3A_1286 : vector<56x512xf32>
    %sub3A_1290 = vector.broadcast %broadcast_in_dim3A : vector<1x512xf32> to vector<56x512xf32>
    %sub3A_1291 = arith.subf %sub3A_1290, %mul3A_1289 : vector<56x512xf32>
    %slice3A_1292 = vector.extract_strided_slice %sub3A_1291 {offsets = [0, 0], sizes = [56, 128], strides = [1, 1]} : vector<56x512xf32> to vector<56x128xf32>
    %slice3A_1293 = vector.extract_strided_slice %sub3A_1291 {offsets = [0, 128], sizes = [56, 128], strides = [1, 1]} : vector<56x512xf32> to vector<56x128xf32>
    %slice3A_1294 = vector.extract_strided_slice %sub3A_1291 {offsets = [0, 256], sizes = [56, 128], strides = [1, 1]} : vector<56x512xf32> to vector<56x128xf32>
    %slice3A_1295 = vector.extract_strided_slice %sub3A_1291 {offsets = [0, 384], sizes = [56, 128], strides = [1, 1]} : vector<56x512xf32> to vector<56x128xf32>
    %min3A_1296 = arith.minimumf %slice3A_1292, %slice3A_1293 : vector<56x128xf32>
    %max3A_1297 = arith.maximumf %slice3A_1292, %slice3A_1293 : vector<56x128xf32>
    %min3A_1298 = arith.minimumf %slice3A_1294, %slice3A_1295 : vector<56x128xf32>
    %max3A_1299 = arith.maximumf %slice3A_1294, %slice3A_1295 : vector<56x128xf32>
    %min3A_1300 = arith.minimumf %min3A_1296, %min3A_1298 : vector<56x128xf32>
    %max3A_1301 = arith.maximumf %max3A_1297, %max3A_1299 : vector<56x128xf32>
    %max3A_1302 = arith.maximumf %min3A_1296, %min3A_1298 : vector<56x128xf32>
    %min3A_1303 = arith.minimumf %max3A_1297, %max3A_1299 : vector<56x128xf32>
    %min3A_1304 = arith.minimumf %max3A_1302, %min3A_1303 : vector<56x128xf32>
    %max3A_1305 = arith.maximumf %max3A_1302, %min3A_1303 : vector<56x128xf32>
    %reduce_min3A_1306 = arith.constant dense<0x7F800000> : vector<56xf32>
    %reduce_min3A_1307 = vector.multi_reduction <minimumf>, %min3A_1300, %reduce_min3A_1306 [1] : vector<56x128xf32> to vector<56xf32>
    %broadcast_in_dim3A_1308 = vector.shape_cast %reduce_min3A_1307 : vector<56xf32> to vector<56x1xf32>
    %eq3A_1309 = vector.broadcast %broadcast_in_dim3A_1308 : vector<56x1xf32> to vector<56x128xf32>
    %eq3A_1310 = arith.cmpf oeq, %min3A_1300, %eq3A_1309 : vector<56x128xf32>
    %select_n3A_1311 = arith.select %eq3A_1310, %min3A_1304, %min3A_1300 : vector<56x128xi1>, vector<56x128xf32>
    %select_n3A_1312 = arith.select %eq3A_1310, %max3A_1305, %min3A_1304 : vector<56x128xi1>, vector<56x128xf32>
    %select_n3A_1313 = arith.select %eq3A_1310, %max3A_1301, %max3A_1305 : vector<56x128xi1>, vector<56x128xf32>
    %jit3A_1314 = arith.constant 0x7F800000 : f32
    %broadcast_in_dim3A_1315 = vector.broadcast %jit3A_1314 : f32 to vector<56x128xf32>
    %select_n3A_1316 = arith.select %eq3A_1310, %broadcast_in_dim3A_1315, %max3A_1301 : vector<56x128xi1>, vector<56x128xf32>
    %reduce_min3A_1317 = arith.constant dense<0x7F800000> : vector<56xf32>
    %reduce_min3A_1318 = vector.multi_reduction <minimumf>, %select_n3A_1311, %reduce_min3A_1317 [1] : vector<56x128xf32> to vector<56xf32>
    %broadcast_in_dim3A_1319 = vector.shape_cast %reduce_min3A_1318 : vector<56xf32> to vector<56x1xf32>
    %eq3A_1320 = vector.broadcast %broadcast_in_dim3A_1319 : vector<56x1xf32> to vector<56x128xf32>
    %eq3A_1321 = arith.cmpf oeq, %select_n3A_1311, %eq3A_1320 : vector<56x128xf32>
    %select_n3A_1322 = arith.select %eq3A_1321, %select_n3A_1312, %select_n3A_1311 : vector<56x128xi1>, vector<56x128xf32>
    %select_n3A_1323 = arith.select %eq3A_1321, %select_n3A_1313, %select_n3A_1312 : vector<56x128xi1>, vector<56x128xf32>
    %select_n3A_1324 = arith.select %eq3A_1321, %select_n3A_1316, %select_n3A_1313 : vector<56x128xi1>, vector<56x128xf32>
    %jit3A_1325 = arith.constant 0x7F800000 : f32
    %broadcast_in_dim3A_1326 = vector.broadcast %jit3A_1325 : f32 to vector<56x128xf32>
    %select_n3A_1327 = arith.select %eq3A_1321, %broadcast_in_dim3A_1326, %select_n3A_1316 : vector<56x128xi1>, vector<56x128xf32>
    %reduce_min3A_1328 = arith.constant dense<0x7F800000> : vector<56xf32>
    %reduce_min3A_1329 = vector.multi_reduction <minimumf>, %select_n3A_1322, %reduce_min3A_1328 [1] : vector<56x128xf32> to vector<56xf32>
    %broadcast_in_dim3A_1330 = vector.shape_cast %reduce_min3A_1329 : vector<56xf32> to vector<56x1xf32>
    %eq3A_1331 = vector.broadcast %broadcast_in_dim3A_1330 : vector<56x1xf32> to vector<56x128xf32>
    %eq3A_1332 = arith.cmpf oeq, %select_n3A_1322, %eq3A_1331 : vector<56x128xf32>
    %select_n3A_1333 = arith.select %eq3A_1332, %select_n3A_1323, %select_n3A_1322 : vector<56x128xi1>, vector<56x128xf32>
    %select_n3A_1334 = arith.select %eq3A_1332, %select_n3A_1324, %select_n3A_1323 : vector<56x128xi1>, vector<56x128xf32>
    %select_n3A_1335 = arith.select %eq3A_1332, %select_n3A_1327, %select_n3A_1324 : vector<56x128xi1>, vector<56x128xf32>
    %jit3A_1336 = arith.constant 0x7F800000 : f32
    %broadcast_in_dim3A_1337 = vector.broadcast %jit3A_1336 : f32 to vector<56x128xf32>
    %select_n3A_1338 = arith.select %eq3A_1332, %broadcast_in_dim3A_1337, %select_n3A_1327 : vector<56x128xi1>, vector<56x128xf32>
    %reduce_min3A_1339 = arith.constant dense<0x7F800000> : vector<56xf32>
    %reduce_min3A_1340 = vector.multi_reduction <minimumf>, %select_n3A_1333, %reduce_min3A_1339 [1] : vector<56x128xf32> to vector<56xf32>
    %broadcast_in_dim3A_1341 = vector.shape_cast %reduce_min3A_1340 : vector<56xf32> to vector<56x1xf32>
    %eq3A_1342 = vector.broadcast %broadcast_in_dim3A_1341 : vector<56x1xf32> to vector<56x128xf32>
    %eq3A_1343 = arith.cmpf oeq, %select_n3A_1333, %eq3A_1342 : vector<56x128xf32>
    %select_n3A_1344 = arith.select %eq3A_1343, %select_n3A_1334, %select_n3A_1333 : vector<56x128xi1>, vector<56x128xf32>
    %select_n3A_1345 = arith.select %eq3A_1343, %select_n3A_1335, %select_n3A_1334 : vector<56x128xi1>, vector<56x128xf32>
    %select_n3A_1346 = arith.select %eq3A_1343, %select_n3A_1338, %select_n3A_1335 : vector<56x128xi1>, vector<56x128xf32>
    %jit3A_1347 = arith.constant 0x7F800000 : f32
    %broadcast_in_dim3A_1348 = vector.broadcast %jit3A_1347 : f32 to vector<56x128xf32>
    %select_n3A_1349 = arith.select %eq3A_1343, %broadcast_in_dim3A_1348, %select_n3A_1338 : vector<56x128xi1>, vector<56x128xf32>
    %reduce_min3A_1350 = arith.constant dense<0x7F800000> : vector<56xf32>
    %reduce_min3A_1351 = vector.multi_reduction <minimumf>, %select_n3A_1344, %reduce_min3A_1350 [1] : vector<56x128xf32> to vector<56xf32>
    %broadcast_in_dim3A_1352 = vector.shape_cast %reduce_min3A_1351 : vector<56xf32> to vector<56x1xf32>
    %eq3A_1353 = vector.broadcast %broadcast_in_dim3A_1352 : vector<56x1xf32> to vector<56x128xf32>
    %eq3A_1354 = arith.cmpf oeq, %select_n3A_1344, %eq3A_1353 : vector<56x128xf32>
    %select_n3A_1355 = arith.select %eq3A_1354, %select_n3A_1345, %select_n3A_1344 : vector<56x128xi1>, vector<56x128xf32>
    %select_n3A_1356 = arith.select %eq3A_1354, %select_n3A_1346, %select_n3A_1345 : vector<56x128xi1>, vector<56x128xf32>
    %select_n3A_1357 = arith.select %eq3A_1354, %select_n3A_1349, %select_n3A_1346 : vector<56x128xi1>, vector<56x128xf32>
    %reduce_min3A_1358 = arith.constant dense<0x7F800000> : vector<56xf32>
    %reduce_min3A_1359 = vector.multi_reduction <minimumf>, %select_n3A_1355, %reduce_min3A_1358 [1] : vector<56x128xf32> to vector<56xf32>
    %broadcast_in_dim3A_1360 = vector.shape_cast %reduce_min3A_1359 : vector<56xf32> to vector<56x1xf32>
    %eq3A_1361 = vector.broadcast %broadcast_in_dim3A_1360 : vector<56x1xf32> to vector<56x128xf32>
    %eq3A_1362 = arith.cmpf oeq, %select_n3A_1355, %eq3A_1361 : vector<56x128xf32>
    %select_n3A_1363 = arith.select %eq3A_1362, %select_n3A_1356, %select_n3A_1355 : vector<56x128xi1>, vector<56x128xf32>
    %select_n3A_1364 = arith.select %eq3A_1362, %select_n3A_1357, %select_n3A_1356 : vector<56x128xi1>, vector<56x128xf32>
    %reduce_min3A_1365 = arith.constant dense<0x7F800000> : vector<56xf32>
    %reduce_min3A_1366 = vector.multi_reduction <minimumf>, %select_n3A_1363, %reduce_min3A_1365 [1] : vector<56x128xf32> to vector<56xf32>
    %broadcast_in_dim3A_1367 = vector.shape_cast %reduce_min3A_1366 : vector<56xf32> to vector<56x1xf32>
    %eq3A_1368 = vector.broadcast %broadcast_in_dim3A_1367 : vector<56x1xf32> to vector<56x128xf32>
    %eq3A_1369 = arith.cmpf oeq, %select_n3A_1363, %eq3A_1368 : vector<56x128xf32>
    %select_n3A_1370 = arith.select %eq3A_1369, %select_n3A_1364, %select_n3A_1363 : vector<56x128xi1>, vector<56x128xf32>
    %reduce_min3A_1371 = arith.constant dense<0x7F800000> : vector<56xf32>
    %reduce_min3A_1372 = vector.multi_reduction <minimumf>, %select_n3A_1370, %reduce_min3A_1371 [1] : vector<56x128xf32> to vector<56xf32>
    %broadcast_in_dim3A_1373 = vector.shape_cast %reduce_min3A_1372 : vector<56xf32> to vector<56x1xf32>
    %le3A_1374 = vector.broadcast %broadcast_in_dim3A_1373 : vector<56x1xf32> to vector<56x512xf32>
    %le3A_1375 = arith.cmpf ole, %sub3A_1291, %le3A_1374 : vector<56x512xf32>
    %slice3A_1376 = vector.extract_strided_slice %dot_general3A_1285 {offsets = [0, 0], sizes = [56, 512], strides = [1, 1]} : vector<56x1024xf32> to vector<56x512xf32>
    %add3A_1377 = vector.broadcast %get3A_16 : vector<1x512xf32> to vector<56x512xf32>
    %add3A_1378 = arith.addf %slice3A_1376, %add3A_1377 : vector<56x512xf32>
    %exp3A_1379 = math.exp %add3A_1378 : vector<56x512xf32>
    %reduce_sum3A_1380 = arith.constant dense<0.000000e+00> : vector<56xf32>
    %reduce_sum3A_1381 = vector.multi_reduction <add>, %exp3A_1379, %reduce_sum3A_1380 [1] : vector<56x512xf32> to vector<56xf32>
    %broadcast_in_dim3A_1382 = vector.shape_cast %reduce_sum3A_1381 : vector<56xf32> to vector<56x1xf32>
    %div3A_1383 = arith.constant 1.000000e+00 : f32
    %div3A_1384 = vector.broadcast %div3A_1383 : f32 to vector<56x1xf32>
    %div3A_1385 = arith.divf %div3A_1384, %broadcast_in_dim3A_1382 : vector<56x1xf32>
    %mul3A_1386 = vector.broadcast %div3A_1385 : vector<56x1xf32> to vector<56x512xf32>
    %mul3A_1387 = arith.mulf %exp3A_1379, %mul3A_1386 : vector<56x512xf32>
    %jit3A_1388 = arith.constant 0.000000e+00 : f32
    %broadcast_in_dim3A_1389 = vector.broadcast %jit3A_1388 : f32 to vector<56x512xf32>
    %select_n3A_1390 = arith.select %le3A_1375, %mul3A_1387, %broadcast_in_dim3A_1389 : vector<56x512xi1>, vector<56x512xf32>
    %swap3A_1391 = arith.constant 504 : index
    %swap3A_1392 = arith.constant 0 : index
    %swap3A_1393 = vector.load %arg7[%swap3A_1391, %swap3A_1392] : memref<1568x512xf32, #tpu.memory_space<vmem>>, vector<56x512xf32>
    tpu.vector_store %arg7[%swap3A_1391, %swap3A_1392], %select_n3A_1390 {strides = array<i32>} : memref<1568x512xf32, #tpu.memory_space<vmem>>, vector<56x512xf32>,
    %dot_general3A_1394 = arith.constant dense<0.000000e+00> : vector<56x32xf32>
    %dot_general3A_1395 = tpu.matmul %select_n3A_1390, %get3A_10, %dot_general3A_1394 {dimension_numbers = #tpu.dot_dimension_numbers<[1], [0], [0], [1], [0, 0, 1, 1], [], []>, transpose_lhs_hint = false} : vector<56x512xf32>, vector<512x32xf32>, vector<56x32xf32> -> vector<56x32xf32>
    %slice3A_1396 = vector.extract_strided_slice %get3A_7 {offsets = [504, 0], sizes = [56, 32], strides = [1, 1]} : vector<1568x32xf32> to vector<56x32xf32>
    %sub3A_1397 = arith.subf %dot_general3A_1395, %slice3A_1396 : vector<56x32xf32>
    %add3A_1398 = arith.addf %slice3A_1396, %sub3A_1397 : vector<56x32xf32>
    %swap3A_1399 = arith.constant 504 : index
    %swap3A_1400 = arith.constant 0 : index
    %swap3A_1401 = vector.load %arg8[%swap3A_1399, %swap3A_1400] : memref<1568x32xf32, #tpu.memory_space<vmem>>, vector<56x32xf32>
    tpu.vector_store %arg8[%swap3A_1399, %swap3A_1400], %add3A_1398 {strides = array<i32>} : memref<1568x32xf32, #tpu.memory_space<vmem>>, vector<56x32xf32>,
    %sub3A_1402 = arith.subf %slice3A_1396, %dot_general3A_1395 : vector<56x32xf32>
    %mul3A_1403 = arith.mulf %sub3A_1402, %sub3A_1402 : vector<56x32xf32>
    %reduce_sum3A_1404 = vector.shape_cast %mul3A_1403 : vector<56x32xf32> to vector<1x56x32xf32>
    %reduce_sum3A_1405 = arith.constant dense<0.000000e+00> : vector<1xf32>
    %reduce_sum3A_1406 = vector.multi_reduction <add>, %reduce_sum3A_1404, %reduce_sum3A_1405 [1, 2] : vector<1x56x32xf32> to vector<1xf32>
    %reduce_sum3A_1407 = vector.shape_cast %reduce_sum3A_1406 : vector<1xf32> to vector<1x1x1xf32>
    %reduce_sum3A_1408 = vector.extract %reduce_sum3A_1407[0, 0, 0] : f32 from vector<1x1x1xf32>
    %broadcast_in_dim3A_1409 = vector.broadcast %reduce_sum3A_1408 : f32 to vector<1x1xf32>
    %add3A_1410 = arith.addf %add3A_1269, %broadcast_in_dim3A_1409 : vector<1x1xf32>
    %reduce_sum3A_1411 = vector.shape_cast %select_n3A_1390 : vector<56x512xf32> to vector<1x56x512xf32>
    %reduce_sum3A_1412 = arith.constant dense<0.000000e+00> : vector<1xf32>
    %reduce_sum3A_1413 = vector.multi_reduction <add>, %reduce_sum3A_1411, %reduce_sum3A_1412 [1, 2] : vector<1x56x512xf32> to vector<1xf32>
    %reduce_sum3A_1414 = vector.shape_cast %reduce_sum3A_1413 : vector<1xf32> to vector<1x1x1xf32>
    %reduce_sum3A_1415 = vector.extract %reduce_sum3A_1414[0, 0, 0] : f32 from vector<1x1x1xf32>
    %broadcast_in_dim3A_1416 = vector.broadcast %reduce_sum3A_1415 : f32 to vector<1x1xf32>
    %add3A_1417 = arith.addf %add3A_1276, %broadcast_in_dim3A_1416 : vector<1x1xf32>
    %convert_element_type3A_1418 = arith.extui %le3A_1375 : vector<56x512xi1> to vector<56x512xi32>
    %convert_element_type3A_1419 = arith.sitofp %convert_element_type3A_1418 : vector<56x512xi32> to vector<56x512xf32>
    %reduce_sum3A_1420 = arith.constant dense<0.000000e+00> : vector<512xf32>
    %reduce_sum3A_1421 = vector.multi_reduction <add>, %convert_element_type3A_1419, %reduce_sum3A_1420 [0] : vector<56x512xf32> to vector<512xf32>
    %broadcast_in_dim3A_1422 = vector.shape_cast %reduce_sum3A_1421 : vector<512xf32> to vector<1x512xf32>
    %add3A_1423 = arith.addf %add3A_1282, %broadcast_in_dim3A_1422 : vector<1x512xf32>
    %slice3A_1424 = vector.extract_strided_slice %get3A_20 {offsets = [560, 0], sizes = [56, 32], strides = [1, 1]} : vector<1568x32xf32> to vector<56x32xf32>
    %dot_general3A_1425 = arith.constant dense<0.000000e+00> : vector<56x1024xf32>
    %dot_general3A_1426 = tpu.matmul %slice3A_1424, %get3A_13, %dot_general3A_1425 {dimension_numbers = #tpu.dot_dimension_numbers<[1], [0], [0], [1], [0, 0, 1, 1], [], []>, transpose_lhs_hint = false} : vector<56x32xf32>, vector<32x1024xf32>, vector<56x1024xf32> -> vector<56x1024xf32>
    %slice3A_1427 = vector.extract_strided_slice %dot_general3A_1426 {offsets = [0, 512], sizes = [56, 512], strides = [1, 1]} : vector<56x1024xf32> to vector<56x512xf32>
    %mul3A_1428 = arith.constant 2.000000e+00 : f32
    %mul3A_1429 = vector.broadcast %mul3A_1428 : f32 to vector<56x512xf32>
    %mul3A_1430 = arith.mulf %mul3A_1429, %slice3A_1427 : vector<56x512xf32>
    %sub3A_1431 = vector.broadcast %broadcast_in_dim3A : vector<1x512xf32> to vector<56x512xf32>
    %sub3A_1432 = arith.subf %sub3A_1431, %mul3A_1430 : vector<56x512xf32>
    %slice3A_1433 = vector.extract_strided_slice %sub3A_1432 {offsets = [0, 0], sizes = [56, 128], strides = [1, 1]} : vector<56x512xf32> to vector<56x128xf32>
    %slice3A_1434 = vector.extract_strided_slice %sub3A_1432 {offsets = [0, 128], sizes = [56, 128], strides = [1, 1]} : vector<56x512xf32> to vector<56x128xf32>
    %slice3A_1435 = vector.extract_strided_slice %sub3A_1432 {offsets = [0, 256], sizes = [56, 128], strides = [1, 1]} : vector<56x512xf32> to vector<56x128xf32>
    %slice3A_1436 = vector.extract_strided_slice %sub3A_1432 {offsets = [0, 384], sizes = [56, 128], strides = [1, 1]} : vector<56x512xf32> to vector<56x128xf32>
    %min3A_1437 = arith.minimumf %slice3A_1433, %slice3A_1434 : vector<56x128xf32>
    %max3A_1438 = arith.maximumf %slice3A_1433, %slice3A_1434 : vector<56x128xf32>
    %min3A_1439 = arith.minimumf %slice3A_1435, %slice3A_1436 : vector<56x128xf32>
    %max3A_1440 = arith.maximumf %slice3A_1435, %slice3A_1436 : vector<56x128xf32>
    %min3A_1441 = arith.minimumf %min3A_1437, %min3A_1439 : vector<56x128xf32>
    %max3A_1442 = arith.maximumf %max3A_1438, %max3A_1440 : vector<56x128xf32>
    %max3A_1443 = arith.maximumf %min3A_1437, %min3A_1439 : vector<56x128xf32>
    %min3A_1444 = arith.minimumf %max3A_1438, %max3A_1440 : vector<56x128xf32>
    %min3A_1445 = arith.minimumf %max3A_1443, %min3A_1444 : vector<56x128xf32>
    %max3A_1446 = arith.maximumf %max3A_1443, %min3A_1444 : vector<56x128xf32>
    %reduce_min3A_1447 = arith.constant dense<0x7F800000> : vector<56xf32>
    %reduce_min3A_1448 = vector.multi_reduction <minimumf>, %min3A_1441, %reduce_min3A_1447 [1] : vector<56x128xf32> to vector<56xf32>
    %broadcast_in_dim3A_1449 = vector.shape_cast %reduce_min3A_1448 : vector<56xf32> to vector<56x1xf32>
    %eq3A_1450 = vector.broadcast %broadcast_in_dim3A_1449 : vector<56x1xf32> to vector<56x128xf32>
    %eq3A_1451 = arith.cmpf oeq, %min3A_1441, %eq3A_1450 : vector<56x128xf32>
    %select_n3A_1452 = arith.select %eq3A_1451, %min3A_1445, %min3A_1441 : vector<56x128xi1>, vector<56x128xf32>
    %select_n3A_1453 = arith.select %eq3A_1451, %max3A_1446, %min3A_1445 : vector<56x128xi1>, vector<56x128xf32>
    %select_n3A_1454 = arith.select %eq3A_1451, %max3A_1442, %max3A_1446 : vector<56x128xi1>, vector<56x128xf32>
    %jit3A_1455 = arith.constant 0x7F800000 : f32
    %broadcast_in_dim3A_1456 = vector.broadcast %jit3A_1455 : f32 to vector<56x128xf32>
    %select_n3A_1457 = arith.select %eq3A_1451, %broadcast_in_dim3A_1456, %max3A_1442 : vector<56x128xi1>, vector<56x128xf32>
    %reduce_min3A_1458 = arith.constant dense<0x7F800000> : vector<56xf32>
    %reduce_min3A_1459 = vector.multi_reduction <minimumf>, %select_n3A_1452, %reduce_min3A_1458 [1] : vector<56x128xf32> to vector<56xf32>
    %broadcast_in_dim3A_1460 = vector.shape_cast %reduce_min3A_1459 : vector<56xf32> to vector<56x1xf32>
    %eq3A_1461 = vector.broadcast %broadcast_in_dim3A_1460 : vector<56x1xf32> to vector<56x128xf32>
    %eq3A_1462 = arith.cmpf oeq, %select_n3A_1452, %eq3A_1461 : vector<56x128xf32>
    %select_n3A_1463 = arith.select %eq3A_1462, %select_n3A_1453, %select_n3A_1452 : vector<56x128xi1>, vector<56x128xf32>
    %select_n3A_1464 = arith.select %eq3A_1462, %select_n3A_1454, %select_n3A_1453 : vector<56x128xi1>, vector<56x128xf32>
    %select_n3A_1465 = arith.select %eq3A_1462, %select_n3A_1457, %select_n3A_1454 : vector<56x128xi1>, vector<56x128xf32>
    %jit3A_1466 = arith.constant 0x7F800000 : f32
    %broadcast_in_dim3A_1467 = vector.broadcast %jit3A_1466 : f32 to vector<56x128xf32>
    %select_n3A_1468 = arith.select %eq3A_1462, %broadcast_in_dim3A_1467, %select_n3A_1457 : vector<56x128xi1>, vector<56x128xf32>
    %reduce_min3A_1469 = arith.constant dense<0x7F800000> : vector<56xf32>
    %reduce_min3A_1470 = vector.multi_reduction <minimumf>, %select_n3A_1463, %reduce_min3A_1469 [1] : vector<56x128xf32> to vector<56xf32>
    %broadcast_in_dim3A_1471 = vector.shape_cast %reduce_min3A_1470 : vector<56xf32> to vector<56x1xf32>
    %eq3A_1472 = vector.broadcast %broadcast_in_dim3A_1471 : vector<56x1xf32> to vector<56x128xf32>
    %eq3A_1473 = arith.cmpf oeq, %select_n3A_1463, %eq3A_1472 : vector<56x128xf32>
    %select_n3A_1474 = arith.select %eq3A_1473, %select_n3A_1464, %select_n3A_1463 : vector<56x128xi1>, vector<56x128xf32>
    %select_n3A_1475 = arith.select %eq3A_1473, %select_n3A_1465, %select_n3A_1464 : vector<56x128xi1>, vector<56x128xf32>
    %select_n3A_1476 = arith.select %eq3A_1473, %select_n3A_1468, %select_n3A_1465 : vector<56x128xi1>, vector<56x128xf32>
    %jit3A_1477 = arith.constant 0x7F800000 : f32
    %broadcast_in_dim3A_1478 = vector.broadcast %jit3A_1477 : f32 to vector<56x128xf32>
    %select_n3A_1479 = arith.select %eq3A_1473, %broadcast_in_dim3A_1478, %select_n3A_1468 : vector<56x128xi1>, vector<56x128xf32>
    %reduce_min3A_1480 = arith.constant dense<0x7F800000> : vector<56xf32>
    %reduce_min3A_1481 = vector.multi_reduction <minimumf>, %select_n3A_1474, %reduce_min3A_1480 [1] : vector<56x128xf32> to vector<56xf32>
    %broadcast_in_dim3A_1482 = vector.shape_cast %reduce_min3A_1481 : vector<56xf32> to vector<56x1xf32>
    %eq3A_1483 = vector.broadcast %broadcast_in_dim3A_1482 : vector<56x1xf32> to vector<56x128xf32>
    %eq3A_1484 = arith.cmpf oeq, %select_n3A_1474, %eq3A_1483 : vector<56x128xf32>
    %select_n3A_1485 = arith.select %eq3A_1484, %select_n3A_1475, %select_n3A_1474 : vector<56x128xi1>, vector<56x128xf32>
    %select_n3A_1486 = arith.select %eq3A_1484, %select_n3A_1476, %select_n3A_1475 : vector<56x128xi1>, vector<56x128xf32>
    %select_n3A_1487 = arith.select %eq3A_1484, %select_n3A_1479, %select_n3A_1476 : vector<56x128xi1>, vector<56x128xf32>
    %jit3A_1488 = arith.constant 0x7F800000 : f32
    %broadcast_in_dim3A_1489 = vector.broadcast %jit3A_1488 : f32 to vector<56x128xf32>
    %select_n3A_1490 = arith.select %eq3A_1484, %broadcast_in_dim3A_1489, %select_n3A_1479 : vector<56x128xi1>, vector<56x128xf32>
    %reduce_min3A_1491 = arith.constant dense<0x7F800000> : vector<56xf32>
    %reduce_min3A_1492 = vector.multi_reduction <minimumf>, %select_n3A_1485, %reduce_min3A_1491 [1] : vector<56x128xf32> to vector<56xf32>
    %broadcast_in_dim3A_1493 = vector.shape_cast %reduce_min3A_1492 : vector<56xf32> to vector<56x1xf32>
    %eq3A_1494 = vector.broadcast %broadcast_in_dim3A_1493 : vector<56x1xf32> to vector<56x128xf32>
    %eq3A_1495 = arith.cmpf oeq, %select_n3A_1485, %eq3A_1494 : vector<56x128xf32>
    %select_n3A_1496 = arith.select %eq3A_1495, %select_n3A_1486, %select_n3A_1485 : vector<56x128xi1>, vector<56x128xf32>
    %select_n3A_1497 = arith.select %eq3A_1495, %select_n3A_1487, %select_n3A_1486 : vector<56x128xi1>, vector<56x128xf32>
    %select_n3A_1498 = arith.select %eq3A_1495, %select_n3A_1490, %select_n3A_1487 : vector<56x128xi1>, vector<56x128xf32>
    %reduce_min3A_1499 = arith.constant dense<0x7F800000> : vector<56xf32>
    %reduce_min3A_1500 = vector.multi_reduction <minimumf>, %select_n3A_1496, %reduce_min3A_1499 [1] : vector<56x128xf32> to vector<56xf32>
    %broadcast_in_dim3A_1501 = vector.shape_cast %reduce_min3A_1500 : vector<56xf32> to vector<56x1xf32>
    %eq3A_1502 = vector.broadcast %broadcast_in_dim3A_1501 : vector<56x1xf32> to vector<56x128xf32>
    %eq3A_1503 = arith.cmpf oeq, %select_n3A_1496, %eq3A_1502 : vector<56x128xf32>
    %select_n3A_1504 = arith.select %eq3A_1503, %select_n3A_1497, %select_n3A_1496 : vector<56x128xi1>, vector<56x128xf32>
    %select_n3A_1505 = arith.select %eq3A_1503, %select_n3A_1498, %select_n3A_1497 : vector<56x128xi1>, vector<56x128xf32>
    %reduce_min3A_1506 = arith.constant dense<0x7F800000> : vector<56xf32>
    %reduce_min3A_1507 = vector.multi_reduction <minimumf>, %select_n3A_1504, %reduce_min3A_1506 [1] : vector<56x128xf32> to vector<56xf32>
    %broadcast_in_dim3A_1508 = vector.shape_cast %reduce_min3A_1507 : vector<56xf32> to vector<56x1xf32>
    %eq3A_1509 = vector.broadcast %broadcast_in_dim3A_1508 : vector<56x1xf32> to vector<56x128xf32>
    %eq3A_1510 = arith.cmpf oeq, %select_n3A_1504, %eq3A_1509 : vector<56x128xf32>
    %select_n3A_1511 = arith.select %eq3A_1510, %select_n3A_1505, %select_n3A_1504 : vector<56x128xi1>, vector<56x128xf32>
    %reduce_min3A_1512 = arith.constant dense<0x7F800000> : vector<56xf32>
    %reduce_min3A_1513 = vector.multi_reduction <minimumf>, %select_n3A_1511, %reduce_min3A_1512 [1] : vector<56x128xf32> to vector<56xf32>
    %broadcast_in_dim3A_1514 = vector.shape_cast %reduce_min3A_1513 : vector<56xf32> to vector<56x1xf32>
    %le3A_1515 = vector.broadcast %broadcast_in_dim3A_1514 : vector<56x1xf32> to vector<56x512xf32>
    %le3A_1516 = arith.cmpf ole, %sub3A_1432, %le3A_1515 : vector<56x512xf32>
    %slice3A_1517 = vector.extract_strided_slice %dot_general3A_1426 {offsets = [0, 0], sizes = [56, 512], strides = [1, 1]} : vector<56x1024xf32> to vector<56x512xf32>
    %add3A_1518 = vector.broadcast %get3A_16 : vector<1x512xf32> to vector<56x512xf32>
    %add3A_1519 = arith.addf %slice3A_1517, %add3A_1518 : vector<56x512xf32>
    %exp3A_1520 = math.exp %add3A_1519 : vector<56x512xf32>
    %reduce_sum3A_1521 = arith.constant dense<0.000000e+00> : vector<56xf32>
    %reduce_sum3A_1522 = vector.multi_reduction <add>, %exp3A_1520, %reduce_sum3A_1521 [1] : vector<56x512xf32> to vector<56xf32>
    %broadcast_in_dim3A_1523 = vector.shape_cast %reduce_sum3A_1522 : vector<56xf32> to vector<56x1xf32>
    %div3A_1524 = arith.constant 1.000000e+00 : f32
    %div3A_1525 = vector.broadcast %div3A_1524 : f32 to vector<56x1xf32>
    %div3A_1526 = arith.divf %div3A_1525, %broadcast_in_dim3A_1523 : vector<56x1xf32>
    %mul3A_1527 = vector.broadcast %div3A_1526 : vector<56x1xf32> to vector<56x512xf32>
    %mul3A_1528 = arith.mulf %exp3A_1520, %mul3A_1527 : vector<56x512xf32>
    %jit3A_1529 = arith.constant 0.000000e+00 : f32
    %broadcast_in_dim3A_1530 = vector.broadcast %jit3A_1529 : f32 to vector<56x512xf32>
    %select_n3A_1531 = arith.select %le3A_1516, %mul3A_1528, %broadcast_in_dim3A_1530 : vector<56x512xi1>, vector<56x512xf32>
    %swap3A_1532 = arith.constant 560 : index
    %swap3A_1533 = arith.constant 0 : index
    %swap3A_1534 = vector.load %arg7[%swap3A_1532, %swap3A_1533] : memref<1568x512xf32, #tpu.memory_space<vmem>>, vector<56x512xf32>
    tpu.vector_store %arg7[%swap3A_1532, %swap3A_1533], %select_n3A_1531 {strides = array<i32>} : memref<1568x512xf32, #tpu.memory_space<vmem>>, vector<56x512xf32>,
    %dot_general3A_1535 = arith.constant dense<0.000000e+00> : vector<56x32xf32>
    %dot_general3A_1536 = tpu.matmul %select_n3A_1531, %get3A_10, %dot_general3A_1535 {dimension_numbers = #tpu.dot_dimension_numbers<[1], [0], [0], [1], [0, 0, 1, 1], [], []>, transpose_lhs_hint = false} : vector<56x512xf32>, vector<512x32xf32>, vector<56x32xf32> -> vector<56x32xf32>
    %slice3A_1537 = vector.extract_strided_slice %get3A_7 {offsets = [560, 0], sizes = [56, 32], strides = [1, 1]} : vector<1568x32xf32> to vector<56x32xf32>
    %sub3A_1538 = arith.subf %dot_general3A_1536, %slice3A_1537 : vector<56x32xf32>
    %add3A_1539 = arith.addf %slice3A_1537, %sub3A_1538 : vector<56x32xf32>
    %swap3A_1540 = arith.constant 560 : index
    %swap3A_1541 = arith.constant 0 : index
    %swap3A_1542 = vector.load %arg8[%swap3A_1540, %swap3A_1541] : memref<1568x32xf32, #tpu.memory_space<vmem>>, vector<56x32xf32>
    tpu.vector_store %arg8[%swap3A_1540, %swap3A_1541], %add3A_1539 {strides = array<i32>} : memref<1568x32xf32, #tpu.memory_space<vmem>>, vector<56x32xf32>,
    %sub3A_1543 = arith.subf %slice3A_1537, %dot_general3A_1536 : vector<56x32xf32>
    %mul3A_1544 = arith.mulf %sub3A_1543, %sub3A_1543 : vector<56x32xf32>
    %reduce_sum3A_1545 = vector.shape_cast %mul3A_1544 : vector<56x32xf32> to vector<1x56x32xf32>
    %reduce_sum3A_1546 = arith.constant dense<0.000000e+00> : vector<1xf32>
    %reduce_sum3A_1547 = vector.multi_reduction <add>, %reduce_sum3A_1545, %reduce_sum3A_1546 [1, 2] : vector<1x56x32xf32> to vector<1xf32>
    %reduce_sum3A_1548 = vector.shape_cast %reduce_sum3A_1547 : vector<1xf32> to vector<1x1x1xf32>
    %reduce_sum3A_1549 = vector.extract %reduce_sum3A_1548[0, 0, 0] : f32 from vector<1x1x1xf32>
    %broadcast_in_dim3A_1550 = vector.broadcast %reduce_sum3A_1549 : f32 to vector<1x1xf32>
    %add3A_1551 = arith.addf %add3A_1410, %broadcast_in_dim3A_1550 : vector<1x1xf32>
    %reduce_sum3A_1552 = vector.shape_cast %select_n3A_1531 : vector<56x512xf32> to vector<1x56x512xf32>
    %reduce_sum3A_1553 = arith.constant dense<0.000000e+00> : vector<1xf32>
    %reduce_sum3A_1554 = vector.multi_reduction <add>, %reduce_sum3A_1552, %reduce_sum3A_1553 [1, 2] : vector<1x56x512xf32> to vector<1xf32>
    %reduce_sum3A_1555 = vector.shape_cast %reduce_sum3A_1554 : vector<1xf32> to vector<1x1x1xf32>
    %reduce_sum3A_1556 = vector.extract %reduce_sum3A_1555[0, 0, 0] : f32 from vector<1x1x1xf32>
    %broadcast_in_dim3A_1557 = vector.broadcast %reduce_sum3A_1556 : f32 to vector<1x1xf32>
    %add3A_1558 = arith.addf %add3A_1417, %broadcast_in_dim3A_1557 : vector<1x1xf32>
    %convert_element_type3A_1559 = arith.extui %le3A_1516 : vector<56x512xi1> to vector<56x512xi32>
    %convert_element_type3A_1560 = arith.sitofp %convert_element_type3A_1559 : vector<56x512xi32> to vector<56x512xf32>
    %reduce_sum3A_1561 = arith.constant dense<0.000000e+00> : vector<512xf32>
    %reduce_sum3A_1562 = vector.multi_reduction <add>, %convert_element_type3A_1560, %reduce_sum3A_1561 [0] : vector<56x512xf32> to vector<512xf32>
    %broadcast_in_dim3A_1563 = vector.shape_cast %reduce_sum3A_1562 : vector<512xf32> to vector<1x512xf32>
    %add3A_1564 = arith.addf %add3A_1423, %broadcast_in_dim3A_1563 : vector<1x512xf32>
    %slice3A_1565 = vector.extract_strided_slice %get3A_20 {offsets = [616, 0], sizes = [56, 32], strides = [1, 1]} : vector<1568x32xf32> to vector<56x32xf32>
    %dot_general3A_1566 = arith.constant dense<0.000000e+00> : vector<56x1024xf32>
    %dot_general3A_1567 = tpu.matmul %slice3A_1565, %get3A_13, %dot_general3A_1566 {dimension_numbers = #tpu.dot_dimension_numbers<[1], [0], [0], [1], [0, 0, 1, 1], [], []>, transpose_lhs_hint = false} : vector<56x32xf32>, vector<32x1024xf32>, vector<56x1024xf32> -> vector<56x1024xf32>
    %slice3A_1568 = vector.extract_strided_slice %dot_general3A_1567 {offsets = [0, 512], sizes = [56, 512], strides = [1, 1]} : vector<56x1024xf32> to vector<56x512xf32>
    %mul3A_1569 = arith.constant 2.000000e+00 : f32
    %mul3A_1570 = vector.broadcast %mul3A_1569 : f32 to vector<56x512xf32>
    %mul3A_1571 = arith.mulf %mul3A_1570, %slice3A_1568 : vector<56x512xf32>
    %sub3A_1572 = vector.broadcast %broadcast_in_dim3A : vector<1x512xf32> to vector<56x512xf32>
    %sub3A_1573 = arith.subf %sub3A_1572, %mul3A_1571 : vector<56x512xf32>
    %slice3A_1574 = vector.extract_strided_slice %sub3A_1573 {offsets = [0, 0], sizes = [56, 128], strides = [1, 1]} : vector<56x512xf32> to vector<56x128xf32>
    %slice3A_1575 = vector.extract_strided_slice %sub3A_1573 {offsets = [0, 128], sizes = [56, 128], strides = [1, 1]} : vector<56x512xf32> to vector<56x128xf32>
    %slice3A_1576 = vector.extract_strided_slice %sub3A_1573 {offsets = [0, 256], sizes = [56, 128], strides = [1, 1]} : vector<56x512xf32> to vector<56x128xf32>
    %slice3A_1577 = vector.extract_strided_slice %sub3A_1573 {offsets = [0, 384], sizes = [56, 128], strides = [1, 1]} : vector<56x512xf32> to vector<56x128xf32>
    %min3A_1578 = arith.minimumf %slice3A_1574, %slice3A_1575 : vector<56x128xf32>
    %max3A_1579 = arith.maximumf %slice3A_1574, %slice3A_1575 : vector<56x128xf32>
    %min3A_1580 = arith.minimumf %slice3A_1576, %slice3A_1577 : vector<56x128xf32>
    %max3A_1581 = arith.maximumf %slice3A_1576, %slice3A_1577 : vector<56x128xf32>
    %min3A_1582 = arith.minimumf %min3A_1578, %min3A_1580 : vector<56x128xf32>
    %max3A_1583 = arith.maximumf %max3A_1579, %max3A_1581 : vector<56x128xf32>
    %max3A_1584 = arith.maximumf %min3A_1578, %min3A_1580 : vector<56x128xf32>
    %min3A_1585 = arith.minimumf %max3A_1579, %max3A_1581 : vector<56x128xf32>
    %min3A_1586 = arith.minimumf %max3A_1584, %min3A_1585 : vector<56x128xf32>
    %max3A_1587 = arith.maximumf %max3A_1584, %min3A_1585 : vector<56x128xf32>
    %reduce_min3A_1588 = arith.constant dense<0x7F800000> : vector<56xf32>
    %reduce_min3A_1589 = vector.multi_reduction <minimumf>, %min3A_1582, %reduce_min3A_1588 [1] : vector<56x128xf32> to vector<56xf32>
    %broadcast_in_dim3A_1590 = vector.shape_cast %reduce_min3A_1589 : vector<56xf32> to vector<56x1xf32>
    %eq3A_1591 = vector.broadcast %broadcast_in_dim3A_1590 : vector<56x1xf32> to vector<56x128xf32>
    %eq3A_1592 = arith.cmpf oeq, %min3A_1582, %eq3A_1591 : vector<56x128xf32>
    %select_n3A_1593 = arith.select %eq3A_1592, %min3A_1586, %min3A_1582 : vector<56x128xi1>, vector<56x128xf32>
    %select_n3A_1594 = arith.select %eq3A_1592, %max3A_1587, %min3A_1586 : vector<56x128xi1>, vector<56x128xf32>
    %select_n3A_1595 = arith.select %eq3A_1592, %max3A_1583, %max3A_1587 : vector<56x128xi1>, vector<56x128xf32>
    %jit3A_1596 = arith.constant 0x7F800000 : f32
    %broadcast_in_dim3A_1597 = vector.broadcast %jit3A_1596 : f32 to vector<56x128xf32>
    %select_n3A_1598 = arith.select %eq3A_1592, %broadcast_in_dim3A_1597, %max3A_1583 : vector<56x128xi1>, vector<56x128xf32>
    %reduce_min3A_1599 = arith.constant dense<0x7F800000> : vector<56xf32>
    %reduce_min3A_1600 = vector.multi_reduction <minimumf>, %select_n3A_1593, %reduce_min3A_1599 [1] : vector<56x128xf32> to vector<56xf32>
    %broadcast_in_dim3A_1601 = vector.shape_cast %reduce_min3A_1600 : vector<56xf32> to vector<56x1xf32>
    %eq3A_1602 = vector.broadcast %broadcast_in_dim3A_1601 : vector<56x1xf32> to vector<56x128xf32>
    %eq3A_1603 = arith.cmpf oeq, %select_n3A_1593, %eq3A_1602 : vector<56x128xf32>
    %select_n3A_1604 = arith.select %eq3A_1603, %select_n3A_1594, %select_n3A_1593 : vector<56x128xi1>, vector<56x128xf32>
    %select_n3A_1605 = arith.select %eq3A_1603, %select_n3A_1595, %select_n3A_1594 : vector<56x128xi1>, vector<56x128xf32>
    %select_n3A_1606 = arith.select %eq3A_1603, %select_n3A_1598, %select_n3A_1595 : vector<56x128xi1>, vector<56x128xf32>
    %jit3A_1607 = arith.constant 0x7F800000 : f32
    %broadcast_in_dim3A_1608 = vector.broadcast %jit3A_1607 : f32 to vector<56x128xf32>
    %select_n3A_1609 = arith.select %eq3A_1603, %broadcast_in_dim3A_1608, %select_n3A_1598 : vector<56x128xi1>, vector<56x128xf32>
    %reduce_min3A_1610 = arith.constant dense<0x7F800000> : vector<56xf32>
    %reduce_min3A_1611 = vector.multi_reduction <minimumf>, %select_n3A_1604, %reduce_min3A_1610 [1] : vector<56x128xf32> to vector<56xf32>
    %broadcast_in_dim3A_1612 = vector.shape_cast %reduce_min3A_1611 : vector<56xf32> to vector<56x1xf32>
    %eq3A_1613 = vector.broadcast %broadcast_in_dim3A_1612 : vector<56x1xf32> to vector<56x128xf32>
    %eq3A_1614 = arith.cmpf oeq, %select_n3A_1604, %eq3A_1613 : vector<56x128xf32>
    %select_n3A_1615 = arith.select %eq3A_1614, %select_n3A_1605, %select_n3A_1604 : vector<56x128xi1>, vector<56x128xf32>
    %select_n3A_1616 = arith.select %eq3A_1614, %select_n3A_1606, %select_n3A_1605 : vector<56x128xi1>, vector<56x128xf32>
    %select_n3A_1617 = arith.select %eq3A_1614, %select_n3A_1609, %select_n3A_1606 : vector<56x128xi1>, vector<56x128xf32>
    %jit3A_1618 = arith.constant 0x7F800000 : f32
    %broadcast_in_dim3A_1619 = vector.broadcast %jit3A_1618 : f32 to vector<56x128xf32>
    %select_n3A_1620 = arith.select %eq3A_1614, %broadcast_in_dim3A_1619, %select_n3A_1609 : vector<56x128xi1>, vector<56x128xf32>
    %reduce_min3A_1621 = arith.constant dense<0x7F800000> : vector<56xf32>
    %reduce_min3A_1622 = vector.multi_reduction <minimumf>, %select_n3A_1615, %reduce_min3A_1621 [1] : vector<56x128xf32> to vector<56xf32>
    %broadcast_in_dim3A_1623 = vector.shape_cast %reduce_min3A_1622 : vector<56xf32> to vector<56x1xf32>
    %eq3A_1624 = vector.broadcast %broadcast_in_dim3A_1623 : vector<56x1xf32> to vector<56x128xf32>
    %eq3A_1625 = arith.cmpf oeq, %select_n3A_1615, %eq3A_1624 : vector<56x128xf32>
    %select_n3A_1626 = arith.select %eq3A_1625, %select_n3A_1616, %select_n3A_1615 : vector<56x128xi1>, vector<56x128xf32>
    %select_n3A_1627 = arith.select %eq3A_1625, %select_n3A_1617, %select_n3A_1616 : vector<56x128xi1>, vector<56x128xf32>
    %select_n3A_1628 = arith.select %eq3A_1625, %select_n3A_1620, %select_n3A_1617 : vector<56x128xi1>, vector<56x128xf32>
    %jit3A_1629 = arith.constant 0x7F800000 : f32
    %broadcast_in_dim3A_1630 = vector.broadcast %jit3A_1629 : f32 to vector<56x128xf32>
    %select_n3A_1631 = arith.select %eq3A_1625, %broadcast_in_dim3A_1630, %select_n3A_1620 : vector<56x128xi1>, vector<56x128xf32>
    %reduce_min3A_1632 = arith.constant dense<0x7F800000> : vector<56xf32>
    %reduce_min3A_1633 = vector.multi_reduction <minimumf>, %select_n3A_1626, %reduce_min3A_1632 [1] : vector<56x128xf32> to vector<56xf32>
    %broadcast_in_dim3A_1634 = vector.shape_cast %reduce_min3A_1633 : vector<56xf32> to vector<56x1xf32>
    %eq3A_1635 = vector.broadcast %broadcast_in_dim3A_1634 : vector<56x1xf32> to vector<56x128xf32>
    %eq3A_1636 = arith.cmpf oeq, %select_n3A_1626, %eq3A_1635 : vector<56x128xf32>
    %select_n3A_1637 = arith.select %eq3A_1636, %select_n3A_1627, %select_n3A_1626 : vector<56x128xi1>, vector<56x128xf32>
    %select_n3A_1638 = arith.select %eq3A_1636, %select_n3A_1628, %select_n3A_1627 : vector<56x128xi1>, vector<56x128xf32>
    %select_n3A_1639 = arith.select %eq3A_1636, %select_n3A_1631, %select_n3A_1628 : vector<56x128xi1>, vector<56x128xf32>
    %reduce_min3A_1640 = arith.constant dense<0x7F800000> : vector<56xf32>
    %reduce_min3A_1641 = vector.multi_reduction <minimumf>, %select_n3A_1637, %reduce_min3A_1640 [1] : vector<56x128xf32> to vector<56xf32>
    %broadcast_in_dim3A_1642 = vector.shape_cast %reduce_min3A_1641 : vector<56xf32> to vector<56x1xf32>
    %eq3A_1643 = vector.broadcast %broadcast_in_dim3A_1642 : vector<56x1xf32> to vector<56x128xf32>
    %eq3A_1644 = arith.cmpf oeq, %select_n3A_1637, %eq3A_1643 : vector<56x128xf32>
    %select_n3A_1645 = arith.select %eq3A_1644, %select_n3A_1638, %select_n3A_1637 : vector<56x128xi1>, vector<56x128xf32>
    %select_n3A_1646 = arith.select %eq3A_1644, %select_n3A_1639, %select_n3A_1638 : vector<56x128xi1>, vector<56x128xf32>
    %reduce_min3A_1647 = arith.constant dense<0x7F800000> : vector<56xf32>
    %reduce_min3A_1648 = vector.multi_reduction <minimumf>, %select_n3A_1645, %reduce_min3A_1647 [1] : vector<56x128xf32> to vector<56xf32>
    %broadcast_in_dim3A_1649 = vector.shape_cast %reduce_min3A_1648 : vector<56xf32> to vector<56x1xf32>
    %eq3A_1650 = vector.broadcast %broadcast_in_dim3A_1649 : vector<56x1xf32> to vector<56x128xf32>
    %eq3A_1651 = arith.cmpf oeq, %select_n3A_1645, %eq3A_1650 : vector<56x128xf32>
    %select_n3A_1652 = arith.select %eq3A_1651, %select_n3A_1646, %select_n3A_1645 : vector<56x128xi1>, vector<56x128xf32>
    %reduce_min3A_1653 = arith.constant dense<0x7F800000> : vector<56xf32>
    %reduce_min3A_1654 = vector.multi_reduction <minimumf>, %select_n3A_1652, %reduce_min3A_1653 [1] : vector<56x128xf32> to vector<56xf32>
    %broadcast_in_dim3A_1655 = vector.shape_cast %reduce_min3A_1654 : vector<56xf32> to vector<56x1xf32>
    %le3A_1656 = vector.broadcast %broadcast_in_dim3A_1655 : vector<56x1xf32> to vector<56x512xf32>
    %le3A_1657 = arith.cmpf ole, %sub3A_1573, %le3A_1656 : vector<56x512xf32>
    %slice3A_1658 = vector.extract_strided_slice %dot_general3A_1567 {offsets = [0, 0], sizes = [56, 512], strides = [1, 1]} : vector<56x1024xf32> to vector<56x512xf32>
    %add3A_1659 = vector.broadcast %get3A_16 : vector<1x512xf32> to vector<56x512xf32>
    %add3A_1660 = arith.addf %slice3A_1658, %add3A_1659 : vector<56x512xf32>
    %exp3A_1661 = math.exp %add3A_1660 : vector<56x512xf32>
    %reduce_sum3A_1662 = arith.constant dense<0.000000e+00> : vector<56xf32>
    %reduce_sum3A_1663 = vector.multi_reduction <add>, %exp3A_1661, %reduce_sum3A_1662 [1] : vector<56x512xf32> to vector<56xf32>
    %broadcast_in_dim3A_1664 = vector.shape_cast %reduce_sum3A_1663 : vector<56xf32> to vector<56x1xf32>
    %div3A_1665 = arith.constant 1.000000e+00 : f32
    %div3A_1666 = vector.broadcast %div3A_1665 : f32 to vector<56x1xf32>
    %div3A_1667 = arith.divf %div3A_1666, %broadcast_in_dim3A_1664 : vector<56x1xf32>
    %mul3A_1668 = vector.broadcast %div3A_1667 : vector<56x1xf32> to vector<56x512xf32>
    %mul3A_1669 = arith.mulf %exp3A_1661, %mul3A_1668 : vector<56x512xf32>
    %jit3A_1670 = arith.constant 0.000000e+00 : f32
    %broadcast_in_dim3A_1671 = vector.broadcast %jit3A_1670 : f32 to vector<56x512xf32>
    %select_n3A_1672 = arith.select %le3A_1657, %mul3A_1669, %broadcast_in_dim3A_1671 : vector<56x512xi1>, vector<56x512xf32>
    %swap3A_1673 = arith.constant 616 : index
    %swap3A_1674 = arith.constant 0 : index
    %swap3A_1675 = vector.load %arg7[%swap3A_1673, %swap3A_1674] : memref<1568x512xf32, #tpu.memory_space<vmem>>, vector<56x512xf32>
    tpu.vector_store %arg7[%swap3A_1673, %swap3A_1674], %select_n3A_1672 {strides = array<i32>} : memref<1568x512xf32, #tpu.memory_space<vmem>>, vector<56x512xf32>,
    %dot_general3A_1676 = arith.constant dense<0.000000e+00> : vector<56x32xf32>
    %dot_general3A_1677 = tpu.matmul %select_n3A_1672, %get3A_10, %dot_general3A_1676 {dimension_numbers = #tpu.dot_dimension_numbers<[1], [0], [0], [1], [0, 0, 1, 1], [], []>, transpose_lhs_hint = false} : vector<56x512xf32>, vector<512x32xf32>, vector<56x32xf32> -> vector<56x32xf32>
    %slice3A_1678 = vector.extract_strided_slice %get3A_7 {offsets = [616, 0], sizes = [56, 32], strides = [1, 1]} : vector<1568x32xf32> to vector<56x32xf32>
    %sub3A_1679 = arith.subf %dot_general3A_1677, %slice3A_1678 : vector<56x32xf32>
    %add3A_1680 = arith.addf %slice3A_1678, %sub3A_1679 : vector<56x32xf32>
    %swap3A_1681 = arith.constant 616 : index
    %swap3A_1682 = arith.constant 0 : index
    %swap3A_1683 = vector.load %arg8[%swap3A_1681, %swap3A_1682] : memref<1568x32xf32, #tpu.memory_space<vmem>>, vector<56x32xf32>
    tpu.vector_store %arg8[%swap3A_1681, %swap3A_1682], %add3A_1680 {strides = array<i32>} : memref<1568x32xf32, #tpu.memory_space<vmem>>, vector<56x32xf32>,
    %sub3A_1684 = arith.subf %slice3A_1678, %dot_general3A_1677 : vector<56x32xf32>
    %mul3A_1685 = arith.mulf %sub3A_1684, %sub3A_1684 : vector<56x32xf32>
    %reduce_sum3A_1686 = vector.shape_cast %mul3A_1685 : vector<56x32xf32> to vector<1x56x32xf32>
    %reduce_sum3A_1687 = arith.constant dense<0.000000e+00> : vector<1xf32>
    %reduce_sum3A_1688 = vector.multi_reduction <add>, %reduce_sum3A_1686, %reduce_sum3A_1687 [1, 2] : vector<1x56x32xf32> to vector<1xf32>
    %reduce_sum3A_1689 = vector.shape_cast %reduce_sum3A_1688 : vector<1xf32> to vector<1x1x1xf32>
    %reduce_sum3A_1690 = vector.extract %reduce_sum3A_1689[0, 0, 0] : f32 from vector<1x1x1xf32>
    %broadcast_in_dim3A_1691 = vector.broadcast %reduce_sum3A_1690 : f32 to vector<1x1xf32>
    %add3A_1692 = arith.addf %add3A_1551, %broadcast_in_dim3A_1691 : vector<1x1xf32>
    %reduce_sum3A_1693 = vector.shape_cast %select_n3A_1672 : vector<56x512xf32> to vector<1x56x512xf32>
    %reduce_sum3A_1694 = arith.constant dense<0.000000e+00> : vector<1xf32>
    %reduce_sum3A_1695 = vector.multi_reduction <add>, %reduce_sum3A_1693, %reduce_sum3A_1694 [1, 2] : vector<1x56x512xf32> to vector<1xf32>
    %reduce_sum3A_1696 = vector.shape_cast %reduce_sum3A_1695 : vector<1xf32> to vector<1x1x1xf32>
    %reduce_sum3A_1697 = vector.extract %reduce_sum3A_1696[0, 0, 0] : f32 from vector<1x1x1xf32>
    %broadcast_in_dim3A_1698 = vector.broadcast %reduce_sum3A_1697 : f32 to vector<1x1xf32>
    %add3A_1699 = arith.addf %add3A_1558, %broadcast_in_dim3A_1698 : vector<1x1xf32>
    %convert_element_type3A_1700 = arith.extui %le3A_1657 : vector<56x512xi1> to vector<56x512xi32>
    %convert_element_type3A_1701 = arith.sitofp %convert_element_type3A_1700 : vector<56x512xi32> to vector<56x512xf32>
    %reduce_sum3A_1702 = arith.constant dense<0.000000e+00> : vector<512xf32>
    %reduce_sum3A_1703 = vector.multi_reduction <add>, %convert_element_type3A_1701, %reduce_sum3A_1702 [0] : vector<56x512xf32> to vector<512xf32>
    %broadcast_in_dim3A_1704 = vector.shape_cast %reduce_sum3A_1703 : vector<512xf32> to vector<1x512xf32>
    %add3A_1705 = arith.addf %add3A_1564, %broadcast_in_dim3A_1704 : vector<1x512xf32>
    %slice3A_1706 = vector.extract_strided_slice %get3A_20 {offsets = [672, 0], sizes = [56, 32], strides = [1, 1]} : vector<1568x32xf32> to vector<56x32xf32>
    %dot_general3A_1707 = arith.constant dense<0.000000e+00> : vector<56x1024xf32>
    %dot_general3A_1708 = tpu.matmul %slice3A_1706, %get3A_13, %dot_general3A_1707 {dimension_numbers = #tpu.dot_dimension_numbers<[1], [0], [0], [1], [0, 0, 1, 1], [], []>, transpose_lhs_hint = false} : vector<56x32xf32>, vector<32x1024xf32>, vector<56x1024xf32> -> vector<56x1024xf32>
    %slice3A_1709 = vector.extract_strided_slice %dot_general3A_1708 {offsets = [0, 512], sizes = [56, 512], strides = [1, 1]} : vector<56x1024xf32> to vector<56x512xf32>
    %mul3A_1710 = arith.constant 2.000000e+00 : f32
    %mul3A_1711 = vector.broadcast %mul3A_1710 : f32 to vector<56x512xf32>
    %mul3A_1712 = arith.mulf %mul3A_1711, %slice3A_1709 : vector<56x512xf32>
    %sub3A_1713 = vector.broadcast %broadcast_in_dim3A : vector<1x512xf32> to vector<56x512xf32>
    %sub3A_1714 = arith.subf %sub3A_1713, %mul3A_1712 : vector<56x512xf32>
    %slice3A_1715 = vector.extract_strided_slice %sub3A_1714 {offsets = [0, 0], sizes = [56, 128], strides = [1, 1]} : vector<56x512xf32> to vector<56x128xf32>
    %slice3A_1716 = vector.extract_strided_slice %sub3A_1714 {offsets = [0, 128], sizes = [56, 128], strides = [1, 1]} : vector<56x512xf32> to vector<56x128xf32>
    %slice3A_1717 = vector.extract_strided_slice %sub3A_1714 {offsets = [0, 256], sizes = [56, 128], strides = [1, 1]} : vector<56x512xf32> to vector<56x128xf32>
    %slice3A_1718 = vector.extract_strided_slice %sub3A_1714 {offsets = [0, 384], sizes = [56, 128], strides = [1, 1]} : vector<56x512xf32> to vector<56x128xf32>
    %min3A_1719 = arith.minimumf %slice3A_1715, %slice3A_1716 : vector<56x128xf32>
    %max3A_1720 = arith.maximumf %slice3A_1715, %slice3A_1716 : vector<56x128xf32>
    %min3A_1721 = arith.minimumf %slice3A_1717, %slice3A_1718 : vector<56x128xf32>
    %max3A_1722 = arith.maximumf %slice3A_1717, %slice3A_1718 : vector<56x128xf32>
    %min3A_1723 = arith.minimumf %min3A_1719, %min3A_1721 : vector<56x128xf32>
    %max3A_1724 = arith.maximumf %max3A_1720, %max3A_1722 : vector<56x128xf32>
    %max3A_1725 = arith.maximumf %min3A_1719, %min3A_1721 : vector<56x128xf32>
    %min3A_1726 = arith.minimumf %max3A_1720, %max3A_1722 : vector<56x128xf32>
    %min3A_1727 = arith.minimumf %max3A_1725, %min3A_1726 : vector<56x128xf32>
    %max3A_1728 = arith.maximumf %max3A_1725, %min3A_1726 : vector<56x128xf32>
    %reduce_min3A_1729 = arith.constant dense<0x7F800000> : vector<56xf32>
    %reduce_min3A_1730 = vector.multi_reduction <minimumf>, %min3A_1723, %reduce_min3A_1729 [1] : vector<56x128xf32> to vector<56xf32>
    %broadcast_in_dim3A_1731 = vector.shape_cast %reduce_min3A_1730 : vector<56xf32> to vector<56x1xf32>
    %eq3A_1732 = vector.broadcast %broadcast_in_dim3A_1731 : vector<56x1xf32> to vector<56x128xf32>
    %eq3A_1733 = arith.cmpf oeq, %min3A_1723, %eq3A_1732 : vector<56x128xf32>
    %select_n3A_1734 = arith.select %eq3A_1733, %min3A_1727, %min3A_1723 : vector<56x128xi1>, vector<56x128xf32>
    %select_n3A_1735 = arith.select %eq3A_1733, %max3A_1728, %min3A_1727 : vector<56x128xi1>, vector<56x128xf32>
    %select_n3A_1736 = arith.select %eq3A_1733, %max3A_1724, %max3A_1728 : vector<56x128xi1>, vector<56x128xf32>
    %jit3A_1737 = arith.constant 0x7F800000 : f32
    %broadcast_in_dim3A_1738 = vector.broadcast %jit3A_1737 : f32 to vector<56x128xf32>
    %select_n3A_1739 = arith.select %eq3A_1733, %broadcast_in_dim3A_1738, %max3A_1724 : vector<56x128xi1>, vector<56x128xf32>
    %reduce_min3A_1740 = arith.constant dense<0x7F800000> : vector<56xf32>
    %reduce_min3A_1741 = vector.multi_reduction <minimumf>, %select_n3A_1734, %reduce_min3A_1740 [1] : vector<56x128xf32> to vector<56xf32>
    %broadcast_in_dim3A_1742 = vector.shape_cast %reduce_min3A_1741 : vector<56xf32> to vector<56x1xf32>
    %eq3A_1743 = vector.broadcast %broadcast_in_dim3A_1742 : vector<56x1xf32> to vector<56x128xf32>
    %eq3A_1744 = arith.cmpf oeq, %select_n3A_1734, %eq3A_1743 : vector<56x128xf32>
    %select_n3A_1745 = arith.select %eq3A_1744, %select_n3A_1735, %select_n3A_1734 : vector<56x128xi1>, vector<56x128xf32>
    %select_n3A_1746 = arith.select %eq3A_1744, %select_n3A_1736, %select_n3A_1735 : vector<56x128xi1>, vector<56x128xf32>
    %select_n3A_1747 = arith.select %eq3A_1744, %select_n3A_1739, %select_n3A_1736 : vector<56x128xi1>, vector<56x128xf32>
    %jit3A_1748 = arith.constant 0x7F800000 : f32
    %broadcast_in_dim3A_1749 = vector.broadcast %jit3A_1748 : f32 to vector<56x128xf32>
    %select_n3A_1750 = arith.select %eq3A_1744, %broadcast_in_dim3A_1749, %select_n3A_1739 : vector<56x128xi1>, vector<56x128xf32>
    %reduce_min3A_1751 = arith.constant dense<0x7F800000> : vector<56xf32>
    %reduce_min3A_1752 = vector.multi_reduction <minimumf>, %select_n3A_1745, %reduce_min3A_1751 [1] : vector<56x128xf32> to vector<56xf32>
    %broadcast_in_dim3A_1753 = vector.shape_cast %reduce_min3A_1752 : vector<56xf32> to vector<56x1xf32>
    %eq3A_1754 = vector.broadcast %broadcast_in_dim3A_1753 : vector<56x1xf32> to vector<56x128xf32>
    %eq3A_1755 = arith.cmpf oeq, %select_n3A_1745, %eq3A_1754 : vector<56x128xf32>
    %select_n3A_1756 = arith.select %eq3A_1755, %select_n3A_1746, %select_n3A_1745 : vector<56x128xi1>, vector<56x128xf32>
    %select_n3A_1757 = arith.select %eq3A_1755, %select_n3A_1747, %select_n3A_1746 : vector<56x128xi1>, vector<56x128xf32>
    %select_n3A_1758 = arith.select %eq3A_1755, %select_n3A_1750, %select_n3A_1747 : vector<56x128xi1>, vector<56x128xf32>
    %jit3A_1759 = arith.constant 0x7F800000 : f32
    %broadcast_in_dim3A_1760 = vector.broadcast %jit3A_1759 : f32 to vector<56x128xf32>
    %select_n3A_1761 = arith.select %eq3A_1755, %broadcast_in_dim3A_1760, %select_n3A_1750 : vector<56x128xi1>, vector<56x128xf32>
    %reduce_min3A_1762 = arith.constant dense<0x7F800000> : vector<56xf32>
    %reduce_min3A_1763 = vector.multi_reduction <minimumf>, %select_n3A_1756, %reduce_min3A_1762 [1] : vector<56x128xf32> to vector<56xf32>
    %broadcast_in_dim3A_1764 = vector.shape_cast %reduce_min3A_1763 : vector<56xf32> to vector<56x1xf32>
    %eq3A_1765 = vector.broadcast %broadcast_in_dim3A_1764 : vector<56x1xf32> to vector<56x128xf32>
    %eq3A_1766 = arith.cmpf oeq, %select_n3A_1756, %eq3A_1765 : vector<56x128xf32>
    %select_n3A_1767 = arith.select %eq3A_1766, %select_n3A_1757, %select_n3A_1756 : vector<56x128xi1>, vector<56x128xf32>
    %select_n3A_1768 = arith.select %eq3A_1766, %select_n3A_1758, %select_n3A_1757 : vector<56x128xi1>, vector<56x128xf32>
    %select_n3A_1769 = arith.select %eq3A_1766, %select_n3A_1761, %select_n3A_1758 : vector<56x128xi1>, vector<56x128xf32>
    %jit3A_1770 = arith.constant 0x7F800000 : f32
    %broadcast_in_dim3A_1771 = vector.broadcast %jit3A_1770 : f32 to vector<56x128xf32>
    %select_n3A_1772 = arith.select %eq3A_1766, %broadcast_in_dim3A_1771, %select_n3A_1761 : vector<56x128xi1>, vector<56x128xf32>
    %reduce_min3A_1773 = arith.constant dense<0x7F800000> : vector<56xf32>
    %reduce_min3A_1774 = vector.multi_reduction <minimumf>, %select_n3A_1767, %reduce_min3A_1773 [1] : vector<56x128xf32> to vector<56xf32>
    %broadcast_in_dim3A_1775 = vector.shape_cast %reduce_min3A_1774 : vector<56xf32> to vector<56x1xf32>
    %eq3A_1776 = vector.broadcast %broadcast_in_dim3A_1775 : vector<56x1xf32> to vector<56x128xf32>
    %eq3A_1777 = arith.cmpf oeq, %select_n3A_1767, %eq3A_1776 : vector<56x128xf32>
    %select_n3A_1778 = arith.select %eq3A_1777, %select_n3A_1768, %select_n3A_1767 : vector<56x128xi1>, vector<56x128xf32>
    %select_n3A_1779 = arith.select %eq3A_1777, %select_n3A_1769, %select_n3A_1768 : vector<56x128xi1>, vector<56x128xf32>
    %select_n3A_1780 = arith.select %eq3A_1777, %select_n3A_1772, %select_n3A_1769 : vector<56x128xi1>, vector<56x128xf32>
    %reduce_min3A_1781 = arith.constant dense<0x7F800000> : vector<56xf32>
    %reduce_min3A_1782 = vector.multi_reduction <minimumf>, %select_n3A_1778, %reduce_min3A_1781 [1] : vector<56x128xf32> to vector<56xf32>
    %broadcast_in_dim3A_1783 = vector.shape_cast %reduce_min3A_1782 : vector<56xf32> to vector<56x1xf32>
    %eq3A_1784 = vector.broadcast %broadcast_in_dim3A_1783 : vector<56x1xf32> to vector<56x128xf32>
    %eq3A_1785 = arith.cmpf oeq, %select_n3A_1778, %eq3A_1784 : vector<56x128xf32>
    %select_n3A_1786 = arith.select %eq3A_1785, %select_n3A_1779, %select_n3A_1778 : vector<56x128xi1>, vector<56x128xf32>
    %select_n3A_1787 = arith.select %eq3A_1785, %select_n3A_1780, %select_n3A_1779 : vector<56x128xi1>, vector<56x128xf32>
    %reduce_min3A_1788 = arith.constant dense<0x7F800000> : vector<56xf32>
    %reduce_min3A_1789 = vector.multi_reduction <minimumf>, %select_n3A_1786, %reduce_min3A_1788 [1] : vector<56x128xf32> to vector<56xf32>
    %broadcast_in_dim3A_1790 = vector.shape_cast %reduce_min3A_1789 : vector<56xf32> to vector<56x1xf32>
    %eq3A_1791 = vector.broadcast %broadcast_in_dim3A_1790 : vector<56x1xf32> to vector<56x128xf32>
    %eq3A_1792 = arith.cmpf oeq, %select_n3A_1786, %eq3A_1791 : vector<56x128xf32>
    %select_n3A_1793 = arith.select %eq3A_1792, %select_n3A_1787, %select_n3A_1786 : vector<56x128xi1>, vector<56x128xf32>
    %reduce_min3A_1794 = arith.constant dense<0x7F800000> : vector<56xf32>
    %reduce_min3A_1795 = vector.multi_reduction <minimumf>, %select_n3A_1793, %reduce_min3A_1794 [1] : vector<56x128xf32> to vector<56xf32>
    %broadcast_in_dim3A_1796 = vector.shape_cast %reduce_min3A_1795 : vector<56xf32> to vector<56x1xf32>
    %le3A_1797 = vector.broadcast %broadcast_in_dim3A_1796 : vector<56x1xf32> to vector<56x512xf32>
    %le3A_1798 = arith.cmpf ole, %sub3A_1714, %le3A_1797 : vector<56x512xf32>
    %slice3A_1799 = vector.extract_strided_slice %dot_general3A_1708 {offsets = [0, 0], sizes = [56, 512], strides = [1, 1]} : vector<56x1024xf32> to vector<56x512xf32>
    %add3A_1800 = vector.broadcast %get3A_16 : vector<1x512xf32> to vector<56x512xf32>
    %add3A_1801 = arith.addf %slice3A_1799, %add3A_1800 : vector<56x512xf32>
    %exp3A_1802 = math.exp %add3A_1801 : vector<56x512xf32>
    %reduce_sum3A_1803 = arith.constant dense<0.000000e+00> : vector<56xf32>
    %reduce_sum3A_1804 = vector.multi_reduction <add>, %exp3A_1802, %reduce_sum3A_1803 [1] : vector<56x512xf32> to vector<56xf32>
    %broadcast_in_dim3A_1805 = vector.shape_cast %reduce_sum3A_1804 : vector<56xf32> to vector<56x1xf32>
    %div3A_1806 = arith.constant 1.000000e+00 : f32
    %div3A_1807 = vector.broadcast %div3A_1806 : f32 to vector<56x1xf32>
    %div3A_1808 = arith.divf %div3A_1807, %broadcast_in_dim3A_1805 : vector<56x1xf32>
    %mul3A_1809 = vector.broadcast %div3A_1808 : vector<56x1xf32> to vector<56x512xf32>
    %mul3A_1810 = arith.mulf %exp3A_1802, %mul3A_1809 : vector<56x512xf32>
    %jit3A_1811 = arith.constant 0.000000e+00 : f32
    %broadcast_in_dim3A_1812 = vector.broadcast %jit3A_1811 : f32 to vector<56x512xf32>
    %select_n3A_1813 = arith.select %le3A_1798, %mul3A_1810, %broadcast_in_dim3A_1812 : vector<56x512xi1>, vector<56x512xf32>
    %swap3A_1814 = arith.constant 672 : index
    %swap3A_1815 = arith.constant 0 : index
    %swap3A_1816 = vector.load %arg7[%swap3A_1814, %swap3A_1815] : memref<1568x512xf32, #tpu.memory_space<vmem>>, vector<56x512xf32>
    tpu.vector_store %arg7[%swap3A_1814, %swap3A_1815], %select_n3A_1813 {strides = array<i32>} : memref<1568x512xf32, #tpu.memory_space<vmem>>, vector<56x512xf32>,
    %dot_general3A_1817 = arith.constant dense<0.000000e+00> : vector<56x32xf32>
    %dot_general3A_1818 = tpu.matmul %select_n3A_1813, %get3A_10, %dot_general3A_1817 {dimension_numbers = #tpu.dot_dimension_numbers<[1], [0], [0], [1], [0, 0, 1, 1], [], []>, transpose_lhs_hint = false} : vector<56x512xf32>, vector<512x32xf32>, vector<56x32xf32> -> vector<56x32xf32>
    %slice3A_1819 = vector.extract_strided_slice %get3A_7 {offsets = [672, 0], sizes = [56, 32], strides = [1, 1]} : vector<1568x32xf32> to vector<56x32xf32>
    %sub3A_1820 = arith.subf %dot_general3A_1818, %slice3A_1819 : vector<56x32xf32>
    %add3A_1821 = arith.addf %slice3A_1819, %sub3A_1820 : vector<56x32xf32>
    %swap3A_1822 = arith.constant 672 : index
    %swap3A_1823 = arith.constant 0 : index
    %swap3A_1824 = vector.load %arg8[%swap3A_1822, %swap3A_1823] : memref<1568x32xf32, #tpu.memory_space<vmem>>, vector<56x32xf32>
    tpu.vector_store %arg8[%swap3A_1822, %swap3A_1823], %add3A_1821 {strides = array<i32>} : memref<1568x32xf32, #tpu.memory_space<vmem>>, vector<56x32xf32>,
    %sub3A_1825 = arith.subf %slice3A_1819, %dot_general3A_1818 : vector<56x32xf32>
    %mul3A_1826 = arith.mulf %sub3A_1825, %sub3A_1825 : vector<56x32xf32>
    %reduce_sum3A_1827 = vector.shape_cast %mul3A_1826 : vector<56x32xf32> to vector<1x56x32xf32>
    %reduce_sum3A_1828 = arith.constant dense<0.000000e+00> : vector<1xf32>
    %reduce_sum3A_1829 = vector.multi_reduction <add>, %reduce_sum3A_1827, %reduce_sum3A_1828 [1, 2] : vector<1x56x32xf32> to vector<1xf32>
    %reduce_sum3A_1830 = vector.shape_cast %reduce_sum3A_1829 : vector<1xf32> to vector<1x1x1xf32>
    %reduce_sum3A_1831 = vector.extract %reduce_sum3A_1830[0, 0, 0] : f32 from vector<1x1x1xf32>
    %broadcast_in_dim3A_1832 = vector.broadcast %reduce_sum3A_1831 : f32 to vector<1x1xf32>
    %add3A_1833 = arith.addf %add3A_1692, %broadcast_in_dim3A_1832 : vector<1x1xf32>
    %reduce_sum3A_1834 = vector.shape_cast %select_n3A_1813 : vector<56x512xf32> to vector<1x56x512xf32>
    %reduce_sum3A_1835 = arith.constant dense<0.000000e+00> : vector<1xf32>
    %reduce_sum3A_1836 = vector.multi_reduction <add>, %reduce_sum3A_1834, %reduce_sum3A_1835 [1, 2] : vector<1x56x512xf32> to vector<1xf32>
    %reduce_sum3A_1837 = vector.shape_cast %reduce_sum3A_1836 : vector<1xf32> to vector<1x1x1xf32>
    %reduce_sum3A_1838 = vector.extract %reduce_sum3A_1837[0, 0, 0] : f32 from vector<1x1x1xf32>
    %broadcast_in_dim3A_1839 = vector.broadcast %reduce_sum3A_1838 : f32 to vector<1x1xf32>
    %add3A_1840 = arith.addf %add3A_1699, %broadcast_in_dim3A_1839 : vector<1x1xf32>
    %convert_element_type3A_1841 = arith.extui %le3A_1798 : vector<56x512xi1> to vector<56x512xi32>
    %convert_element_type3A_1842 = arith.sitofp %convert_element_type3A_1841 : vector<56x512xi32> to vector<56x512xf32>
    %reduce_sum3A_1843 = arith.constant dense<0.000000e+00> : vector<512xf32>
    %reduce_sum3A_1844 = vector.multi_reduction <add>, %convert_element_type3A_1842, %reduce_sum3A_1843 [0] : vector<56x512xf32> to vector<512xf32>
    %broadcast_in_dim3A_1845 = vector.shape_cast %reduce_sum3A_1844 : vector<512xf32> to vector<1x512xf32>
    %add3A_1846 = arith.addf %add3A_1705, %broadcast_in_dim3A_1845 : vector<1x512xf32>
    %slice3A_1847 = vector.extract_strided_slice %get3A_20 {offsets = [728, 0], sizes = [56, 32], strides = [1, 1]} : vector<1568x32xf32> to vector<56x32xf32>
    %dot_general3A_1848 = arith.constant dense<0.000000e+00> : vector<56x1024xf32>
    %dot_general3A_1849 = tpu.matmul %slice3A_1847, %get3A_13, %dot_general3A_1848 {dimension_numbers = #tpu.dot_dimension_numbers<[1], [0], [0], [1], [0, 0, 1, 1], [], []>, transpose_lhs_hint = false} : vector<56x32xf32>, vector<32x1024xf32>, vector<56x1024xf32> -> vector<56x1024xf32>
    %slice3A_1850 = vector.extract_strided_slice %dot_general3A_1849 {offsets = [0, 512], sizes = [56, 512], strides = [1, 1]} : vector<56x1024xf32> to vector<56x512xf32>
    %mul3A_1851 = arith.constant 2.000000e+00 : f32
    %mul3A_1852 = vector.broadcast %mul3A_1851 : f32 to vector<56x512xf32>
    %mul3A_1853 = arith.mulf %mul3A_1852, %slice3A_1850 : vector<56x512xf32>
    %sub3A_1854 = vector.broadcast %broadcast_in_dim3A : vector<1x512xf32> to vector<56x512xf32>
    %sub3A_1855 = arith.subf %sub3A_1854, %mul3A_1853 : vector<56x512xf32>
    %slice3A_1856 = vector.extract_strided_slice %sub3A_1855 {offsets = [0, 0], sizes = [56, 128], strides = [1, 1]} : vector<56x512xf32> to vector<56x128xf32>
    %slice3A_1857 = vector.extract_strided_slice %sub3A_1855 {offsets = [0, 128], sizes = [56, 128], strides = [1, 1]} : vector<56x512xf32> to vector<56x128xf32>
    %slice3A_1858 = vector.extract_strided_slice %sub3A_1855 {offsets = [0, 256], sizes = [56, 128], strides = [1, 1]} : vector<56x512xf32> to vector<56x128xf32>
    %slice3A_1859 = vector.extract_strided_slice %sub3A_1855 {offsets = [0, 384], sizes = [56, 128], strides = [1, 1]} : vector<56x512xf32> to vector<56x128xf32>
    %min3A_1860 = arith.minimumf %slice3A_1856, %slice3A_1857 : vector<56x128xf32>
    %max3A_1861 = arith.maximumf %slice3A_1856, %slice3A_1857 : vector<56x128xf32>
    %min3A_1862 = arith.minimumf %slice3A_1858, %slice3A_1859 : vector<56x128xf32>
    %max3A_1863 = arith.maximumf %slice3A_1858, %slice3A_1859 : vector<56x128xf32>
    %min3A_1864 = arith.minimumf %min3A_1860, %min3A_1862 : vector<56x128xf32>
    %max3A_1865 = arith.maximumf %max3A_1861, %max3A_1863 : vector<56x128xf32>
    %max3A_1866 = arith.maximumf %min3A_1860, %min3A_1862 : vector<56x128xf32>
    %min3A_1867 = arith.minimumf %max3A_1861, %max3A_1863 : vector<56x128xf32>
    %min3A_1868 = arith.minimumf %max3A_1866, %min3A_1867 : vector<56x128xf32>
    %max3A_1869 = arith.maximumf %max3A_1866, %min3A_1867 : vector<56x128xf32>
    %reduce_min3A_1870 = arith.constant dense<0x7F800000> : vector<56xf32>
    %reduce_min3A_1871 = vector.multi_reduction <minimumf>, %min3A_1864, %reduce_min3A_1870 [1] : vector<56x128xf32> to vector<56xf32>
    %broadcast_in_dim3A_1872 = vector.shape_cast %reduce_min3A_1871 : vector<56xf32> to vector<56x1xf32>
    %eq3A_1873 = vector.broadcast %broadcast_in_dim3A_1872 : vector<56x1xf32> to vector<56x128xf32>
    %eq3A_1874 = arith.cmpf oeq, %min3A_1864, %eq3A_1873 : vector<56x128xf32>
    %select_n3A_1875 = arith.select %eq3A_1874, %min3A_1868, %min3A_1864 : vector<56x128xi1>, vector<56x128xf32>
    %select_n3A_1876 = arith.select %eq3A_1874, %max3A_1869, %min3A_1868 : vector<56x128xi1>, vector<56x128xf32>
    %select_n3A_1877 = arith.select %eq3A_1874, %max3A_1865, %max3A_1869 : vector<56x128xi1>, vector<56x128xf32>
    %jit3A_1878 = arith.constant 0x7F800000 : f32
    %broadcast_in_dim3A_1879 = vector.broadcast %jit3A_1878 : f32 to vector<56x128xf32>
    %select_n3A_1880 = arith.select %eq3A_1874, %broadcast_in_dim3A_1879, %max3A_1865 : vector<56x128xi1>, vector<56x128xf32>
    %reduce_min3A_1881 = arith.constant dense<0x7F800000> : vector<56xf32>
    %reduce_min3A_1882 = vector.multi_reduction <minimumf>, %select_n3A_1875, %reduce_min3A_1881 [1] : vector<56x128xf32> to vector<56xf32>
    %broadcast_in_dim3A_1883 = vector.shape_cast %reduce_min3A_1882 : vector<56xf32> to vector<56x1xf32>
    %eq3A_1884 = vector.broadcast %broadcast_in_dim3A_1883 : vector<56x1xf32> to vector<56x128xf32>
    %eq3A_1885 = arith.cmpf oeq, %select_n3A_1875, %eq3A_1884 : vector<56x128xf32>
    %select_n3A_1886 = arith.select %eq3A_1885, %select_n3A_1876, %select_n3A_1875 : vector<56x128xi1>, vector<56x128xf32>
    %select_n3A_1887 = arith.select %eq3A_1885, %select_n3A_1877, %select_n3A_1876 : vector<56x128xi1>, vector<56x128xf32>
    %select_n3A_1888 = arith.select %eq3A_1885, %select_n3A_1880, %select_n3A_1877 : vector<56x128xi1>, vector<56x128xf32>
    %jit3A_1889 = arith.constant 0x7F800000 : f32
    %broadcast_in_dim3A_1890 = vector.broadcast %jit3A_1889 : f32 to vector<56x128xf32>
    %select_n3A_1891 = arith.select %eq3A_1885, %broadcast_in_dim3A_1890, %select_n3A_1880 : vector<56x128xi1>, vector<56x128xf32>
    %reduce_min3A_1892 = arith.constant dense<0x7F800000> : vector<56xf32>
    %reduce_min3A_1893 = vector.multi_reduction <minimumf>, %select_n3A_1886, %reduce_min3A_1892 [1] : vector<56x128xf32> to vector<56xf32>
    %broadcast_in_dim3A_1894 = vector.shape_cast %reduce_min3A_1893 : vector<56xf32> to vector<56x1xf32>
    %eq3A_1895 = vector.broadcast %broadcast_in_dim3A_1894 : vector<56x1xf32> to vector<56x128xf32>
    %eq3A_1896 = arith.cmpf oeq, %select_n3A_1886, %eq3A_1895 : vector<56x128xf32>
    %select_n3A_1897 = arith.select %eq3A_1896, %select_n3A_1887, %select_n3A_1886 : vector<56x128xi1>, vector<56x128xf32>
    %select_n3A_1898 = arith.select %eq3A_1896, %select_n3A_1888, %select_n3A_1887 : vector<56x128xi1>, vector<56x128xf32>
    %select_n3A_1899 = arith.select %eq3A_1896, %select_n3A_1891, %select_n3A_1888 : vector<56x128xi1>, vector<56x128xf32>
    %jit3A_1900 = arith.constant 0x7F800000 : f32
    %broadcast_in_dim3A_1901 = vector.broadcast %jit3A_1900 : f32 to vector<56x128xf32>
    %select_n3A_1902 = arith.select %eq3A_1896, %broadcast_in_dim3A_1901, %select_n3A_1891 : vector<56x128xi1>, vector<56x128xf32>
    %reduce_min3A_1903 = arith.constant dense<0x7F800000> : vector<56xf32>
    %reduce_min3A_1904 = vector.multi_reduction <minimumf>, %select_n3A_1897, %reduce_min3A_1903 [1] : vector<56x128xf32> to vector<56xf32>
    %broadcast_in_dim3A_1905 = vector.shape_cast %reduce_min3A_1904 : vector<56xf32> to vector<56x1xf32>
    %eq3A_1906 = vector.broadcast %broadcast_in_dim3A_1905 : vector<56x1xf32> to vector<56x128xf32>
    %eq3A_1907 = arith.cmpf oeq, %select_n3A_1897, %eq3A_1906 : vector<56x128xf32>
    %select_n3A_1908 = arith.select %eq3A_1907, %select_n3A_1898, %select_n3A_1897 : vector<56x128xi1>, vector<56x128xf32>
    %select_n3A_1909 = arith.select %eq3A_1907, %select_n3A_1899, %select_n3A_1898 : vector<56x128xi1>, vector<56x128xf32>
    %select_n3A_1910 = arith.select %eq3A_1907, %select_n3A_1902, %select_n3A_1899 : vector<56x128xi1>, vector<56x128xf32>
    %jit3A_1911 = arith.constant 0x7F800000 : f32
    %broadcast_in_dim3A_1912 = vector.broadcast %jit3A_1911 : f32 to vector<56x128xf32>
    %select_n3A_1913 = arith.select %eq3A_1907, %broadcast_in_dim3A_1912, %select_n3A_1902 : vector<56x128xi1>, vector<56x128xf32>
    %reduce_min3A_1914 = arith.constant dense<0x7F800000> : vector<56xf32>
    %reduce_min3A_1915 = vector.multi_reduction <minimumf>, %select_n3A_1908, %reduce_min3A_1914 [1] : vector<56x128xf32> to vector<56xf32>
    %broadcast_in_dim3A_1916 = vector.shape_cast %reduce_min3A_1915 : vector<56xf32> to vector<56x1xf32>
    %eq3A_1917 = vector.broadcast %broadcast_in_dim3A_1916 : vector<56x1xf32> to vector<56x128xf32>
    %eq3A_1918 = arith.cmpf oeq, %select_n3A_1908, %eq3A_1917 : vector<56x128xf32>
    %select_n3A_1919 = arith.select %eq3A_1918, %select_n3A_1909, %select_n3A_1908 : vector<56x128xi1>, vector<56x128xf32>
    %select_n3A_1920 = arith.select %eq3A_1918, %select_n3A_1910, %select_n3A_1909 : vector<56x128xi1>, vector<56x128xf32>
    %select_n3A_1921 = arith.select %eq3A_1918, %select_n3A_1913, %select_n3A_1910 : vector<56x128xi1>, vector<56x128xf32>
    %reduce_min3A_1922 = arith.constant dense<0x7F800000> : vector<56xf32>
    %reduce_min3A_1923 = vector.multi_reduction <minimumf>, %select_n3A_1919, %reduce_min3A_1922 [1] : vector<56x128xf32> to vector<56xf32>
    %broadcast_in_dim3A_1924 = vector.shape_cast %reduce_min3A_1923 : vector<56xf32> to vector<56x1xf32>
    %eq3A_1925 = vector.broadcast %broadcast_in_dim3A_1924 : vector<56x1xf32> to vector<56x128xf32>
    %eq3A_1926 = arith.cmpf oeq, %select_n3A_1919, %eq3A_1925 : vector<56x128xf32>
    %select_n3A_1927 = arith.select %eq3A_1926, %select_n3A_1920, %select_n3A_1919 : vector<56x128xi1>, vector<56x128xf32>
    %select_n3A_1928 = arith.select %eq3A_1926, %select_n3A_1921, %select_n3A_1920 : vector<56x128xi1>, vector<56x128xf32>
    %reduce_min3A_1929 = arith.constant dense<0x7F800000> : vector<56xf32>
    %reduce_min3A_1930 = vector.multi_reduction <minimumf>, %select_n3A_1927, %reduce_min3A_1929 [1] : vector<56x128xf32> to vector<56xf32>
    %broadcast_in_dim3A_1931 = vector.shape_cast %reduce_min3A_1930 : vector<56xf32> to vector<56x1xf32>
    %eq3A_1932 = vector.broadcast %broadcast_in_dim3A_1931 : vector<56x1xf32> to vector<56x128xf32>
    %eq3A_1933 = arith.cmpf oeq, %select_n3A_1927, %eq3A_1932 : vector<56x128xf32>
    %select_n3A_1934 = arith.select %eq3A_1933, %select_n3A_1928, %select_n3A_1927 : vector<56x128xi1>, vector<56x128xf32>
    %reduce_min3A_1935 = arith.constant dense<0x7F800000> : vector<56xf32>
    %reduce_min3A_1936 = vector.multi_reduction <minimumf>, %select_n3A_1934, %reduce_min3A_1935 [1] : vector<56x128xf32> to vector<56xf32>
    %broadcast_in_dim3A_1937 = vector.shape_cast %reduce_min3A_1936 : vector<56xf32> to vector<56x1xf32>
    %le3A_1938 = vector.broadcast %broadcast_in_dim3A_1937 : vector<56x1xf32> to vector<56x512xf32>
    %le3A_1939 = arith.cmpf ole, %sub3A_1855, %le3A_1938 : vector<56x512xf32>
    %slice3A_1940 = vector.extract_strided_slice %dot_general3A_1849 {offsets = [0, 0], sizes = [56, 512], strides = [1, 1]} : vector<56x1024xf32> to vector<56x512xf32>
    %add3A_1941 = vector.broadcast %get3A_16 : vector<1x512xf32> to vector<56x512xf32>
    %add3A_1942 = arith.addf %slice3A_1940, %add3A_1941 : vector<56x512xf32>
    %exp3A_1943 = math.exp %add3A_1942 : vector<56x512xf32>
    %reduce_sum3A_1944 = arith.constant dense<0.000000e+00> : vector<56xf32>
    %reduce_sum3A_1945 = vector.multi_reduction <add>, %exp3A_1943, %reduce_sum3A_1944 [1] : vector<56x512xf32> to vector<56xf32>
    %broadcast_in_dim3A_1946 = vector.shape_cast %reduce_sum3A_1945 : vector<56xf32> to vector<56x1xf32>
    %div3A_1947 = arith.constant 1.000000e+00 : f32
    %div3A_1948 = vector.broadcast %div3A_1947 : f32 to vector<56x1xf32>
    %div3A_1949 = arith.divf %div3A_1948, %broadcast_in_dim3A_1946 : vector<56x1xf32>
    %mul3A_1950 = vector.broadcast %div3A_1949 : vector<56x1xf32> to vector<56x512xf32>
    %mul3A_1951 = arith.mulf %exp3A_1943, %mul3A_1950 : vector<56x512xf32>
    %jit3A_1952 = arith.constant 0.000000e+00 : f32
    %broadcast_in_dim3A_1953 = vector.broadcast %jit3A_1952 : f32 to vector<56x512xf32>
    %select_n3A_1954 = arith.select %le3A_1939, %mul3A_1951, %broadcast_in_dim3A_1953 : vector<56x512xi1>, vector<56x512xf32>
    %swap3A_1955 = arith.constant 728 : index
    %swap3A_1956 = arith.constant 0 : index
    %swap3A_1957 = vector.load %arg7[%swap3A_1955, %swap3A_1956] : memref<1568x512xf32, #tpu.memory_space<vmem>>, vector<56x512xf32>
    tpu.vector_store %arg7[%swap3A_1955, %swap3A_1956], %select_n3A_1954 {strides = array<i32>} : memref<1568x512xf32, #tpu.memory_space<vmem>>, vector<56x512xf32>,
    %dot_general3A_1958 = arith.constant dense<0.000000e+00> : vector<56x32xf32>
    %dot_general3A_1959 = tpu.matmul %select_n3A_1954, %get3A_10, %dot_general3A_1958 {dimension_numbers = #tpu.dot_dimension_numbers<[1], [0], [0], [1], [0, 0, 1, 1], [], []>, transpose_lhs_hint = false} : vector<56x512xf32>, vector<512x32xf32>, vector<56x32xf32> -> vector<56x32xf32>
    %slice3A_1960 = vector.extract_strided_slice %get3A_7 {offsets = [728, 0], sizes = [56, 32], strides = [1, 1]} : vector<1568x32xf32> to vector<56x32xf32>
    %sub3A_1961 = arith.subf %dot_general3A_1959, %slice3A_1960 : vector<56x32xf32>
    %add3A_1962 = arith.addf %slice3A_1960, %sub3A_1961 : vector<56x32xf32>
    %swap3A_1963 = arith.constant 728 : index
    %swap3A_1964 = arith.constant 0 : index
    %swap3A_1965 = vector.load %arg8[%swap3A_1963, %swap3A_1964] : memref<1568x32xf32, #tpu.memory_space<vmem>>, vector<56x32xf32>
    tpu.vector_store %arg8[%swap3A_1963, %swap3A_1964], %add3A_1962 {strides = array<i32>} : memref<1568x32xf32, #tpu.memory_space<vmem>>, vector<56x32xf32>,
    %sub3A_1966 = arith.subf %slice3A_1960, %dot_general3A_1959 : vector<56x32xf32>
    %mul3A_1967 = arith.mulf %sub3A_1966, %sub3A_1966 : vector<56x32xf32>
    %reduce_sum3A_1968 = vector.shape_cast %mul3A_1967 : vector<56x32xf32> to vector<1x56x32xf32>
    %reduce_sum3A_1969 = arith.constant dense<0.000000e+00> : vector<1xf32>
    %reduce_sum3A_1970 = vector.multi_reduction <add>, %reduce_sum3A_1968, %reduce_sum3A_1969 [1, 2] : vector<1x56x32xf32> to vector<1xf32>
    %reduce_sum3A_1971 = vector.shape_cast %reduce_sum3A_1970 : vector<1xf32> to vector<1x1x1xf32>
    %reduce_sum3A_1972 = vector.extract %reduce_sum3A_1971[0, 0, 0] : f32 from vector<1x1x1xf32>
    %broadcast_in_dim3A_1973 = vector.broadcast %reduce_sum3A_1972 : f32 to vector<1x1xf32>
    %add3A_1974 = arith.addf %add3A_1833, %broadcast_in_dim3A_1973 : vector<1x1xf32>
    %reduce_sum3A_1975 = vector.shape_cast %select_n3A_1954 : vector<56x512xf32> to vector<1x56x512xf32>
    %reduce_sum3A_1976 = arith.constant dense<0.000000e+00> : vector<1xf32>
    %reduce_sum3A_1977 = vector.multi_reduction <add>, %reduce_sum3A_1975, %reduce_sum3A_1976 [1, 2] : vector<1x56x512xf32> to vector<1xf32>
    %reduce_sum3A_1978 = vector.shape_cast %reduce_sum3A_1977 : vector<1xf32> to vector<1x1x1xf32>
    %reduce_sum3A_1979 = vector.extract %reduce_sum3A_1978[0, 0, 0] : f32 from vector<1x1x1xf32>
    %broadcast_in_dim3A_1980 = vector.broadcast %reduce_sum3A_1979 : f32 to vector<1x1xf32>
    %add3A_1981 = arith.addf %add3A_1840, %broadcast_in_dim3A_1980 : vector<1x1xf32>
    %convert_element_type3A_1982 = arith.extui %le3A_1939 : vector<56x512xi1> to vector<56x512xi32>
    %convert_element_type3A_1983 = arith.sitofp %convert_element_type3A_1982 : vector<56x512xi32> to vector<56x512xf32>
    %reduce_sum3A_1984 = arith.constant dense<0.000000e+00> : vector<512xf32>
    %reduce_sum3A_1985 = vector.multi_reduction <add>, %convert_element_type3A_1983, %reduce_sum3A_1984 [0] : vector<56x512xf32> to vector<512xf32>
    %broadcast_in_dim3A_1986 = vector.shape_cast %reduce_sum3A_1985 : vector<512xf32> to vector<1x512xf32>
    %add3A_1987 = arith.addf %add3A_1846, %broadcast_in_dim3A_1986 : vector<1x512xf32>
    %slice3A_1988 = vector.extract_strided_slice %get3A_20 {offsets = [784, 0], sizes = [56, 32], strides = [1, 1]} : vector<1568x32xf32> to vector<56x32xf32>
    %dot_general3A_1989 = arith.constant dense<0.000000e+00> : vector<56x1024xf32>
    %dot_general3A_1990 = tpu.matmul %slice3A_1988, %get3A_13, %dot_general3A_1989 {dimension_numbers = #tpu.dot_dimension_numbers<[1], [0], [0], [1], [0, 0, 1, 1], [], []>, transpose_lhs_hint = false} : vector<56x32xf32>, vector<32x1024xf32>, vector<56x1024xf32> -> vector<56x1024xf32>
    %slice3A_1991 = vector.extract_strided_slice %dot_general3A_1990 {offsets = [0, 512], sizes = [56, 512], strides = [1, 1]} : vector<56x1024xf32> to vector<56x512xf32>
    %mul3A_1992 = arith.constant 2.000000e+00 : f32
    %mul3A_1993 = vector.broadcast %mul3A_1992 : f32 to vector<56x512xf32>
    %mul3A_1994 = arith.mulf %mul3A_1993, %slice3A_1991 : vector<56x512xf32>
    %sub3A_1995 = vector.broadcast %broadcast_in_dim3A : vector<1x512xf32> to vector<56x512xf32>
    %sub3A_1996 = arith.subf %sub3A_1995, %mul3A_1994 : vector<56x512xf32>
    %slice3A_1997 = vector.extract_strided_slice %sub3A_1996 {offsets = [0, 0], sizes = [56, 128], strides = [1, 1]} : vector<56x512xf32> to vector<56x128xf32>
    %slice3A_1998 = vector.extract_strided_slice %sub3A_1996 {offsets = [0, 128], sizes = [56, 128], strides = [1, 1]} : vector<56x512xf32> to vector<56x128xf32>
    %slice3A_1999 = vector.extract_strided_slice %sub3A_1996 {offsets = [0, 256], sizes = [56, 128], strides = [1, 1]} : vector<56x512xf32> to vector<56x128xf32>
    %slice3A_2000 = vector.extract_strided_slice %sub3A_1996 {offsets = [0, 384], sizes = [56, 128], strides = [1, 1]} : vector<56x512xf32> to vector<56x128xf32>
    %min3A_2001 = arith.minimumf %slice3A_1997, %slice3A_1998 : vector<56x128xf32>
    %max3A_2002 = arith.maximumf %slice3A_1997, %slice3A_1998 : vector<56x128xf32>
    %min3A_2003 = arith.minimumf %slice3A_1999, %slice3A_2000 : vector<56x128xf32>
    %max3A_2004 = arith.maximumf %slice3A_1999, %slice3A_2000 : vector<56x128xf32>
    %min3A_2005 = arith.minimumf %min3A_2001, %min3A_2003 : vector<56x128xf32>
    %max3A_2006 = arith.maximumf %max3A_2002, %max3A_2004 : vector<56x128xf32>
    %max3A_2007 = arith.maximumf %min3A_2001, %min3A_2003 : vector<56x128xf32>
    %min3A_2008 = arith.minimumf %max3A_2002, %max3A_2004 : vector<56x128xf32>
    %min3A_2009 = arith.minimumf %max3A_2007, %min3A_2008 : vector<56x128xf32>
    %max3A_2010 = arith.maximumf %max3A_2007, %min3A_2008 : vector<56x128xf32>
    %reduce_min3A_2011 = arith.constant dense<0x7F800000> : vector<56xf32>
    %reduce_min3A_2012 = vector.multi_reduction <minimumf>, %min3A_2005, %reduce_min3A_2011 [1] : vector<56x128xf32> to vector<56xf32>
    %broadcast_in_dim3A_2013 = vector.shape_cast %reduce_min3A_2012 : vector<56xf32> to vector<56x1xf32>
    %eq3A_2014 = vector.broadcast %broadcast_in_dim3A_2013 : vector<56x1xf32> to vector<56x128xf32>
    %eq3A_2015 = arith.cmpf oeq, %min3A_2005, %eq3A_2014 : vector<56x128xf32>
    %select_n3A_2016 = arith.select %eq3A_2015, %min3A_2009, %min3A_2005 : vector<56x128xi1>, vector<56x128xf32>
    %select_n3A_2017 = arith.select %eq3A_2015, %max3A_2010, %min3A_2009 : vector<56x128xi1>, vector<56x128xf32>
    %select_n3A_2018 = arith.select %eq3A_2015, %max3A_2006, %max3A_2010 : vector<56x128xi1>, vector<56x128xf32>
    %jit3A_2019 = arith.constant 0x7F800000 : f32
    %broadcast_in_dim3A_2020 = vector.broadcast %jit3A_2019 : f32 to vector<56x128xf32>
    %select_n3A_2021 = arith.select %eq3A_2015, %broadcast_in_dim3A_2020, %max3A_2006 : vector<56x128xi1>, vector<56x128xf32>
    %reduce_min3A_2022 = arith.constant dense<0x7F800000> : vector<56xf32>
    %reduce_min3A_2023 = vector.multi_reduction <minimumf>, %select_n3A_2016, %reduce_min3A_2022 [1] : vector<56x128xf32> to vector<56xf32>
    %broadcast_in_dim3A_2024 = vector.shape_cast %reduce_min3A_2023 : vector<56xf32> to vector<56x1xf32>
    %eq3A_2025 = vector.broadcast %broadcast_in_dim3A_2024 : vector<56x1xf32> to vector<56x128xf32>
    %eq3A_2026 = arith.cmpf oeq, %select_n3A_2016, %eq3A_2025 : vector<56x128xf32>
    %select_n3A_2027 = arith.select %eq3A_2026, %select_n3A_2017, %select_n3A_2016 : vector<56x128xi1>, vector<56x128xf32>
    %select_n3A_2028 = arith.select %eq3A_2026, %select_n3A_2018, %select_n3A_2017 : vector<56x128xi1>, vector<56x128xf32>
    %select_n3A_2029 = arith.select %eq3A_2026, %select_n3A_2021, %select_n3A_2018 : vector<56x128xi1>, vector<56x128xf32>
    %jit3A_2030 = arith.constant 0x7F800000 : f32
    %broadcast_in_dim3A_2031 = vector.broadcast %jit3A_2030 : f32 to vector<56x128xf32>
    %select_n3A_2032 = arith.select %eq3A_2026, %broadcast_in_dim3A_2031, %select_n3A_2021 : vector<56x128xi1>, vector<56x128xf32>
    %reduce_min3A_2033 = arith.constant dense<0x7F800000> : vector<56xf32>
    %reduce_min3A_2034 = vector.multi_reduction <minimumf>, %select_n3A_2027, %reduce_min3A_2033 [1] : vector<56x128xf32> to vector<56xf32>
    %broadcast_in_dim3A_2035 = vector.shape_cast %reduce_min3A_2034 : vector<56xf32> to vector<56x1xf32>
    %eq3A_2036 = vector.broadcast %broadcast_in_dim3A_2035 : vector<56x1xf32> to vector<56x128xf32>
    %eq3A_2037 = arith.cmpf oeq, %select_n3A_2027, %eq3A_2036 : vector<56x128xf32>
    %select_n3A_2038 = arith.select %eq3A_2037, %select_n3A_2028, %select_n3A_2027 : vector<56x128xi1>, vector<56x128xf32>
    %select_n3A_2039 = arith.select %eq3A_2037, %select_n3A_2029, %select_n3A_2028 : vector<56x128xi1>, vector<56x128xf32>
    %select_n3A_2040 = arith.select %eq3A_2037, %select_n3A_2032, %select_n3A_2029 : vector<56x128xi1>, vector<56x128xf32>
    %jit3A_2041 = arith.constant 0x7F800000 : f32
    %broadcast_in_dim3A_2042 = vector.broadcast %jit3A_2041 : f32 to vector<56x128xf32>
    %select_n3A_2043 = arith.select %eq3A_2037, %broadcast_in_dim3A_2042, %select_n3A_2032 : vector<56x128xi1>, vector<56x128xf32>
    %reduce_min3A_2044 = arith.constant dense<0x7F800000> : vector<56xf32>
    %reduce_min3A_2045 = vector.multi_reduction <minimumf>, %select_n3A_2038, %reduce_min3A_2044 [1] : vector<56x128xf32> to vector<56xf32>
    %broadcast_in_dim3A_2046 = vector.shape_cast %reduce_min3A_2045 : vector<56xf32> to vector<56x1xf32>
    %eq3A_2047 = vector.broadcast %broadcast_in_dim3A_2046 : vector<56x1xf32> to vector<56x128xf32>
    %eq3A_2048 = arith.cmpf oeq, %select_n3A_2038, %eq3A_2047 : vector<56x128xf32>
    %select_n3A_2049 = arith.select %eq3A_2048, %select_n3A_2039, %select_n3A_2038 : vector<56x128xi1>, vector<56x128xf32>
    %select_n3A_2050 = arith.select %eq3A_2048, %select_n3A_2040, %select_n3A_2039 : vector<56x128xi1>, vector<56x128xf32>
    %select_n3A_2051 = arith.select %eq3A_2048, %select_n3A_2043, %select_n3A_2040 : vector<56x128xi1>, vector<56x128xf32>
    %jit3A_2052 = arith.constant 0x7F800000 : f32
    %broadcast_in_dim3A_2053 = vector.broadcast %jit3A_2052 : f32 to vector<56x128xf32>
    %select_n3A_2054 = arith.select %eq3A_2048, %broadcast_in_dim3A_2053, %select_n3A_2043 : vector<56x128xi1>, vector<56x128xf32>
    %reduce_min3A_2055 = arith.constant dense<0x7F800000> : vector<56xf32>
    %reduce_min3A_2056 = vector.multi_reduction <minimumf>, %select_n3A_2049, %reduce_min3A_2055 [1] : vector<56x128xf32> to vector<56xf32>
    %broadcast_in_dim3A_2057 = vector.shape_cast %reduce_min3A_2056 : vector<56xf32> to vector<56x1xf32>
    %eq3A_2058 = vector.broadcast %broadcast_in_dim3A_2057 : vector<56x1xf32> to vector<56x128xf32>
    %eq3A_2059 = arith.cmpf oeq, %select_n3A_2049, %eq3A_2058 : vector<56x128xf32>
    %select_n3A_2060 = arith.select %eq3A_2059, %select_n3A_2050, %select_n3A_2049 : vector<56x128xi1>, vector<56x128xf32>
    %select_n3A_2061 = arith.select %eq3A_2059, %select_n3A_2051, %select_n3A_2050 : vector<56x128xi1>, vector<56x128xf32>
    %select_n3A_2062 = arith.select %eq3A_2059, %select_n3A_2054, %select_n3A_2051 : vector<56x128xi1>, vector<56x128xf32>
    %reduce_min3A_2063 = arith.constant dense<0x7F800000> : vector<56xf32>
    %reduce_min3A_2064 = vector.multi_reduction <minimumf>, %select_n3A_2060, %reduce_min3A_2063 [1] : vector<56x128xf32> to vector<56xf32>
    %broadcast_in_dim3A_2065 = vector.shape_cast %reduce_min3A_2064 : vector<56xf32> to vector<56x1xf32>
    %eq3A_2066 = vector.broadcast %broadcast_in_dim3A_2065 : vector<56x1xf32> to vector<56x128xf32>
    %eq3A_2067 = arith.cmpf oeq, %select_n3A_2060, %eq3A_2066 : vector<56x128xf32>
    %select_n3A_2068 = arith.select %eq3A_2067, %select_n3A_2061, %select_n3A_2060 : vector<56x128xi1>, vector<56x128xf32>
    %select_n3A_2069 = arith.select %eq3A_2067, %select_n3A_2062, %select_n3A_2061 : vector<56x128xi1>, vector<56x128xf32>
    %reduce_min3A_2070 = arith.constant dense<0x7F800000> : vector<56xf32>
    %reduce_min3A_2071 = vector.multi_reduction <minimumf>, %select_n3A_2068, %reduce_min3A_2070 [1] : vector<56x128xf32> to vector<56xf32>
    %broadcast_in_dim3A_2072 = vector.shape_cast %reduce_min3A_2071 : vector<56xf32> to vector<56x1xf32>
    %eq3A_2073 = vector.broadcast %broadcast_in_dim3A_2072 : vector<56x1xf32> to vector<56x128xf32>
    %eq3A_2074 = arith.cmpf oeq, %select_n3A_2068, %eq3A_2073 : vector<56x128xf32>
    %select_n3A_2075 = arith.select %eq3A_2074, %select_n3A_2069, %select_n3A_2068 : vector<56x128xi1>, vector<56x128xf32>
    %reduce_min3A_2076 = arith.constant dense<0x7F800000> : vector<56xf32>
    %reduce_min3A_2077 = vector.multi_reduction <minimumf>, %select_n3A_2075, %reduce_min3A_2076 [1] : vector<56x128xf32> to vector<56xf32>
    %broadcast_in_dim3A_2078 = vector.shape_cast %reduce_min3A_2077 : vector<56xf32> to vector<56x1xf32>
    %le3A_2079 = vector.broadcast %broadcast_in_dim3A_2078 : vector<56x1xf32> to vector<56x512xf32>
    %le3A_2080 = arith.cmpf ole, %sub3A_1996, %le3A_2079 : vector<56x512xf32>
    %slice3A_2081 = vector.extract_strided_slice %dot_general3A_1990 {offsets = [0, 0], sizes = [56, 512], strides = [1, 1]} : vector<56x1024xf32> to vector<56x512xf32>
    %add3A_2082 = vector.broadcast %get3A_16 : vector<1x512xf32> to vector<56x512xf32>
    %add3A_2083 = arith.addf %slice3A_2081, %add3A_2082 : vector<56x512xf32>
    %exp3A_2084 = math.exp %add3A_2083 : vector<56x512xf32>
    %reduce_sum3A_2085 = arith.constant dense<0.000000e+00> : vector<56xf32>
    %reduce_sum3A_2086 = vector.multi_reduction <add>, %exp3A_2084, %reduce_sum3A_2085 [1] : vector<56x512xf32> to vector<56xf32>
    %broadcast_in_dim3A_2087 = vector.shape_cast %reduce_sum3A_2086 : vector<56xf32> to vector<56x1xf32>
    %div3A_2088 = arith.constant 1.000000e+00 : f32
    %div3A_2089 = vector.broadcast %div3A_2088 : f32 to vector<56x1xf32>
    %div3A_2090 = arith.divf %div3A_2089, %broadcast_in_dim3A_2087 : vector<56x1xf32>
    %mul3A_2091 = vector.broadcast %div3A_2090 : vector<56x1xf32> to vector<56x512xf32>
    %mul3A_2092 = arith.mulf %exp3A_2084, %mul3A_2091 : vector<56x512xf32>
    %jit3A_2093 = arith.constant 0.000000e+00 : f32
    %broadcast_in_dim3A_2094 = vector.broadcast %jit3A_2093 : f32 to vector<56x512xf32>
    %select_n3A_2095 = arith.select %le3A_2080, %mul3A_2092, %broadcast_in_dim3A_2094 : vector<56x512xi1>, vector<56x512xf32>
    %swap3A_2096 = arith.constant 784 : index
    %swap3A_2097 = arith.constant 0 : index
    %swap3A_2098 = vector.load %arg7[%swap3A_2096, %swap3A_2097] : memref<1568x512xf32, #tpu.memory_space<vmem>>, vector<56x512xf32>
    tpu.vector_store %arg7[%swap3A_2096, %swap3A_2097], %select_n3A_2095 {strides = array<i32>} : memref<1568x512xf32, #tpu.memory_space<vmem>>, vector<56x512xf32>,
    %dot_general3A_2099 = arith.constant dense<0.000000e+00> : vector<56x32xf32>
    %dot_general3A_2100 = tpu.matmul %select_n3A_2095, %get3A_10, %dot_general3A_2099 {dimension_numbers = #tpu.dot_dimension_numbers<[1], [0], [0], [1], [0, 0, 1, 1], [], []>, transpose_lhs_hint = false} : vector<56x512xf32>, vector<512x32xf32>, vector<56x32xf32> -> vector<56x32xf32>
    %slice3A_2101 = vector.extract_strided_slice %get3A_7 {offsets = [784, 0], sizes = [56, 32], strides = [1, 1]} : vector<1568x32xf32> to vector<56x32xf32>
    %sub3A_2102 = arith.subf %dot_general3A_2100, %slice3A_2101 : vector<56x32xf32>
    %add3A_2103 = arith.addf %slice3A_2101, %sub3A_2102 : vector<56x32xf32>
    %swap3A_2104 = arith.constant 784 : index
    %swap3A_2105 = arith.constant 0 : index
    %swap3A_2106 = vector.load %arg8[%swap3A_2104, %swap3A_2105] : memref<1568x32xf32, #tpu.memory_space<vmem>>, vector<56x32xf32>
    tpu.vector_store %arg8[%swap3A_2104, %swap3A_2105], %add3A_2103 {strides = array<i32>} : memref<1568x32xf32, #tpu.memory_space<vmem>>, vector<56x32xf32>,
    %sub3A_2107 = arith.subf %slice3A_2101, %dot_general3A_2100 : vector<56x32xf32>
    %mul3A_2108 = arith.mulf %sub3A_2107, %sub3A_2107 : vector<56x32xf32>
    %reduce_sum3A_2109 = vector.shape_cast %mul3A_2108 : vector<56x32xf32> to vector<1x56x32xf32>
    %reduce_sum3A_2110 = arith.constant dense<0.000000e+00> : vector<1xf32>
    %reduce_sum3A_2111 = vector.multi_reduction <add>, %reduce_sum3A_2109, %reduce_sum3A_2110 [1, 2] : vector<1x56x32xf32> to vector<1xf32>
    %reduce_sum3A_2112 = vector.shape_cast %reduce_sum3A_2111 : vector<1xf32> to vector<1x1x1xf32>
    %reduce_sum3A_2113 = vector.extract %reduce_sum3A_2112[0, 0, 0] : f32 from vector<1x1x1xf32>
    %broadcast_in_dim3A_2114 = vector.broadcast %reduce_sum3A_2113 : f32 to vector<1x1xf32>
    %add3A_2115 = arith.addf %add3A_1974, %broadcast_in_dim3A_2114 : vector<1x1xf32>
    %reduce_sum3A_2116 = vector.shape_cast %select_n3A_2095 : vector<56x512xf32> to vector<1x56x512xf32>
    %reduce_sum3A_2117 = arith.constant dense<0.000000e+00> : vector<1xf32>
    %reduce_sum3A_2118 = vector.multi_reduction <add>, %reduce_sum3A_2116, %reduce_sum3A_2117 [1, 2] : vector<1x56x512xf32> to vector<1xf32>
    %reduce_sum3A_2119 = vector.shape_cast %reduce_sum3A_2118 : vector<1xf32> to vector<1x1x1xf32>
    %reduce_sum3A_2120 = vector.extract %reduce_sum3A_2119[0, 0, 0] : f32 from vector<1x1x1xf32>
    %broadcast_in_dim3A_2121 = vector.broadcast %reduce_sum3A_2120 : f32 to vector<1x1xf32>
    %add3A_2122 = arith.addf %add3A_1981, %broadcast_in_dim3A_2121 : vector<1x1xf32>
    %convert_element_type3A_2123 = arith.extui %le3A_2080 : vector<56x512xi1> to vector<56x512xi32>
    %convert_element_type3A_2124 = arith.sitofp %convert_element_type3A_2123 : vector<56x512xi32> to vector<56x512xf32>
    %reduce_sum3A_2125 = arith.constant dense<0.000000e+00> : vector<512xf32>
    %reduce_sum3A_2126 = vector.multi_reduction <add>, %convert_element_type3A_2124, %reduce_sum3A_2125 [0] : vector<56x512xf32> to vector<512xf32>
    %broadcast_in_dim3A_2127 = vector.shape_cast %reduce_sum3A_2126 : vector<512xf32> to vector<1x512xf32>
    %add3A_2128 = arith.addf %add3A_1987, %broadcast_in_dim3A_2127 : vector<1x512xf32>
    %slice3A_2129 = vector.extract_strided_slice %get3A_20 {offsets = [840, 0], sizes = [56, 32], strides = [1, 1]} : vector<1568x32xf32> to vector<56x32xf32>
    %dot_general3A_2130 = arith.constant dense<0.000000e+00> : vector<56x1024xf32>
    %dot_general3A_2131 = tpu.matmul %slice3A_2129, %get3A_13, %dot_general3A_2130 {dimension_numbers = #tpu.dot_dimension_numbers<[1], [0], [0], [1], [0, 0, 1, 1], [], []>, transpose_lhs_hint = false} : vector<56x32xf32>, vector<32x1024xf32>, vector<56x1024xf32> -> vector<56x1024xf32>
    %slice3A_2132 = vector.extract_strided_slice %dot_general3A_2131 {offsets = [0, 512], sizes = [56, 512], strides = [1, 1]} : vector<56x1024xf32> to vector<56x512xf32>
    %mul3A_2133 = arith.constant 2.000000e+00 : f32
    %mul3A_2134 = vector.broadcast %mul3A_2133 : f32 to vector<56x512xf32>
    %mul3A_2135 = arith.mulf %mul3A_2134, %slice3A_2132 : vector<56x512xf32>
    %sub3A_2136 = vector.broadcast %broadcast_in_dim3A : vector<1x512xf32> to vector<56x512xf32>
    %sub3A_2137 = arith.subf %sub3A_2136, %mul3A_2135 : vector<56x512xf32>
    %slice3A_2138 = vector.extract_strided_slice %sub3A_2137 {offsets = [0, 0], sizes = [56, 128], strides = [1, 1]} : vector<56x512xf32> to vector<56x128xf32>
    %slice3A_2139 = vector.extract_strided_slice %sub3A_2137 {offsets = [0, 128], sizes = [56, 128], strides = [1, 1]} : vector<56x512xf32> to vector<56x128xf32>
    %slice3A_2140 = vector.extract_strided_slice %sub3A_2137 {offsets = [0, 256], sizes = [56, 128], strides = [1, 1]} : vector<56x512xf32> to vector<56x128xf32>
    %slice3A_2141 = vector.extract_strided_slice %sub3A_2137 {offsets = [0, 384], sizes = [56, 128], strides = [1, 1]} : vector<56x512xf32> to vector<56x128xf32>
    %min3A_2142 = arith.minimumf %slice3A_2138, %slice3A_2139 : vector<56x128xf32>
    %max3A_2143 = arith.maximumf %slice3A_2138, %slice3A_2139 : vector<56x128xf32>
    %min3A_2144 = arith.minimumf %slice3A_2140, %slice3A_2141 : vector<56x128xf32>
    %max3A_2145 = arith.maximumf %slice3A_2140, %slice3A_2141 : vector<56x128xf32>
    %min3A_2146 = arith.minimumf %min3A_2142, %min3A_2144 : vector<56x128xf32>
    %max3A_2147 = arith.maximumf %max3A_2143, %max3A_2145 : vector<56x128xf32>
    %max3A_2148 = arith.maximumf %min3A_2142, %min3A_2144 : vector<56x128xf32>
    %min3A_2149 = arith.minimumf %max3A_2143, %max3A_2145 : vector<56x128xf32>
    %min3A_2150 = arith.minimumf %max3A_2148, %min3A_2149 : vector<56x128xf32>
    %max3A_2151 = arith.maximumf %max3A_2148, %min3A_2149 : vector<56x128xf32>
    %reduce_min3A_2152 = arith.constant dense<0x7F800000> : vector<56xf32>
    %reduce_min3A_2153 = vector.multi_reduction <minimumf>, %min3A_2146, %reduce_min3A_2152 [1] : vector<56x128xf32> to vector<56xf32>
    %broadcast_in_dim3A_2154 = vector.shape_cast %reduce_min3A_2153 : vector<56xf32> to vector<56x1xf32>
    %eq3A_2155 = vector.broadcast %broadcast_in_dim3A_2154 : vector<56x1xf32> to vector<56x128xf32>
    %eq3A_2156 = arith.cmpf oeq, %min3A_2146, %eq3A_2155 : vector<56x128xf32>
    %select_n3A_2157 = arith.select %eq3A_2156, %min3A_2150, %min3A_2146 : vector<56x128xi1>, vector<56x128xf32>
    %select_n3A_2158 = arith.select %eq3A_2156, %max3A_2151, %min3A_2150 : vector<56x128xi1>, vector<56x128xf32>
    %select_n3A_2159 = arith.select %eq3A_2156, %max3A_2147, %max3A_2151 : vector<56x128xi1>, vector<56x128xf32>
    %jit3A_2160 = arith.constant 0x7F800000 : f32
    %broadcast_in_dim3A_2161 = vector.broadcast %jit3A_2160 : f32 to vector<56x128xf32>
    %select_n3A_2162 = arith.select %eq3A_2156, %broadcast_in_dim3A_2161, %max3A_2147 : vector<56x128xi1>, vector<56x128xf32>
    %reduce_min3A_2163 = arith.constant dense<0x7F800000> : vector<56xf32>
    %reduce_min3A_2164 = vector.multi_reduction <minimumf>, %select_n3A_2157, %reduce_min3A_2163 [1] : vector<56x128xf32> to vector<56xf32>
    %broadcast_in_dim3A_2165 = vector.shape_cast %reduce_min3A_2164 : vector<56xf32> to vector<56x1xf32>
    %eq3A_2166 = vector.broadcast %broadcast_in_dim3A_2165 : vector<56x1xf32> to vector<56x128xf32>
    %eq3A_2167 = arith.cmpf oeq, %select_n3A_2157, %eq3A_2166 : vector<56x128xf32>
    %select_n3A_2168 = arith.select %eq3A_2167, %select_n3A_2158, %select_n3A_2157 : vector<56x128xi1>, vector<56x128xf32>
    %select_n3A_2169 = arith.select %eq3A_2167, %select_n3A_2159, %select_n3A_2158 : vector<56x128xi1>, vector<56x128xf32>
    %select_n3A_2170 = arith.select %eq3A_2167, %select_n3A_2162, %select_n3A_2159 : vector<56x128xi1>, vector<56x128xf32>
    %jit3A_2171 = arith.constant 0x7F800000 : f32
    %broadcast_in_dim3A_2172 = vector.broadcast %jit3A_2171 : f32 to vector<56x128xf32>
    %select_n3A_2173 = arith.select %eq3A_2167, %broadcast_in_dim3A_2172, %select_n3A_2162 : vector<56x128xi1>, vector<56x128xf32>
    %reduce_min3A_2174 = arith.constant dense<0x7F800000> : vector<56xf32>
    %reduce_min3A_2175 = vector.multi_reduction <minimumf>, %select_n3A_2168, %reduce_min3A_2174 [1] : vector<56x128xf32> to vector<56xf32>
    %broadcast_in_dim3A_2176 = vector.shape_cast %reduce_min3A_2175 : vector<56xf32> to vector<56x1xf32>
    %eq3A_2177 = vector.broadcast %broadcast_in_dim3A_2176 : vector<56x1xf32> to vector<56x128xf32>
    %eq3A_2178 = arith.cmpf oeq, %select_n3A_2168, %eq3A_2177 : vector<56x128xf32>
    %select_n3A_2179 = arith.select %eq3A_2178, %select_n3A_2169, %select_n3A_2168 : vector<56x128xi1>, vector<56x128xf32>
    %select_n3A_2180 = arith.select %eq3A_2178, %select_n3A_2170, %select_n3A_2169 : vector<56x128xi1>, vector<56x128xf32>
    %select_n3A_2181 = arith.select %eq3A_2178, %select_n3A_2173, %select_n3A_2170 : vector<56x128xi1>, vector<56x128xf32>
    %jit3A_2182 = arith.constant 0x7F800000 : f32
    %broadcast_in_dim3A_2183 = vector.broadcast %jit3A_2182 : f32 to vector<56x128xf32>
    %select_n3A_2184 = arith.select %eq3A_2178, %broadcast_in_dim3A_2183, %select_n3A_2173 : vector<56x128xi1>, vector<56x128xf32>
    %reduce_min3A_2185 = arith.constant dense<0x7F800000> : vector<56xf32>
    %reduce_min3A_2186 = vector.multi_reduction <minimumf>, %select_n3A_2179, %reduce_min3A_2185 [1] : vector<56x128xf32> to vector<56xf32>
    %broadcast_in_dim3A_2187 = vector.shape_cast %reduce_min3A_2186 : vector<56xf32> to vector<56x1xf32>
    %eq3A_2188 = vector.broadcast %broadcast_in_dim3A_2187 : vector<56x1xf32> to vector<56x128xf32>
    %eq3A_2189 = arith.cmpf oeq, %select_n3A_2179, %eq3A_2188 : vector<56x128xf32>
    %select_n3A_2190 = arith.select %eq3A_2189, %select_n3A_2180, %select_n3A_2179 : vector<56x128xi1>, vector<56x128xf32>
    %select_n3A_2191 = arith.select %eq3A_2189, %select_n3A_2181, %select_n3A_2180 : vector<56x128xi1>, vector<56x128xf32>
    %select_n3A_2192 = arith.select %eq3A_2189, %select_n3A_2184, %select_n3A_2181 : vector<56x128xi1>, vector<56x128xf32>
    %jit3A_2193 = arith.constant 0x7F800000 : f32
    %broadcast_in_dim3A_2194 = vector.broadcast %jit3A_2193 : f32 to vector<56x128xf32>
    %select_n3A_2195 = arith.select %eq3A_2189, %broadcast_in_dim3A_2194, %select_n3A_2184 : vector<56x128xi1>, vector<56x128xf32>
    %reduce_min3A_2196 = arith.constant dense<0x7F800000> : vector<56xf32>
    %reduce_min3A_2197 = vector.multi_reduction <minimumf>, %select_n3A_2190, %reduce_min3A_2196 [1] : vector<56x128xf32> to vector<56xf32>
    %broadcast_in_dim3A_2198 = vector.shape_cast %reduce_min3A_2197 : vector<56xf32> to vector<56x1xf32>
    %eq3A_2199 = vector.broadcast %broadcast_in_dim3A_2198 : vector<56x1xf32> to vector<56x128xf32>
    %eq3A_2200 = arith.cmpf oeq, %select_n3A_2190, %eq3A_2199 : vector<56x128xf32>
    %select_n3A_2201 = arith.select %eq3A_2200, %select_n3A_2191, %select_n3A_2190 : vector<56x128xi1>, vector<56x128xf32>
    %select_n3A_2202 = arith.select %eq3A_2200, %select_n3A_2192, %select_n3A_2191 : vector<56x128xi1>, vector<56x128xf32>
    %select_n3A_2203 = arith.select %eq3A_2200, %select_n3A_2195, %select_n3A_2192 : vector<56x128xi1>, vector<56x128xf32>
    %reduce_min3A_2204 = arith.constant dense<0x7F800000> : vector<56xf32>
    %reduce_min3A_2205 = vector.multi_reduction <minimumf>, %select_n3A_2201, %reduce_min3A_2204 [1] : vector<56x128xf32> to vector<56xf32>
    %broadcast_in_dim3A_2206 = vector.shape_cast %reduce_min3A_2205 : vector<56xf32> to vector<56x1xf32>
    %eq3A_2207 = vector.broadcast %broadcast_in_dim3A_2206 : vector<56x1xf32> to vector<56x128xf32>
    %eq3A_2208 = arith.cmpf oeq, %select_n3A_2201, %eq3A_2207 : vector<56x128xf32>
    %select_n3A_2209 = arith.select %eq3A_2208, %select_n3A_2202, %select_n3A_2201 : vector<56x128xi1>, vector<56x128xf32>
    %select_n3A_2210 = arith.select %eq3A_2208, %select_n3A_2203, %select_n3A_2202 : vector<56x128xi1>, vector<56x128xf32>
    %reduce_min3A_2211 = arith.constant dense<0x7F800000> : vector<56xf32>
    %reduce_min3A_2212 = vector.multi_reduction <minimumf>, %select_n3A_2209, %reduce_min3A_2211 [1] : vector<56x128xf32> to vector<56xf32>
    %broadcast_in_dim3A_2213 = vector.shape_cast %reduce_min3A_2212 : vector<56xf32> to vector<56x1xf32>
    %eq3A_2214 = vector.broadcast %broadcast_in_dim3A_2213 : vector<56x1xf32> to vector<56x128xf32>
    %eq3A_2215 = arith.cmpf oeq, %select_n3A_2209, %eq3A_2214 : vector<56x128xf32>
    %select_n3A_2216 = arith.select %eq3A_2215, %select_n3A_2210, %select_n3A_2209 : vector<56x128xi1>, vector<56x128xf32>
    %reduce_min3A_2217 = arith.constant dense<0x7F800000> : vector<56xf32>
    %reduce_min3A_2218 = vector.multi_reduction <minimumf>, %select_n3A_2216, %reduce_min3A_2217 [1] : vector<56x128xf32> to vector<56xf32>
    %broadcast_in_dim3A_2219 = vector.shape_cast %reduce_min3A_2218 : vector<56xf32> to vector<56x1xf32>
    %le3A_2220 = vector.broadcast %broadcast_in_dim3A_2219 : vector<56x1xf32> to vector<56x512xf32>
    %le3A_2221 = arith.cmpf ole, %sub3A_2137, %le3A_2220 : vector<56x512xf32>
    %slice3A_2222 = vector.extract_strided_slice %dot_general3A_2131 {offsets = [0, 0], sizes = [56, 512], strides = [1, 1]} : vector<56x1024xf32> to vector<56x512xf32>
    %add3A_2223 = vector.broadcast %get3A_16 : vector<1x512xf32> to vector<56x512xf32>
    %add3A_2224 = arith.addf %slice3A_2222, %add3A_2223 : vector<56x512xf32>
    %exp3A_2225 = math.exp %add3A_2224 : vector<56x512xf32>
    %reduce_sum3A_2226 = arith.constant dense<0.000000e+00> : vector<56xf32>
    %reduce_sum3A_2227 = vector.multi_reduction <add>, %exp3A_2225, %reduce_sum3A_2226 [1] : vector<56x512xf32> to vector<56xf32>
    %broadcast_in_dim3A_2228 = vector.shape_cast %reduce_sum3A_2227 : vector<56xf32> to vector<56x1xf32>
    %div3A_2229 = arith.constant 1.000000e+00 : f32
    %div3A_2230 = vector.broadcast %div3A_2229 : f32 to vector<56x1xf32>
    %div3A_2231 = arith.divf %div3A_2230, %broadcast_in_dim3A_2228 : vector<56x1xf32>
    %mul3A_2232 = vector.broadcast %div3A_2231 : vector<56x1xf32> to vector<56x512xf32>
    %mul3A_2233 = arith.mulf %exp3A_2225, %mul3A_2232 : vector<56x512xf32>
    %jit3A_2234 = arith.constant 0.000000e+00 : f32
    %broadcast_in_dim3A_2235 = vector.broadcast %jit3A_2234 : f32 to vector<56x512xf32>
    %select_n3A_2236 = arith.select %le3A_2221, %mul3A_2233, %broadcast_in_dim3A_2235 : vector<56x512xi1>, vector<56x512xf32>
    %swap3A_2237 = arith.constant 840 : index
    %swap3A_2238 = arith.constant 0 : index
    %swap3A_2239 = vector.load %arg7[%swap3A_2237, %swap3A_2238] : memref<1568x512xf32, #tpu.memory_space<vmem>>, vector<56x512xf32>
    tpu.vector_store %arg7[%swap3A_2237, %swap3A_2238], %select_n3A_2236 {strides = array<i32>} : memref<1568x512xf32, #tpu.memory_space<vmem>>, vector<56x512xf32>,
    %dot_general3A_2240 = arith.constant dense<0.000000e+00> : vector<56x32xf32>
    %dot_general3A_2241 = tpu.matmul %select_n3A_2236, %get3A_10, %dot_general3A_2240 {dimension_numbers = #tpu.dot_dimension_numbers<[1], [0], [0], [1], [0, 0, 1, 1], [], []>, transpose_lhs_hint = false} : vector<56x512xf32>, vector<512x32xf32>, vector<56x32xf32> -> vector<56x32xf32>
    %slice3A_2242 = vector.extract_strided_slice %get3A_7 {offsets = [840, 0], sizes = [56, 32], strides = [1, 1]} : vector<1568x32xf32> to vector<56x32xf32>
    %sub3A_2243 = arith.subf %dot_general3A_2241, %slice3A_2242 : vector<56x32xf32>
    %add3A_2244 = arith.addf %slice3A_2242, %sub3A_2243 : vector<56x32xf32>
    %swap3A_2245 = arith.constant 840 : index
    %swap3A_2246 = arith.constant 0 : index
    %swap3A_2247 = vector.load %arg8[%swap3A_2245, %swap3A_2246] : memref<1568x32xf32, #tpu.memory_space<vmem>>, vector<56x32xf32>
    tpu.vector_store %arg8[%swap3A_2245, %swap3A_2246], %add3A_2244 {strides = array<i32>} : memref<1568x32xf32, #tpu.memory_space<vmem>>, vector<56x32xf32>,
    %sub3A_2248 = arith.subf %slice3A_2242, %dot_general3A_2241 : vector<56x32xf32>
    %mul3A_2249 = arith.mulf %sub3A_2248, %sub3A_2248 : vector<56x32xf32>
    %reduce_sum3A_2250 = vector.shape_cast %mul3A_2249 : vector<56x32xf32> to vector<1x56x32xf32>
    %reduce_sum3A_2251 = arith.constant dense<0.000000e+00> : vector<1xf32>
    %reduce_sum3A_2252 = vector.multi_reduction <add>, %reduce_sum3A_2250, %reduce_sum3A_2251 [1, 2] : vector<1x56x32xf32> to vector<1xf32>
    %reduce_sum3A_2253 = vector.shape_cast %reduce_sum3A_2252 : vector<1xf32> to vector<1x1x1xf32>
    %reduce_sum3A_2254 = vector.extract %reduce_sum3A_2253[0, 0, 0] : f32 from vector<1x1x1xf32>
    %broadcast_in_dim3A_2255 = vector.broadcast %reduce_sum3A_2254 : f32 to vector<1x1xf32>
    %add3A_2256 = arith.addf %add3A_2115, %broadcast_in_dim3A_2255 : vector<1x1xf32>
    %reduce_sum3A_2257 = vector.shape_cast %select_n3A_2236 : vector<56x512xf32> to vector<1x56x512xf32>
    %reduce_sum3A_2258 = arith.constant dense<0.000000e+00> : vector<1xf32>
    %reduce_sum3A_2259 = vector.multi_reduction <add>, %reduce_sum3A_2257, %reduce_sum3A_2258 [1, 2] : vector<1x56x512xf32> to vector<1xf32>
    %reduce_sum3A_2260 = vector.shape_cast %reduce_sum3A_2259 : vector<1xf32> to vector<1x1x1xf32>
    %reduce_sum3A_2261 = vector.extract %reduce_sum3A_2260[0, 0, 0] : f32 from vector<1x1x1xf32>
    %broadcast_in_dim3A_2262 = vector.broadcast %reduce_sum3A_2261 : f32 to vector<1x1xf32>
    %add3A_2263 = arith.addf %add3A_2122, %broadcast_in_dim3A_2262 : vector<1x1xf32>
    %convert_element_type3A_2264 = arith.extui %le3A_2221 : vector<56x512xi1> to vector<56x512xi32>
    %convert_element_type3A_2265 = arith.sitofp %convert_element_type3A_2264 : vector<56x512xi32> to vector<56x512xf32>
    %reduce_sum3A_2266 = arith.constant dense<0.000000e+00> : vector<512xf32>
    %reduce_sum3A_2267 = vector.multi_reduction <add>, %convert_element_type3A_2265, %reduce_sum3A_2266 [0] : vector<56x512xf32> to vector<512xf32>
    %broadcast_in_dim3A_2268 = vector.shape_cast %reduce_sum3A_2267 : vector<512xf32> to vector<1x512xf32>
    %add3A_2269 = arith.addf %add3A_2128, %broadcast_in_dim3A_2268 : vector<1x512xf32>
    %slice3A_2270 = vector.extract_strided_slice %get3A_20 {offsets = [896, 0], sizes = [56, 32], strides = [1, 1]} : vector<1568x32xf32> to vector<56x32xf32>
    %dot_general3A_2271 = arith.constant dense<0.000000e+00> : vector<56x1024xf32>
    %dot_general3A_2272 = tpu.matmul %slice3A_2270, %get3A_13, %dot_general3A_2271 {dimension_numbers = #tpu.dot_dimension_numbers<[1], [0], [0], [1], [0, 0, 1, 1], [], []>, transpose_lhs_hint = false} : vector<56x32xf32>, vector<32x1024xf32>, vector<56x1024xf32> -> vector<56x1024xf32>
    %slice3A_2273 = vector.extract_strided_slice %dot_general3A_2272 {offsets = [0, 512], sizes = [56, 512], strides = [1, 1]} : vector<56x1024xf32> to vector<56x512xf32>
    %mul3A_2274 = arith.constant 2.000000e+00 : f32
    %mul3A_2275 = vector.broadcast %mul3A_2274 : f32 to vector<56x512xf32>
    %mul3A_2276 = arith.mulf %mul3A_2275, %slice3A_2273 : vector<56x512xf32>
    %sub3A_2277 = vector.broadcast %broadcast_in_dim3A : vector<1x512xf32> to vector<56x512xf32>
    %sub3A_2278 = arith.subf %sub3A_2277, %mul3A_2276 : vector<56x512xf32>
    %slice3A_2279 = vector.extract_strided_slice %sub3A_2278 {offsets = [0, 0], sizes = [56, 128], strides = [1, 1]} : vector<56x512xf32> to vector<56x128xf32>
    %slice3A_2280 = vector.extract_strided_slice %sub3A_2278 {offsets = [0, 128], sizes = [56, 128], strides = [1, 1]} : vector<56x512xf32> to vector<56x128xf32>
    %slice3A_2281 = vector.extract_strided_slice %sub3A_2278 {offsets = [0, 256], sizes = [56, 128], strides = [1, 1]} : vector<56x512xf32> to vector<56x128xf32>
    %slice3A_2282 = vector.extract_strided_slice %sub3A_2278 {offsets = [0, 384], sizes = [56, 128], strides = [1, 1]} : vector<56x512xf32> to vector<56x128xf32>
    %min3A_2283 = arith.minimumf %slice3A_2279, %slice3A_2280 : vector<56x128xf32>
    %max3A_2284 = arith.maximumf %slice3A_2279, %slice3A_2280 : vector<56x128xf32>
    %min3A_2285 = arith.minimumf %slice3A_2281, %slice3A_2282 : vector<56x128xf32>
    %max3A_2286 = arith.maximumf %slice3A_2281, %slice3A_2282 : vector<56x128xf32>
    %min3A_2287 = arith.minimumf %min3A_2283, %min3A_2285 : vector<56x128xf32>
    %max3A_2288 = arith.maximumf %max3A_2284, %max3A_2286 : vector<56x128xf32>
    %max3A_2289 = arith.maximumf %min3A_2283, %min3A_2285 : vector<56x128xf32>
    %min3A_2290 = arith.minimumf %max3A_2284, %max3A_2286 : vector<56x128xf32>
    %min3A_2291 = arith.minimumf %max3A_2289, %min3A_2290 : vector<56x128xf32>
    %max3A_2292 = arith.maximumf %max3A_2289, %min3A_2290 : vector<56x128xf32>
    %reduce_min3A_2293 = arith.constant dense<0x7F800000> : vector<56xf32>
    %reduce_min3A_2294 = vector.multi_reduction <minimumf>, %min3A_2287, %reduce_min3A_2293 [1] : vector<56x128xf32> to vector<56xf32>
    %broadcast_in_dim3A_2295 = vector.shape_cast %reduce_min3A_2294 : vector<56xf32> to vector<56x1xf32>
    %eq3A_2296 = vector.broadcast %broadcast_in_dim3A_2295 : vector<56x1xf32> to vector<56x128xf32>
    %eq3A_2297 = arith.cmpf oeq, %min3A_2287, %eq3A_2296 : vector<56x128xf32>
    %select_n3A_2298 = arith.select %eq3A_2297, %min3A_2291, %min3A_2287 : vector<56x128xi1>, vector<56x128xf32>
    %select_n3A_2299 = arith.select %eq3A_2297, %max3A_2292, %min3A_2291 : vector<56x128xi1>, vector<56x128xf32>
    %select_n3A_2300 = arith.select %eq3A_2297, %max3A_2288, %max3A_2292 : vector<56x128xi1>, vector<56x128xf32>
    %jit3A_2301 = arith.constant 0x7F800000 : f32
    %broadcast_in_dim3A_2302 = vector.broadcast %jit3A_2301 : f32 to vector<56x128xf32>
    %select_n3A_2303 = arith.select %eq3A_2297, %broadcast_in_dim3A_2302, %max3A_2288 : vector<56x128xi1>, vector<56x128xf32>
    %reduce_min3A_2304 = arith.constant dense<0x7F800000> : vector<56xf32>
    %reduce_min3A_2305 = vector.multi_reduction <minimumf>, %select_n3A_2298, %reduce_min3A_2304 [1] : vector<56x128xf32> to vector<56xf32>
    %broadcast_in_dim3A_2306 = vector.shape_cast %reduce_min3A_2305 : vector<56xf32> to vector<56x1xf32>
    %eq3A_2307 = vector.broadcast %broadcast_in_dim3A_2306 : vector<56x1xf32> to vector<56x128xf32>
    %eq3A_2308 = arith.cmpf oeq, %select_n3A_2298, %eq3A_2307 : vector<56x128xf32>
    %select_n3A_2309 = arith.select %eq3A_2308, %select_n3A_2299, %select_n3A_2298 : vector<56x128xi1>, vector<56x128xf32>
    %select_n3A_2310 = arith.select %eq3A_2308, %select_n3A_2300, %select_n3A_2299 : vector<56x128xi1>, vector<56x128xf32>
    %select_n3A_2311 = arith.select %eq3A_2308, %select_n3A_2303, %select_n3A_2300 : vector<56x128xi1>, vector<56x128xf32>
    %jit3A_2312 = arith.constant 0x7F800000 : f32
    %broadcast_in_dim3A_2313 = vector.broadcast %jit3A_2312 : f32 to vector<56x128xf32>
    %select_n3A_2314 = arith.select %eq3A_2308, %broadcast_in_dim3A_2313, %select_n3A_2303 : vector<56x128xi1>, vector<56x128xf32>
    %reduce_min3A_2315 = arith.constant dense<0x7F800000> : vector<56xf32>
    %reduce_min3A_2316 = vector.multi_reduction <minimumf>, %select_n3A_2309, %reduce_min3A_2315 [1] : vector<56x128xf32> to vector<56xf32>
    %broadcast_in_dim3A_2317 = vector.shape_cast %reduce_min3A_2316 : vector<56xf32> to vector<56x1xf32>
    %eq3A_2318 = vector.broadcast %broadcast_in_dim3A_2317 : vector<56x1xf32> to vector<56x128xf32>
    %eq3A_2319 = arith.cmpf oeq, %select_n3A_2309, %eq3A_2318 : vector<56x128xf32>
    %select_n3A_2320 = arith.select %eq3A_2319, %select_n3A_2310, %select_n3A_2309 : vector<56x128xi1>, vector<56x128xf32>
    %select_n3A_2321 = arith.select %eq3A_2319, %select_n3A_2311, %select_n3A_2310 : vector<56x128xi1>, vector<56x128xf32>
    %select_n3A_2322 = arith.select %eq3A_2319, %select_n3A_2314, %select_n3A_2311 : vector<56x128xi1>, vector<56x128xf32>
    %jit3A_2323 = arith.constant 0x7F800000 : f32
    %broadcast_in_dim3A_2324 = vector.broadcast %jit3A_2323 : f32 to vector<56x128xf32>
    %select_n3A_2325 = arith.select %eq3A_2319, %broadcast_in_dim3A_2324, %select_n3A_2314 : vector<56x128xi1>, vector<56x128xf32>
    %reduce_min3A_2326 = arith.constant dense<0x7F800000> : vector<56xf32>
    %reduce_min3A_2327 = vector.multi_reduction <minimumf>, %select_n3A_2320, %reduce_min3A_2326 [1] : vector<56x128xf32> to vector<56xf32>
    %broadcast_in_dim3A_2328 = vector.shape_cast %reduce_min3A_2327 : vector<56xf32> to vector<56x1xf32>
    %eq3A_2329 = vector.broadcast %broadcast_in_dim3A_2328 : vector<56x1xf32> to vector<56x128xf32>
    %eq3A_2330 = arith.cmpf oeq, %select_n3A_2320, %eq3A_2329 : vector<56x128xf32>
    %select_n3A_2331 = arith.select %eq3A_2330, %select_n3A_2321, %select_n3A_2320 : vector<56x128xi1>, vector<56x128xf32>
    %select_n3A_2332 = arith.select %eq3A_2330, %select_n3A_2322, %select_n3A_2321 : vector<56x128xi1>, vector<56x128xf32>
    %select_n3A_2333 = arith.select %eq3A_2330, %select_n3A_2325, %select_n3A_2322 : vector<56x128xi1>, vector<56x128xf32>
    %jit3A_2334 = arith.constant 0x7F800000 : f32
    %broadcast_in_dim3A_2335 = vector.broadcast %jit3A_2334 : f32 to vector<56x128xf32>
    %select_n3A_2336 = arith.select %eq3A_2330, %broadcast_in_dim3A_2335, %select_n3A_2325 : vector<56x128xi1>, vector<56x128xf32>
    %reduce_min3A_2337 = arith.constant dense<0x7F800000> : vector<56xf32>
    %reduce_min3A_2338 = vector.multi_reduction <minimumf>, %select_n3A_2331, %reduce_min3A_2337 [1] : vector<56x128xf32> to vector<56xf32>
    %broadcast_in_dim3A_2339 = vector.shape_cast %reduce_min3A_2338 : vector<56xf32> to vector<56x1xf32>
    %eq3A_2340 = vector.broadcast %broadcast_in_dim3A_2339 : vector<56x1xf32> to vector<56x128xf32>
    %eq3A_2341 = arith.cmpf oeq, %select_n3A_2331, %eq3A_2340 : vector<56x128xf32>
    %select_n3A_2342 = arith.select %eq3A_2341, %select_n3A_2332, %select_n3A_2331 : vector<56x128xi1>, vector<56x128xf32>
    %select_n3A_2343 = arith.select %eq3A_2341, %select_n3A_2333, %select_n3A_2332 : vector<56x128xi1>, vector<56x128xf32>
    %select_n3A_2344 = arith.select %eq3A_2341, %select_n3A_2336, %select_n3A_2333 : vector<56x128xi1>, vector<56x128xf32>
    %reduce_min3A_2345 = arith.constant dense<0x7F800000> : vector<56xf32>
    %reduce_min3A_2346 = vector.multi_reduction <minimumf>, %select_n3A_2342, %reduce_min3A_2345 [1] : vector<56x128xf32> to vector<56xf32>
    %broadcast_in_dim3A_2347 = vector.shape_cast %reduce_min3A_2346 : vector<56xf32> to vector<56x1xf32>
    %eq3A_2348 = vector.broadcast %broadcast_in_dim3A_2347 : vector<56x1xf32> to vector<56x128xf32>
    %eq3A_2349 = arith.cmpf oeq, %select_n3A_2342, %eq3A_2348 : vector<56x128xf32>
    %select_n3A_2350 = arith.select %eq3A_2349, %select_n3A_2343, %select_n3A_2342 : vector<56x128xi1>, vector<56x128xf32>
    %select_n3A_2351 = arith.select %eq3A_2349, %select_n3A_2344, %select_n3A_2343 : vector<56x128xi1>, vector<56x128xf32>
    %reduce_min3A_2352 = arith.constant dense<0x7F800000> : vector<56xf32>
    %reduce_min3A_2353 = vector.multi_reduction <minimumf>, %select_n3A_2350, %reduce_min3A_2352 [1] : vector<56x128xf32> to vector<56xf32>
    %broadcast_in_dim3A_2354 = vector.shape_cast %reduce_min3A_2353 : vector<56xf32> to vector<56x1xf32>
    %eq3A_2355 = vector.broadcast %broadcast_in_dim3A_2354 : vector<56x1xf32> to vector<56x128xf32>
    %eq3A_2356 = arith.cmpf oeq, %select_n3A_2350, %eq3A_2355 : vector<56x128xf32>
    %select_n3A_2357 = arith.select %eq3A_2356, %select_n3A_2351, %select_n3A_2350 : vector<56x128xi1>, vector<56x128xf32>
    %reduce_min3A_2358 = arith.constant dense<0x7F800000> : vector<56xf32>
    %reduce_min3A_2359 = vector.multi_reduction <minimumf>, %select_n3A_2357, %reduce_min3A_2358 [1] : vector<56x128xf32> to vector<56xf32>
    %broadcast_in_dim3A_2360 = vector.shape_cast %reduce_min3A_2359 : vector<56xf32> to vector<56x1xf32>
    %le3A_2361 = vector.broadcast %broadcast_in_dim3A_2360 : vector<56x1xf32> to vector<56x512xf32>
    %le3A_2362 = arith.cmpf ole, %sub3A_2278, %le3A_2361 : vector<56x512xf32>
    %slice3A_2363 = vector.extract_strided_slice %dot_general3A_2272 {offsets = [0, 0], sizes = [56, 512], strides = [1, 1]} : vector<56x1024xf32> to vector<56x512xf32>
    %add3A_2364 = vector.broadcast %get3A_16 : vector<1x512xf32> to vector<56x512xf32>
    %add3A_2365 = arith.addf %slice3A_2363, %add3A_2364 : vector<56x512xf32>
    %exp3A_2366 = math.exp %add3A_2365 : vector<56x512xf32>
    %reduce_sum3A_2367 = arith.constant dense<0.000000e+00> : vector<56xf32>
    %reduce_sum3A_2368 = vector.multi_reduction <add>, %exp3A_2366, %reduce_sum3A_2367 [1] : vector<56x512xf32> to vector<56xf32>
    %broadcast_in_dim3A_2369 = vector.shape_cast %reduce_sum3A_2368 : vector<56xf32> to vector<56x1xf32>
    %div3A_2370 = arith.constant 1.000000e+00 : f32
    %div3A_2371 = vector.broadcast %div3A_2370 : f32 to vector<56x1xf32>
    %div3A_2372 = arith.divf %div3A_2371, %broadcast_in_dim3A_2369 : vector<56x1xf32>
    %mul3A_2373 = vector.broadcast %div3A_2372 : vector<56x1xf32> to vector<56x512xf32>
    %mul3A_2374 = arith.mulf %exp3A_2366, %mul3A_2373 : vector<56x512xf32>
    %jit3A_2375 = arith.constant 0.000000e+00 : f32
    %broadcast_in_dim3A_2376 = vector.broadcast %jit3A_2375 : f32 to vector<56x512xf32>
    %select_n3A_2377 = arith.select %le3A_2362, %mul3A_2374, %broadcast_in_dim3A_2376 : vector<56x512xi1>, vector<56x512xf32>
    %swap3A_2378 = arith.constant 896 : index
    %swap3A_2379 = arith.constant 0 : index
    %swap3A_2380 = vector.load %arg7[%swap3A_2378, %swap3A_2379] : memref<1568x512xf32, #tpu.memory_space<vmem>>, vector<56x512xf32>
    tpu.vector_store %arg7[%swap3A_2378, %swap3A_2379], %select_n3A_2377 {strides = array<i32>} : memref<1568x512xf32, #tpu.memory_space<vmem>>, vector<56x512xf32>,
    %dot_general3A_2381 = arith.constant dense<0.000000e+00> : vector<56x32xf32>
    %dot_general3A_2382 = tpu.matmul %select_n3A_2377, %get3A_10, %dot_general3A_2381 {dimension_numbers = #tpu.dot_dimension_numbers<[1], [0], [0], [1], [0, 0, 1, 1], [], []>, transpose_lhs_hint = false} : vector<56x512xf32>, vector<512x32xf32>, vector<56x32xf32> -> vector<56x32xf32>
    %slice3A_2383 = vector.extract_strided_slice %get3A_7 {offsets = [896, 0], sizes = [56, 32], strides = [1, 1]} : vector<1568x32xf32> to vector<56x32xf32>
    %sub3A_2384 = arith.subf %dot_general3A_2382, %slice3A_2383 : vector<56x32xf32>
    %add3A_2385 = arith.addf %slice3A_2383, %sub3A_2384 : vector<56x32xf32>
    %swap3A_2386 = arith.constant 896 : index
    %swap3A_2387 = arith.constant 0 : index
    %swap3A_2388 = vector.load %arg8[%swap3A_2386, %swap3A_2387] : memref<1568x32xf32, #tpu.memory_space<vmem>>, vector<56x32xf32>
    tpu.vector_store %arg8[%swap3A_2386, %swap3A_2387], %add3A_2385 {strides = array<i32>} : memref<1568x32xf32, #tpu.memory_space<vmem>>, vector<56x32xf32>,
    %sub3A_2389 = arith.subf %slice3A_2383, %dot_general3A_2382 : vector<56x32xf32>
    %mul3A_2390 = arith.mulf %sub3A_2389, %sub3A_2389 : vector<56x32xf32>
    %reduce_sum3A_2391 = vector.shape_cast %mul3A_2390 : vector<56x32xf32> to vector<1x56x32xf32>
    %reduce_sum3A_2392 = arith.constant dense<0.000000e+00> : vector<1xf32>
    %reduce_sum3A_2393 = vector.multi_reduction <add>, %reduce_sum3A_2391, %reduce_sum3A_2392 [1, 2] : vector<1x56x32xf32> to vector<1xf32>
    %reduce_sum3A_2394 = vector.shape_cast %reduce_sum3A_2393 : vector<1xf32> to vector<1x1x1xf32>
    %reduce_sum3A_2395 = vector.extract %reduce_sum3A_2394[0, 0, 0] : f32 from vector<1x1x1xf32>
    %broadcast_in_dim3A_2396 = vector.broadcast %reduce_sum3A_2395 : f32 to vector<1x1xf32>
    %add3A_2397 = arith.addf %add3A_2256, %broadcast_in_dim3A_2396 : vector<1x1xf32>
    %reduce_sum3A_2398 = vector.shape_cast %select_n3A_2377 : vector<56x512xf32> to vector<1x56x512xf32>
    %reduce_sum3A_2399 = arith.constant dense<0.000000e+00> : vector<1xf32>
    %reduce_sum3A_2400 = vector.multi_reduction <add>, %reduce_sum3A_2398, %reduce_sum3A_2399 [1, 2] : vector<1x56x512xf32> to vector<1xf32>
    %reduce_sum3A_2401 = vector.shape_cast %reduce_sum3A_2400 : vector<1xf32> to vector<1x1x1xf32>
    %reduce_sum3A_2402 = vector.extract %reduce_sum3A_2401[0, 0, 0] : f32 from vector<1x1x1xf32>
    %broadcast_in_dim3A_2403 = vector.broadcast %reduce_sum3A_2402 : f32 to vector<1x1xf32>
    %add3A_2404 = arith.addf %add3A_2263, %broadcast_in_dim3A_2403 : vector<1x1xf32>
    %convert_element_type3A_2405 = arith.extui %le3A_2362 : vector<56x512xi1> to vector<56x512xi32>
    %convert_element_type3A_2406 = arith.sitofp %convert_element_type3A_2405 : vector<56x512xi32> to vector<56x512xf32>
    %reduce_sum3A_2407 = arith.constant dense<0.000000e+00> : vector<512xf32>
    %reduce_sum3A_2408 = vector.multi_reduction <add>, %convert_element_type3A_2406, %reduce_sum3A_2407 [0] : vector<56x512xf32> to vector<512xf32>
    %broadcast_in_dim3A_2409 = vector.shape_cast %reduce_sum3A_2408 : vector<512xf32> to vector<1x512xf32>
    %add3A_2410 = arith.addf %add3A_2269, %broadcast_in_dim3A_2409 : vector<1x512xf32>
    %slice3A_2411 = vector.extract_strided_slice %get3A_20 {offsets = [952, 0], sizes = [56, 32], strides = [1, 1]} : vector<1568x32xf32> to vector<56x32xf32>
    %dot_general3A_2412 = arith.constant dense<0.000000e+00> : vector<56x1024xf32>
    %dot_general3A_2413 = tpu.matmul %slice3A_2411, %get3A_13, %dot_general3A_2412 {dimension_numbers = #tpu.dot_dimension_numbers<[1], [0], [0], [1], [0, 0, 1, 1], [], []>, transpose_lhs_hint = false} : vector<56x32xf32>, vector<32x1024xf32>, vector<56x1024xf32> -> vector<56x1024xf32>
    %slice3A_2414 = vector.extract_strided_slice %dot_general3A_2413 {offsets = [0, 512], sizes = [56, 512], strides = [1, 1]} : vector<56x1024xf32> to vector<56x512xf32>
    %mul3A_2415 = arith.constant 2.000000e+00 : f32
    %mul3A_2416 = vector.broadcast %mul3A_2415 : f32 to vector<56x512xf32>
    %mul3A_2417 = arith.mulf %mul3A_2416, %slice3A_2414 : vector<56x512xf32>
    %sub3A_2418 = vector.broadcast %broadcast_in_dim3A : vector<1x512xf32> to vector<56x512xf32>
    %sub3A_2419 = arith.subf %sub3A_2418, %mul3A_2417 : vector<56x512xf32>
    %slice3A_2420 = vector.extract_strided_slice %sub3A_2419 {offsets = [0, 0], sizes = [56, 128], strides = [1, 1]} : vector<56x512xf32> to vector<56x128xf32>
    %slice3A_2421 = vector.extract_strided_slice %sub3A_2419 {offsets = [0, 128], sizes = [56, 128], strides = [1, 1]} : vector<56x512xf32> to vector<56x128xf32>
    %slice3A_2422 = vector.extract_strided_slice %sub3A_2419 {offsets = [0, 256], sizes = [56, 128], strides = [1, 1]} : vector<56x512xf32> to vector<56x128xf32>
    %slice3A_2423 = vector.extract_strided_slice %sub3A_2419 {offsets = [0, 384], sizes = [56, 128], strides = [1, 1]} : vector<56x512xf32> to vector<56x128xf32>
    %min3A_2424 = arith.minimumf %slice3A_2420, %slice3A_2421 : vector<56x128xf32>
    %max3A_2425 = arith.maximumf %slice3A_2420, %slice3A_2421 : vector<56x128xf32>
    %min3A_2426 = arith.minimumf %slice3A_2422, %slice3A_2423 : vector<56x128xf32>
    %max3A_2427 = arith.maximumf %slice3A_2422, %slice3A_2423 : vector<56x128xf32>
    %min3A_2428 = arith.minimumf %min3A_2424, %min3A_2426 : vector<56x128xf32>
    %max3A_2429 = arith.maximumf %max3A_2425, %max3A_2427 : vector<56x128xf32>
    %max3A_2430 = arith.maximumf %min3A_2424, %min3A_2426 : vector<56x128xf32>
    %min3A_2431 = arith.minimumf %max3A_2425, %max3A_2427 : vector<56x128xf32>
    %min3A_2432 = arith.minimumf %max3A_2430, %min3A_2431 : vector<56x128xf32>
    %max3A_2433 = arith.maximumf %max3A_2430, %min3A_2431 : vector<56x128xf32>
    %reduce_min3A_2434 = arith.constant dense<0x7F800000> : vector<56xf32>
    %reduce_min3A_2435 = vector.multi_reduction <minimumf>, %min3A_2428, %reduce_min3A_2434 [1] : vector<56x128xf32> to vector<56xf32>
    %broadcast_in_dim3A_2436 = vector.shape_cast %reduce_min3A_2435 : vector<56xf32> to vector<56x1xf32>
    %eq3A_2437 = vector.broadcast %broadcast_in_dim3A_2436 : vector<56x1xf32> to vector<56x128xf32>
    %eq3A_2438 = arith.cmpf oeq, %min3A_2428, %eq3A_2437 : vector<56x128xf32>
    %select_n3A_2439 = arith.select %eq3A_2438, %min3A_2432, %min3A_2428 : vector<56x128xi1>, vector<56x128xf32>
    %select_n3A_2440 = arith.select %eq3A_2438, %max3A_2433, %min3A_2432 : vector<56x128xi1>, vector<56x128xf32>
    %select_n3A_2441 = arith.select %eq3A_2438, %max3A_2429, %max3A_2433 : vector<56x128xi1>, vector<56x128xf32>
    %jit3A_2442 = arith.constant 0x7F800000 : f32
    %broadcast_in_dim3A_2443 = vector.broadcast %jit3A_2442 : f32 to vector<56x128xf32>
    %select_n3A_2444 = arith.select %eq3A_2438, %broadcast_in_dim3A_2443, %max3A_2429 : vector<56x128xi1>, vector<56x128xf32>
    %reduce_min3A_2445 = arith.constant dense<0x7F800000> : vector<56xf32>
    %reduce_min3A_2446 = vector.multi_reduction <minimumf>, %select_n3A_2439, %reduce_min3A_2445 [1] : vector<56x128xf32> to vector<56xf32>
    %broadcast_in_dim3A_2447 = vector.shape_cast %reduce_min3A_2446 : vector<56xf32> to vector<56x1xf32>
    %eq3A_2448 = vector.broadcast %broadcast_in_dim3A_2447 : vector<56x1xf32> to vector<56x128xf32>
    %eq3A_2449 = arith.cmpf oeq, %select_n3A_2439, %eq3A_2448 : vector<56x128xf32>
    %select_n3A_2450 = arith.select %eq3A_2449, %select_n3A_2440, %select_n3A_2439 : vector<56x128xi1>, vector<56x128xf32>
    %select_n3A_2451 = arith.select %eq3A_2449, %select_n3A_2441, %select_n3A_2440 : vector<56x128xi1>, vector<56x128xf32>
    %select_n3A_2452 = arith.select %eq3A_2449, %select_n3A_2444, %select_n3A_2441 : vector<56x128xi1>, vector<56x128xf32>
    %jit3A_2453 = arith.constant 0x7F800000 : f32
    %broadcast_in_dim3A_2454 = vector.broadcast %jit3A_2453 : f32 to vector<56x128xf32>
    %select_n3A_2455 = arith.select %eq3A_2449, %broadcast_in_dim3A_2454, %select_n3A_2444 : vector<56x128xi1>, vector<56x128xf32>
    %reduce_min3A_2456 = arith.constant dense<0x7F800000> : vector<56xf32>
    %reduce_min3A_2457 = vector.multi_reduction <minimumf>, %select_n3A_2450, %reduce_min3A_2456 [1] : vector<56x128xf32> to vector<56xf32>
    %broadcast_in_dim3A_2458 = vector.shape_cast %reduce_min3A_2457 : vector<56xf32> to vector<56x1xf32>
    %eq3A_2459 = vector.broadcast %broadcast_in_dim3A_2458 : vector<56x1xf32> to vector<56x128xf32>
    %eq3A_2460 = arith.cmpf oeq, %select_n3A_2450, %eq3A_2459 : vector<56x128xf32>
    %select_n3A_2461 = arith.select %eq3A_2460, %select_n3A_2451, %select_n3A_2450 : vector<56x128xi1>, vector<56x128xf32>
    %select_n3A_2462 = arith.select %eq3A_2460, %select_n3A_2452, %select_n3A_2451 : vector<56x128xi1>, vector<56x128xf32>
    %select_n3A_2463 = arith.select %eq3A_2460, %select_n3A_2455, %select_n3A_2452 : vector<56x128xi1>, vector<56x128xf32>
    %jit3A_2464 = arith.constant 0x7F800000 : f32
    %broadcast_in_dim3A_2465 = vector.broadcast %jit3A_2464 : f32 to vector<56x128xf32>
    %select_n3A_2466 = arith.select %eq3A_2460, %broadcast_in_dim3A_2465, %select_n3A_2455 : vector<56x128xi1>, vector<56x128xf32>
    %reduce_min3A_2467 = arith.constant dense<0x7F800000> : vector<56xf32>
    %reduce_min3A_2468 = vector.multi_reduction <minimumf>, %select_n3A_2461, %reduce_min3A_2467 [1] : vector<56x128xf32> to vector<56xf32>
    %broadcast_in_dim3A_2469 = vector.shape_cast %reduce_min3A_2468 : vector<56xf32> to vector<56x1xf32>
    %eq3A_2470 = vector.broadcast %broadcast_in_dim3A_2469 : vector<56x1xf32> to vector<56x128xf32>
    %eq3A_2471 = arith.cmpf oeq, %select_n3A_2461, %eq3A_2470 : vector<56x128xf32>
    %select_n3A_2472 = arith.select %eq3A_2471, %select_n3A_2462, %select_n3A_2461 : vector<56x128xi1>, vector<56x128xf32>
    %select_n3A_2473 = arith.select %eq3A_2471, %select_n3A_2463, %select_n3A_2462 : vector<56x128xi1>, vector<56x128xf32>
    %select_n3A_2474 = arith.select %eq3A_2471, %select_n3A_2466, %select_n3A_2463 : vector<56x128xi1>, vector<56x128xf32>
    %jit3A_2475 = arith.constant 0x7F800000 : f32
    %broadcast_in_dim3A_2476 = vector.broadcast %jit3A_2475 : f32 to vector<56x128xf32>
    %select_n3A_2477 = arith.select %eq3A_2471, %broadcast_in_dim3A_2476, %select_n3A_2466 : vector<56x128xi1>, vector<56x128xf32>
    %reduce_min3A_2478 = arith.constant dense<0x7F800000> : vector<56xf32>
    %reduce_min3A_2479 = vector.multi_reduction <minimumf>, %select_n3A_2472, %reduce_min3A_2478 [1] : vector<56x128xf32> to vector<56xf32>
    %broadcast_in_dim3A_2480 = vector.shape_cast %reduce_min3A_2479 : vector<56xf32> to vector<56x1xf32>
    %eq3A_2481 = vector.broadcast %broadcast_in_dim3A_2480 : vector<56x1xf32> to vector<56x128xf32>
    %eq3A_2482 = arith.cmpf oeq, %select_n3A_2472, %eq3A_2481 : vector<56x128xf32>
    %select_n3A_2483 = arith.select %eq3A_2482, %select_n3A_2473, %select_n3A_2472 : vector<56x128xi1>, vector<56x128xf32>
    %select_n3A_2484 = arith.select %eq3A_2482, %select_n3A_2474, %select_n3A_2473 : vector<56x128xi1>, vector<56x128xf32>
    %select_n3A_2485 = arith.select %eq3A_2482, %select_n3A_2477, %select_n3A_2474 : vector<56x128xi1>, vector<56x128xf32>
    %reduce_min3A_2486 = arith.constant dense<0x7F800000> : vector<56xf32>
    %reduce_min3A_2487 = vector.multi_reduction <minimumf>, %select_n3A_2483, %reduce_min3A_2486 [1] : vector<56x128xf32> to vector<56xf32>
    %broadcast_in_dim3A_2488 = vector.shape_cast %reduce_min3A_2487 : vector<56xf32> to vector<56x1xf32>
    %eq3A_2489 = vector.broadcast %broadcast_in_dim3A_2488 : vector<56x1xf32> to vector<56x128xf32>
    %eq3A_2490 = arith.cmpf oeq, %select_n3A_2483, %eq3A_2489 : vector<56x128xf32>
    %select_n3A_2491 = arith.select %eq3A_2490, %select_n3A_2484, %select_n3A_2483 : vector<56x128xi1>, vector<56x128xf32>
    %select_n3A_2492 = arith.select %eq3A_2490, %select_n3A_2485, %select_n3A_2484 : vector<56x128xi1>, vector<56x128xf32>
    %reduce_min3A_2493 = arith.constant dense<0x7F800000> : vector<56xf32>
    %reduce_min3A_2494 = vector.multi_reduction <minimumf>, %select_n3A_2491, %reduce_min3A_2493 [1] : vector<56x128xf32> to vector<56xf32>
    %broadcast_in_dim3A_2495 = vector.shape_cast %reduce_min3A_2494 : vector<56xf32> to vector<56x1xf32>
    %eq3A_2496 = vector.broadcast %broadcast_in_dim3A_2495 : vector<56x1xf32> to vector<56x128xf32>
    %eq3A_2497 = arith.cmpf oeq, %select_n3A_2491, %eq3A_2496 : vector<56x128xf32>
    %select_n3A_2498 = arith.select %eq3A_2497, %select_n3A_2492, %select_n3A_2491 : vector<56x128xi1>, vector<56x128xf32>
    %reduce_min3A_2499 = arith.constant dense<0x7F800000> : vector<56xf32>
    %reduce_min3A_2500 = vector.multi_reduction <minimumf>, %select_n3A_2498, %reduce_min3A_2499 [1] : vector<56x128xf32> to vector<56xf32>
    %broadcast_in_dim3A_2501 = vector.shape_cast %reduce_min3A_2500 : vector<56xf32> to vector<56x1xf32>
    %le3A_2502 = vector.broadcast %broadcast_in_dim3A_2501 : vector<56x1xf32> to vector<56x512xf32>
    %le3A_2503 = arith.cmpf ole, %sub3A_2419, %le3A_2502 : vector<56x512xf32>
    %slice3A_2504 = vector.extract_strided_slice %dot_general3A_2413 {offsets = [0, 0], sizes = [56, 512], strides = [1, 1]} : vector<56x1024xf32> to vector<56x512xf32>
    %add3A_2505 = vector.broadcast %get3A_16 : vector<1x512xf32> to vector<56x512xf32>
    %add3A_2506 = arith.addf %slice3A_2504, %add3A_2505 : vector<56x512xf32>
    %exp3A_2507 = math.exp %add3A_2506 : vector<56x512xf32>
    %reduce_sum3A_2508 = arith.constant dense<0.000000e+00> : vector<56xf32>
    %reduce_sum3A_2509 = vector.multi_reduction <add>, %exp3A_2507, %reduce_sum3A_2508 [1] : vector<56x512xf32> to vector<56xf32>
    %broadcast_in_dim3A_2510 = vector.shape_cast %reduce_sum3A_2509 : vector<56xf32> to vector<56x1xf32>
    %div3A_2511 = arith.constant 1.000000e+00 : f32
    %div3A_2512 = vector.broadcast %div3A_2511 : f32 to vector<56x1xf32>
    %div3A_2513 = arith.divf %div3A_2512, %broadcast_in_dim3A_2510 : vector<56x1xf32>
    %mul3A_2514 = vector.broadcast %div3A_2513 : vector<56x1xf32> to vector<56x512xf32>
    %mul3A_2515 = arith.mulf %exp3A_2507, %mul3A_2514 : vector<56x512xf32>
    %jit3A_2516 = arith.constant 0.000000e+00 : f32
    %broadcast_in_dim3A_2517 = vector.broadcast %jit3A_2516 : f32 to vector<56x512xf32>
    %select_n3A_2518 = arith.select %le3A_2503, %mul3A_2515, %broadcast_in_dim3A_2517 : vector<56x512xi1>, vector<56x512xf32>
    %swap3A_2519 = arith.constant 952 : index
    %swap3A_2520 = arith.constant 0 : index
    %swap3A_2521 = vector.load %arg7[%swap3A_2519, %swap3A_2520] : memref<1568x512xf32, #tpu.memory_space<vmem>>, vector<56x512xf32>
    tpu.vector_store %arg7[%swap3A_2519, %swap3A_2520], %select_n3A_2518 {strides = array<i32>} : memref<1568x512xf32, #tpu.memory_space<vmem>>, vector<56x512xf32>,
    %dot_general3A_2522 = arith.constant dense<0.000000e+00> : vector<56x32xf32>
    %dot_general3A_2523 = tpu.matmul %select_n3A_2518, %get3A_10, %dot_general3A_2522 {dimension_numbers = #tpu.dot_dimension_numbers<[1], [0], [0], [1], [0, 0, 1, 1], [], []>, transpose_lhs_hint = false} : vector<56x512xf32>, vector<512x32xf32>, vector<56x32xf32> -> vector<56x32xf32>
    %slice3A_2524 = vector.extract_strided_slice %get3A_7 {offsets = [952, 0], sizes = [56, 32], strides = [1, 1]} : vector<1568x32xf32> to vector<56x32xf32>
    %sub3A_2525 = arith.subf %dot_general3A_2523, %slice3A_2524 : vector<56x32xf32>
    %add3A_2526 = arith.addf %slice3A_2524, %sub3A_2525 : vector<56x32xf32>
    %swap3A_2527 = arith.constant 952 : index
    %swap3A_2528 = arith.constant 0 : index
    %swap3A_2529 = vector.load %arg8[%swap3A_2527, %swap3A_2528] : memref<1568x32xf32, #tpu.memory_space<vmem>>, vector<56x32xf32>
    tpu.vector_store %arg8[%swap3A_2527, %swap3A_2528], %add3A_2526 {strides = array<i32>} : memref<1568x32xf32, #tpu.memory_space<vmem>>, vector<56x32xf32>,
    %sub3A_2530 = arith.subf %slice3A_2524, %dot_general3A_2523 : vector<56x32xf32>
    %mul3A_2531 = arith.mulf %sub3A_2530, %sub3A_2530 : vector<56x32xf32>
    %reduce_sum3A_2532 = vector.shape_cast %mul3A_2531 : vector<56x32xf32> to vector<1x56x32xf32>
    %reduce_sum3A_2533 = arith.constant dense<0.000000e+00> : vector<1xf32>
    %reduce_sum3A_2534 = vector.multi_reduction <add>, %reduce_sum3A_2532, %reduce_sum3A_2533 [1, 2] : vector<1x56x32xf32> to vector<1xf32>
    %reduce_sum3A_2535 = vector.shape_cast %reduce_sum3A_2534 : vector<1xf32> to vector<1x1x1xf32>
    %reduce_sum3A_2536 = vector.extract %reduce_sum3A_2535[0, 0, 0] : f32 from vector<1x1x1xf32>
    %broadcast_in_dim3A_2537 = vector.broadcast %reduce_sum3A_2536 : f32 to vector<1x1xf32>
    %add3A_2538 = arith.addf %add3A_2397, %broadcast_in_dim3A_2537 : vector<1x1xf32>
    %reduce_sum3A_2539 = vector.shape_cast %select_n3A_2518 : vector<56x512xf32> to vector<1x56x512xf32>
    %reduce_sum3A_2540 = arith.constant dense<0.000000e+00> : vector<1xf32>
    %reduce_sum3A_2541 = vector.multi_reduction <add>, %reduce_sum3A_2539, %reduce_sum3A_2540 [1, 2] : vector<1x56x512xf32> to vector<1xf32>
    %reduce_sum3A_2542 = vector.shape_cast %reduce_sum3A_2541 : vector<1xf32> to vector<1x1x1xf32>
    %reduce_sum3A_2543 = vector.extract %reduce_sum3A_2542[0, 0, 0] : f32 from vector<1x1x1xf32>
    %broadcast_in_dim3A_2544 = vector.broadcast %reduce_sum3A_2543 : f32 to vector<1x1xf32>
    %add3A_2545 = arith.addf %add3A_2404, %broadcast_in_dim3A_2544 : vector<1x1xf32>
    %convert_element_type3A_2546 = arith.extui %le3A_2503 : vector<56x512xi1> to vector<56x512xi32>
    %convert_element_type3A_2547 = arith.sitofp %convert_element_type3A_2546 : vector<56x512xi32> to vector<56x512xf32>
    %reduce_sum3A_2548 = arith.constant dense<0.000000e+00> : vector<512xf32>
    %reduce_sum3A_2549 = vector.multi_reduction <add>, %convert_element_type3A_2547, %reduce_sum3A_2548 [0] : vector<56x512xf32> to vector<512xf32>
    %broadcast_in_dim3A_2550 = vector.shape_cast %reduce_sum3A_2549 : vector<512xf32> to vector<1x512xf32>
    %add3A_2551 = arith.addf %add3A_2410, %broadcast_in_dim3A_2550 : vector<1x512xf32>
    %slice3A_2552 = vector.extract_strided_slice %get3A_20 {offsets = [1008, 0], sizes = [56, 32], strides = [1, 1]} : vector<1568x32xf32> to vector<56x32xf32>
    %dot_general3A_2553 = arith.constant dense<0.000000e+00> : vector<56x1024xf32>
    %dot_general3A_2554 = tpu.matmul %slice3A_2552, %get3A_13, %dot_general3A_2553 {dimension_numbers = #tpu.dot_dimension_numbers<[1], [0], [0], [1], [0, 0, 1, 1], [], []>, transpose_lhs_hint = false} : vector<56x32xf32>, vector<32x1024xf32>, vector<56x1024xf32> -> vector<56x1024xf32>
    %slice3A_2555 = vector.extract_strided_slice %dot_general3A_2554 {offsets = [0, 512], sizes = [56, 512], strides = [1, 1]} : vector<56x1024xf32> to vector<56x512xf32>
    %mul3A_2556 = arith.constant 2.000000e+00 : f32
    %mul3A_2557 = vector.broadcast %mul3A_2556 : f32 to vector<56x512xf32>
    %mul3A_2558 = arith.mulf %mul3A_2557, %slice3A_2555 : vector<56x512xf32>
    %sub3A_2559 = vector.broadcast %broadcast_in_dim3A : vector<1x512xf32> to vector<56x512xf32>
    %sub3A_2560 = arith.subf %sub3A_2559, %mul3A_2558 : vector<56x512xf32>
    %slice3A_2561 = vector.extract_strided_slice %sub3A_2560 {offsets = [0, 0], sizes = [56, 128], strides = [1, 1]} : vector<56x512xf32> to vector<56x128xf32>
    %slice3A_2562 = vector.extract_strided_slice %sub3A_2560 {offsets = [0, 128], sizes = [56, 128], strides = [1, 1]} : vector<56x512xf32> to vector<56x128xf32>
    %slice3A_2563 = vector.extract_strided_slice %sub3A_2560 {offsets = [0, 256], sizes = [56, 128], strides = [1, 1]} : vector<56x512xf32> to vector<56x128xf32>
    %slice3A_2564 = vector.extract_strided_slice %sub3A_2560 {offsets = [0, 384], sizes = [56, 128], strides = [1, 1]} : vector<56x512xf32> to vector<56x128xf32>
    %min3A_2565 = arith.minimumf %slice3A_2561, %slice3A_2562 : vector<56x128xf32>
    %max3A_2566 = arith.maximumf %slice3A_2561, %slice3A_2562 : vector<56x128xf32>
    %min3A_2567 = arith.minimumf %slice3A_2563, %slice3A_2564 : vector<56x128xf32>
    %max3A_2568 = arith.maximumf %slice3A_2563, %slice3A_2564 : vector<56x128xf32>
    %min3A_2569 = arith.minimumf %min3A_2565, %min3A_2567 : vector<56x128xf32>
    %max3A_2570 = arith.maximumf %max3A_2566, %max3A_2568 : vector<56x128xf32>
    %max3A_2571 = arith.maximumf %min3A_2565, %min3A_2567 : vector<56x128xf32>
    %min3A_2572 = arith.minimumf %max3A_2566, %max3A_2568 : vector<56x128xf32>
    %min3A_2573 = arith.minimumf %max3A_2571, %min3A_2572 : vector<56x128xf32>
    %max3A_2574 = arith.maximumf %max3A_2571, %min3A_2572 : vector<56x128xf32>
    %reduce_min3A_2575 = arith.constant dense<0x7F800000> : vector<56xf32>
    %reduce_min3A_2576 = vector.multi_reduction <minimumf>, %min3A_2569, %reduce_min3A_2575 [1] : vector<56x128xf32> to vector<56xf32>
    %broadcast_in_dim3A_2577 = vector.shape_cast %reduce_min3A_2576 : vector<56xf32> to vector<56x1xf32>
    %eq3A_2578 = vector.broadcast %broadcast_in_dim3A_2577 : vector<56x1xf32> to vector<56x128xf32>
    %eq3A_2579 = arith.cmpf oeq, %min3A_2569, %eq3A_2578 : vector<56x128xf32>
    %select_n3A_2580 = arith.select %eq3A_2579, %min3A_2573, %min3A_2569 : vector<56x128xi1>, vector<56x128xf32>
    %select_n3A_2581 = arith.select %eq3A_2579, %max3A_2574, %min3A_2573 : vector<56x128xi1>, vector<56x128xf32>
    %select_n3A_2582 = arith.select %eq3A_2579, %max3A_2570, %max3A_2574 : vector<56x128xi1>, vector<56x128xf32>
    %jit3A_2583 = arith.constant 0x7F800000 : f32
    %broadcast_in_dim3A_2584 = vector.broadcast %jit3A_2583 : f32 to vector<56x128xf32>
    %select_n3A_2585 = arith.select %eq3A_2579, %broadcast_in_dim3A_2584, %max3A_2570 : vector<56x128xi1>, vector<56x128xf32>
    %reduce_min3A_2586 = arith.constant dense<0x7F800000> : vector<56xf32>
    %reduce_min3A_2587 = vector.multi_reduction <minimumf>, %select_n3A_2580, %reduce_min3A_2586 [1] : vector<56x128xf32> to vector<56xf32>
    %broadcast_in_dim3A_2588 = vector.shape_cast %reduce_min3A_2587 : vector<56xf32> to vector<56x1xf32>
    %eq3A_2589 = vector.broadcast %broadcast_in_dim3A_2588 : vector<56x1xf32> to vector<56x128xf32>
    %eq3A_2590 = arith.cmpf oeq, %select_n3A_2580, %eq3A_2589 : vector<56x128xf32>
    %select_n3A_2591 = arith.select %eq3A_2590, %select_n3A_2581, %select_n3A_2580 : vector<56x128xi1>, vector<56x128xf32>
    %select_n3A_2592 = arith.select %eq3A_2590, %select_n3A_2582, %select_n3A_2581 : vector<56x128xi1>, vector<56x128xf32>
    %select_n3A_2593 = arith.select %eq3A_2590, %select_n3A_2585, %select_n3A_2582 : vector<56x128xi1>, vector<56x128xf32>
    %jit3A_2594 = arith.constant 0x7F800000 : f32
    %broadcast_in_dim3A_2595 = vector.broadcast %jit3A_2594 : f32 to vector<56x128xf32>
    %select_n3A_2596 = arith.select %eq3A_2590, %broadcast_in_dim3A_2595, %select_n3A_2585 : vector<56x128xi1>, vector<56x128xf32>
    %reduce_min3A_2597 = arith.constant dense<0x7F800000> : vector<56xf32>
    %reduce_min3A_2598 = vector.multi_reduction <minimumf>, %select_n3A_2591, %reduce_min3A_2597 [1] : vector<56x128xf32> to vector<56xf32>
    %broadcast_in_dim3A_2599 = vector.shape_cast %reduce_min3A_2598 : vector<56xf32> to vector<56x1xf32>
    %eq3A_2600 = vector.broadcast %broadcast_in_dim3A_2599 : vector<56x1xf32> to vector<56x128xf32>
    %eq3A_2601 = arith.cmpf oeq, %select_n3A_2591, %eq3A_2600 : vector<56x128xf32>
    %select_n3A_2602 = arith.select %eq3A_2601, %select_n3A_2592, %select_n3A_2591 : vector<56x128xi1>, vector<56x128xf32>
    %select_n3A_2603 = arith.select %eq3A_2601, %select_n3A_2593, %select_n3A_2592 : vector<56x128xi1>, vector<56x128xf32>
    %select_n3A_2604 = arith.select %eq3A_2601, %select_n3A_2596, %select_n3A_2593 : vector<56x128xi1>, vector<56x128xf32>
    %jit3A_2605 = arith.constant 0x7F800000 : f32
    %broadcast_in_dim3A_2606 = vector.broadcast %jit3A_2605 : f32 to vector<56x128xf32>
    %select_n3A_2607 = arith.select %eq3A_2601, %broadcast_in_dim3A_2606, %select_n3A_2596 : vector<56x128xi1>, vector<56x128xf32>
    %reduce_min3A_2608 = arith.constant dense<0x7F800000> : vector<56xf32>
    %reduce_min3A_2609 = vector.multi_reduction <minimumf>, %select_n3A_2602, %reduce_min3A_2608 [1] : vector<56x128xf32> to vector<56xf32>
    %broadcast_in_dim3A_2610 = vector.shape_cast %reduce_min3A_2609 : vector<56xf32> to vector<56x1xf32>
    %eq3A_2611 = vector.broadcast %broadcast_in_dim3A_2610 : vector<56x1xf32> to vector<56x128xf32>
    %eq3A_2612 = arith.cmpf oeq, %select_n3A_2602, %eq3A_2611 : vector<56x128xf32>
    %select_n3A_2613 = arith.select %eq3A_2612, %select_n3A_2603, %select_n3A_2602 : vector<56x128xi1>, vector<56x128xf32>
    %select_n3A_2614 = arith.select %eq3A_2612, %select_n3A_2604, %select_n3A_2603 : vector<56x128xi1>, vector<56x128xf32>
    %select_n3A_2615 = arith.select %eq3A_2612, %select_n3A_2607, %select_n3A_2604 : vector<56x128xi1>, vector<56x128xf32>
    %jit3A_2616 = arith.constant 0x7F800000 : f32
    %broadcast_in_dim3A_2617 = vector.broadcast %jit3A_2616 : f32 to vector<56x128xf32>
    %select_n3A_2618 = arith.select %eq3A_2612, %broadcast_in_dim3A_2617, %select_n3A_2607 : vector<56x128xi1>, vector<56x128xf32>
    %reduce_min3A_2619 = arith.constant dense<0x7F800000> : vector<56xf32>
    %reduce_min3A_2620 = vector.multi_reduction <minimumf>, %select_n3A_2613, %reduce_min3A_2619 [1] : vector<56x128xf32> to vector<56xf32>
    %broadcast_in_dim3A_2621 = vector.shape_cast %reduce_min3A_2620 : vector<56xf32> to vector<56x1xf32>
    %eq3A_2622 = vector.broadcast %broadcast_in_dim3A_2621 : vector<56x1xf32> to vector<56x128xf32>
    %eq3A_2623 = arith.cmpf oeq, %select_n3A_2613, %eq3A_2622 : vector<56x128xf32>
    %select_n3A_2624 = arith.select %eq3A_2623, %select_n3A_2614, %select_n3A_2613 : vector<56x128xi1>, vector<56x128xf32>
    %select_n3A_2625 = arith.select %eq3A_2623, %select_n3A_2615, %select_n3A_2614 : vector<56x128xi1>, vector<56x128xf32>
    %select_n3A_2626 = arith.select %eq3A_2623, %select_n3A_2618, %select_n3A_2615 : vector<56x128xi1>, vector<56x128xf32>
    %reduce_min3A_2627 = arith.constant dense<0x7F800000> : vector<56xf32>
    %reduce_min3A_2628 = vector.multi_reduction <minimumf>, %select_n3A_2624, %reduce_min3A_2627 [1] : vector<56x128xf32> to vector<56xf32>
    %broadcast_in_dim3A_2629 = vector.shape_cast %reduce_min3A_2628 : vector<56xf32> to vector<56x1xf32>
    %eq3A_2630 = vector.broadcast %broadcast_in_dim3A_2629 : vector<56x1xf32> to vector<56x128xf32>
    %eq3A_2631 = arith.cmpf oeq, %select_n3A_2624, %eq3A_2630 : vector<56x128xf32>
    %select_n3A_2632 = arith.select %eq3A_2631, %select_n3A_2625, %select_n3A_2624 : vector<56x128xi1>, vector<56x128xf32>
    %select_n3A_2633 = arith.select %eq3A_2631, %select_n3A_2626, %select_n3A_2625 : vector<56x128xi1>, vector<56x128xf32>
    %reduce_min3A_2634 = arith.constant dense<0x7F800000> : vector<56xf32>
    %reduce_min3A_2635 = vector.multi_reduction <minimumf>, %select_n3A_2632, %reduce_min3A_2634 [1] : vector<56x128xf32> to vector<56xf32>
    %broadcast_in_dim3A_2636 = vector.shape_cast %reduce_min3A_2635 : vector<56xf32> to vector<56x1xf32>
    %eq3A_2637 = vector.broadcast %broadcast_in_dim3A_2636 : vector<56x1xf32> to vector<56x128xf32>
    %eq3A_2638 = arith.cmpf oeq, %select_n3A_2632, %eq3A_2637 : vector<56x128xf32>
    %select_n3A_2639 = arith.select %eq3A_2638, %select_n3A_2633, %select_n3A_2632 : vector<56x128xi1>, vector<56x128xf32>
    %reduce_min3A_2640 = arith.constant dense<0x7F800000> : vector<56xf32>
    %reduce_min3A_2641 = vector.multi_reduction <minimumf>, %select_n3A_2639, %reduce_min3A_2640 [1] : vector<56x128xf32> to vector<56xf32>
    %broadcast_in_dim3A_2642 = vector.shape_cast %reduce_min3A_2641 : vector<56xf32> to vector<56x1xf32>
    %le3A_2643 = vector.broadcast %broadcast_in_dim3A_2642 : vector<56x1xf32> to vector<56x512xf32>
    %le3A_2644 = arith.cmpf ole, %sub3A_2560, %le3A_2643 : vector<56x512xf32>
    %slice3A_2645 = vector.extract_strided_slice %dot_general3A_2554 {offsets = [0, 0], sizes = [56, 512], strides = [1, 1]} : vector<56x1024xf32> to vector<56x512xf32>
    %add3A_2646 = vector.broadcast %get3A_16 : vector<1x512xf32> to vector<56x512xf32>
    %add3A_2647 = arith.addf %slice3A_2645, %add3A_2646 : vector<56x512xf32>
    %exp3A_2648 = math.exp %add3A_2647 : vector<56x512xf32>
    %reduce_sum3A_2649 = arith.constant dense<0.000000e+00> : vector<56xf32>
    %reduce_sum3A_2650 = vector.multi_reduction <add>, %exp3A_2648, %reduce_sum3A_2649 [1] : vector<56x512xf32> to vector<56xf32>
    %broadcast_in_dim3A_2651 = vector.shape_cast %reduce_sum3A_2650 : vector<56xf32> to vector<56x1xf32>
    %div3A_2652 = arith.constant 1.000000e+00 : f32
    %div3A_2653 = vector.broadcast %div3A_2652 : f32 to vector<56x1xf32>
    %div3A_2654 = arith.divf %div3A_2653, %broadcast_in_dim3A_2651 : vector<56x1xf32>
    %mul3A_2655 = vector.broadcast %div3A_2654 : vector<56x1xf32> to vector<56x512xf32>
    %mul3A_2656 = arith.mulf %exp3A_2648, %mul3A_2655 : vector<56x512xf32>
    %jit3A_2657 = arith.constant 0.000000e+00 : f32
    %broadcast_in_dim3A_2658 = vector.broadcast %jit3A_2657 : f32 to vector<56x512xf32>
    %select_n3A_2659 = arith.select %le3A_2644, %mul3A_2656, %broadcast_in_dim3A_2658 : vector<56x512xi1>, vector<56x512xf32>
    %swap3A_2660 = arith.constant 1008 : index
    %swap3A_2661 = arith.constant 0 : index
    %swap3A_2662 = vector.load %arg7[%swap3A_2660, %swap3A_2661] : memref<1568x512xf32, #tpu.memory_space<vmem>>, vector<56x512xf32>
    tpu.vector_store %arg7[%swap3A_2660, %swap3A_2661], %select_n3A_2659 {strides = array<i32>} : memref<1568x512xf32, #tpu.memory_space<vmem>>, vector<56x512xf32>,
    %dot_general3A_2663 = arith.constant dense<0.000000e+00> : vector<56x32xf32>
    %dot_general3A_2664 = tpu.matmul %select_n3A_2659, %get3A_10, %dot_general3A_2663 {dimension_numbers = #tpu.dot_dimension_numbers<[1], [0], [0], [1], [0, 0, 1, 1], [], []>, transpose_lhs_hint = false} : vector<56x512xf32>, vector<512x32xf32>, vector<56x32xf32> -> vector<56x32xf32>
    %slice3A_2665 = vector.extract_strided_slice %get3A_7 {offsets = [1008, 0], sizes = [56, 32], strides = [1, 1]} : vector<1568x32xf32> to vector<56x32xf32>
    %sub3A_2666 = arith.subf %dot_general3A_2664, %slice3A_2665 : vector<56x32xf32>
    %add3A_2667 = arith.addf %slice3A_2665, %sub3A_2666 : vector<56x32xf32>
    %swap3A_2668 = arith.constant 1008 : index
    %swap3A_2669 = arith.constant 0 : index
    %swap3A_2670 = vector.load %arg8[%swap3A_2668, %swap3A_2669] : memref<1568x32xf32, #tpu.memory_space<vmem>>, vector<56x32xf32>
    tpu.vector_store %arg8[%swap3A_2668, %swap3A_2669], %add3A_2667 {strides = array<i32>} : memref<1568x32xf32, #tpu.memory_space<vmem>>, vector<56x32xf32>,
    %sub3A_2671 = arith.subf %slice3A_2665, %dot_general3A_2664 : vector<56x32xf32>
    %mul3A_2672 = arith.mulf %sub3A_2671, %sub3A_2671 : vector<56x32xf32>
    %reduce_sum3A_2673 = vector.shape_cast %mul3A_2672 : vector<56x32xf32> to vector<1x56x32xf32>
    %reduce_sum3A_2674 = arith.constant dense<0.000000e+00> : vector<1xf32>
    %reduce_sum3A_2675 = vector.multi_reduction <add>, %reduce_sum3A_2673, %reduce_sum3A_2674 [1, 2] : vector<1x56x32xf32> to vector<1xf32>
    %reduce_sum3A_2676 = vector.shape_cast %reduce_sum3A_2675 : vector<1xf32> to vector<1x1x1xf32>
    %reduce_sum3A_2677 = vector.extract %reduce_sum3A_2676[0, 0, 0] : f32 from vector<1x1x1xf32>
    %broadcast_in_dim3A_2678 = vector.broadcast %reduce_sum3A_2677 : f32 to vector<1x1xf32>
    %add3A_2679 = arith.addf %add3A_2538, %broadcast_in_dim3A_2678 : vector<1x1xf32>
    %reduce_sum3A_2680 = vector.shape_cast %select_n3A_2659 : vector<56x512xf32> to vector<1x56x512xf32>
    %reduce_sum3A_2681 = arith.constant dense<0.000000e+00> : vector<1xf32>
    %reduce_sum3A_2682 = vector.multi_reduction <add>, %reduce_sum3A_2680, %reduce_sum3A_2681 [1, 2] : vector<1x56x512xf32> to vector<1xf32>
    %reduce_sum3A_2683 = vector.shape_cast %reduce_sum3A_2682 : vector<1xf32> to vector<1x1x1xf32>
    %reduce_sum3A_2684 = vector.extract %reduce_sum3A_2683[0, 0, 0] : f32 from vector<1x1x1xf32>
    %broadcast_in_dim3A_2685 = vector.broadcast %reduce_sum3A_2684 : f32 to vector<1x1xf32>
    %add3A_2686 = arith.addf %add3A_2545, %broadcast_in_dim3A_2685 : vector<1x1xf32>
    %convert_element_type3A_2687 = arith.extui %le3A_2644 : vector<56x512xi1> to vector<56x512xi32>
    %convert_element_type3A_2688 = arith.sitofp %convert_element_type3A_2687 : vector<56x512xi32> to vector<56x512xf32>
    %reduce_sum3A_2689 = arith.constant dense<0.000000e+00> : vector<512xf32>
    %reduce_sum3A_2690 = vector.multi_reduction <add>, %convert_element_type3A_2688, %reduce_sum3A_2689 [0] : vector<56x512xf32> to vector<512xf32>
    %broadcast_in_dim3A_2691 = vector.shape_cast %reduce_sum3A_2690 : vector<512xf32> to vector<1x512xf32>
    %add3A_2692 = arith.addf %add3A_2551, %broadcast_in_dim3A_2691 : vector<1x512xf32>
    %slice3A_2693 = vector.extract_strided_slice %get3A_20 {offsets = [1064, 0], sizes = [56, 32], strides = [1, 1]} : vector<1568x32xf32> to vector<56x32xf32>
    %dot_general3A_2694 = arith.constant dense<0.000000e+00> : vector<56x1024xf32>
    %dot_general3A_2695 = tpu.matmul %slice3A_2693, %get3A_13, %dot_general3A_2694 {dimension_numbers = #tpu.dot_dimension_numbers<[1], [0], [0], [1], [0, 0, 1, 1], [], []>, transpose_lhs_hint = false} : vector<56x32xf32>, vector<32x1024xf32>, vector<56x1024xf32> -> vector<56x1024xf32>
    %slice3A_2696 = vector.extract_strided_slice %dot_general3A_2695 {offsets = [0, 512], sizes = [56, 512], strides = [1, 1]} : vector<56x1024xf32> to vector<56x512xf32>
    %mul3A_2697 = arith.constant 2.000000e+00 : f32
    %mul3A_2698 = vector.broadcast %mul3A_2697 : f32 to vector<56x512xf32>
    %mul3A_2699 = arith.mulf %mul3A_2698, %slice3A_2696 : vector<56x512xf32>
    %sub3A_2700 = vector.broadcast %broadcast_in_dim3A : vector<1x512xf32> to vector<56x512xf32>
    %sub3A_2701 = arith.subf %sub3A_2700, %mul3A_2699 : vector<56x512xf32>
    %slice3A_2702 = vector.extract_strided_slice %sub3A_2701 {offsets = [0, 0], sizes = [56, 128], strides = [1, 1]} : vector<56x512xf32> to vector<56x128xf32>
    %slice3A_2703 = vector.extract_strided_slice %sub3A_2701 {offsets = [0, 128], sizes = [56, 128], strides = [1, 1]} : vector<56x512xf32> to vector<56x128xf32>
    %slice3A_2704 = vector.extract_strided_slice %sub3A_2701 {offsets = [0, 256], sizes = [56, 128], strides = [1, 1]} : vector<56x512xf32> to vector<56x128xf32>
    %slice3A_2705 = vector.extract_strided_slice %sub3A_2701 {offsets = [0, 384], sizes = [56, 128], strides = [1, 1]} : vector<56x512xf32> to vector<56x128xf32>
    %min3A_2706 = arith.minimumf %slice3A_2702, %slice3A_2703 : vector<56x128xf32>
    %max3A_2707 = arith.maximumf %slice3A_2702, %slice3A_2703 : vector<56x128xf32>
    %min3A_2708 = arith.minimumf %slice3A_2704, %slice3A_2705 : vector<56x128xf32>
    %max3A_2709 = arith.maximumf %slice3A_2704, %slice3A_2705 : vector<56x128xf32>
    %min3A_2710 = arith.minimumf %min3A_2706, %min3A_2708 : vector<56x128xf32>
    %max3A_2711 = arith.maximumf %max3A_2707, %max3A_2709 : vector<56x128xf32>
    %max3A_2712 = arith.maximumf %min3A_2706, %min3A_2708 : vector<56x128xf32>
    %min3A_2713 = arith.minimumf %max3A_2707, %max3A_2709 : vector<56x128xf32>
    %min3A_2714 = arith.minimumf %max3A_2712, %min3A_2713 : vector<56x128xf32>
    %max3A_2715 = arith.maximumf %max3A_2712, %min3A_2713 : vector<56x128xf32>
    %reduce_min3A_2716 = arith.constant dense<0x7F800000> : vector<56xf32>
    %reduce_min3A_2717 = vector.multi_reduction <minimumf>, %min3A_2710, %reduce_min3A_2716 [1] : vector<56x128xf32> to vector<56xf32>
    %broadcast_in_dim3A_2718 = vector.shape_cast %reduce_min3A_2717 : vector<56xf32> to vector<56x1xf32>
    %eq3A_2719 = vector.broadcast %broadcast_in_dim3A_2718 : vector<56x1xf32> to vector<56x128xf32>
    %eq3A_2720 = arith.cmpf oeq, %min3A_2710, %eq3A_2719 : vector<56x128xf32>
    %select_n3A_2721 = arith.select %eq3A_2720, %min3A_2714, %min3A_2710 : vector<56x128xi1>, vector<56x128xf32>
    %select_n3A_2722 = arith.select %eq3A_2720, %max3A_2715, %min3A_2714 : vector<56x128xi1>, vector<56x128xf32>
    %select_n3A_2723 = arith.select %eq3A_2720, %max3A_2711, %max3A_2715 : vector<56x128xi1>, vector<56x128xf32>
    %jit3A_2724 = arith.constant 0x7F800000 : f32
    %broadcast_in_dim3A_2725 = vector.broadcast %jit3A_2724 : f32 to vector<56x128xf32>
    %select_n3A_2726 = arith.select %eq3A_2720, %broadcast_in_dim3A_2725, %max3A_2711 : vector<56x128xi1>, vector<56x128xf32>
    %reduce_min3A_2727 = arith.constant dense<0x7F800000> : vector<56xf32>
    %reduce_min3A_2728 = vector.multi_reduction <minimumf>, %select_n3A_2721, %reduce_min3A_2727 [1] : vector<56x128xf32> to vector<56xf32>
    %broadcast_in_dim3A_2729 = vector.shape_cast %reduce_min3A_2728 : vector<56xf32> to vector<56x1xf32>
    %eq3A_2730 = vector.broadcast %broadcast_in_dim3A_2729 : vector<56x1xf32> to vector<56x128xf32>
    %eq3A_2731 = arith.cmpf oeq, %select_n3A_2721, %eq3A_2730 : vector<56x128xf32>
    %select_n3A_2732 = arith.select %eq3A_2731, %select_n3A_2722, %select_n3A_2721 : vector<56x128xi1>, vector<56x128xf32>
    %select_n3A_2733 = arith.select %eq3A_2731, %select_n3A_2723, %select_n3A_2722 : vector<56x128xi1>, vector<56x128xf32>
    %select_n3A_2734 = arith.select %eq3A_2731, %select_n3A_2726, %select_n3A_2723 : vector<56x128xi1>, vector<56x128xf32>
    %jit3A_2735 = arith.constant 0x7F800000 : f32
    %broadcast_in_dim3A_2736 = vector.broadcast %jit3A_2735 : f32 to vector<56x128xf32>
    %select_n3A_2737 = arith.select %eq3A_2731, %broadcast_in_dim3A_2736, %select_n3A_2726 : vector<56x128xi1>, vector<56x128xf32>
    %reduce_min3A_2738 = arith.constant dense<0x7F800000> : vector<56xf32>
    %reduce_min3A_2739 = vector.multi_reduction <minimumf>, %select_n3A_2732, %reduce_min3A_2738 [1] : vector<56x128xf32> to vector<56xf32>
    %broadcast_in_dim3A_2740 = vector.shape_cast %reduce_min3A_2739 : vector<56xf32> to vector<56x1xf32>
    %eq3A_2741 = vector.broadcast %broadcast_in_dim3A_2740 : vector<56x1xf32> to vector<56x128xf32>
    %eq3A_2742 = arith.cmpf oeq, %select_n3A_2732, %eq3A_2741 : vector<56x128xf32>
    %select_n3A_2743 = arith.select %eq3A_2742, %select_n3A_2733, %select_n3A_2732 : vector<56x128xi1>, vector<56x128xf32>
    %select_n3A_2744 = arith.select %eq3A_2742, %select_n3A_2734, %select_n3A_2733 : vector<56x128xi1>, vector<56x128xf32>
    %select_n3A_2745 = arith.select %eq3A_2742, %select_n3A_2737, %select_n3A_2734 : vector<56x128xi1>, vector<56x128xf32>
    %jit3A_2746 = arith.constant 0x7F800000 : f32
    %broadcast_in_dim3A_2747 = vector.broadcast %jit3A_2746 : f32 to vector<56x128xf32>
    %select_n3A_2748 = arith.select %eq3A_2742, %broadcast_in_dim3A_2747, %select_n3A_2737 : vector<56x128xi1>, vector<56x128xf32>
    %reduce_min3A_2749 = arith.constant dense<0x7F800000> : vector<56xf32>
    %reduce_min3A_2750 = vector.multi_reduction <minimumf>, %select_n3A_2743, %reduce_min3A_2749 [1] : vector<56x128xf32> to vector<56xf32>
    %broadcast_in_dim3A_2751 = vector.shape_cast %reduce_min3A_2750 : vector<56xf32> to vector<56x1xf32>
    %eq3A_2752 = vector.broadcast %broadcast_in_dim3A_2751 : vector<56x1xf32> to vector<56x128xf32>
    %eq3A_2753 = arith.cmpf oeq, %select_n3A_2743, %eq3A_2752 : vector<56x128xf32>
    %select_n3A_2754 = arith.select %eq3A_2753, %select_n3A_2744, %select_n3A_2743 : vector<56x128xi1>, vector<56x128xf32>
    %select_n3A_2755 = arith.select %eq3A_2753, %select_n3A_2745, %select_n3A_2744 : vector<56x128xi1>, vector<56x128xf32>
    %select_n3A_2756 = arith.select %eq3A_2753, %select_n3A_2748, %select_n3A_2745 : vector<56x128xi1>, vector<56x128xf32>
    %jit3A_2757 = arith.constant 0x7F800000 : f32
    %broadcast_in_dim3A_2758 = vector.broadcast %jit3A_2757 : f32 to vector<56x128xf32>
    %select_n3A_2759 = arith.select %eq3A_2753, %broadcast_in_dim3A_2758, %select_n3A_2748 : vector<56x128xi1>, vector<56x128xf32>
    %reduce_min3A_2760 = arith.constant dense<0x7F800000> : vector<56xf32>
    %reduce_min3A_2761 = vector.multi_reduction <minimumf>, %select_n3A_2754, %reduce_min3A_2760 [1] : vector<56x128xf32> to vector<56xf32>
    %broadcast_in_dim3A_2762 = vector.shape_cast %reduce_min3A_2761 : vector<56xf32> to vector<56x1xf32>
    %eq3A_2763 = vector.broadcast %broadcast_in_dim3A_2762 : vector<56x1xf32> to vector<56x128xf32>
    %eq3A_2764 = arith.cmpf oeq, %select_n3A_2754, %eq3A_2763 : vector<56x128xf32>
    %select_n3A_2765 = arith.select %eq3A_2764, %select_n3A_2755, %select_n3A_2754 : vector<56x128xi1>, vector<56x128xf32>
    %select_n3A_2766 = arith.select %eq3A_2764, %select_n3A_2756, %select_n3A_2755 : vector<56x128xi1>, vector<56x128xf32>
    %select_n3A_2767 = arith.select %eq3A_2764, %select_n3A_2759, %select_n3A_2756 : vector<56x128xi1>, vector<56x128xf32>
    %reduce_min3A_2768 = arith.constant dense<0x7F800000> : vector<56xf32>
    %reduce_min3A_2769 = vector.multi_reduction <minimumf>, %select_n3A_2765, %reduce_min3A_2768 [1] : vector<56x128xf32> to vector<56xf32>
    %broadcast_in_dim3A_2770 = vector.shape_cast %reduce_min3A_2769 : vector<56xf32> to vector<56x1xf32>
    %eq3A_2771 = vector.broadcast %broadcast_in_dim3A_2770 : vector<56x1xf32> to vector<56x128xf32>
    %eq3A_2772 = arith.cmpf oeq, %select_n3A_2765, %eq3A_2771 : vector<56x128xf32>
    %select_n3A_2773 = arith.select %eq3A_2772, %select_n3A_2766, %select_n3A_2765 : vector<56x128xi1>, vector<56x128xf32>
    %select_n3A_2774 = arith.select %eq3A_2772, %select_n3A_2767, %select_n3A_2766 : vector<56x128xi1>, vector<56x128xf32>
    %reduce_min3A_2775 = arith.constant dense<0x7F800000> : vector<56xf32>
    %reduce_min3A_2776 = vector.multi_reduction <minimumf>, %select_n3A_2773, %reduce_min3A_2775 [1] : vector<56x128xf32> to vector<56xf32>
    %broadcast_in_dim3A_2777 = vector.shape_cast %reduce_min3A_2776 : vector<56xf32> to vector<56x1xf32>
    %eq3A_2778 = vector.broadcast %broadcast_in_dim3A_2777 : vector<56x1xf32> to vector<56x128xf32>
    %eq3A_2779 = arith.cmpf oeq, %select_n3A_2773, %eq3A_2778 : vector<56x128xf32>
    %select_n3A_2780 = arith.select %eq3A_2779, %select_n3A_2774, %select_n3A_2773 : vector<56x128xi1>, vector<56x128xf32>
    %reduce_min3A_2781 = arith.constant dense<0x7F800000> : vector<56xf32>
    %reduce_min3A_2782 = vector.multi_reduction <minimumf>, %select_n3A_2780, %reduce_min3A_2781 [1] : vector<56x128xf32> to vector<56xf32>
    %broadcast_in_dim3A_2783 = vector.shape_cast %reduce_min3A_2782 : vector<56xf32> to vector<56x1xf32>
    %le3A_2784 = vector.broadcast %broadcast_in_dim3A_2783 : vector<56x1xf32> to vector<56x512xf32>
    %le3A_2785 = arith.cmpf ole, %sub3A_2701, %le3A_2784 : vector<56x512xf32>
    %slice3A_2786 = vector.extract_strided_slice %dot_general3A_2695 {offsets = [0, 0], sizes = [56, 512], strides = [1, 1]} : vector<56x1024xf32> to vector<56x512xf32>
    %add3A_2787 = vector.broadcast %get3A_16 : vector<1x512xf32> to vector<56x512xf32>
    %add3A_2788 = arith.addf %slice3A_2786, %add3A_2787 : vector<56x512xf32>
    %exp3A_2789 = math.exp %add3A_2788 : vector<56x512xf32>
    %reduce_sum3A_2790 = arith.constant dense<0.000000e+00> : vector<56xf32>
    %reduce_sum3A_2791 = vector.multi_reduction <add>, %exp3A_2789, %reduce_sum3A_2790 [1] : vector<56x512xf32> to vector<56xf32>
    %broadcast_in_dim3A_2792 = vector.shape_cast %reduce_sum3A_2791 : vector<56xf32> to vector<56x1xf32>
    %div3A_2793 = arith.constant 1.000000e+00 : f32
    %div3A_2794 = vector.broadcast %div3A_2793 : f32 to vector<56x1xf32>
    %div3A_2795 = arith.divf %div3A_2794, %broadcast_in_dim3A_2792 : vector<56x1xf32>
    %mul3A_2796 = vector.broadcast %div3A_2795 : vector<56x1xf32> to vector<56x512xf32>
    %mul3A_2797 = arith.mulf %exp3A_2789, %mul3A_2796 : vector<56x512xf32>
    %jit3A_2798 = arith.constant 0.000000e+00 : f32
    %broadcast_in_dim3A_2799 = vector.broadcast %jit3A_2798 : f32 to vector<56x512xf32>
    %select_n3A_2800 = arith.select %le3A_2785, %mul3A_2797, %broadcast_in_dim3A_2799 : vector<56x512xi1>, vector<56x512xf32>
    %swap3A_2801 = arith.constant 1064 : index
    %swap3A_2802 = arith.constant 0 : index
    %swap3A_2803 = vector.load %arg7[%swap3A_2801, %swap3A_2802] : memref<1568x512xf32, #tpu.memory_space<vmem>>, vector<56x512xf32>
    tpu.vector_store %arg7[%swap3A_2801, %swap3A_2802], %select_n3A_2800 {strides = array<i32>} : memref<1568x512xf32, #tpu.memory_space<vmem>>, vector<56x512xf32>,
    %dot_general3A_2804 = arith.constant dense<0.000000e+00> : vector<56x32xf32>
    %dot_general3A_2805 = tpu.matmul %select_n3A_2800, %get3A_10, %dot_general3A_2804 {dimension_numbers = #tpu.dot_dimension_numbers<[1], [0], [0], [1], [0, 0, 1, 1], [], []>, transpose_lhs_hint = false} : vector<56x512xf32>, vector<512x32xf32>, vector<56x32xf32> -> vector<56x32xf32>
    %slice3A_2806 = vector.extract_strided_slice %get3A_7 {offsets = [1064, 0], sizes = [56, 32], strides = [1, 1]} : vector<1568x32xf32> to vector<56x32xf32>
    %sub3A_2807 = arith.subf %dot_general3A_2805, %slice3A_2806 : vector<56x32xf32>
    %add3A_2808 = arith.addf %slice3A_2806, %sub3A_2807 : vector<56x32xf32>
    %swap3A_2809 = arith.constant 1064 : index
    %swap3A_2810 = arith.constant 0 : index
    %swap3A_2811 = vector.load %arg8[%swap3A_2809, %swap3A_2810] : memref<1568x32xf32, #tpu.memory_space<vmem>>, vector<56x32xf32>
    tpu.vector_store %arg8[%swap3A_2809, %swap3A_2810], %add3A_2808 {strides = array<i32>} : memref<1568x32xf32, #tpu.memory_space<vmem>>, vector<56x32xf32>,
    %sub3A_2812 = arith.subf %slice3A_2806, %dot_general3A_2805 : vector<56x32xf32>
    %mul3A_2813 = arith.mulf %sub3A_2812, %sub3A_2812 : vector<56x32xf32>
    %reduce_sum3A_2814 = vector.shape_cast %mul3A_2813 : vector<56x32xf32> to vector<1x56x32xf32>
    %reduce_sum3A_2815 = arith.constant dense<0.000000e+00> : vector<1xf32>
    %reduce_sum3A_2816 = vector.multi_reduction <add>, %reduce_sum3A_2814, %reduce_sum3A_2815 [1, 2] : vector<1x56x32xf32> to vector<1xf32>
    %reduce_sum3A_2817 = vector.shape_cast %reduce_sum3A_2816 : vector<1xf32> to vector<1x1x1xf32>
    %reduce_sum3A_2818 = vector.extract %reduce_sum3A_2817[0, 0, 0] : f32 from vector<1x1x1xf32>
    %broadcast_in_dim3A_2819 = vector.broadcast %reduce_sum3A_2818 : f32 to vector<1x1xf32>
    %add3A_2820 = arith.addf %add3A_2679, %broadcast_in_dim3A_2819 : vector<1x1xf32>
    %reduce_sum3A_2821 = vector.shape_cast %select_n3A_2800 : vector<56x512xf32> to vector<1x56x512xf32>
    %reduce_sum3A_2822 = arith.constant dense<0.000000e+00> : vector<1xf32>
    %reduce_sum3A_2823 = vector.multi_reduction <add>, %reduce_sum3A_2821, %reduce_sum3A_2822 [1, 2] : vector<1x56x512xf32> to vector<1xf32>
    %reduce_sum3A_2824 = vector.shape_cast %reduce_sum3A_2823 : vector<1xf32> to vector<1x1x1xf32>
    %reduce_sum3A_2825 = vector.extract %reduce_sum3A_2824[0, 0, 0] : f32 from vector<1x1x1xf32>
    %broadcast_in_dim3A_2826 = vector.broadcast %reduce_sum3A_2825 : f32 to vector<1x1xf32>
    %add3A_2827 = arith.addf %add3A_2686, %broadcast_in_dim3A_2826 : vector<1x1xf32>
    %convert_element_type3A_2828 = arith.extui %le3A_2785 : vector<56x512xi1> to vector<56x512xi32>
    %convert_element_type3A_2829 = arith.sitofp %convert_element_type3A_2828 : vector<56x512xi32> to vector<56x512xf32>
    %reduce_sum3A_2830 = arith.constant dense<0.000000e+00> : vector<512xf32>
    %reduce_sum3A_2831 = vector.multi_reduction <add>, %convert_element_type3A_2829, %reduce_sum3A_2830 [0] : vector<56x512xf32> to vector<512xf32>
    %broadcast_in_dim3A_2832 = vector.shape_cast %reduce_sum3A_2831 : vector<512xf32> to vector<1x512xf32>
    %add3A_2833 = arith.addf %add3A_2692, %broadcast_in_dim3A_2832 : vector<1x512xf32>
    %slice3A_2834 = vector.extract_strided_slice %get3A_20 {offsets = [1120, 0], sizes = [56, 32], strides = [1, 1]} : vector<1568x32xf32> to vector<56x32xf32>
    %dot_general3A_2835 = arith.constant dense<0.000000e+00> : vector<56x1024xf32>
    %dot_general3A_2836 = tpu.matmul %slice3A_2834, %get3A_13, %dot_general3A_2835 {dimension_numbers = #tpu.dot_dimension_numbers<[1], [0], [0], [1], [0, 0, 1, 1], [], []>, transpose_lhs_hint = false} : vector<56x32xf32>, vector<32x1024xf32>, vector<56x1024xf32> -> vector<56x1024xf32>
    %slice3A_2837 = vector.extract_strided_slice %dot_general3A_2836 {offsets = [0, 512], sizes = [56, 512], strides = [1, 1]} : vector<56x1024xf32> to vector<56x512xf32>
    %mul3A_2838 = arith.constant 2.000000e+00 : f32
    %mul3A_2839 = vector.broadcast %mul3A_2838 : f32 to vector<56x512xf32>
    %mul3A_2840 = arith.mulf %mul3A_2839, %slice3A_2837 : vector<56x512xf32>
    %sub3A_2841 = vector.broadcast %broadcast_in_dim3A : vector<1x512xf32> to vector<56x512xf32>
    %sub3A_2842 = arith.subf %sub3A_2841, %mul3A_2840 : vector<56x512xf32>
    %slice3A_2843 = vector.extract_strided_slice %sub3A_2842 {offsets = [0, 0], sizes = [56, 128], strides = [1, 1]} : vector<56x512xf32> to vector<56x128xf32>
    %slice3A_2844 = vector.extract_strided_slice %sub3A_2842 {offsets = [0, 128], sizes = [56, 128], strides = [1, 1]} : vector<56x512xf32> to vector<56x128xf32>
    %slice3A_2845 = vector.extract_strided_slice %sub3A_2842 {offsets = [0, 256], sizes = [56, 128], strides = [1, 1]} : vector<56x512xf32> to vector<56x128xf32>
    %slice3A_2846 = vector.extract_strided_slice %sub3A_2842 {offsets = [0, 384], sizes = [56, 128], strides = [1, 1]} : vector<56x512xf32> to vector<56x128xf32>
    %min3A_2847 = arith.minimumf %slice3A_2843, %slice3A_2844 : vector<56x128xf32>
    %max3A_2848 = arith.maximumf %slice3A_2843, %slice3A_2844 : vector<56x128xf32>
    %min3A_2849 = arith.minimumf %slice3A_2845, %slice3A_2846 : vector<56x128xf32>
    %max3A_2850 = arith.maximumf %slice3A_2845, %slice3A_2846 : vector<56x128xf32>
    %min3A_2851 = arith.minimumf %min3A_2847, %min3A_2849 : vector<56x128xf32>
    %max3A_2852 = arith.maximumf %max3A_2848, %max3A_2850 : vector<56x128xf32>
    %max3A_2853 = arith.maximumf %min3A_2847, %min3A_2849 : vector<56x128xf32>
    %min3A_2854 = arith.minimumf %max3A_2848, %max3A_2850 : vector<56x128xf32>
    %min3A_2855 = arith.minimumf %max3A_2853, %min3A_2854 : vector<56x128xf32>
    %max3A_2856 = arith.maximumf %max3A_2853, %min3A_2854 : vector<56x128xf32>
    %reduce_min3A_2857 = arith.constant dense<0x7F800000> : vector<56xf32>
    %reduce_min3A_2858 = vector.multi_reduction <minimumf>, %min3A_2851, %reduce_min3A_2857 [1] : vector<56x128xf32> to vector<56xf32>
    %broadcast_in_dim3A_2859 = vector.shape_cast %reduce_min3A_2858 : vector<56xf32> to vector<56x1xf32>
    %eq3A_2860 = vector.broadcast %broadcast_in_dim3A_2859 : vector<56x1xf32> to vector<56x128xf32>
    %eq3A_2861 = arith.cmpf oeq, %min3A_2851, %eq3A_2860 : vector<56x128xf32>
    %select_n3A_2862 = arith.select %eq3A_2861, %min3A_2855, %min3A_2851 : vector<56x128xi1>, vector<56x128xf32>
    %select_n3A_2863 = arith.select %eq3A_2861, %max3A_2856, %min3A_2855 : vector<56x128xi1>, vector<56x128xf32>
    %select_n3A_2864 = arith.select %eq3A_2861, %max3A_2852, %max3A_2856 : vector<56x128xi1>, vector<56x128xf32>
    %jit3A_2865 = arith.constant 0x7F800000 : f32
    %broadcast_in_dim3A_2866 = vector.broadcast %jit3A_2865 : f32 to vector<56x128xf32>
    %select_n3A_2867 = arith.select %eq3A_2861, %broadcast_in_dim3A_2866, %max3A_2852 : vector<56x128xi1>, vector<56x128xf32>
    %reduce_min3A_2868 = arith.constant dense<0x7F800000> : vector<56xf32>
    %reduce_min3A_2869 = vector.multi_reduction <minimumf>, %select_n3A_2862, %reduce_min3A_2868 [1] : vector<56x128xf32> to vector<56xf32>
    %broadcast_in_dim3A_2870 = vector.shape_cast %reduce_min3A_2869 : vector<56xf32> to vector<56x1xf32>
    %eq3A_2871 = vector.broadcast %broadcast_in_dim3A_2870 : vector<56x1xf32> to vector<56x128xf32>
    %eq3A_2872 = arith.cmpf oeq, %select_n3A_2862, %eq3A_2871 : vector<56x128xf32>
    %select_n3A_2873 = arith.select %eq3A_2872, %select_n3A_2863, %select_n3A_2862 : vector<56x128xi1>, vector<56x128xf32>
    %select_n3A_2874 = arith.select %eq3A_2872, %select_n3A_2864, %select_n3A_2863 : vector<56x128xi1>, vector<56x128xf32>
    %select_n3A_2875 = arith.select %eq3A_2872, %select_n3A_2867, %select_n3A_2864 : vector<56x128xi1>, vector<56x128xf32>
    %jit3A_2876 = arith.constant 0x7F800000 : f32
    %broadcast_in_dim3A_2877 = vector.broadcast %jit3A_2876 : f32 to vector<56x128xf32>
    %select_n3A_2878 = arith.select %eq3A_2872, %broadcast_in_dim3A_2877, %select_n3A_2867 : vector<56x128xi1>, vector<56x128xf32>
    %reduce_min3A_2879 = arith.constant dense<0x7F800000> : vector<56xf32>
    %reduce_min3A_2880 = vector.multi_reduction <minimumf>, %select_n3A_2873, %reduce_min3A_2879 [1] : vector<56x128xf32> to vector<56xf32>
    %broadcast_in_dim3A_2881 = vector.shape_cast %reduce_min3A_2880 : vector<56xf32> to vector<56x1xf32>
    %eq3A_2882 = vector.broadcast %broadcast_in_dim3A_2881 : vector<56x1xf32> to vector<56x128xf32>
    %eq3A_2883 = arith.cmpf oeq, %select_n3A_2873, %eq3A_2882 : vector<56x128xf32>
    %select_n3A_2884 = arith.select %eq3A_2883, %select_n3A_2874, %select_n3A_2873 : vector<56x128xi1>, vector<56x128xf32>
    %select_n3A_2885 = arith.select %eq3A_2883, %select_n3A_2875, %select_n3A_2874 : vector<56x128xi1>, vector<56x128xf32>
    %select_n3A_2886 = arith.select %eq3A_2883, %select_n3A_2878, %select_n3A_2875 : vector<56x128xi1>, vector<56x128xf32>
    %jit3A_2887 = arith.constant 0x7F800000 : f32
    %broadcast_in_dim3A_2888 = vector.broadcast %jit3A_2887 : f32 to vector<56x128xf32>
    %select_n3A_2889 = arith.select %eq3A_2883, %broadcast_in_dim3A_2888, %select_n3A_2878 : vector<56x128xi1>, vector<56x128xf32>
    %reduce_min3A_2890 = arith.constant dense<0x7F800000> : vector<56xf32>
    %reduce_min3A_2891 = vector.multi_reduction <minimumf>, %select_n3A_2884, %reduce_min3A_2890 [1] : vector<56x128xf32> to vector<56xf32>
    %broadcast_in_dim3A_2892 = vector.shape_cast %reduce_min3A_2891 : vector<56xf32> to vector<56x1xf32>
    %eq3A_2893 = vector.broadcast %broadcast_in_dim3A_2892 : vector<56x1xf32> to vector<56x128xf32>
    %eq3A_2894 = arith.cmpf oeq, %select_n3A_2884, %eq3A_2893 : vector<56x128xf32>
    %select_n3A_2895 = arith.select %eq3A_2894, %select_n3A_2885, %select_n3A_2884 : vector<56x128xi1>, vector<56x128xf32>
    %select_n3A_2896 = arith.select %eq3A_2894, %select_n3A_2886, %select_n3A_2885 : vector<56x128xi1>, vector<56x128xf32>
    %select_n3A_2897 = arith.select %eq3A_2894, %select_n3A_2889, %select_n3A_2886 : vector<56x128xi1>, vector<56x128xf32>
    %jit3A_2898 = arith.constant 0x7F800000 : f32
    %broadcast_in_dim3A_2899 = vector.broadcast %jit3A_2898 : f32 to vector<56x128xf32>
    %select_n3A_2900 = arith.select %eq3A_2894, %broadcast_in_dim3A_2899, %select_n3A_2889 : vector<56x128xi1>, vector<56x128xf32>
    %reduce_min3A_2901 = arith.constant dense<0x7F800000> : vector<56xf32>
    %reduce_min3A_2902 = vector.multi_reduction <minimumf>, %select_n3A_2895, %reduce_min3A_2901 [1] : vector<56x128xf32> to vector<56xf32>
    %broadcast_in_dim3A_2903 = vector.shape_cast %reduce_min3A_2902 : vector<56xf32> to vector<56x1xf32>
    %eq3A_2904 = vector.broadcast %broadcast_in_dim3A_2903 : vector<56x1xf32> to vector<56x128xf32>
    %eq3A_2905 = arith.cmpf oeq, %select_n3A_2895, %eq3A_2904 : vector<56x128xf32>
    %select_n3A_2906 = arith.select %eq3A_2905, %select_n3A_2896, %select_n3A_2895 : vector<56x128xi1>, vector<56x128xf32>
    %select_n3A_2907 = arith.select %eq3A_2905, %select_n3A_2897, %select_n3A_2896 : vector<56x128xi1>, vector<56x128xf32>
    %select_n3A_2908 = arith.select %eq3A_2905, %select_n3A_2900, %select_n3A_2897 : vector<56x128xi1>, vector<56x128xf32>
    %reduce_min3A_2909 = arith.constant dense<0x7F800000> : vector<56xf32>
    %reduce_min3A_2910 = vector.multi_reduction <minimumf>, %select_n3A_2906, %reduce_min3A_2909 [1] : vector<56x128xf32> to vector<56xf32>
    %broadcast_in_dim3A_2911 = vector.shape_cast %reduce_min3A_2910 : vector<56xf32> to vector<56x1xf32>
    %eq3A_2912 = vector.broadcast %broadcast_in_dim3A_2911 : vector<56x1xf32> to vector<56x128xf32>
    %eq3A_2913 = arith.cmpf oeq, %select_n3A_2906, %eq3A_2912 : vector<56x128xf32>
    %select_n3A_2914 = arith.select %eq3A_2913, %select_n3A_2907, %select_n3A_2906 : vector<56x128xi1>, vector<56x128xf32>
    %select_n3A_2915 = arith.select %eq3A_2913, %select_n3A_2908, %select_n3A_2907 : vector<56x128xi1>, vector<56x128xf32>
    %reduce_min3A_2916 = arith.constant dense<0x7F800000> : vector<56xf32>
    %reduce_min3A_2917 = vector.multi_reduction <minimumf>, %select_n3A_2914, %reduce_min3A_2916 [1] : vector<56x128xf32> to vector<56xf32>
    %broadcast_in_dim3A_2918 = vector.shape_cast %reduce_min3A_2917 : vector<56xf32> to vector<56x1xf32>
    %eq3A_2919 = vector.broadcast %broadcast_in_dim3A_2918 : vector<56x1xf32> to vector<56x128xf32>
    %eq3A_2920 = arith.cmpf oeq, %select_n3A_2914, %eq3A_2919 : vector<56x128xf32>
    %select_n3A_2921 = arith.select %eq3A_2920, %select_n3A_2915, %select_n3A_2914 : vector<56x128xi1>, vector<56x128xf32>
    %reduce_min3A_2922 = arith.constant dense<0x7F800000> : vector<56xf32>
    %reduce_min3A_2923 = vector.multi_reduction <minimumf>, %select_n3A_2921, %reduce_min3A_2922 [1] : vector<56x128xf32> to vector<56xf32>
    %broadcast_in_dim3A_2924 = vector.shape_cast %reduce_min3A_2923 : vector<56xf32> to vector<56x1xf32>
    %le3A_2925 = vector.broadcast %broadcast_in_dim3A_2924 : vector<56x1xf32> to vector<56x512xf32>
    %le3A_2926 = arith.cmpf ole, %sub3A_2842, %le3A_2925 : vector<56x512xf32>
    %slice3A_2927 = vector.extract_strided_slice %dot_general3A_2836 {offsets = [0, 0], sizes = [56, 512], strides = [1, 1]} : vector<56x1024xf32> to vector<56x512xf32>
    %add3A_2928 = vector.broadcast %get3A_16 : vector<1x512xf32> to vector<56x512xf32>
    %add3A_2929 = arith.addf %slice3A_2927, %add3A_2928 : vector<56x512xf32>
    %exp3A_2930 = math.exp %add3A_2929 : vector<56x512xf32>
    %reduce_sum3A_2931 = arith.constant dense<0.000000e+00> : vector<56xf32>
    %reduce_sum3A_2932 = vector.multi_reduction <add>, %exp3A_2930, %reduce_sum3A_2931 [1] : vector<56x512xf32> to vector<56xf32>
    %broadcast_in_dim3A_2933 = vector.shape_cast %reduce_sum3A_2932 : vector<56xf32> to vector<56x1xf32>
    %div3A_2934 = arith.constant 1.000000e+00 : f32
    %div3A_2935 = vector.broadcast %div3A_2934 : f32 to vector<56x1xf32>
    %div3A_2936 = arith.divf %div3A_2935, %broadcast_in_dim3A_2933 : vector<56x1xf32>
    %mul3A_2937 = vector.broadcast %div3A_2936 : vector<56x1xf32> to vector<56x512xf32>
    %mul3A_2938 = arith.mulf %exp3A_2930, %mul3A_2937 : vector<56x512xf32>
    %jit3A_2939 = arith.constant 0.000000e+00 : f32
    %broadcast_in_dim3A_2940 = vector.broadcast %jit3A_2939 : f32 to vector<56x512xf32>
    %select_n3A_2941 = arith.select %le3A_2926, %mul3A_2938, %broadcast_in_dim3A_2940 : vector<56x512xi1>, vector<56x512xf32>
    %swap3A_2942 = arith.constant 1120 : index
    %swap3A_2943 = arith.constant 0 : index
    %swap3A_2944 = vector.load %arg7[%swap3A_2942, %swap3A_2943] : memref<1568x512xf32, #tpu.memory_space<vmem>>, vector<56x512xf32>
    tpu.vector_store %arg7[%swap3A_2942, %swap3A_2943], %select_n3A_2941 {strides = array<i32>} : memref<1568x512xf32, #tpu.memory_space<vmem>>, vector<56x512xf32>,
    %dot_general3A_2945 = arith.constant dense<0.000000e+00> : vector<56x32xf32>
    %dot_general3A_2946 = tpu.matmul %select_n3A_2941, %get3A_10, %dot_general3A_2945 {dimension_numbers = #tpu.dot_dimension_numbers<[1], [0], [0], [1], [0, 0, 1, 1], [], []>, transpose_lhs_hint = false} : vector<56x512xf32>, vector<512x32xf32>, vector<56x32xf32> -> vector<56x32xf32>
    %slice3A_2947 = vector.extract_strided_slice %get3A_7 {offsets = [1120, 0], sizes = [56, 32], strides = [1, 1]} : vector<1568x32xf32> to vector<56x32xf32>
    %sub3A_2948 = arith.subf %dot_general3A_2946, %slice3A_2947 : vector<56x32xf32>
    %add3A_2949 = arith.addf %slice3A_2947, %sub3A_2948 : vector<56x32xf32>
    %swap3A_2950 = arith.constant 1120 : index
    %swap3A_2951 = arith.constant 0 : index
    %swap3A_2952 = vector.load %arg8[%swap3A_2950, %swap3A_2951] : memref<1568x32xf32, #tpu.memory_space<vmem>>, vector<56x32xf32>
    tpu.vector_store %arg8[%swap3A_2950, %swap3A_2951], %add3A_2949 {strides = array<i32>} : memref<1568x32xf32, #tpu.memory_space<vmem>>, vector<56x32xf32>,
    %sub3A_2953 = arith.subf %slice3A_2947, %dot_general3A_2946 : vector<56x32xf32>
    %mul3A_2954 = arith.mulf %sub3A_2953, %sub3A_2953 : vector<56x32xf32>
    %reduce_sum3A_2955 = vector.shape_cast %mul3A_2954 : vector<56x32xf32> to vector<1x56x32xf32>
    %reduce_sum3A_2956 = arith.constant dense<0.000000e+00> : vector<1xf32>
    %reduce_sum3A_2957 = vector.multi_reduction <add>, %reduce_sum3A_2955, %reduce_sum3A_2956 [1, 2] : vector<1x56x32xf32> to vector<1xf32>
    %reduce_sum3A_2958 = vector.shape_cast %reduce_sum3A_2957 : vector<1xf32> to vector<1x1x1xf32>
    %reduce_sum3A_2959 = vector.extract %reduce_sum3A_2958[0, 0, 0] : f32 from vector<1x1x1xf32>
    %broadcast_in_dim3A_2960 = vector.broadcast %reduce_sum3A_2959 : f32 to vector<1x1xf32>
    %add3A_2961 = arith.addf %add3A_2820, %broadcast_in_dim3A_2960 : vector<1x1xf32>
    %reduce_sum3A_2962 = vector.shape_cast %select_n3A_2941 : vector<56x512xf32> to vector<1x56x512xf32>
    %reduce_sum3A_2963 = arith.constant dense<0.000000e+00> : vector<1xf32>
    %reduce_sum3A_2964 = vector.multi_reduction <add>, %reduce_sum3A_2962, %reduce_sum3A_2963 [1, 2] : vector<1x56x512xf32> to vector<1xf32>
    %reduce_sum3A_2965 = vector.shape_cast %reduce_sum3A_2964 : vector<1xf32> to vector<1x1x1xf32>
    %reduce_sum3A_2966 = vector.extract %reduce_sum3A_2965[0, 0, 0] : f32 from vector<1x1x1xf32>
    %broadcast_in_dim3A_2967 = vector.broadcast %reduce_sum3A_2966 : f32 to vector<1x1xf32>
    %add3A_2968 = arith.addf %add3A_2827, %broadcast_in_dim3A_2967 : vector<1x1xf32>
    %convert_element_type3A_2969 = arith.extui %le3A_2926 : vector<56x512xi1> to vector<56x512xi32>
    %convert_element_type3A_2970 = arith.sitofp %convert_element_type3A_2969 : vector<56x512xi32> to vector<56x512xf32>
    %reduce_sum3A_2971 = arith.constant dense<0.000000e+00> : vector<512xf32>
    %reduce_sum3A_2972 = vector.multi_reduction <add>, %convert_element_type3A_2970, %reduce_sum3A_2971 [0] : vector<56x512xf32> to vector<512xf32>
    %broadcast_in_dim3A_2973 = vector.shape_cast %reduce_sum3A_2972 : vector<512xf32> to vector<1x512xf32>
    %add3A_2974 = arith.addf %add3A_2833, %broadcast_in_dim3A_2973 : vector<1x512xf32>
    %slice3A_2975 = vector.extract_strided_slice %get3A_20 {offsets = [1176, 0], sizes = [56, 32], strides = [1, 1]} : vector<1568x32xf32> to vector<56x32xf32>
    %dot_general3A_2976 = arith.constant dense<0.000000e+00> : vector<56x1024xf32>
    %dot_general3A_2977 = tpu.matmul %slice3A_2975, %get3A_13, %dot_general3A_2976 {dimension_numbers = #tpu.dot_dimension_numbers<[1], [0], [0], [1], [0, 0, 1, 1], [], []>, transpose_lhs_hint = false} : vector<56x32xf32>, vector<32x1024xf32>, vector<56x1024xf32> -> vector<56x1024xf32>
    %slice3A_2978 = vector.extract_strided_slice %dot_general3A_2977 {offsets = [0, 512], sizes = [56, 512], strides = [1, 1]} : vector<56x1024xf32> to vector<56x512xf32>
    %mul3A_2979 = arith.constant 2.000000e+00 : f32
    %mul3A_2980 = vector.broadcast %mul3A_2979 : f32 to vector<56x512xf32>
    %mul3A_2981 = arith.mulf %mul3A_2980, %slice3A_2978 : vector<56x512xf32>
    %sub3A_2982 = vector.broadcast %broadcast_in_dim3A : vector<1x512xf32> to vector<56x512xf32>
    %sub3A_2983 = arith.subf %sub3A_2982, %mul3A_2981 : vector<56x512xf32>
    %slice3A_2984 = vector.extract_strided_slice %sub3A_2983 {offsets = [0, 0], sizes = [56, 128], strides = [1, 1]} : vector<56x512xf32> to vector<56x128xf32>
    %slice3A_2985 = vector.extract_strided_slice %sub3A_2983 {offsets = [0, 128], sizes = [56, 128], strides = [1, 1]} : vector<56x512xf32> to vector<56x128xf32>
    %slice3A_2986 = vector.extract_strided_slice %sub3A_2983 {offsets = [0, 256], sizes = [56, 128], strides = [1, 1]} : vector<56x512xf32> to vector<56x128xf32>
    %slice3A_2987 = vector.extract_strided_slice %sub3A_2983 {offsets = [0, 384], sizes = [56, 128], strides = [1, 1]} : vector<56x512xf32> to vector<56x128xf32>
    %min3A_2988 = arith.minimumf %slice3A_2984, %slice3A_2985 : vector<56x128xf32>
    %max3A_2989 = arith.maximumf %slice3A_2984, %slice3A_2985 : vector<56x128xf32>
    %min3A_2990 = arith.minimumf %slice3A_2986, %slice3A_2987 : vector<56x128xf32>
    %max3A_2991 = arith.maximumf %slice3A_2986, %slice3A_2987 : vector<56x128xf32>
    %min3A_2992 = arith.minimumf %min3A_2988, %min3A_2990 : vector<56x128xf32>
    %max3A_2993 = arith.maximumf %max3A_2989, %max3A_2991 : vector<56x128xf32>
    %max3A_2994 = arith.maximumf %min3A_2988, %min3A_2990 : vector<56x128xf32>
    %min3A_2995 = arith.minimumf %max3A_2989, %max3A_2991 : vector<56x128xf32>
    %min3A_2996 = arith.minimumf %max3A_2994, %min3A_2995 : vector<56x128xf32>
    %max3A_2997 = arith.maximumf %max3A_2994, %min3A_2995 : vector<56x128xf32>
    %reduce_min3A_2998 = arith.constant dense<0x7F800000> : vector<56xf32>
    %reduce_min3A_2999 = vector.multi_reduction <minimumf>, %min3A_2992, %reduce_min3A_2998 [1] : vector<56x128xf32> to vector<56xf32>
    %broadcast_in_dim3A_3000 = vector.shape_cast %reduce_min3A_2999 : vector<56xf32> to vector<56x1xf32>
    %eq3A_3001 = vector.broadcast %broadcast_in_dim3A_3000 : vector<56x1xf32> to vector<56x128xf32>
    %eq3A_3002 = arith.cmpf oeq, %min3A_2992, %eq3A_3001 : vector<56x128xf32>
    %select_n3A_3003 = arith.select %eq3A_3002, %min3A_2996, %min3A_2992 : vector<56x128xi1>, vector<56x128xf32>
    %select_n3A_3004 = arith.select %eq3A_3002, %max3A_2997, %min3A_2996 : vector<56x128xi1>, vector<56x128xf32>
    %select_n3A_3005 = arith.select %eq3A_3002, %max3A_2993, %max3A_2997 : vector<56x128xi1>, vector<56x128xf32>
    %jit3A_3006 = arith.constant 0x7F800000 : f32
    %broadcast_in_dim3A_3007 = vector.broadcast %jit3A_3006 : f32 to vector<56x128xf32>
    %select_n3A_3008 = arith.select %eq3A_3002, %broadcast_in_dim3A_3007, %max3A_2993 : vector<56x128xi1>, vector<56x128xf32>
    %reduce_min3A_3009 = arith.constant dense<0x7F800000> : vector<56xf32>
    %reduce_min3A_3010 = vector.multi_reduction <minimumf>, %select_n3A_3003, %reduce_min3A_3009 [1] : vector<56x128xf32> to vector<56xf32>
    %broadcast_in_dim3A_3011 = vector.shape_cast %reduce_min3A_3010 : vector<56xf32> to vector<56x1xf32>
    %eq3A_3012 = vector.broadcast %broadcast_in_dim3A_3011 : vector<56x1xf32> to vector<56x128xf32>
    %eq3A_3013 = arith.cmpf oeq, %select_n3A_3003, %eq3A_3012 : vector<56x128xf32>
    %select_n3A_3014 = arith.select %eq3A_3013, %select_n3A_3004, %select_n3A_3003 : vector<56x128xi1>, vector<56x128xf32>
    %select_n3A_3015 = arith.select %eq3A_3013, %select_n3A_3005, %select_n3A_3004 : vector<56x128xi1>, vector<56x128xf32>
    %select_n3A_3016 = arith.select %eq3A_3013, %select_n3A_3008, %select_n3A_3005 : vector<56x128xi1>, vector<56x128xf32>
    %jit3A_3017 = arith.constant 0x7F800000 : f32
    %broadcast_in_dim3A_3018 = vector.broadcast %jit3A_3017 : f32 to vector<56x128xf32>
    %select_n3A_3019 = arith.select %eq3A_3013, %broadcast_in_dim3A_3018, %select_n3A_3008 : vector<56x128xi1>, vector<56x128xf32>
    %reduce_min3A_3020 = arith.constant dense<0x7F800000> : vector<56xf32>
    %reduce_min3A_3021 = vector.multi_reduction <minimumf>, %select_n3A_3014, %reduce_min3A_3020 [1] : vector<56x128xf32> to vector<56xf32>
    %broadcast_in_dim3A_3022 = vector.shape_cast %reduce_min3A_3021 : vector<56xf32> to vector<56x1xf32>
    %eq3A_3023 = vector.broadcast %broadcast_in_dim3A_3022 : vector<56x1xf32> to vector<56x128xf32>
    %eq3A_3024 = arith.cmpf oeq, %select_n3A_3014, %eq3A_3023 : vector<56x128xf32>
    %select_n3A_3025 = arith.select %eq3A_3024, %select_n3A_3015, %select_n3A_3014 : vector<56x128xi1>, vector<56x128xf32>
    %select_n3A_3026 = arith.select %eq3A_3024, %select_n3A_3016, %select_n3A_3015 : vector<56x128xi1>, vector<56x128xf32>
    %select_n3A_3027 = arith.select %eq3A_3024, %select_n3A_3019, %select_n3A_3016 : vector<56x128xi1>, vector<56x128xf32>
    %jit3A_3028 = arith.constant 0x7F800000 : f32
    %broadcast_in_dim3A_3029 = vector.broadcast %jit3A_3028 : f32 to vector<56x128xf32>
    %select_n3A_3030 = arith.select %eq3A_3024, %broadcast_in_dim3A_3029, %select_n3A_3019 : vector<56x128xi1>, vector<56x128xf32>
    %reduce_min3A_3031 = arith.constant dense<0x7F800000> : vector<56xf32>
    %reduce_min3A_3032 = vector.multi_reduction <minimumf>, %select_n3A_3025, %reduce_min3A_3031 [1] : vector<56x128xf32> to vector<56xf32>
    %broadcast_in_dim3A_3033 = vector.shape_cast %reduce_min3A_3032 : vector<56xf32> to vector<56x1xf32>
    %eq3A_3034 = vector.broadcast %broadcast_in_dim3A_3033 : vector<56x1xf32> to vector<56x128xf32>
    %eq3A_3035 = arith.cmpf oeq, %select_n3A_3025, %eq3A_3034 : vector<56x128xf32>
    %select_n3A_3036 = arith.select %eq3A_3035, %select_n3A_3026, %select_n3A_3025 : vector<56x128xi1>, vector<56x128xf32>
    %select_n3A_3037 = arith.select %eq3A_3035, %select_n3A_3027, %select_n3A_3026 : vector<56x128xi1>, vector<56x128xf32>
    %select_n3A_3038 = arith.select %eq3A_3035, %select_n3A_3030, %select_n3A_3027 : vector<56x128xi1>, vector<56x128xf32>
    %jit3A_3039 = arith.constant 0x7F800000 : f32
    %broadcast_in_dim3A_3040 = vector.broadcast %jit3A_3039 : f32 to vector<56x128xf32>
    %select_n3A_3041 = arith.select %eq3A_3035, %broadcast_in_dim3A_3040, %select_n3A_3030 : vector<56x128xi1>, vector<56x128xf32>
    %reduce_min3A_3042 = arith.constant dense<0x7F800000> : vector<56xf32>
    %reduce_min3A_3043 = vector.multi_reduction <minimumf>, %select_n3A_3036, %reduce_min3A_3042 [1] : vector<56x128xf32> to vector<56xf32>
    %broadcast_in_dim3A_3044 = vector.shape_cast %reduce_min3A_3043 : vector<56xf32> to vector<56x1xf32>
    %eq3A_3045 = vector.broadcast %broadcast_in_dim3A_3044 : vector<56x1xf32> to vector<56x128xf32>
    %eq3A_3046 = arith.cmpf oeq, %select_n3A_3036, %eq3A_3045 : vector<56x128xf32>
    %select_n3A_3047 = arith.select %eq3A_3046, %select_n3A_3037, %select_n3A_3036 : vector<56x128xi1>, vector<56x128xf32>
    %select_n3A_3048 = arith.select %eq3A_3046, %select_n3A_3038, %select_n3A_3037 : vector<56x128xi1>, vector<56x128xf32>
    %select_n3A_3049 = arith.select %eq3A_3046, %select_n3A_3041, %select_n3A_3038 : vector<56x128xi1>, vector<56x128xf32>
    %reduce_min3A_3050 = arith.constant dense<0x7F800000> : vector<56xf32>
    %reduce_min3A_3051 = vector.multi_reduction <minimumf>, %select_n3A_3047, %reduce_min3A_3050 [1] : vector<56x128xf32> to vector<56xf32>
    %broadcast_in_dim3A_3052 = vector.shape_cast %reduce_min3A_3051 : vector<56xf32> to vector<56x1xf32>
    %eq3A_3053 = vector.broadcast %broadcast_in_dim3A_3052 : vector<56x1xf32> to vector<56x128xf32>
    %eq3A_3054 = arith.cmpf oeq, %select_n3A_3047, %eq3A_3053 : vector<56x128xf32>
    %select_n3A_3055 = arith.select %eq3A_3054, %select_n3A_3048, %select_n3A_3047 : vector<56x128xi1>, vector<56x128xf32>
    %select_n3A_3056 = arith.select %eq3A_3054, %select_n3A_3049, %select_n3A_3048 : vector<56x128xi1>, vector<56x128xf32>
    %reduce_min3A_3057 = arith.constant dense<0x7F800000> : vector<56xf32>
    %reduce_min3A_3058 = vector.multi_reduction <minimumf>, %select_n3A_3055, %reduce_min3A_3057 [1] : vector<56x128xf32> to vector<56xf32>
    %broadcast_in_dim3A_3059 = vector.shape_cast %reduce_min3A_3058 : vector<56xf32> to vector<56x1xf32>
    %eq3A_3060 = vector.broadcast %broadcast_in_dim3A_3059 : vector<56x1xf32> to vector<56x128xf32>
    %eq3A_3061 = arith.cmpf oeq, %select_n3A_3055, %eq3A_3060 : vector<56x128xf32>
    %select_n3A_3062 = arith.select %eq3A_3061, %select_n3A_3056, %select_n3A_3055 : vector<56x128xi1>, vector<56x128xf32>
    %reduce_min3A_3063 = arith.constant dense<0x7F800000> : vector<56xf32>
    %reduce_min3A_3064 = vector.multi_reduction <minimumf>, %select_n3A_3062, %reduce_min3A_3063 [1] : vector<56x128xf32> to vector<56xf32>
    %broadcast_in_dim3A_3065 = vector.shape_cast %reduce_min3A_3064 : vector<56xf32> to vector<56x1xf32>
    %le3A_3066 = vector.broadcast %broadcast_in_dim3A_3065 : vector<56x1xf32> to vector<56x512xf32>
    %le3A_3067 = arith.cmpf ole, %sub3A_2983, %le3A_3066 : vector<56x512xf32>
    %slice3A_3068 = vector.extract_strided_slice %dot_general3A_2977 {offsets = [0, 0], sizes = [56, 512], strides = [1, 1]} : vector<56x1024xf32> to vector<56x512xf32>
    %add3A_3069 = vector.broadcast %get3A_16 : vector<1x512xf32> to vector<56x512xf32>
    %add3A_3070 = arith.addf %slice3A_3068, %add3A_3069 : vector<56x512xf32>
    %exp3A_3071 = math.exp %add3A_3070 : vector<56x512xf32>
    %reduce_sum3A_3072 = arith.constant dense<0.000000e+00> : vector<56xf32>
    %reduce_sum3A_3073 = vector.multi_reduction <add>, %exp3A_3071, %reduce_sum3A_3072 [1] : vector<56x512xf32> to vector<56xf32>
    %broadcast_in_dim3A_3074 = vector.shape_cast %reduce_sum3A_3073 : vector<56xf32> to vector<56x1xf32>
    %div3A_3075 = arith.constant 1.000000e+00 : f32
    %div3A_3076 = vector.broadcast %div3A_3075 : f32 to vector<56x1xf32>
    %div3A_3077 = arith.divf %div3A_3076, %broadcast_in_dim3A_3074 : vector<56x1xf32>
    %mul3A_3078 = vector.broadcast %div3A_3077 : vector<56x1xf32> to vector<56x512xf32>
    %mul3A_3079 = arith.mulf %exp3A_3071, %mul3A_3078 : vector<56x512xf32>
    %jit3A_3080 = arith.constant 0.000000e+00 : f32
    %broadcast_in_dim3A_3081 = vector.broadcast %jit3A_3080 : f32 to vector<56x512xf32>
    %select_n3A_3082 = arith.select %le3A_3067, %mul3A_3079, %broadcast_in_dim3A_3081 : vector<56x512xi1>, vector<56x512xf32>
    %swap3A_3083 = arith.constant 1176 : index
    %swap3A_3084 = arith.constant 0 : index
    %swap3A_3085 = vector.load %arg7[%swap3A_3083, %swap3A_3084] : memref<1568x512xf32, #tpu.memory_space<vmem>>, vector<56x512xf32>
    tpu.vector_store %arg7[%swap3A_3083, %swap3A_3084], %select_n3A_3082 {strides = array<i32>} : memref<1568x512xf32, #tpu.memory_space<vmem>>, vector<56x512xf32>,
    %dot_general3A_3086 = arith.constant dense<0.000000e+00> : vector<56x32xf32>
    %dot_general3A_3087 = tpu.matmul %select_n3A_3082, %get3A_10, %dot_general3A_3086 {dimension_numbers = #tpu.dot_dimension_numbers<[1], [0], [0], [1], [0, 0, 1, 1], [], []>, transpose_lhs_hint = false} : vector<56x512xf32>, vector<512x32xf32>, vector<56x32xf32> -> vector<56x32xf32>
    %slice3A_3088 = vector.extract_strided_slice %get3A_7 {offsets = [1176, 0], sizes = [56, 32], strides = [1, 1]} : vector<1568x32xf32> to vector<56x32xf32>
    %sub3A_3089 = arith.subf %dot_general3A_3087, %slice3A_3088 : vector<56x32xf32>
    %add3A_3090 = arith.addf %slice3A_3088, %sub3A_3089 : vector<56x32xf32>
    %swap3A_3091 = arith.constant 1176 : index
    %swap3A_3092 = arith.constant 0 : index
    %swap3A_3093 = vector.load %arg8[%swap3A_3091, %swap3A_3092] : memref<1568x32xf32, #tpu.memory_space<vmem>>, vector<56x32xf32>
    tpu.vector_store %arg8[%swap3A_3091, %swap3A_3092], %add3A_3090 {strides = array<i32>} : memref<1568x32xf32, #tpu.memory_space<vmem>>, vector<56x32xf32>,
    %sub3A_3094 = arith.subf %slice3A_3088, %dot_general3A_3087 : vector<56x32xf32>
    %mul3A_3095 = arith.mulf %sub3A_3094, %sub3A_3094 : vector<56x32xf32>
    %reduce_sum3A_3096 = vector.shape_cast %mul3A_3095 : vector<56x32xf32> to vector<1x56x32xf32>
    %reduce_sum3A_3097 = arith.constant dense<0.000000e+00> : vector<1xf32>
    %reduce_sum3A_3098 = vector.multi_reduction <add>, %reduce_sum3A_3096, %reduce_sum3A_3097 [1, 2] : vector<1x56x32xf32> to vector<1xf32>
    %reduce_sum3A_3099 = vector.shape_cast %reduce_sum3A_3098 : vector<1xf32> to vector<1x1x1xf32>
    %reduce_sum3A_3100 = vector.extract %reduce_sum3A_3099[0, 0, 0] : f32 from vector<1x1x1xf32>
    %broadcast_in_dim3A_3101 = vector.broadcast %reduce_sum3A_3100 : f32 to vector<1x1xf32>
    %add3A_3102 = arith.addf %add3A_2961, %broadcast_in_dim3A_3101 : vector<1x1xf32>
    %reduce_sum3A_3103 = vector.shape_cast %select_n3A_3082 : vector<56x512xf32> to vector<1x56x512xf32>
    %reduce_sum3A_3104 = arith.constant dense<0.000000e+00> : vector<1xf32>
    %reduce_sum3A_3105 = vector.multi_reduction <add>, %reduce_sum3A_3103, %reduce_sum3A_3104 [1, 2] : vector<1x56x512xf32> to vector<1xf32>
    %reduce_sum3A_3106 = vector.shape_cast %reduce_sum3A_3105 : vector<1xf32> to vector<1x1x1xf32>
    %reduce_sum3A_3107 = vector.extract %reduce_sum3A_3106[0, 0, 0] : f32 from vector<1x1x1xf32>
    %broadcast_in_dim3A_3108 = vector.broadcast %reduce_sum3A_3107 : f32 to vector<1x1xf32>
    %add3A_3109 = arith.addf %add3A_2968, %broadcast_in_dim3A_3108 : vector<1x1xf32>
    %convert_element_type3A_3110 = arith.extui %le3A_3067 : vector<56x512xi1> to vector<56x512xi32>
    %convert_element_type3A_3111 = arith.sitofp %convert_element_type3A_3110 : vector<56x512xi32> to vector<56x512xf32>
    %reduce_sum3A_3112 = arith.constant dense<0.000000e+00> : vector<512xf32>
    %reduce_sum3A_3113 = vector.multi_reduction <add>, %convert_element_type3A_3111, %reduce_sum3A_3112 [0] : vector<56x512xf32> to vector<512xf32>
    %broadcast_in_dim3A_3114 = vector.shape_cast %reduce_sum3A_3113 : vector<512xf32> to vector<1x512xf32>
    %add3A_3115 = arith.addf %add3A_2974, %broadcast_in_dim3A_3114 : vector<1x512xf32>
    %slice3A_3116 = vector.extract_strided_slice %get3A_20 {offsets = [1232, 0], sizes = [56, 32], strides = [1, 1]} : vector<1568x32xf32> to vector<56x32xf32>
    %dot_general3A_3117 = arith.constant dense<0.000000e+00> : vector<56x1024xf32>
    %dot_general3A_3118 = tpu.matmul %slice3A_3116, %get3A_13, %dot_general3A_3117 {dimension_numbers = #tpu.dot_dimension_numbers<[1], [0], [0], [1], [0, 0, 1, 1], [], []>, transpose_lhs_hint = false} : vector<56x32xf32>, vector<32x1024xf32>, vector<56x1024xf32> -> vector<56x1024xf32>
    %slice3A_3119 = vector.extract_strided_slice %dot_general3A_3118 {offsets = [0, 512], sizes = [56, 512], strides = [1, 1]} : vector<56x1024xf32> to vector<56x512xf32>
    %mul3A_3120 = arith.constant 2.000000e+00 : f32
    %mul3A_3121 = vector.broadcast %mul3A_3120 : f32 to vector<56x512xf32>
    %mul3A_3122 = arith.mulf %mul3A_3121, %slice3A_3119 : vector<56x512xf32>
    %sub3A_3123 = vector.broadcast %broadcast_in_dim3A : vector<1x512xf32> to vector<56x512xf32>
    %sub3A_3124 = arith.subf %sub3A_3123, %mul3A_3122 : vector<56x512xf32>
    %slice3A_3125 = vector.extract_strided_slice %sub3A_3124 {offsets = [0, 0], sizes = [56, 128], strides = [1, 1]} : vector<56x512xf32> to vector<56x128xf32>
    %slice3A_3126 = vector.extract_strided_slice %sub3A_3124 {offsets = [0, 128], sizes = [56, 128], strides = [1, 1]} : vector<56x512xf32> to vector<56x128xf32>
    %slice3A_3127 = vector.extract_strided_slice %sub3A_3124 {offsets = [0, 256], sizes = [56, 128], strides = [1, 1]} : vector<56x512xf32> to vector<56x128xf32>
    %slice3A_3128 = vector.extract_strided_slice %sub3A_3124 {offsets = [0, 384], sizes = [56, 128], strides = [1, 1]} : vector<56x512xf32> to vector<56x128xf32>
    %min3A_3129 = arith.minimumf %slice3A_3125, %slice3A_3126 : vector<56x128xf32>
    %max3A_3130 = arith.maximumf %slice3A_3125, %slice3A_3126 : vector<56x128xf32>
    %min3A_3131 = arith.minimumf %slice3A_3127, %slice3A_3128 : vector<56x128xf32>
    %max3A_3132 = arith.maximumf %slice3A_3127, %slice3A_3128 : vector<56x128xf32>
    %min3A_3133 = arith.minimumf %min3A_3129, %min3A_3131 : vector<56x128xf32>
    %max3A_3134 = arith.maximumf %max3A_3130, %max3A_3132 : vector<56x128xf32>
    %max3A_3135 = arith.maximumf %min3A_3129, %min3A_3131 : vector<56x128xf32>
    %min3A_3136 = arith.minimumf %max3A_3130, %max3A_3132 : vector<56x128xf32>
    %min3A_3137 = arith.minimumf %max3A_3135, %min3A_3136 : vector<56x128xf32>
    %max3A_3138 = arith.maximumf %max3A_3135, %min3A_3136 : vector<56x128xf32>
    %reduce_min3A_3139 = arith.constant dense<0x7F800000> : vector<56xf32>
    %reduce_min3A_3140 = vector.multi_reduction <minimumf>, %min3A_3133, %reduce_min3A_3139 [1] : vector<56x128xf32> to vector<56xf32>
    %broadcast_in_dim3A_3141 = vector.shape_cast %reduce_min3A_3140 : vector<56xf32> to vector<56x1xf32>
    %eq3A_3142 = vector.broadcast %broadcast_in_dim3A_3141 : vector<56x1xf32> to vector<56x128xf32>
    %eq3A_3143 = arith.cmpf oeq, %min3A_3133, %eq3A_3142 : vector<56x128xf32>
    %select_n3A_3144 = arith.select %eq3A_3143, %min3A_3137, %min3A_3133 : vector<56x128xi1>, vector<56x128xf32>
    %select_n3A_3145 = arith.select %eq3A_3143, %max3A_3138, %min3A_3137 : vector<56x128xi1>, vector<56x128xf32>
    %select_n3A_3146 = arith.select %eq3A_3143, %max3A_3134, %max3A_3138 : vector<56x128xi1>, vector<56x128xf32>
    %jit3A_3147 = arith.constant 0x7F800000 : f32
    %broadcast_in_dim3A_3148 = vector.broadcast %jit3A_3147 : f32 to vector<56x128xf32>
    %select_n3A_3149 = arith.select %eq3A_3143, %broadcast_in_dim3A_3148, %max3A_3134 : vector<56x128xi1>, vector<56x128xf32>
    %reduce_min3A_3150 = arith.constant dense<0x7F800000> : vector<56xf32>
    %reduce_min3A_3151 = vector.multi_reduction <minimumf>, %select_n3A_3144, %reduce_min3A_3150 [1] : vector<56x128xf32> to vector<56xf32>
    %broadcast_in_dim3A_3152 = vector.shape_cast %reduce_min3A_3151 : vector<56xf32> to vector<56x1xf32>
    %eq3A_3153 = vector.broadcast %broadcast_in_dim3A_3152 : vector<56x1xf32> to vector<56x128xf32>
    %eq3A_3154 = arith.cmpf oeq, %select_n3A_3144, %eq3A_3153 : vector<56x128xf32>
    %select_n3A_3155 = arith.select %eq3A_3154, %select_n3A_3145, %select_n3A_3144 : vector<56x128xi1>, vector<56x128xf32>
    %select_n3A_3156 = arith.select %eq3A_3154, %select_n3A_3146, %select_n3A_3145 : vector<56x128xi1>, vector<56x128xf32>
    %select_n3A_3157 = arith.select %eq3A_3154, %select_n3A_3149, %select_n3A_3146 : vector<56x128xi1>, vector<56x128xf32>
    %jit3A_3158 = arith.constant 0x7F800000 : f32
    %broadcast_in_dim3A_3159 = vector.broadcast %jit3A_3158 : f32 to vector<56x128xf32>
    %select_n3A_3160 = arith.select %eq3A_3154, %broadcast_in_dim3A_3159, %select_n3A_3149 : vector<56x128xi1>, vector<56x128xf32>
    %reduce_min3A_3161 = arith.constant dense<0x7F800000> : vector<56xf32>
    %reduce_min3A_3162 = vector.multi_reduction <minimumf>, %select_n3A_3155, %reduce_min3A_3161 [1] : vector<56x128xf32> to vector<56xf32>
    %broadcast_in_dim3A_3163 = vector.shape_cast %reduce_min3A_3162 : vector<56xf32> to vector<56x1xf32>
    %eq3A_3164 = vector.broadcast %broadcast_in_dim3A_3163 : vector<56x1xf32> to vector<56x128xf32>
    %eq3A_3165 = arith.cmpf oeq, %select_n3A_3155, %eq3A_3164 : vector<56x128xf32>
    %select_n3A_3166 = arith.select %eq3A_3165, %select_n3A_3156, %select_n3A_3155 : vector<56x128xi1>, vector<56x128xf32>
    %select_n3A_3167 = arith.select %eq3A_3165, %select_n3A_3157, %select_n3A_3156 : vector<56x128xi1>, vector<56x128xf32>
    %select_n3A_3168 = arith.select %eq3A_3165, %select_n3A_3160, %select_n3A_3157 : vector<56x128xi1>, vector<56x128xf32>
    %jit3A_3169 = arith.constant 0x7F800000 : f32
    %broadcast_in_dim3A_3170 = vector.broadcast %jit3A_3169 : f32 to vector<56x128xf32>
    %select_n3A_3171 = arith.select %eq3A_3165, %broadcast_in_dim3A_3170, %select_n3A_3160 : vector<56x128xi1>, vector<56x128xf32>
    %reduce_min3A_3172 = arith.constant dense<0x7F800000> : vector<56xf32>
    %reduce_min3A_3173 = vector.multi_reduction <minimumf>, %select_n3A_3166, %reduce_min3A_3172 [1] : vector<56x128xf32> to vector<56xf32>
    %broadcast_in_dim3A_3174 = vector.shape_cast %reduce_min3A_3173 : vector<56xf32> to vector<56x1xf32>
    %eq3A_3175 = vector.broadcast %broadcast_in_dim3A_3174 : vector<56x1xf32> to vector<56x128xf32>
    %eq3A_3176 = arith.cmpf oeq, %select_n3A_3166, %eq3A_3175 : vector<56x128xf32>
    %select_n3A_3177 = arith.select %eq3A_3176, %select_n3A_3167, %select_n3A_3166 : vector<56x128xi1>, vector<56x128xf32>
    %select_n3A_3178 = arith.select %eq3A_3176, %select_n3A_3168, %select_n3A_3167 : vector<56x128xi1>, vector<56x128xf32>
    %select_n3A_3179 = arith.select %eq3A_3176, %select_n3A_3171, %select_n3A_3168 : vector<56x128xi1>, vector<56x128xf32>
    %jit3A_3180 = arith.constant 0x7F800000 : f32
    %broadcast_in_dim3A_3181 = vector.broadcast %jit3A_3180 : f32 to vector<56x128xf32>
    %select_n3A_3182 = arith.select %eq3A_3176, %broadcast_in_dim3A_3181, %select_n3A_3171 : vector<56x128xi1>, vector<56x128xf32>
    %reduce_min3A_3183 = arith.constant dense<0x7F800000> : vector<56xf32>
    %reduce_min3A_3184 = vector.multi_reduction <minimumf>, %select_n3A_3177, %reduce_min3A_3183 [1] : vector<56x128xf32> to vector<56xf32>
    %broadcast_in_dim3A_3185 = vector.shape_cast %reduce_min3A_3184 : vector<56xf32> to vector<56x1xf32>
    %eq3A_3186 = vector.broadcast %broadcast_in_dim3A_3185 : vector<56x1xf32> to vector<56x128xf32>
    %eq3A_3187 = arith.cmpf oeq, %select_n3A_3177, %eq3A_3186 : vector<56x128xf32>
    %select_n3A_3188 = arith.select %eq3A_3187, %select_n3A_3178, %select_n3A_3177 : vector<56x128xi1>, vector<56x128xf32>
    %select_n3A_3189 = arith.select %eq3A_3187, %select_n3A_3179, %select_n3A_3178 : vector<56x128xi1>, vector<56x128xf32>
    %select_n3A_3190 = arith.select %eq3A_3187, %select_n3A_3182, %select_n3A_3179 : vector<56x128xi1>, vector<56x128xf32>
    %reduce_min3A_3191 = arith.constant dense<0x7F800000> : vector<56xf32>
    %reduce_min3A_3192 = vector.multi_reduction <minimumf>, %select_n3A_3188, %reduce_min3A_3191 [1] : vector<56x128xf32> to vector<56xf32>
    %broadcast_in_dim3A_3193 = vector.shape_cast %reduce_min3A_3192 : vector<56xf32> to vector<56x1xf32>
    %eq3A_3194 = vector.broadcast %broadcast_in_dim3A_3193 : vector<56x1xf32> to vector<56x128xf32>
    %eq3A_3195 = arith.cmpf oeq, %select_n3A_3188, %eq3A_3194 : vector<56x128xf32>
    %select_n3A_3196 = arith.select %eq3A_3195, %select_n3A_3189, %select_n3A_3188 : vector<56x128xi1>, vector<56x128xf32>
    %select_n3A_3197 = arith.select %eq3A_3195, %select_n3A_3190, %select_n3A_3189 : vector<56x128xi1>, vector<56x128xf32>
    %reduce_min3A_3198 = arith.constant dense<0x7F800000> : vector<56xf32>
    %reduce_min3A_3199 = vector.multi_reduction <minimumf>, %select_n3A_3196, %reduce_min3A_3198 [1] : vector<56x128xf32> to vector<56xf32>
    %broadcast_in_dim3A_3200 = vector.shape_cast %reduce_min3A_3199 : vector<56xf32> to vector<56x1xf32>
    %eq3A_3201 = vector.broadcast %broadcast_in_dim3A_3200 : vector<56x1xf32> to vector<56x128xf32>
    %eq3A_3202 = arith.cmpf oeq, %select_n3A_3196, %eq3A_3201 : vector<56x128xf32>
    %select_n3A_3203 = arith.select %eq3A_3202, %select_n3A_3197, %select_n3A_3196 : vector<56x128xi1>, vector<56x128xf32>
    %reduce_min3A_3204 = arith.constant dense<0x7F800000> : vector<56xf32>
    %reduce_min3A_3205 = vector.multi_reduction <minimumf>, %select_n3A_3203, %reduce_min3A_3204 [1] : vector<56x128xf32> to vector<56xf32>
    %broadcast_in_dim3A_3206 = vector.shape_cast %reduce_min3A_3205 : vector<56xf32> to vector<56x1xf32>
    %le3A_3207 = vector.broadcast %broadcast_in_dim3A_3206 : vector<56x1xf32> to vector<56x512xf32>
    %le3A_3208 = arith.cmpf ole, %sub3A_3124, %le3A_3207 : vector<56x512xf32>
    %slice3A_3209 = vector.extract_strided_slice %dot_general3A_3118 {offsets = [0, 0], sizes = [56, 512], strides = [1, 1]} : vector<56x1024xf32> to vector<56x512xf32>
    %add3A_3210 = vector.broadcast %get3A_16 : vector<1x512xf32> to vector<56x512xf32>
    %add3A_3211 = arith.addf %slice3A_3209, %add3A_3210 : vector<56x512xf32>
    %exp3A_3212 = math.exp %add3A_3211 : vector<56x512xf32>
    %reduce_sum3A_3213 = arith.constant dense<0.000000e+00> : vector<56xf32>
    %reduce_sum3A_3214 = vector.multi_reduction <add>, %exp3A_3212, %reduce_sum3A_3213 [1] : vector<56x512xf32> to vector<56xf32>
    %broadcast_in_dim3A_3215 = vector.shape_cast %reduce_sum3A_3214 : vector<56xf32> to vector<56x1xf32>
    %div3A_3216 = arith.constant 1.000000e+00 : f32
    %div3A_3217 = vector.broadcast %div3A_3216 : f32 to vector<56x1xf32>
    %div3A_3218 = arith.divf %div3A_3217, %broadcast_in_dim3A_3215 : vector<56x1xf32>
    %mul3A_3219 = vector.broadcast %div3A_3218 : vector<56x1xf32> to vector<56x512xf32>
    %mul3A_3220 = arith.mulf %exp3A_3212, %mul3A_3219 : vector<56x512xf32>
    %jit3A_3221 = arith.constant 0.000000e+00 : f32
    %broadcast_in_dim3A_3222 = vector.broadcast %jit3A_3221 : f32 to vector<56x512xf32>
    %select_n3A_3223 = arith.select %le3A_3208, %mul3A_3220, %broadcast_in_dim3A_3222 : vector<56x512xi1>, vector<56x512xf32>
    %swap3A_3224 = arith.constant 1232 : index
    %swap3A_3225 = arith.constant 0 : index
    %swap3A_3226 = vector.load %arg7[%swap3A_3224, %swap3A_3225] : memref<1568x512xf32, #tpu.memory_space<vmem>>, vector<56x512xf32>
    tpu.vector_store %arg7[%swap3A_3224, %swap3A_3225], %select_n3A_3223 {strides = array<i32>} : memref<1568x512xf32, #tpu.memory_space<vmem>>, vector<56x512xf32>,
    %dot_general3A_3227 = arith.constant dense<0.000000e+00> : vector<56x32xf32>
    %dot_general3A_3228 = tpu.matmul %select_n3A_3223, %get3A_10, %dot_general3A_3227 {dimension_numbers = #tpu.dot_dimension_numbers<[1], [0], [0], [1], [0, 0, 1, 1], [], []>, transpose_lhs_hint = false} : vector<56x512xf32>, vector<512x32xf32>, vector<56x32xf32> -> vector<56x32xf32>
    %slice3A_3229 = vector.extract_strided_slice %get3A_7 {offsets = [1232, 0], sizes = [56, 32], strides = [1, 1]} : vector<1568x32xf32> to vector<56x32xf32>
    %sub3A_3230 = arith.subf %dot_general3A_3228, %slice3A_3229 : vector<56x32xf32>
    %add3A_3231 = arith.addf %slice3A_3229, %sub3A_3230 : vector<56x32xf32>
    %swap3A_3232 = arith.constant 1232 : index
    %swap3A_3233 = arith.constant 0 : index
    %swap3A_3234 = vector.load %arg8[%swap3A_3232, %swap3A_3233] : memref<1568x32xf32, #tpu.memory_space<vmem>>, vector<56x32xf32>
    tpu.vector_store %arg8[%swap3A_3232, %swap3A_3233], %add3A_3231 {strides = array<i32>} : memref<1568x32xf32, #tpu.memory_space<vmem>>, vector<56x32xf32>,
    %sub3A_3235 = arith.subf %slice3A_3229, %dot_general3A_3228 : vector<56x32xf32>
    %mul3A_3236 = arith.mulf %sub3A_3235, %sub3A_3235 : vector<56x32xf32>
    %reduce_sum3A_3237 = vector.shape_cast %mul3A_3236 : vector<56x32xf32> to vector<1x56x32xf32>
    %reduce_sum3A_3238 = arith.constant dense<0.000000e+00> : vector<1xf32>
    %reduce_sum3A_3239 = vector.multi_reduction <add>, %reduce_sum3A_3237, %reduce_sum3A_3238 [1, 2] : vector<1x56x32xf32> to vector<1xf32>
    %reduce_sum3A_3240 = vector.shape_cast %reduce_sum3A_3239 : vector<1xf32> to vector<1x1x1xf32>
    %reduce_sum3A_3241 = vector.extract %reduce_sum3A_3240[0, 0, 0] : f32 from vector<1x1x1xf32>
    %broadcast_in_dim3A_3242 = vector.broadcast %reduce_sum3A_3241 : f32 to vector<1x1xf32>
    %add3A_3243 = arith.addf %add3A_3102, %broadcast_in_dim3A_3242 : vector<1x1xf32>
    %reduce_sum3A_3244 = vector.shape_cast %select_n3A_3223 : vector<56x512xf32> to vector<1x56x512xf32>
    %reduce_sum3A_3245 = arith.constant dense<0.000000e+00> : vector<1xf32>
    %reduce_sum3A_3246 = vector.multi_reduction <add>, %reduce_sum3A_3244, %reduce_sum3A_3245 [1, 2] : vector<1x56x512xf32> to vector<1xf32>
    %reduce_sum3A_3247 = vector.shape_cast %reduce_sum3A_3246 : vector<1xf32> to vector<1x1x1xf32>
    %reduce_sum3A_3248 = vector.extract %reduce_sum3A_3247[0, 0, 0] : f32 from vector<1x1x1xf32>
    %broadcast_in_dim3A_3249 = vector.broadcast %reduce_sum3A_3248 : f32 to vector<1x1xf32>
    %add3A_3250 = arith.addf %add3A_3109, %broadcast_in_dim3A_3249 : vector<1x1xf32>
    %convert_element_type3A_3251 = arith.extui %le3A_3208 : vector<56x512xi1> to vector<56x512xi32>
    %convert_element_type3A_3252 = arith.sitofp %convert_element_type3A_3251 : vector<56x512xi32> to vector<56x512xf32>
    %reduce_sum3A_3253 = arith.constant dense<0.000000e+00> : vector<512xf32>
    %reduce_sum3A_3254 = vector.multi_reduction <add>, %convert_element_type3A_3252, %reduce_sum3A_3253 [0] : vector<56x512xf32> to vector<512xf32>
    %broadcast_in_dim3A_3255 = vector.shape_cast %reduce_sum3A_3254 : vector<512xf32> to vector<1x512xf32>
    %add3A_3256 = arith.addf %add3A_3115, %broadcast_in_dim3A_3255 : vector<1x512xf32>
    %slice3A_3257 = vector.extract_strided_slice %get3A_20 {offsets = [1288, 0], sizes = [56, 32], strides = [1, 1]} : vector<1568x32xf32> to vector<56x32xf32>
    %dot_general3A_3258 = arith.constant dense<0.000000e+00> : vector<56x1024xf32>
    %dot_general3A_3259 = tpu.matmul %slice3A_3257, %get3A_13, %dot_general3A_3258 {dimension_numbers = #tpu.dot_dimension_numbers<[1], [0], [0], [1], [0, 0, 1, 1], [], []>, transpose_lhs_hint = false} : vector<56x32xf32>, vector<32x1024xf32>, vector<56x1024xf32> -> vector<56x1024xf32>
    %slice3A_3260 = vector.extract_strided_slice %dot_general3A_3259 {offsets = [0, 512], sizes = [56, 512], strides = [1, 1]} : vector<56x1024xf32> to vector<56x512xf32>
    %mul3A_3261 = arith.constant 2.000000e+00 : f32
    %mul3A_3262 = vector.broadcast %mul3A_3261 : f32 to vector<56x512xf32>
    %mul3A_3263 = arith.mulf %mul3A_3262, %slice3A_3260 : vector<56x512xf32>
    %sub3A_3264 = vector.broadcast %broadcast_in_dim3A : vector<1x512xf32> to vector<56x512xf32>
    %sub3A_3265 = arith.subf %sub3A_3264, %mul3A_3263 : vector<56x512xf32>
    %slice3A_3266 = vector.extract_strided_slice %sub3A_3265 {offsets = [0, 0], sizes = [56, 128], strides = [1, 1]} : vector<56x512xf32> to vector<56x128xf32>
    %slice3A_3267 = vector.extract_strided_slice %sub3A_3265 {offsets = [0, 128], sizes = [56, 128], strides = [1, 1]} : vector<56x512xf32> to vector<56x128xf32>
    %slice3A_3268 = vector.extract_strided_slice %sub3A_3265 {offsets = [0, 256], sizes = [56, 128], strides = [1, 1]} : vector<56x512xf32> to vector<56x128xf32>
    %slice3A_3269 = vector.extract_strided_slice %sub3A_3265 {offsets = [0, 384], sizes = [56, 128], strides = [1, 1]} : vector<56x512xf32> to vector<56x128xf32>
    %min3A_3270 = arith.minimumf %slice3A_3266, %slice3A_3267 : vector<56x128xf32>
    %max3A_3271 = arith.maximumf %slice3A_3266, %slice3A_3267 : vector<56x128xf32>
    %min3A_3272 = arith.minimumf %slice3A_3268, %slice3A_3269 : vector<56x128xf32>
    %max3A_3273 = arith.maximumf %slice3A_3268, %slice3A_3269 : vector<56x128xf32>
    %min3A_3274 = arith.minimumf %min3A_3270, %min3A_3272 : vector<56x128xf32>
    %max3A_3275 = arith.maximumf %max3A_3271, %max3A_3273 : vector<56x128xf32>
    %max3A_3276 = arith.maximumf %min3A_3270, %min3A_3272 : vector<56x128xf32>
    %min3A_3277 = arith.minimumf %max3A_3271, %max3A_3273 : vector<56x128xf32>
    %min3A_3278 = arith.minimumf %max3A_3276, %min3A_3277 : vector<56x128xf32>
    %max3A_3279 = arith.maximumf %max3A_3276, %min3A_3277 : vector<56x128xf32>
    %reduce_min3A_3280 = arith.constant dense<0x7F800000> : vector<56xf32>
    %reduce_min3A_3281 = vector.multi_reduction <minimumf>, %min3A_3274, %reduce_min3A_3280 [1] : vector<56x128xf32> to vector<56xf32>
    %broadcast_in_dim3A_3282 = vector.shape_cast %reduce_min3A_3281 : vector<56xf32> to vector<56x1xf32>
    %eq3A_3283 = vector.broadcast %broadcast_in_dim3A_3282 : vector<56x1xf32> to vector<56x128xf32>
    %eq3A_3284 = arith.cmpf oeq, %min3A_3274, %eq3A_3283 : vector<56x128xf32>
    %select_n3A_3285 = arith.select %eq3A_3284, %min3A_3278, %min3A_3274 : vector<56x128xi1>, vector<56x128xf32>
    %select_n3A_3286 = arith.select %eq3A_3284, %max3A_3279, %min3A_3278 : vector<56x128xi1>, vector<56x128xf32>
    %select_n3A_3287 = arith.select %eq3A_3284, %max3A_3275, %max3A_3279 : vector<56x128xi1>, vector<56x128xf32>
    %jit3A_3288 = arith.constant 0x7F800000 : f32
    %broadcast_in_dim3A_3289 = vector.broadcast %jit3A_3288 : f32 to vector<56x128xf32>
    %select_n3A_3290 = arith.select %eq3A_3284, %broadcast_in_dim3A_3289, %max3A_3275 : vector<56x128xi1>, vector<56x128xf32>
    %reduce_min3A_3291 = arith.constant dense<0x7F800000> : vector<56xf32>
    %reduce_min3A_3292 = vector.multi_reduction <minimumf>, %select_n3A_3285, %reduce_min3A_3291 [1] : vector<56x128xf32> to vector<56xf32>
    %broadcast_in_dim3A_3293 = vector.shape_cast %reduce_min3A_3292 : vector<56xf32> to vector<56x1xf32>
    %eq3A_3294 = vector.broadcast %broadcast_in_dim3A_3293 : vector<56x1xf32> to vector<56x128xf32>
    %eq3A_3295 = arith.cmpf oeq, %select_n3A_3285, %eq3A_3294 : vector<56x128xf32>
    %select_n3A_3296 = arith.select %eq3A_3295, %select_n3A_3286, %select_n3A_3285 : vector<56x128xi1>, vector<56x128xf32>
    %select_n3A_3297 = arith.select %eq3A_3295, %select_n3A_3287, %select_n3A_3286 : vector<56x128xi1>, vector<56x128xf32>
    %select_n3A_3298 = arith.select %eq3A_3295, %select_n3A_3290, %select_n3A_3287 : vector<56x128xi1>, vector<56x128xf32>
    %jit3A_3299 = arith.constant 0x7F800000 : f32
    %broadcast_in_dim3A_3300 = vector.broadcast %jit3A_3299 : f32 to vector<56x128xf32>
    %select_n3A_3301 = arith.select %eq3A_3295, %broadcast_in_dim3A_3300, %select_n3A_3290 : vector<56x128xi1>, vector<56x128xf32>
    %reduce_min3A_3302 = arith.constant dense<0x7F800000> : vector<56xf32>
    %reduce_min3A_3303 = vector.multi_reduction <minimumf>, %select_n3A_3296, %reduce_min3A_3302 [1] : vector<56x128xf32> to vector<56xf32>
    %broadcast_in_dim3A_3304 = vector.shape_cast %reduce_min3A_3303 : vector<56xf32> to vector<56x1xf32>
    %eq3A_3305 = vector.broadcast %broadcast_in_dim3A_3304 : vector<56x1xf32> to vector<56x128xf32>
    %eq3A_3306 = arith.cmpf oeq, %select_n3A_3296, %eq3A_3305 : vector<56x128xf32>
    %select_n3A_3307 = arith.select %eq3A_3306, %select_n3A_3297, %select_n3A_3296 : vector<56x128xi1>, vector<56x128xf32>
    %select_n3A_3308 = arith.select %eq3A_3306, %select_n3A_3298, %select_n3A_3297 : vector<56x128xi1>, vector<56x128xf32>
    %select_n3A_3309 = arith.select %eq3A_3306, %select_n3A_3301, %select_n3A_3298 : vector<56x128xi1>, vector<56x128xf32>
    %jit3A_3310 = arith.constant 0x7F800000 : f32
    %broadcast_in_dim3A_3311 = vector.broadcast %jit3A_3310 : f32 to vector<56x128xf32>
    %select_n3A_3312 = arith.select %eq3A_3306, %broadcast_in_dim3A_3311, %select_n3A_3301 : vector<56x128xi1>, vector<56x128xf32>
    %reduce_min3A_3313 = arith.constant dense<0x7F800000> : vector<56xf32>
    %reduce_min3A_3314 = vector.multi_reduction <minimumf>, %select_n3A_3307, %reduce_min3A_3313 [1] : vector<56x128xf32> to vector<56xf32>
    %broadcast_in_dim3A_3315 = vector.shape_cast %reduce_min3A_3314 : vector<56xf32> to vector<56x1xf32>
    %eq3A_3316 = vector.broadcast %broadcast_in_dim3A_3315 : vector<56x1xf32> to vector<56x128xf32>
    %eq3A_3317 = arith.cmpf oeq, %select_n3A_3307, %eq3A_3316 : vector<56x128xf32>
    %select_n3A_3318 = arith.select %eq3A_3317, %select_n3A_3308, %select_n3A_3307 : vector<56x128xi1>, vector<56x128xf32>
    %select_n3A_3319 = arith.select %eq3A_3317, %select_n3A_3309, %select_n3A_3308 : vector<56x128xi1>, vector<56x128xf32>
    %select_n3A_3320 = arith.select %eq3A_3317, %select_n3A_3312, %select_n3A_3309 : vector<56x128xi1>, vector<56x128xf32>
    %jit3A_3321 = arith.constant 0x7F800000 : f32
    %broadcast_in_dim3A_3322 = vector.broadcast %jit3A_3321 : f32 to vector<56x128xf32>
    %select_n3A_3323 = arith.select %eq3A_3317, %broadcast_in_dim3A_3322, %select_n3A_3312 : vector<56x128xi1>, vector<56x128xf32>
    %reduce_min3A_3324 = arith.constant dense<0x7F800000> : vector<56xf32>
    %reduce_min3A_3325 = vector.multi_reduction <minimumf>, %select_n3A_3318, %reduce_min3A_3324 [1] : vector<56x128xf32> to vector<56xf32>
    %broadcast_in_dim3A_3326 = vector.shape_cast %reduce_min3A_3325 : vector<56xf32> to vector<56x1xf32>
    %eq3A_3327 = vector.broadcast %broadcast_in_dim3A_3326 : vector<56x1xf32> to vector<56x128xf32>
    %eq3A_3328 = arith.cmpf oeq, %select_n3A_3318, %eq3A_3327 : vector<56x128xf32>
    %select_n3A_3329 = arith.select %eq3A_3328, %select_n3A_3319, %select_n3A_3318 : vector<56x128xi1>, vector<56x128xf32>
    %select_n3A_3330 = arith.select %eq3A_3328, %select_n3A_3320, %select_n3A_3319 : vector<56x128xi1>, vector<56x128xf32>
    %select_n3A_3331 = arith.select %eq3A_3328, %select_n3A_3323, %select_n3A_3320 : vector<56x128xi1>, vector<56x128xf32>
    %reduce_min3A_3332 = arith.constant dense<0x7F800000> : vector<56xf32>
    %reduce_min3A_3333 = vector.multi_reduction <minimumf>, %select_n3A_3329, %reduce_min3A_3332 [1] : vector<56x128xf32> to vector<56xf32>
    %broadcast_in_dim3A_3334 = vector.shape_cast %reduce_min3A_3333 : vector<56xf32> to vector<56x1xf32>
    %eq3A_3335 = vector.broadcast %broadcast_in_dim3A_3334 : vector<56x1xf32> to vector<56x128xf32>
    %eq3A_3336 = arith.cmpf oeq, %select_n3A_3329, %eq3A_3335 : vector<56x128xf32>
    %select_n3A_3337 = arith.select %eq3A_3336, %select_n3A_3330, %select_n3A_3329 : vector<56x128xi1>, vector<56x128xf32>
    %select_n3A_3338 = arith.select %eq3A_3336, %select_n3A_3331, %select_n3A_3330 : vector<56x128xi1>, vector<56x128xf32>
    %reduce_min3A_3339 = arith.constant dense<0x7F800000> : vector<56xf32>
    %reduce_min3A_3340 = vector.multi_reduction <minimumf>, %select_n3A_3337, %reduce_min3A_3339 [1] : vector<56x128xf32> to vector<56xf32>
    %broadcast_in_dim3A_3341 = vector.shape_cast %reduce_min3A_3340 : vector<56xf32> to vector<56x1xf32>
    %eq3A_3342 = vector.broadcast %broadcast_in_dim3A_3341 : vector<56x1xf32> to vector<56x128xf32>
    %eq3A_3343 = arith.cmpf oeq, %select_n3A_3337, %eq3A_3342 : vector<56x128xf32>
    %select_n3A_3344 = arith.select %eq3A_3343, %select_n3A_3338, %select_n3A_3337 : vector<56x128xi1>, vector<56x128xf32>
    %reduce_min3A_3345 = arith.constant dense<0x7F800000> : vector<56xf32>
    %reduce_min3A_3346 = vector.multi_reduction <minimumf>, %select_n3A_3344, %reduce_min3A_3345 [1] : vector<56x128xf32> to vector<56xf32>
    %broadcast_in_dim3A_3347 = vector.shape_cast %reduce_min3A_3346 : vector<56xf32> to vector<56x1xf32>
    %le3A_3348 = vector.broadcast %broadcast_in_dim3A_3347 : vector<56x1xf32> to vector<56x512xf32>
    %le3A_3349 = arith.cmpf ole, %sub3A_3265, %le3A_3348 : vector<56x512xf32>
    %slice3A_3350 = vector.extract_strided_slice %dot_general3A_3259 {offsets = [0, 0], sizes = [56, 512], strides = [1, 1]} : vector<56x1024xf32> to vector<56x512xf32>
    %add3A_3351 = vector.broadcast %get3A_16 : vector<1x512xf32> to vector<56x512xf32>
    %add3A_3352 = arith.addf %slice3A_3350, %add3A_3351 : vector<56x512xf32>
    %exp3A_3353 = math.exp %add3A_3352 : vector<56x512xf32>
    %reduce_sum3A_3354 = arith.constant dense<0.000000e+00> : vector<56xf32>
    %reduce_sum3A_3355 = vector.multi_reduction <add>, %exp3A_3353, %reduce_sum3A_3354 [1] : vector<56x512xf32> to vector<56xf32>
    %broadcast_in_dim3A_3356 = vector.shape_cast %reduce_sum3A_3355 : vector<56xf32> to vector<56x1xf32>
    %div3A_3357 = arith.constant 1.000000e+00 : f32
    %div3A_3358 = vector.broadcast %div3A_3357 : f32 to vector<56x1xf32>
    %div3A_3359 = arith.divf %div3A_3358, %broadcast_in_dim3A_3356 : vector<56x1xf32>
    %mul3A_3360 = vector.broadcast %div3A_3359 : vector<56x1xf32> to vector<56x512xf32>
    %mul3A_3361 = arith.mulf %exp3A_3353, %mul3A_3360 : vector<56x512xf32>
    %jit3A_3362 = arith.constant 0.000000e+00 : f32
    %broadcast_in_dim3A_3363 = vector.broadcast %jit3A_3362 : f32 to vector<56x512xf32>
    %select_n3A_3364 = arith.select %le3A_3349, %mul3A_3361, %broadcast_in_dim3A_3363 : vector<56x512xi1>, vector<56x512xf32>
    %swap3A_3365 = arith.constant 1288 : index
    %swap3A_3366 = arith.constant 0 : index
    %swap3A_3367 = vector.load %arg7[%swap3A_3365, %swap3A_3366] : memref<1568x512xf32, #tpu.memory_space<vmem>>, vector<56x512xf32>
    tpu.vector_store %arg7[%swap3A_3365, %swap3A_3366], %select_n3A_3364 {strides = array<i32>} : memref<1568x512xf32, #tpu.memory_space<vmem>>, vector<56x512xf32>,
    %dot_general3A_3368 = arith.constant dense<0.000000e+00> : vector<56x32xf32>
    %dot_general3A_3369 = tpu.matmul %select_n3A_3364, %get3A_10, %dot_general3A_3368 {dimension_numbers = #tpu.dot_dimension_numbers<[1], [0], [0], [1], [0, 0, 1, 1], [], []>, transpose_lhs_hint = false} : vector<56x512xf32>, vector<512x32xf32>, vector<56x32xf32> -> vector<56x32xf32>
    %slice3A_3370 = vector.extract_strided_slice %get3A_7 {offsets = [1288, 0], sizes = [56, 32], strides = [1, 1]} : vector<1568x32xf32> to vector<56x32xf32>
    %sub3A_3371 = arith.subf %dot_general3A_3369, %slice3A_3370 : vector<56x32xf32>
    %add3A_3372 = arith.addf %slice3A_3370, %sub3A_3371 : vector<56x32xf32>
    %swap3A_3373 = arith.constant 1288 : index
    %swap3A_3374 = arith.constant 0 : index
    %swap3A_3375 = vector.load %arg8[%swap3A_3373, %swap3A_3374] : memref<1568x32xf32, #tpu.memory_space<vmem>>, vector<56x32xf32>
    tpu.vector_store %arg8[%swap3A_3373, %swap3A_3374], %add3A_3372 {strides = array<i32>} : memref<1568x32xf32, #tpu.memory_space<vmem>>, vector<56x32xf32>,
    %sub3A_3376 = arith.subf %slice3A_3370, %dot_general3A_3369 : vector<56x32xf32>
    %mul3A_3377 = arith.mulf %sub3A_3376, %sub3A_3376 : vector<56x32xf32>
    %reduce_sum3A_3378 = vector.shape_cast %mul3A_3377 : vector<56x32xf32> to vector<1x56x32xf32>
    %reduce_sum3A_3379 = arith.constant dense<0.000000e+00> : vector<1xf32>
    %reduce_sum3A_3380 = vector.multi_reduction <add>, %reduce_sum3A_3378, %reduce_sum3A_3379 [1, 2] : vector<1x56x32xf32> to vector<1xf32>
    %reduce_sum3A_3381 = vector.shape_cast %reduce_sum3A_3380 : vector<1xf32> to vector<1x1x1xf32>
    %reduce_sum3A_3382 = vector.extract %reduce_sum3A_3381[0, 0, 0] : f32 from vector<1x1x1xf32>
    %broadcast_in_dim3A_3383 = vector.broadcast %reduce_sum3A_3382 : f32 to vector<1x1xf32>
    %add3A_3384 = arith.addf %add3A_3243, %broadcast_in_dim3A_3383 : vector<1x1xf32>
    %reduce_sum3A_3385 = vector.shape_cast %select_n3A_3364 : vector<56x512xf32> to vector<1x56x512xf32>
    %reduce_sum3A_3386 = arith.constant dense<0.000000e+00> : vector<1xf32>
    %reduce_sum3A_3387 = vector.multi_reduction <add>, %reduce_sum3A_3385, %reduce_sum3A_3386 [1, 2] : vector<1x56x512xf32> to vector<1xf32>
    %reduce_sum3A_3388 = vector.shape_cast %reduce_sum3A_3387 : vector<1xf32> to vector<1x1x1xf32>
    %reduce_sum3A_3389 = vector.extract %reduce_sum3A_3388[0, 0, 0] : f32 from vector<1x1x1xf32>
    %broadcast_in_dim3A_3390 = vector.broadcast %reduce_sum3A_3389 : f32 to vector<1x1xf32>
    %add3A_3391 = arith.addf %add3A_3250, %broadcast_in_dim3A_3390 : vector<1x1xf32>
    %convert_element_type3A_3392 = arith.extui %le3A_3349 : vector<56x512xi1> to vector<56x512xi32>
    %convert_element_type3A_3393 = arith.sitofp %convert_element_type3A_3392 : vector<56x512xi32> to vector<56x512xf32>
    %reduce_sum3A_3394 = arith.constant dense<0.000000e+00> : vector<512xf32>
    %reduce_sum3A_3395 = vector.multi_reduction <add>, %convert_element_type3A_3393, %reduce_sum3A_3394 [0] : vector<56x512xf32> to vector<512xf32>
    %broadcast_in_dim3A_3396 = vector.shape_cast %reduce_sum3A_3395 : vector<512xf32> to vector<1x512xf32>
    %add3A_3397 = arith.addf %add3A_3256, %broadcast_in_dim3A_3396 : vector<1x512xf32>
    %slice3A_3398 = vector.extract_strided_slice %get3A_20 {offsets = [1344, 0], sizes = [56, 32], strides = [1, 1]} : vector<1568x32xf32> to vector<56x32xf32>
    %dot_general3A_3399 = arith.constant dense<0.000000e+00> : vector<56x1024xf32>
    %dot_general3A_3400 = tpu.matmul %slice3A_3398, %get3A_13, %dot_general3A_3399 {dimension_numbers = #tpu.dot_dimension_numbers<[1], [0], [0], [1], [0, 0, 1, 1], [], []>, transpose_lhs_hint = false} : vector<56x32xf32>, vector<32x1024xf32>, vector<56x1024xf32> -> vector<56x1024xf32>
    %slice3A_3401 = vector.extract_strided_slice %dot_general3A_3400 {offsets = [0, 512], sizes = [56, 512], strides = [1, 1]} : vector<56x1024xf32> to vector<56x512xf32>
    %mul3A_3402 = arith.constant 2.000000e+00 : f32
    %mul3A_3403 = vector.broadcast %mul3A_3402 : f32 to vector<56x512xf32>
    %mul3A_3404 = arith.mulf %mul3A_3403, %slice3A_3401 : vector<56x512xf32>
    %sub3A_3405 = vector.broadcast %broadcast_in_dim3A : vector<1x512xf32> to vector<56x512xf32>
    %sub3A_3406 = arith.subf %sub3A_3405, %mul3A_3404 : vector<56x512xf32>
    %slice3A_3407 = vector.extract_strided_slice %sub3A_3406 {offsets = [0, 0], sizes = [56, 128], strides = [1, 1]} : vector<56x512xf32> to vector<56x128xf32>
    %slice3A_3408 = vector.extract_strided_slice %sub3A_3406 {offsets = [0, 128], sizes = [56, 128], strides = [1, 1]} : vector<56x512xf32> to vector<56x128xf32>
    %slice3A_3409 = vector.extract_strided_slice %sub3A_3406 {offsets = [0, 256], sizes = [56, 128], strides = [1, 1]} : vector<56x512xf32> to vector<56x128xf32>
    %slice3A_3410 = vector.extract_strided_slice %sub3A_3406 {offsets = [0, 384], sizes = [56, 128], strides = [1, 1]} : vector<56x512xf32> to vector<56x128xf32>
    %min3A_3411 = arith.minimumf %slice3A_3407, %slice3A_3408 : vector<56x128xf32>
    %max3A_3412 = arith.maximumf %slice3A_3407, %slice3A_3408 : vector<56x128xf32>
    %min3A_3413 = arith.minimumf %slice3A_3409, %slice3A_3410 : vector<56x128xf32>
    %max3A_3414 = arith.maximumf %slice3A_3409, %slice3A_3410 : vector<56x128xf32>
    %min3A_3415 = arith.minimumf %min3A_3411, %min3A_3413 : vector<56x128xf32>
    %max3A_3416 = arith.maximumf %max3A_3412, %max3A_3414 : vector<56x128xf32>
    %max3A_3417 = arith.maximumf %min3A_3411, %min3A_3413 : vector<56x128xf32>
    %min3A_3418 = arith.minimumf %max3A_3412, %max3A_3414 : vector<56x128xf32>
    %min3A_3419 = arith.minimumf %max3A_3417, %min3A_3418 : vector<56x128xf32>
    %max3A_3420 = arith.maximumf %max3A_3417, %min3A_3418 : vector<56x128xf32>
    %reduce_min3A_3421 = arith.constant dense<0x7F800000> : vector<56xf32>
    %reduce_min3A_3422 = vector.multi_reduction <minimumf>, %min3A_3415, %reduce_min3A_3421 [1] : vector<56x128xf32> to vector<56xf32>
    %broadcast_in_dim3A_3423 = vector.shape_cast %reduce_min3A_3422 : vector<56xf32> to vector<56x1xf32>
    %eq3A_3424 = vector.broadcast %broadcast_in_dim3A_3423 : vector<56x1xf32> to vector<56x128xf32>
    %eq3A_3425 = arith.cmpf oeq, %min3A_3415, %eq3A_3424 : vector<56x128xf32>
    %select_n3A_3426 = arith.select %eq3A_3425, %min3A_3419, %min3A_3415 : vector<56x128xi1>, vector<56x128xf32>
    %select_n3A_3427 = arith.select %eq3A_3425, %max3A_3420, %min3A_3419 : vector<56x128xi1>, vector<56x128xf32>
    %select_n3A_3428 = arith.select %eq3A_3425, %max3A_3416, %max3A_3420 : vector<56x128xi1>, vector<56x128xf32>
    %jit3A_3429 = arith.constant 0x7F800000 : f32
    %broadcast_in_dim3A_3430 = vector.broadcast %jit3A_3429 : f32 to vector<56x128xf32>
    %select_n3A_3431 = arith.select %eq3A_3425, %broadcast_in_dim3A_3430, %max3A_3416 : vector<56x128xi1>, vector<56x128xf32>
    %reduce_min3A_3432 = arith.constant dense<0x7F800000> : vector<56xf32>
    %reduce_min3A_3433 = vector.multi_reduction <minimumf>, %select_n3A_3426, %reduce_min3A_3432 [1] : vector<56x128xf32> to vector<56xf32>
    %broadcast_in_dim3A_3434 = vector.shape_cast %reduce_min3A_3433 : vector<56xf32> to vector<56x1xf32>
    %eq3A_3435 = vector.broadcast %broadcast_in_dim3A_3434 : vector<56x1xf32> to vector<56x128xf32>
    %eq3A_3436 = arith.cmpf oeq, %select_n3A_3426, %eq3A_3435 : vector<56x128xf32>
    %select_n3A_3437 = arith.select %eq3A_3436, %select_n3A_3427, %select_n3A_3426 : vector<56x128xi1>, vector<56x128xf32>
    %select_n3A_3438 = arith.select %eq3A_3436, %select_n3A_3428, %select_n3A_3427 : vector<56x128xi1>, vector<56x128xf32>
    %select_n3A_3439 = arith.select %eq3A_3436, %select_n3A_3431, %select_n3A_3428 : vector<56x128xi1>, vector<56x128xf32>
    %jit3A_3440 = arith.constant 0x7F800000 : f32
    %broadcast_in_dim3A_3441 = vector.broadcast %jit3A_3440 : f32 to vector<56x128xf32>
    %select_n3A_3442 = arith.select %eq3A_3436, %broadcast_in_dim3A_3441, %select_n3A_3431 : vector<56x128xi1>, vector<56x128xf32>
    %reduce_min3A_3443 = arith.constant dense<0x7F800000> : vector<56xf32>
    %reduce_min3A_3444 = vector.multi_reduction <minimumf>, %select_n3A_3437, %reduce_min3A_3443 [1] : vector<56x128xf32> to vector<56xf32>
    %broadcast_in_dim3A_3445 = vector.shape_cast %reduce_min3A_3444 : vector<56xf32> to vector<56x1xf32>
    %eq3A_3446 = vector.broadcast %broadcast_in_dim3A_3445 : vector<56x1xf32> to vector<56x128xf32>
    %eq3A_3447 = arith.cmpf oeq, %select_n3A_3437, %eq3A_3446 : vector<56x128xf32>
    %select_n3A_3448 = arith.select %eq3A_3447, %select_n3A_3438, %select_n3A_3437 : vector<56x128xi1>, vector<56x128xf32>
    %select_n3A_3449 = arith.select %eq3A_3447, %select_n3A_3439, %select_n3A_3438 : vector<56x128xi1>, vector<56x128xf32>
    %select_n3A_3450 = arith.select %eq3A_3447, %select_n3A_3442, %select_n3A_3439 : vector<56x128xi1>, vector<56x128xf32>
    %jit3A_3451 = arith.constant 0x7F800000 : f32
    %broadcast_in_dim3A_3452 = vector.broadcast %jit3A_3451 : f32 to vector<56x128xf32>
    %select_n3A_3453 = arith.select %eq3A_3447, %broadcast_in_dim3A_3452, %select_n3A_3442 : vector<56x128xi1>, vector<56x128xf32>
    %reduce_min3A_3454 = arith.constant dense<0x7F800000> : vector<56xf32>
    %reduce_min3A_3455 = vector.multi_reduction <minimumf>, %select_n3A_3448, %reduce_min3A_3454 [1] : vector<56x128xf32> to vector<56xf32>
    %broadcast_in_dim3A_3456 = vector.shape_cast %reduce_min3A_3455 : vector<56xf32> to vector<56x1xf32>
    %eq3A_3457 = vector.broadcast %broadcast_in_dim3A_3456 : vector<56x1xf32> to vector<56x128xf32>
    %eq3A_3458 = arith.cmpf oeq, %select_n3A_3448, %eq3A_3457 : vector<56x128xf32>
    %select_n3A_3459 = arith.select %eq3A_3458, %select_n3A_3449, %select_n3A_3448 : vector<56x128xi1>, vector<56x128xf32>
    %select_n3A_3460 = arith.select %eq3A_3458, %select_n3A_3450, %select_n3A_3449 : vector<56x128xi1>, vector<56x128xf32>
    %select_n3A_3461 = arith.select %eq3A_3458, %select_n3A_3453, %select_n3A_3450 : vector<56x128xi1>, vector<56x128xf32>
    %jit3A_3462 = arith.constant 0x7F800000 : f32
    %broadcast_in_dim3A_3463 = vector.broadcast %jit3A_3462 : f32 to vector<56x128xf32>
    %select_n3A_3464 = arith.select %eq3A_3458, %broadcast_in_dim3A_3463, %select_n3A_3453 : vector<56x128xi1>, vector<56x128xf32>
    %reduce_min3A_3465 = arith.constant dense<0x7F800000> : vector<56xf32>
    %reduce_min3A_3466 = vector.multi_reduction <minimumf>, %select_n3A_3459, %reduce_min3A_3465 [1] : vector<56x128xf32> to vector<56xf32>
    %broadcast_in_dim3A_3467 = vector.shape_cast %reduce_min3A_3466 : vector<56xf32> to vector<56x1xf32>
    %eq3A_3468 = vector.broadcast %broadcast_in_dim3A_3467 : vector<56x1xf32> to vector<56x128xf32>
    %eq3A_3469 = arith.cmpf oeq, %select_n3A_3459, %eq3A_3468 : vector<56x128xf32>
    %select_n3A_3470 = arith.select %eq3A_3469, %select_n3A_3460, %select_n3A_3459 : vector<56x128xi1>, vector<56x128xf32>
    %select_n3A_3471 = arith.select %eq3A_3469, %select_n3A_3461, %select_n3A_3460 : vector<56x128xi1>, vector<56x128xf32>
    %select_n3A_3472 = arith.select %eq3A_3469, %select_n3A_3464, %select_n3A_3461 : vector<56x128xi1>, vector<56x128xf32>
    %reduce_min3A_3473 = arith.constant dense<0x7F800000> : vector<56xf32>
    %reduce_min3A_3474 = vector.multi_reduction <minimumf>, %select_n3A_3470, %reduce_min3A_3473 [1] : vector<56x128xf32> to vector<56xf32>
    %broadcast_in_dim3A_3475 = vector.shape_cast %reduce_min3A_3474 : vector<56xf32> to vector<56x1xf32>
    %eq3A_3476 = vector.broadcast %broadcast_in_dim3A_3475 : vector<56x1xf32> to vector<56x128xf32>
    %eq3A_3477 = arith.cmpf oeq, %select_n3A_3470, %eq3A_3476 : vector<56x128xf32>
    %select_n3A_3478 = arith.select %eq3A_3477, %select_n3A_3471, %select_n3A_3470 : vector<56x128xi1>, vector<56x128xf32>
    %select_n3A_3479 = arith.select %eq3A_3477, %select_n3A_3472, %select_n3A_3471 : vector<56x128xi1>, vector<56x128xf32>
    %reduce_min3A_3480 = arith.constant dense<0x7F800000> : vector<56xf32>
    %reduce_min3A_3481 = vector.multi_reduction <minimumf>, %select_n3A_3478, %reduce_min3A_3480 [1] : vector<56x128xf32> to vector<56xf32>
    %broadcast_in_dim3A_3482 = vector.shape_cast %reduce_min3A_3481 : vector<56xf32> to vector<56x1xf32>
    %eq3A_3483 = vector.broadcast %broadcast_in_dim3A_3482 : vector<56x1xf32> to vector<56x128xf32>
    %eq3A_3484 = arith.cmpf oeq, %select_n3A_3478, %eq3A_3483 : vector<56x128xf32>
    %select_n3A_3485 = arith.select %eq3A_3484, %select_n3A_3479, %select_n3A_3478 : vector<56x128xi1>, vector<56x128xf32>
    %reduce_min3A_3486 = arith.constant dense<0x7F800000> : vector<56xf32>
    %reduce_min3A_3487 = vector.multi_reduction <minimumf>, %select_n3A_3485, %reduce_min3A_3486 [1] : vector<56x128xf32> to vector<56xf32>
    %broadcast_in_dim3A_3488 = vector.shape_cast %reduce_min3A_3487 : vector<56xf32> to vector<56x1xf32>
    %le3A_3489 = vector.broadcast %broadcast_in_dim3A_3488 : vector<56x1xf32> to vector<56x512xf32>
    %le3A_3490 = arith.cmpf ole, %sub3A_3406, %le3A_3489 : vector<56x512xf32>
    %slice3A_3491 = vector.extract_strided_slice %dot_general3A_3400 {offsets = [0, 0], sizes = [56, 512], strides = [1, 1]} : vector<56x1024xf32> to vector<56x512xf32>
    %add3A_3492 = vector.broadcast %get3A_16 : vector<1x512xf32> to vector<56x512xf32>
    %add3A_3493 = arith.addf %slice3A_3491, %add3A_3492 : vector<56x512xf32>
    %exp3A_3494 = math.exp %add3A_3493 : vector<56x512xf32>
    %reduce_sum3A_3495 = arith.constant dense<0.000000e+00> : vector<56xf32>
    %reduce_sum3A_3496 = vector.multi_reduction <add>, %exp3A_3494, %reduce_sum3A_3495 [1] : vector<56x512xf32> to vector<56xf32>
    %broadcast_in_dim3A_3497 = vector.shape_cast %reduce_sum3A_3496 : vector<56xf32> to vector<56x1xf32>
    %div3A_3498 = arith.constant 1.000000e+00 : f32
    %div3A_3499 = vector.broadcast %div3A_3498 : f32 to vector<56x1xf32>
    %div3A_3500 = arith.divf %div3A_3499, %broadcast_in_dim3A_3497 : vector<56x1xf32>
    %mul3A_3501 = vector.broadcast %div3A_3500 : vector<56x1xf32> to vector<56x512xf32>
    %mul3A_3502 = arith.mulf %exp3A_3494, %mul3A_3501 : vector<56x512xf32>
    %jit3A_3503 = arith.constant 0.000000e+00 : f32
    %broadcast_in_dim3A_3504 = vector.broadcast %jit3A_3503 : f32 to vector<56x512xf32>
    %select_n3A_3505 = arith.select %le3A_3490, %mul3A_3502, %broadcast_in_dim3A_3504 : vector<56x512xi1>, vector<56x512xf32>
    %swap3A_3506 = arith.constant 1344 : index
    %swap3A_3507 = arith.constant 0 : index
    %swap3A_3508 = vector.load %arg7[%swap3A_3506, %swap3A_3507] : memref<1568x512xf32, #tpu.memory_space<vmem>>, vector<56x512xf32>
    tpu.vector_store %arg7[%swap3A_3506, %swap3A_3507], %select_n3A_3505 {strides = array<i32>} : memref<1568x512xf32, #tpu.memory_space<vmem>>, vector<56x512xf32>,
    %dot_general3A_3509 = arith.constant dense<0.000000e+00> : vector<56x32xf32>
    %dot_general3A_3510 = tpu.matmul %select_n3A_3505, %get3A_10, %dot_general3A_3509 {dimension_numbers = #tpu.dot_dimension_numbers<[1], [0], [0], [1], [0, 0, 1, 1], [], []>, transpose_lhs_hint = false} : vector<56x512xf32>, vector<512x32xf32>, vector<56x32xf32> -> vector<56x32xf32>
    %slice3A_3511 = vector.extract_strided_slice %get3A_7 {offsets = [1344, 0], sizes = [56, 32], strides = [1, 1]} : vector<1568x32xf32> to vector<56x32xf32>
    %sub3A_3512 = arith.subf %dot_general3A_3510, %slice3A_3511 : vector<56x32xf32>
    %add3A_3513 = arith.addf %slice3A_3511, %sub3A_3512 : vector<56x32xf32>
    %swap3A_3514 = arith.constant 1344 : index
    %swap3A_3515 = arith.constant 0 : index
    %swap3A_3516 = vector.load %arg8[%swap3A_3514, %swap3A_3515] : memref<1568x32xf32, #tpu.memory_space<vmem>>, vector<56x32xf32>
    tpu.vector_store %arg8[%swap3A_3514, %swap3A_3515], %add3A_3513 {strides = array<i32>} : memref<1568x32xf32, #tpu.memory_space<vmem>>, vector<56x32xf32>,
    %sub3A_3517 = arith.subf %slice3A_3511, %dot_general3A_3510 : vector<56x32xf32>
    %mul3A_3518 = arith.mulf %sub3A_3517, %sub3A_3517 : vector<56x32xf32>
    %reduce_sum3A_3519 = vector.shape_cast %mul3A_3518 : vector<56x32xf32> to vector<1x56x32xf32>
    %reduce_sum3A_3520 = arith.constant dense<0.000000e+00> : vector<1xf32>
    %reduce_sum3A_3521 = vector.multi_reduction <add>, %reduce_sum3A_3519, %reduce_sum3A_3520 [1, 2] : vector<1x56x32xf32> to vector<1xf32>
    %reduce_sum3A_3522 = vector.shape_cast %reduce_sum3A_3521 : vector<1xf32> to vector<1x1x1xf32>
    %reduce_sum3A_3523 = vector.extract %reduce_sum3A_3522[0, 0, 0] : f32 from vector<1x1x1xf32>
    %broadcast_in_dim3A_3524 = vector.broadcast %reduce_sum3A_3523 : f32 to vector<1x1xf32>
    %add3A_3525 = arith.addf %add3A_3384, %broadcast_in_dim3A_3524 : vector<1x1xf32>
    %reduce_sum3A_3526 = vector.shape_cast %select_n3A_3505 : vector<56x512xf32> to vector<1x56x512xf32>
    %reduce_sum3A_3527 = arith.constant dense<0.000000e+00> : vector<1xf32>
    %reduce_sum3A_3528 = vector.multi_reduction <add>, %reduce_sum3A_3526, %reduce_sum3A_3527 [1, 2] : vector<1x56x512xf32> to vector<1xf32>
    %reduce_sum3A_3529 = vector.shape_cast %reduce_sum3A_3528 : vector<1xf32> to vector<1x1x1xf32>
    %reduce_sum3A_3530 = vector.extract %reduce_sum3A_3529[0, 0, 0] : f32 from vector<1x1x1xf32>
    %broadcast_in_dim3A_3531 = vector.broadcast %reduce_sum3A_3530 : f32 to vector<1x1xf32>
    %add3A_3532 = arith.addf %add3A_3391, %broadcast_in_dim3A_3531 : vector<1x1xf32>
    %convert_element_type3A_3533 = arith.extui %le3A_3490 : vector<56x512xi1> to vector<56x512xi32>
    %convert_element_type3A_3534 = arith.sitofp %convert_element_type3A_3533 : vector<56x512xi32> to vector<56x512xf32>
    %reduce_sum3A_3535 = arith.constant dense<0.000000e+00> : vector<512xf32>
    %reduce_sum3A_3536 = vector.multi_reduction <add>, %convert_element_type3A_3534, %reduce_sum3A_3535 [0] : vector<56x512xf32> to vector<512xf32>
    %broadcast_in_dim3A_3537 = vector.shape_cast %reduce_sum3A_3536 : vector<512xf32> to vector<1x512xf32>
    %add3A_3538 = arith.addf %add3A_3397, %broadcast_in_dim3A_3537 : vector<1x512xf32>
    %slice3A_3539 = vector.extract_strided_slice %get3A_20 {offsets = [1400, 0], sizes = [56, 32], strides = [1, 1]} : vector<1568x32xf32> to vector<56x32xf32>
    %dot_general3A_3540 = arith.constant dense<0.000000e+00> : vector<56x1024xf32>
    %dot_general3A_3541 = tpu.matmul %slice3A_3539, %get3A_13, %dot_general3A_3540 {dimension_numbers = #tpu.dot_dimension_numbers<[1], [0], [0], [1], [0, 0, 1, 1], [], []>, transpose_lhs_hint = false} : vector<56x32xf32>, vector<32x1024xf32>, vector<56x1024xf32> -> vector<56x1024xf32>
    %slice3A_3542 = vector.extract_strided_slice %dot_general3A_3541 {offsets = [0, 512], sizes = [56, 512], strides = [1, 1]} : vector<56x1024xf32> to vector<56x512xf32>
    %mul3A_3543 = arith.constant 2.000000e+00 : f32
    %mul3A_3544 = vector.broadcast %mul3A_3543 : f32 to vector<56x512xf32>
    %mul3A_3545 = arith.mulf %mul3A_3544, %slice3A_3542 : vector<56x512xf32>
    %sub3A_3546 = vector.broadcast %broadcast_in_dim3A : vector<1x512xf32> to vector<56x512xf32>
    %sub3A_3547 = arith.subf %sub3A_3546, %mul3A_3545 : vector<56x512xf32>
    %slice3A_3548 = vector.extract_strided_slice %sub3A_3547 {offsets = [0, 0], sizes = [56, 128], strides = [1, 1]} : vector<56x512xf32> to vector<56x128xf32>
    %slice3A_3549 = vector.extract_strided_slice %sub3A_3547 {offsets = [0, 128], sizes = [56, 128], strides = [1, 1]} : vector<56x512xf32> to vector<56x128xf32>
    %slice3A_3550 = vector.extract_strided_slice %sub3A_3547 {offsets = [0, 256], sizes = [56, 128], strides = [1, 1]} : vector<56x512xf32> to vector<56x128xf32>
    %slice3A_3551 = vector.extract_strided_slice %sub3A_3547 {offsets = [0, 384], sizes = [56, 128], strides = [1, 1]} : vector<56x512xf32> to vector<56x128xf32>
    %min3A_3552 = arith.minimumf %slice3A_3548, %slice3A_3549 : vector<56x128xf32>
    %max3A_3553 = arith.maximumf %slice3A_3548, %slice3A_3549 : vector<56x128xf32>
    %min3A_3554 = arith.minimumf %slice3A_3550, %slice3A_3551 : vector<56x128xf32>
    %max3A_3555 = arith.maximumf %slice3A_3550, %slice3A_3551 : vector<56x128xf32>
    %min3A_3556 = arith.minimumf %min3A_3552, %min3A_3554 : vector<56x128xf32>
    %max3A_3557 = arith.maximumf %max3A_3553, %max3A_3555 : vector<56x128xf32>
    %max3A_3558 = arith.maximumf %min3A_3552, %min3A_3554 : vector<56x128xf32>
    %min3A_3559 = arith.minimumf %max3A_3553, %max3A_3555 : vector<56x128xf32>
    %min3A_3560 = arith.minimumf %max3A_3558, %min3A_3559 : vector<56x128xf32>
    %max3A_3561 = arith.maximumf %max3A_3558, %min3A_3559 : vector<56x128xf32>
    %reduce_min3A_3562 = arith.constant dense<0x7F800000> : vector<56xf32>
    %reduce_min3A_3563 = vector.multi_reduction <minimumf>, %min3A_3556, %reduce_min3A_3562 [1] : vector<56x128xf32> to vector<56xf32>
    %broadcast_in_dim3A_3564 = vector.shape_cast %reduce_min3A_3563 : vector<56xf32> to vector<56x1xf32>
    %eq3A_3565 = vector.broadcast %broadcast_in_dim3A_3564 : vector<56x1xf32> to vector<56x128xf32>
    %eq3A_3566 = arith.cmpf oeq, %min3A_3556, %eq3A_3565 : vector<56x128xf32>
    %select_n3A_3567 = arith.select %eq3A_3566, %min3A_3560, %min3A_3556 : vector<56x128xi1>, vector<56x128xf32>
    %select_n3A_3568 = arith.select %eq3A_3566, %max3A_3561, %min3A_3560 : vector<56x128xi1>, vector<56x128xf32>
    %select_n3A_3569 = arith.select %eq3A_3566, %max3A_3557, %max3A_3561 : vector<56x128xi1>, vector<56x128xf32>
    %jit3A_3570 = arith.constant 0x7F800000 : f32
    %broadcast_in_dim3A_3571 = vector.broadcast %jit3A_3570 : f32 to vector<56x128xf32>
    %select_n3A_3572 = arith.select %eq3A_3566, %broadcast_in_dim3A_3571, %max3A_3557 : vector<56x128xi1>, vector<56x128xf32>
    %reduce_min3A_3573 = arith.constant dense<0x7F800000> : vector<56xf32>
    %reduce_min3A_3574 = vector.multi_reduction <minimumf>, %select_n3A_3567, %reduce_min3A_3573 [1] : vector<56x128xf32> to vector<56xf32>
    %broadcast_in_dim3A_3575 = vector.shape_cast %reduce_min3A_3574 : vector<56xf32> to vector<56x1xf32>
    %eq3A_3576 = vector.broadcast %broadcast_in_dim3A_3575 : vector<56x1xf32> to vector<56x128xf32>
    %eq3A_3577 = arith.cmpf oeq, %select_n3A_3567, %eq3A_3576 : vector<56x128xf32>
    %select_n3A_3578 = arith.select %eq3A_3577, %select_n3A_3568, %select_n3A_3567 : vector<56x128xi1>, vector<56x128xf32>
    %select_n3A_3579 = arith.select %eq3A_3577, %select_n3A_3569, %select_n3A_3568 : vector<56x128xi1>, vector<56x128xf32>
    %select_n3A_3580 = arith.select %eq3A_3577, %select_n3A_3572, %select_n3A_3569 : vector<56x128xi1>, vector<56x128xf32>
    %jit3A_3581 = arith.constant 0x7F800000 : f32
    %broadcast_in_dim3A_3582 = vector.broadcast %jit3A_3581 : f32 to vector<56x128xf32>
    %select_n3A_3583 = arith.select %eq3A_3577, %broadcast_in_dim3A_3582, %select_n3A_3572 : vector<56x128xi1>, vector<56x128xf32>
    %reduce_min3A_3584 = arith.constant dense<0x7F800000> : vector<56xf32>
    %reduce_min3A_3585 = vector.multi_reduction <minimumf>, %select_n3A_3578, %reduce_min3A_3584 [1] : vector<56x128xf32> to vector<56xf32>
    %broadcast_in_dim3A_3586 = vector.shape_cast %reduce_min3A_3585 : vector<56xf32> to vector<56x1xf32>
    %eq3A_3587 = vector.broadcast %broadcast_in_dim3A_3586 : vector<56x1xf32> to vector<56x128xf32>
    %eq3A_3588 = arith.cmpf oeq, %select_n3A_3578, %eq3A_3587 : vector<56x128xf32>
    %select_n3A_3589 = arith.select %eq3A_3588, %select_n3A_3579, %select_n3A_3578 : vector<56x128xi1>, vector<56x128xf32>
    %select_n3A_3590 = arith.select %eq3A_3588, %select_n3A_3580, %select_n3A_3579 : vector<56x128xi1>, vector<56x128xf32>
    %select_n3A_3591 = arith.select %eq3A_3588, %select_n3A_3583, %select_n3A_3580 : vector<56x128xi1>, vector<56x128xf32>
    %jit3A_3592 = arith.constant 0x7F800000 : f32
    %broadcast_in_dim3A_3593 = vector.broadcast %jit3A_3592 : f32 to vector<56x128xf32>
    %select_n3A_3594 = arith.select %eq3A_3588, %broadcast_in_dim3A_3593, %select_n3A_3583 : vector<56x128xi1>, vector<56x128xf32>
    %reduce_min3A_3595 = arith.constant dense<0x7F800000> : vector<56xf32>
    %reduce_min3A_3596 = vector.multi_reduction <minimumf>, %select_n3A_3589, %reduce_min3A_3595 [1] : vector<56x128xf32> to vector<56xf32>
    %broadcast_in_dim3A_3597 = vector.shape_cast %reduce_min3A_3596 : vector<56xf32> to vector<56x1xf32>
    %eq3A_3598 = vector.broadcast %broadcast_in_dim3A_3597 : vector<56x1xf32> to vector<56x128xf32>
    %eq3A_3599 = arith.cmpf oeq, %select_n3A_3589, %eq3A_3598 : vector<56x128xf32>
    %select_n3A_3600 = arith.select %eq3A_3599, %select_n3A_3590, %select_n3A_3589 : vector<56x128xi1>, vector<56x128xf32>
    %select_n3A_3601 = arith.select %eq3A_3599, %select_n3A_3591, %select_n3A_3590 : vector<56x128xi1>, vector<56x128xf32>
    %select_n3A_3602 = arith.select %eq3A_3599, %select_n3A_3594, %select_n3A_3591 : vector<56x128xi1>, vector<56x128xf32>
    %jit3A_3603 = arith.constant 0x7F800000 : f32
    %broadcast_in_dim3A_3604 = vector.broadcast %jit3A_3603 : f32 to vector<56x128xf32>
    %select_n3A_3605 = arith.select %eq3A_3599, %broadcast_in_dim3A_3604, %select_n3A_3594 : vector<56x128xi1>, vector<56x128xf32>
    %reduce_min3A_3606 = arith.constant dense<0x7F800000> : vector<56xf32>
    %reduce_min3A_3607 = vector.multi_reduction <minimumf>, %select_n3A_3600, %reduce_min3A_3606 [1] : vector<56x128xf32> to vector<56xf32>
    %broadcast_in_dim3A_3608 = vector.shape_cast %reduce_min3A_3607 : vector<56xf32> to vector<56x1xf32>
    %eq3A_3609 = vector.broadcast %broadcast_in_dim3A_3608 : vector<56x1xf32> to vector<56x128xf32>
    %eq3A_3610 = arith.cmpf oeq, %select_n3A_3600, %eq3A_3609 : vector<56x128xf32>
    %select_n3A_3611 = arith.select %eq3A_3610, %select_n3A_3601, %select_n3A_3600 : vector<56x128xi1>, vector<56x128xf32>
    %select_n3A_3612 = arith.select %eq3A_3610, %select_n3A_3602, %select_n3A_3601 : vector<56x128xi1>, vector<56x128xf32>
    %select_n3A_3613 = arith.select %eq3A_3610, %select_n3A_3605, %select_n3A_3602 : vector<56x128xi1>, vector<56x128xf32>
    %reduce_min3A_3614 = arith.constant dense<0x7F800000> : vector<56xf32>
    %reduce_min3A_3615 = vector.multi_reduction <minimumf>, %select_n3A_3611, %reduce_min3A_3614 [1] : vector<56x128xf32> to vector<56xf32>
    %broadcast_in_dim3A_3616 = vector.shape_cast %reduce_min3A_3615 : vector<56xf32> to vector<56x1xf32>
    %eq3A_3617 = vector.broadcast %broadcast_in_dim3A_3616 : vector<56x1xf32> to vector<56x128xf32>
    %eq3A_3618 = arith.cmpf oeq, %select_n3A_3611, %eq3A_3617 : vector<56x128xf32>
    %select_n3A_3619 = arith.select %eq3A_3618, %select_n3A_3612, %select_n3A_3611 : vector<56x128xi1>, vector<56x128xf32>
    %select_n3A_3620 = arith.select %eq3A_3618, %select_n3A_3613, %select_n3A_3612 : vector<56x128xi1>, vector<56x128xf32>
    %reduce_min3A_3621 = arith.constant dense<0x7F800000> : vector<56xf32>
    %reduce_min3A_3622 = vector.multi_reduction <minimumf>, %select_n3A_3619, %reduce_min3A_3621 [1] : vector<56x128xf32> to vector<56xf32>
    %broadcast_in_dim3A_3623 = vector.shape_cast %reduce_min3A_3622 : vector<56xf32> to vector<56x1xf32>
    %eq3A_3624 = vector.broadcast %broadcast_in_dim3A_3623 : vector<56x1xf32> to vector<56x128xf32>
    %eq3A_3625 = arith.cmpf oeq, %select_n3A_3619, %eq3A_3624 : vector<56x128xf32>
    %select_n3A_3626 = arith.select %eq3A_3625, %select_n3A_3620, %select_n3A_3619 : vector<56x128xi1>, vector<56x128xf32>
    %reduce_min3A_3627 = arith.constant dense<0x7F800000> : vector<56xf32>
    %reduce_min3A_3628 = vector.multi_reduction <minimumf>, %select_n3A_3626, %reduce_min3A_3627 [1] : vector<56x128xf32> to vector<56xf32>
    %broadcast_in_dim3A_3629 = vector.shape_cast %reduce_min3A_3628 : vector<56xf32> to vector<56x1xf32>
    %le3A_3630 = vector.broadcast %broadcast_in_dim3A_3629 : vector<56x1xf32> to vector<56x512xf32>
    %le3A_3631 = arith.cmpf ole, %sub3A_3547, %le3A_3630 : vector<56x512xf32>
    %slice3A_3632 = vector.extract_strided_slice %dot_general3A_3541 {offsets = [0, 0], sizes = [56, 512], strides = [1, 1]} : vector<56x1024xf32> to vector<56x512xf32>
    %add3A_3633 = vector.broadcast %get3A_16 : vector<1x512xf32> to vector<56x512xf32>
    %add3A_3634 = arith.addf %slice3A_3632, %add3A_3633 : vector<56x512xf32>
    %exp3A_3635 = math.exp %add3A_3634 : vector<56x512xf32>
    %reduce_sum3A_3636 = arith.constant dense<0.000000e+00> : vector<56xf32>
    %reduce_sum3A_3637 = vector.multi_reduction <add>, %exp3A_3635, %reduce_sum3A_3636 [1] : vector<56x512xf32> to vector<56xf32>
    %broadcast_in_dim3A_3638 = vector.shape_cast %reduce_sum3A_3637 : vector<56xf32> to vector<56x1xf32>
    %div3A_3639 = arith.constant 1.000000e+00 : f32
    %div3A_3640 = vector.broadcast %div3A_3639 : f32 to vector<56x1xf32>
    %div3A_3641 = arith.divf %div3A_3640, %broadcast_in_dim3A_3638 : vector<56x1xf32>
    %mul3A_3642 = vector.broadcast %div3A_3641 : vector<56x1xf32> to vector<56x512xf32>
    %mul3A_3643 = arith.mulf %exp3A_3635, %mul3A_3642 : vector<56x512xf32>
    %jit3A_3644 = arith.constant 0.000000e+00 : f32
    %broadcast_in_dim3A_3645 = vector.broadcast %jit3A_3644 : f32 to vector<56x512xf32>
    %select_n3A_3646 = arith.select %le3A_3631, %mul3A_3643, %broadcast_in_dim3A_3645 : vector<56x512xi1>, vector<56x512xf32>
    %swap3A_3647 = arith.constant 1400 : index
    %swap3A_3648 = arith.constant 0 : index
    %swap3A_3649 = vector.load %arg7[%swap3A_3647, %swap3A_3648] : memref<1568x512xf32, #tpu.memory_space<vmem>>, vector<56x512xf32>
    tpu.vector_store %arg7[%swap3A_3647, %swap3A_3648], %select_n3A_3646 {strides = array<i32>} : memref<1568x512xf32, #tpu.memory_space<vmem>>, vector<56x512xf32>,
    %dot_general3A_3650 = arith.constant dense<0.000000e+00> : vector<56x32xf32>
    %dot_general3A_3651 = tpu.matmul %select_n3A_3646, %get3A_10, %dot_general3A_3650 {dimension_numbers = #tpu.dot_dimension_numbers<[1], [0], [0], [1], [0, 0, 1, 1], [], []>, transpose_lhs_hint = false} : vector<56x512xf32>, vector<512x32xf32>, vector<56x32xf32> -> vector<56x32xf32>
    %slice3A_3652 = vector.extract_strided_slice %get3A_7 {offsets = [1400, 0], sizes = [56, 32], strides = [1, 1]} : vector<1568x32xf32> to vector<56x32xf32>
    %sub3A_3653 = arith.subf %dot_general3A_3651, %slice3A_3652 : vector<56x32xf32>
    %add3A_3654 = arith.addf %slice3A_3652, %sub3A_3653 : vector<56x32xf32>
    %swap3A_3655 = arith.constant 1400 : index
    %swap3A_3656 = arith.constant 0 : index
    %swap3A_3657 = vector.load %arg8[%swap3A_3655, %swap3A_3656] : memref<1568x32xf32, #tpu.memory_space<vmem>>, vector<56x32xf32>
    tpu.vector_store %arg8[%swap3A_3655, %swap3A_3656], %add3A_3654 {strides = array<i32>} : memref<1568x32xf32, #tpu.memory_space<vmem>>, vector<56x32xf32>,
    %sub3A_3658 = arith.subf %slice3A_3652, %dot_general3A_3651 : vector<56x32xf32>
    %mul3A_3659 = arith.mulf %sub3A_3658, %sub3A_3658 : vector<56x32xf32>
    %reduce_sum3A_3660 = vector.shape_cast %mul3A_3659 : vector<56x32xf32> to vector<1x56x32xf32>
    %reduce_sum3A_3661 = arith.constant dense<0.000000e+00> : vector<1xf32>
    %reduce_sum3A_3662 = vector.multi_reduction <add>, %reduce_sum3A_3660, %reduce_sum3A_3661 [1, 2] : vector<1x56x32xf32> to vector<1xf32>
    %reduce_sum3A_3663 = vector.shape_cast %reduce_sum3A_3662 : vector<1xf32> to vector<1x1x1xf32>
    %reduce_sum3A_3664 = vector.extract %reduce_sum3A_3663[0, 0, 0] : f32 from vector<1x1x1xf32>
    %broadcast_in_dim3A_3665 = vector.broadcast %reduce_sum3A_3664 : f32 to vector<1x1xf32>
    %add3A_3666 = arith.addf %add3A_3525, %broadcast_in_dim3A_3665 : vector<1x1xf32>
    %reduce_sum3A_3667 = vector.shape_cast %select_n3A_3646 : vector<56x512xf32> to vector<1x56x512xf32>
    %reduce_sum3A_3668 = arith.constant dense<0.000000e+00> : vector<1xf32>
    %reduce_sum3A_3669 = vector.multi_reduction <add>, %reduce_sum3A_3667, %reduce_sum3A_3668 [1, 2] : vector<1x56x512xf32> to vector<1xf32>
    %reduce_sum3A_3670 = vector.shape_cast %reduce_sum3A_3669 : vector<1xf32> to vector<1x1x1xf32>
    %reduce_sum3A_3671 = vector.extract %reduce_sum3A_3670[0, 0, 0] : f32 from vector<1x1x1xf32>
    %broadcast_in_dim3A_3672 = vector.broadcast %reduce_sum3A_3671 : f32 to vector<1x1xf32>
    %add3A_3673 = arith.addf %add3A_3532, %broadcast_in_dim3A_3672 : vector<1x1xf32>
    %convert_element_type3A_3674 = arith.extui %le3A_3631 : vector<56x512xi1> to vector<56x512xi32>
    %convert_element_type3A_3675 = arith.sitofp %convert_element_type3A_3674 : vector<56x512xi32> to vector<56x512xf32>
    %reduce_sum3A_3676 = arith.constant dense<0.000000e+00> : vector<512xf32>
    %reduce_sum3A_3677 = vector.multi_reduction <add>, %convert_element_type3A_3675, %reduce_sum3A_3676 [0] : vector<56x512xf32> to vector<512xf32>
    %broadcast_in_dim3A_3678 = vector.shape_cast %reduce_sum3A_3677 : vector<512xf32> to vector<1x512xf32>
    %add3A_3679 = arith.addf %add3A_3538, %broadcast_in_dim3A_3678 : vector<1x512xf32>
    %slice3A_3680 = vector.extract_strided_slice %get3A_20 {offsets = [1456, 0], sizes = [56, 32], strides = [1, 1]} : vector<1568x32xf32> to vector<56x32xf32>
    %dot_general3A_3681 = arith.constant dense<0.000000e+00> : vector<56x1024xf32>
    %dot_general3A_3682 = tpu.matmul %slice3A_3680, %get3A_13, %dot_general3A_3681 {dimension_numbers = #tpu.dot_dimension_numbers<[1], [0], [0], [1], [0, 0, 1, 1], [], []>, transpose_lhs_hint = false} : vector<56x32xf32>, vector<32x1024xf32>, vector<56x1024xf32> -> vector<56x1024xf32>
    %slice3A_3683 = vector.extract_strided_slice %dot_general3A_3682 {offsets = [0, 512], sizes = [56, 512], strides = [1, 1]} : vector<56x1024xf32> to vector<56x512xf32>
    %mul3A_3684 = arith.constant 2.000000e+00 : f32
    %mul3A_3685 = vector.broadcast %mul3A_3684 : f32 to vector<56x512xf32>
    %mul3A_3686 = arith.mulf %mul3A_3685, %slice3A_3683 : vector<56x512xf32>
    %sub3A_3687 = vector.broadcast %broadcast_in_dim3A : vector<1x512xf32> to vector<56x512xf32>
    %sub3A_3688 = arith.subf %sub3A_3687, %mul3A_3686 : vector<56x512xf32>
    %slice3A_3689 = vector.extract_strided_slice %sub3A_3688 {offsets = [0, 0], sizes = [56, 128], strides = [1, 1]} : vector<56x512xf32> to vector<56x128xf32>
    %slice3A_3690 = vector.extract_strided_slice %sub3A_3688 {offsets = [0, 128], sizes = [56, 128], strides = [1, 1]} : vector<56x512xf32> to vector<56x128xf32>
    %slice3A_3691 = vector.extract_strided_slice %sub3A_3688 {offsets = [0, 256], sizes = [56, 128], strides = [1, 1]} : vector<56x512xf32> to vector<56x128xf32>
    %slice3A_3692 = vector.extract_strided_slice %sub3A_3688 {offsets = [0, 384], sizes = [56, 128], strides = [1, 1]} : vector<56x512xf32> to vector<56x128xf32>
    %min3A_3693 = arith.minimumf %slice3A_3689, %slice3A_3690 : vector<56x128xf32>
    %max3A_3694 = arith.maximumf %slice3A_3689, %slice3A_3690 : vector<56x128xf32>
    %min3A_3695 = arith.minimumf %slice3A_3691, %slice3A_3692 : vector<56x128xf32>
    %max3A_3696 = arith.maximumf %slice3A_3691, %slice3A_3692 : vector<56x128xf32>
    %min3A_3697 = arith.minimumf %min3A_3693, %min3A_3695 : vector<56x128xf32>
    %max3A_3698 = arith.maximumf %max3A_3694, %max3A_3696 : vector<56x128xf32>
    %max3A_3699 = arith.maximumf %min3A_3693, %min3A_3695 : vector<56x128xf32>
    %min3A_3700 = arith.minimumf %max3A_3694, %max3A_3696 : vector<56x128xf32>
    %min3A_3701 = arith.minimumf %max3A_3699, %min3A_3700 : vector<56x128xf32>
    %max3A_3702 = arith.maximumf %max3A_3699, %min3A_3700 : vector<56x128xf32>
    %reduce_min3A_3703 = arith.constant dense<0x7F800000> : vector<56xf32>
    %reduce_min3A_3704 = vector.multi_reduction <minimumf>, %min3A_3697, %reduce_min3A_3703 [1] : vector<56x128xf32> to vector<56xf32>
    %broadcast_in_dim3A_3705 = vector.shape_cast %reduce_min3A_3704 : vector<56xf32> to vector<56x1xf32>
    %eq3A_3706 = vector.broadcast %broadcast_in_dim3A_3705 : vector<56x1xf32> to vector<56x128xf32>
    %eq3A_3707 = arith.cmpf oeq, %min3A_3697, %eq3A_3706 : vector<56x128xf32>
    %select_n3A_3708 = arith.select %eq3A_3707, %min3A_3701, %min3A_3697 : vector<56x128xi1>, vector<56x128xf32>
    %select_n3A_3709 = arith.select %eq3A_3707, %max3A_3702, %min3A_3701 : vector<56x128xi1>, vector<56x128xf32>
    %select_n3A_3710 = arith.select %eq3A_3707, %max3A_3698, %max3A_3702 : vector<56x128xi1>, vector<56x128xf32>
    %jit3A_3711 = arith.constant 0x7F800000 : f32
    %broadcast_in_dim3A_3712 = vector.broadcast %jit3A_3711 : f32 to vector<56x128xf32>
    %select_n3A_3713 = arith.select %eq3A_3707, %broadcast_in_dim3A_3712, %max3A_3698 : vector<56x128xi1>, vector<56x128xf32>
    %reduce_min3A_3714 = arith.constant dense<0x7F800000> : vector<56xf32>
    %reduce_min3A_3715 = vector.multi_reduction <minimumf>, %select_n3A_3708, %reduce_min3A_3714 [1] : vector<56x128xf32> to vector<56xf32>
    %broadcast_in_dim3A_3716 = vector.shape_cast %reduce_min3A_3715 : vector<56xf32> to vector<56x1xf32>
    %eq3A_3717 = vector.broadcast %broadcast_in_dim3A_3716 : vector<56x1xf32> to vector<56x128xf32>
    %eq3A_3718 = arith.cmpf oeq, %select_n3A_3708, %eq3A_3717 : vector<56x128xf32>
    %select_n3A_3719 = arith.select %eq3A_3718, %select_n3A_3709, %select_n3A_3708 : vector<56x128xi1>, vector<56x128xf32>
    %select_n3A_3720 = arith.select %eq3A_3718, %select_n3A_3710, %select_n3A_3709 : vector<56x128xi1>, vector<56x128xf32>
    %select_n3A_3721 = arith.select %eq3A_3718, %select_n3A_3713, %select_n3A_3710 : vector<56x128xi1>, vector<56x128xf32>
    %jit3A_3722 = arith.constant 0x7F800000 : f32
    %broadcast_in_dim3A_3723 = vector.broadcast %jit3A_3722 : f32 to vector<56x128xf32>
    %select_n3A_3724 = arith.select %eq3A_3718, %broadcast_in_dim3A_3723, %select_n3A_3713 : vector<56x128xi1>, vector<56x128xf32>
    %reduce_min3A_3725 = arith.constant dense<0x7F800000> : vector<56xf32>
    %reduce_min3A_3726 = vector.multi_reduction <minimumf>, %select_n3A_3719, %reduce_min3A_3725 [1] : vector<56x128xf32> to vector<56xf32>
    %broadcast_in_dim3A_3727 = vector.shape_cast %reduce_min3A_3726 : vector<56xf32> to vector<56x1xf32>
    %eq3A_3728 = vector.broadcast %broadcast_in_dim3A_3727 : vector<56x1xf32> to vector<56x128xf32>
    %eq3A_3729 = arith.cmpf oeq, %select_n3A_3719, %eq3A_3728 : vector<56x128xf32>
    %select_n3A_3730 = arith.select %eq3A_3729, %select_n3A_3720, %select_n3A_3719 : vector<56x128xi1>, vector<56x128xf32>
    %select_n3A_3731 = arith.select %eq3A_3729, %select_n3A_3721, %select_n3A_3720 : vector<56x128xi1>, vector<56x128xf32>
    %select_n3A_3732 = arith.select %eq3A_3729, %select_n3A_3724, %select_n3A_3721 : vector<56x128xi1>, vector<56x128xf32>
    %jit3A_3733 = arith.constant 0x7F800000 : f32
    %broadcast_in_dim3A_3734 = vector.broadcast %jit3A_3733 : f32 to vector<56x128xf32>
    %select_n3A_3735 = arith.select %eq3A_3729, %broadcast_in_dim3A_3734, %select_n3A_3724 : vector<56x128xi1>, vector<56x128xf32>
    %reduce_min3A_3736 = arith.constant dense<0x7F800000> : vector<56xf32>
    %reduce_min3A_3737 = vector.multi_reduction <minimumf>, %select_n3A_3730, %reduce_min3A_3736 [1] : vector<56x128xf32> to vector<56xf32>
    %broadcast_in_dim3A_3738 = vector.shape_cast %reduce_min3A_3737 : vector<56xf32> to vector<56x1xf32>
    %eq3A_3739 = vector.broadcast %broadcast_in_dim3A_3738 : vector<56x1xf32> to vector<56x128xf32>
    %eq3A_3740 = arith.cmpf oeq, %select_n3A_3730, %eq3A_3739 : vector<56x128xf32>
    %select_n3A_3741 = arith.select %eq3A_3740, %select_n3A_3731, %select_n3A_3730 : vector<56x128xi1>, vector<56x128xf32>
    %select_n3A_3742 = arith.select %eq3A_3740, %select_n3A_3732, %select_n3A_3731 : vector<56x128xi1>, vector<56x128xf32>
    %select_n3A_3743 = arith.select %eq3A_3740, %select_n3A_3735, %select_n3A_3732 : vector<56x128xi1>, vector<56x128xf32>
    %jit3A_3744 = arith.constant 0x7F800000 : f32
    %broadcast_in_dim3A_3745 = vector.broadcast %jit3A_3744 : f32 to vector<56x128xf32>
    %select_n3A_3746 = arith.select %eq3A_3740, %broadcast_in_dim3A_3745, %select_n3A_3735 : vector<56x128xi1>, vector<56x128xf32>
    %reduce_min3A_3747 = arith.constant dense<0x7F800000> : vector<56xf32>
    %reduce_min3A_3748 = vector.multi_reduction <minimumf>, %select_n3A_3741, %reduce_min3A_3747 [1] : vector<56x128xf32> to vector<56xf32>
    %broadcast_in_dim3A_3749 = vector.shape_cast %reduce_min3A_3748 : vector<56xf32> to vector<56x1xf32>
    %eq3A_3750 = vector.broadcast %broadcast_in_dim3A_3749 : vector<56x1xf32> to vector<56x128xf32>
    %eq3A_3751 = arith.cmpf oeq, %select_n3A_3741, %eq3A_3750 : vector<56x128xf32>
    %select_n3A_3752 = arith.select %eq3A_3751, %select_n3A_3742, %select_n3A_3741 : vector<56x128xi1>, vector<56x128xf32>
    %select_n3A_3753 = arith.select %eq3A_3751, %select_n3A_3743, %select_n3A_3742 : vector<56x128xi1>, vector<56x128xf32>
    %select_n3A_3754 = arith.select %eq3A_3751, %select_n3A_3746, %select_n3A_3743 : vector<56x128xi1>, vector<56x128xf32>
    %reduce_min3A_3755 = arith.constant dense<0x7F800000> : vector<56xf32>
    %reduce_min3A_3756 = vector.multi_reduction <minimumf>, %select_n3A_3752, %reduce_min3A_3755 [1] : vector<56x128xf32> to vector<56xf32>
    %broadcast_in_dim3A_3757 = vector.shape_cast %reduce_min3A_3756 : vector<56xf32> to vector<56x1xf32>
    %eq3A_3758 = vector.broadcast %broadcast_in_dim3A_3757 : vector<56x1xf32> to vector<56x128xf32>
    %eq3A_3759 = arith.cmpf oeq, %select_n3A_3752, %eq3A_3758 : vector<56x128xf32>
    %select_n3A_3760 = arith.select %eq3A_3759, %select_n3A_3753, %select_n3A_3752 : vector<56x128xi1>, vector<56x128xf32>
    %select_n3A_3761 = arith.select %eq3A_3759, %select_n3A_3754, %select_n3A_3753 : vector<56x128xi1>, vector<56x128xf32>
    %reduce_min3A_3762 = arith.constant dense<0x7F800000> : vector<56xf32>
    %reduce_min3A_3763 = vector.multi_reduction <minimumf>, %select_n3A_3760, %reduce_min3A_3762 [1] : vector<56x128xf32> to vector<56xf32>
    %broadcast_in_dim3A_3764 = vector.shape_cast %reduce_min3A_3763 : vector<56xf32> to vector<56x1xf32>
    %eq3A_3765 = vector.broadcast %broadcast_in_dim3A_3764 : vector<56x1xf32> to vector<56x128xf32>
    %eq3A_3766 = arith.cmpf oeq, %select_n3A_3760, %eq3A_3765 : vector<56x128xf32>
    %select_n3A_3767 = arith.select %eq3A_3766, %select_n3A_3761, %select_n3A_3760 : vector<56x128xi1>, vector<56x128xf32>
    %reduce_min3A_3768 = arith.constant dense<0x7F800000> : vector<56xf32>
    %reduce_min3A_3769 = vector.multi_reduction <minimumf>, %select_n3A_3767, %reduce_min3A_3768 [1] : vector<56x128xf32> to vector<56xf32>
    %broadcast_in_dim3A_3770 = vector.shape_cast %reduce_min3A_3769 : vector<56xf32> to vector<56x1xf32>
    %le3A_3771 = vector.broadcast %broadcast_in_dim3A_3770 : vector<56x1xf32> to vector<56x512xf32>
    %le3A_3772 = arith.cmpf ole, %sub3A_3688, %le3A_3771 : vector<56x512xf32>
    %slice3A_3773 = vector.extract_strided_slice %dot_general3A_3682 {offsets = [0, 0], sizes = [56, 512], strides = [1, 1]} : vector<56x1024xf32> to vector<56x512xf32>
    %add3A_3774 = vector.broadcast %get3A_16 : vector<1x512xf32> to vector<56x512xf32>
    %add3A_3775 = arith.addf %slice3A_3773, %add3A_3774 : vector<56x512xf32>
    %exp3A_3776 = math.exp %add3A_3775 : vector<56x512xf32>
    %reduce_sum3A_3777 = arith.constant dense<0.000000e+00> : vector<56xf32>
    %reduce_sum3A_3778 = vector.multi_reduction <add>, %exp3A_3776, %reduce_sum3A_3777 [1] : vector<56x512xf32> to vector<56xf32>
    %broadcast_in_dim3A_3779 = vector.shape_cast %reduce_sum3A_3778 : vector<56xf32> to vector<56x1xf32>
    %div3A_3780 = arith.constant 1.000000e+00 : f32
    %div3A_3781 = vector.broadcast %div3A_3780 : f32 to vector<56x1xf32>
    %div3A_3782 = arith.divf %div3A_3781, %broadcast_in_dim3A_3779 : vector<56x1xf32>
    %mul3A_3783 = vector.broadcast %div3A_3782 : vector<56x1xf32> to vector<56x512xf32>
    %mul3A_3784 = arith.mulf %exp3A_3776, %mul3A_3783 : vector<56x512xf32>
    %jit3A_3785 = arith.constant 0.000000e+00 : f32
    %broadcast_in_dim3A_3786 = vector.broadcast %jit3A_3785 : f32 to vector<56x512xf32>
    %select_n3A_3787 = arith.select %le3A_3772, %mul3A_3784, %broadcast_in_dim3A_3786 : vector<56x512xi1>, vector<56x512xf32>
    %swap3A_3788 = arith.constant 1456 : index
    %swap3A_3789 = arith.constant 0 : index
    %swap3A_3790 = vector.load %arg7[%swap3A_3788, %swap3A_3789] : memref<1568x512xf32, #tpu.memory_space<vmem>>, vector<56x512xf32>
    tpu.vector_store %arg7[%swap3A_3788, %swap3A_3789], %select_n3A_3787 {strides = array<i32>} : memref<1568x512xf32, #tpu.memory_space<vmem>>, vector<56x512xf32>,
    %dot_general3A_3791 = arith.constant dense<0.000000e+00> : vector<56x32xf32>
    %dot_general3A_3792 = tpu.matmul %select_n3A_3787, %get3A_10, %dot_general3A_3791 {dimension_numbers = #tpu.dot_dimension_numbers<[1], [0], [0], [1], [0, 0, 1, 1], [], []>, transpose_lhs_hint = false} : vector<56x512xf32>, vector<512x32xf32>, vector<56x32xf32> -> vector<56x32xf32>
    %slice3A_3793 = vector.extract_strided_slice %get3A_7 {offsets = [1456, 0], sizes = [56, 32], strides = [1, 1]} : vector<1568x32xf32> to vector<56x32xf32>
    %sub3A_3794 = arith.subf %dot_general3A_3792, %slice3A_3793 : vector<56x32xf32>
    %add3A_3795 = arith.addf %slice3A_3793, %sub3A_3794 : vector<56x32xf32>
    %swap3A_3796 = arith.constant 1456 : index
    %swap3A_3797 = arith.constant 0 : index
    %swap3A_3798 = vector.load %arg8[%swap3A_3796, %swap3A_3797] : memref<1568x32xf32, #tpu.memory_space<vmem>>, vector<56x32xf32>
    tpu.vector_store %arg8[%swap3A_3796, %swap3A_3797], %add3A_3795 {strides = array<i32>} : memref<1568x32xf32, #tpu.memory_space<vmem>>, vector<56x32xf32>,
    %sub3A_3799 = arith.subf %slice3A_3793, %dot_general3A_3792 : vector<56x32xf32>
    %mul3A_3800 = arith.mulf %sub3A_3799, %sub3A_3799 : vector<56x32xf32>
    %reduce_sum3A_3801 = vector.shape_cast %mul3A_3800 : vector<56x32xf32> to vector<1x56x32xf32>
    %reduce_sum3A_3802 = arith.constant dense<0.000000e+00> : vector<1xf32>
    %reduce_sum3A_3803 = vector.multi_reduction <add>, %reduce_sum3A_3801, %reduce_sum3A_3802 [1, 2] : vector<1x56x32xf32> to vector<1xf32>
    %reduce_sum3A_3804 = vector.shape_cast %reduce_sum3A_3803 : vector<1xf32> to vector<1x1x1xf32>
    %reduce_sum3A_3805 = vector.extract %reduce_sum3A_3804[0, 0, 0] : f32 from vector<1x1x1xf32>
    %broadcast_in_dim3A_3806 = vector.broadcast %reduce_sum3A_3805 : f32 to vector<1x1xf32>
    %add3A_3807 = arith.addf %add3A_3666, %broadcast_in_dim3A_3806 : vector<1x1xf32>
    %reduce_sum3A_3808 = vector.shape_cast %select_n3A_3787 : vector<56x512xf32> to vector<1x56x512xf32>
    %reduce_sum3A_3809 = arith.constant dense<0.000000e+00> : vector<1xf32>
    %reduce_sum3A_3810 = vector.multi_reduction <add>, %reduce_sum3A_3808, %reduce_sum3A_3809 [1, 2] : vector<1x56x512xf32> to vector<1xf32>
    %reduce_sum3A_3811 = vector.shape_cast %reduce_sum3A_3810 : vector<1xf32> to vector<1x1x1xf32>
    %reduce_sum3A_3812 = vector.extract %reduce_sum3A_3811[0, 0, 0] : f32 from vector<1x1x1xf32>
    %broadcast_in_dim3A_3813 = vector.broadcast %reduce_sum3A_3812 : f32 to vector<1x1xf32>
    %add3A_3814 = arith.addf %add3A_3673, %broadcast_in_dim3A_3813 : vector<1x1xf32>
    %convert_element_type3A_3815 = arith.extui %le3A_3772 : vector<56x512xi1> to vector<56x512xi32>
    %convert_element_type3A_3816 = arith.sitofp %convert_element_type3A_3815 : vector<56x512xi32> to vector<56x512xf32>
    %reduce_sum3A_3817 = arith.constant dense<0.000000e+00> : vector<512xf32>
    %reduce_sum3A_3818 = vector.multi_reduction <add>, %convert_element_type3A_3816, %reduce_sum3A_3817 [0] : vector<56x512xf32> to vector<512xf32>
    %broadcast_in_dim3A_3819 = vector.shape_cast %reduce_sum3A_3818 : vector<512xf32> to vector<1x512xf32>
    %add3A_3820 = arith.addf %add3A_3679, %broadcast_in_dim3A_3819 : vector<1x512xf32>
    %slice3A_3821 = vector.extract_strided_slice %get3A_20 {offsets = [1512, 0], sizes = [56, 32], strides = [1, 1]} : vector<1568x32xf32> to vector<56x32xf32>
    %dot_general3A_3822 = arith.constant dense<0.000000e+00> : vector<56x1024xf32>
    %dot_general3A_3823 = tpu.matmul %slice3A_3821, %get3A_13, %dot_general3A_3822 {dimension_numbers = #tpu.dot_dimension_numbers<[1], [0], [0], [1], [0, 0, 1, 1], [], []>, transpose_lhs_hint = false} : vector<56x32xf32>, vector<32x1024xf32>, vector<56x1024xf32> -> vector<56x1024xf32>
    %slice3A_3824 = vector.extract_strided_slice %dot_general3A_3823 {offsets = [0, 512], sizes = [56, 512], strides = [1, 1]} : vector<56x1024xf32> to vector<56x512xf32>
    %mul3A_3825 = arith.constant 2.000000e+00 : f32
    %mul3A_3826 = vector.broadcast %mul3A_3825 : f32 to vector<56x512xf32>
    %mul3A_3827 = arith.mulf %mul3A_3826, %slice3A_3824 : vector<56x512xf32>
    %sub3A_3828 = vector.broadcast %broadcast_in_dim3A : vector<1x512xf32> to vector<56x512xf32>
    %sub3A_3829 = arith.subf %sub3A_3828, %mul3A_3827 : vector<56x512xf32>
    %slice3A_3830 = vector.extract_strided_slice %sub3A_3829 {offsets = [0, 0], sizes = [56, 128], strides = [1, 1]} : vector<56x512xf32> to vector<56x128xf32>
    %slice3A_3831 = vector.extract_strided_slice %sub3A_3829 {offsets = [0, 128], sizes = [56, 128], strides = [1, 1]} : vector<56x512xf32> to vector<56x128xf32>
    %slice3A_3832 = vector.extract_strided_slice %sub3A_3829 {offsets = [0, 256], sizes = [56, 128], strides = [1, 1]} : vector<56x512xf32> to vector<56x128xf32>
    %slice3A_3833 = vector.extract_strided_slice %sub3A_3829 {offsets = [0, 384], sizes = [56, 128], strides = [1, 1]} : vector<56x512xf32> to vector<56x128xf32>
    %min3A_3834 = arith.minimumf %slice3A_3830, %slice3A_3831 : vector<56x128xf32>
    %max3A_3835 = arith.maximumf %slice3A_3830, %slice3A_3831 : vector<56x128xf32>
    %min3A_3836 = arith.minimumf %slice3A_3832, %slice3A_3833 : vector<56x128xf32>
    %max3A_3837 = arith.maximumf %slice3A_3832, %slice3A_3833 : vector<56x128xf32>
    %min3A_3838 = arith.minimumf %min3A_3834, %min3A_3836 : vector<56x128xf32>
    %max3A_3839 = arith.maximumf %max3A_3835, %max3A_3837 : vector<56x128xf32>
    %max3A_3840 = arith.maximumf %min3A_3834, %min3A_3836 : vector<56x128xf32>
    %min3A_3841 = arith.minimumf %max3A_3835, %max3A_3837 : vector<56x128xf32>
    %min3A_3842 = arith.minimumf %max3A_3840, %min3A_3841 : vector<56x128xf32>
    %max3A_3843 = arith.maximumf %max3A_3840, %min3A_3841 : vector<56x128xf32>
    %reduce_min3A_3844 = arith.constant dense<0x7F800000> : vector<56xf32>
    %reduce_min3A_3845 = vector.multi_reduction <minimumf>, %min3A_3838, %reduce_min3A_3844 [1] : vector<56x128xf32> to vector<56xf32>
    %broadcast_in_dim3A_3846 = vector.shape_cast %reduce_min3A_3845 : vector<56xf32> to vector<56x1xf32>
    %eq3A_3847 = vector.broadcast %broadcast_in_dim3A_3846 : vector<56x1xf32> to vector<56x128xf32>
    %eq3A_3848 = arith.cmpf oeq, %min3A_3838, %eq3A_3847 : vector<56x128xf32>
    %select_n3A_3849 = arith.select %eq3A_3848, %min3A_3842, %min3A_3838 : vector<56x128xi1>, vector<56x128xf32>
    %select_n3A_3850 = arith.select %eq3A_3848, %max3A_3843, %min3A_3842 : vector<56x128xi1>, vector<56x128xf32>
    %select_n3A_3851 = arith.select %eq3A_3848, %max3A_3839, %max3A_3843 : vector<56x128xi1>, vector<56x128xf32>
    %jit3A_3852 = arith.constant 0x7F800000 : f32
    %broadcast_in_dim3A_3853 = vector.broadcast %jit3A_3852 : f32 to vector<56x128xf32>
    %select_n3A_3854 = arith.select %eq3A_3848, %broadcast_in_dim3A_3853, %max3A_3839 : vector<56x128xi1>, vector<56x128xf32>
    %reduce_min3A_3855 = arith.constant dense<0x7F800000> : vector<56xf32>
    %reduce_min3A_3856 = vector.multi_reduction <minimumf>, %select_n3A_3849, %reduce_min3A_3855 [1] : vector<56x128xf32> to vector<56xf32>
    %broadcast_in_dim3A_3857 = vector.shape_cast %reduce_min3A_3856 : vector<56xf32> to vector<56x1xf32>
    %eq3A_3858 = vector.broadcast %broadcast_in_dim3A_3857 : vector<56x1xf32> to vector<56x128xf32>
    %eq3A_3859 = arith.cmpf oeq, %select_n3A_3849, %eq3A_3858 : vector<56x128xf32>
    %select_n3A_3860 = arith.select %eq3A_3859, %select_n3A_3850, %select_n3A_3849 : vector<56x128xi1>, vector<56x128xf32>
    %select_n3A_3861 = arith.select %eq3A_3859, %select_n3A_3851, %select_n3A_3850 : vector<56x128xi1>, vector<56x128xf32>
    %select_n3A_3862 = arith.select %eq3A_3859, %select_n3A_3854, %select_n3A_3851 : vector<56x128xi1>, vector<56x128xf32>
    %jit3A_3863 = arith.constant 0x7F800000 : f32
    %broadcast_in_dim3A_3864 = vector.broadcast %jit3A_3863 : f32 to vector<56x128xf32>
    %select_n3A_3865 = arith.select %eq3A_3859, %broadcast_in_dim3A_3864, %select_n3A_3854 : vector<56x128xi1>, vector<56x128xf32>
    %reduce_min3A_3866 = arith.constant dense<0x7F800000> : vector<56xf32>
    %reduce_min3A_3867 = vector.multi_reduction <minimumf>, %select_n3A_3860, %reduce_min3A_3866 [1] : vector<56x128xf32> to vector<56xf32>
    %broadcast_in_dim3A_3868 = vector.shape_cast %reduce_min3A_3867 : vector<56xf32> to vector<56x1xf32>
    %eq3A_3869 = vector.broadcast %broadcast_in_dim3A_3868 : vector<56x1xf32> to vector<56x128xf32>
    %eq3A_3870 = arith.cmpf oeq, %select_n3A_3860, %eq3A_3869 : vector<56x128xf32>
    %select_n3A_3871 = arith.select %eq3A_3870, %select_n3A_3861, %select_n3A_3860 : vector<56x128xi1>, vector<56x128xf32>
    %select_n3A_3872 = arith.select %eq3A_3870, %select_n3A_3862, %select_n3A_3861 : vector<56x128xi1>, vector<56x128xf32>
    %select_n3A_3873 = arith.select %eq3A_3870, %select_n3A_3865, %select_n3A_3862 : vector<56x128xi1>, vector<56x128xf32>
    %jit3A_3874 = arith.constant 0x7F800000 : f32
    %broadcast_in_dim3A_3875 = vector.broadcast %jit3A_3874 : f32 to vector<56x128xf32>
    %select_n3A_3876 = arith.select %eq3A_3870, %broadcast_in_dim3A_3875, %select_n3A_3865 : vector<56x128xi1>, vector<56x128xf32>
    %reduce_min3A_3877 = arith.constant dense<0x7F800000> : vector<56xf32>
    %reduce_min3A_3878 = vector.multi_reduction <minimumf>, %select_n3A_3871, %reduce_min3A_3877 [1] : vector<56x128xf32> to vector<56xf32>
    %broadcast_in_dim3A_3879 = vector.shape_cast %reduce_min3A_3878 : vector<56xf32> to vector<56x1xf32>
    %eq3A_3880 = vector.broadcast %broadcast_in_dim3A_3879 : vector<56x1xf32> to vector<56x128xf32>
    %eq3A_3881 = arith.cmpf oeq, %select_n3A_3871, %eq3A_3880 : vector<56x128xf32>
    %select_n3A_3882 = arith.select %eq3A_3881, %select_n3A_3872, %select_n3A_3871 : vector<56x128xi1>, vector<56x128xf32>
    %select_n3A_3883 = arith.select %eq3A_3881, %select_n3A_3873, %select_n3A_3872 : vector<56x128xi1>, vector<56x128xf32>
    %select_n3A_3884 = arith.select %eq3A_3881, %select_n3A_3876, %select_n3A_3873 : vector<56x128xi1>, vector<56x128xf32>
    %jit3A_3885 = arith.constant 0x7F800000 : f32
    %broadcast_in_dim3A_3886 = vector.broadcast %jit3A_3885 : f32 to vector<56x128xf32>
    %select_n3A_3887 = arith.select %eq3A_3881, %broadcast_in_dim3A_3886, %select_n3A_3876 : vector<56x128xi1>, vector<56x128xf32>
    %reduce_min3A_3888 = arith.constant dense<0x7F800000> : vector<56xf32>
    %reduce_min3A_3889 = vector.multi_reduction <minimumf>, %select_n3A_3882, %reduce_min3A_3888 [1] : vector<56x128xf32> to vector<56xf32>
    %broadcast_in_dim3A_3890 = vector.shape_cast %reduce_min3A_3889 : vector<56xf32> to vector<56x1xf32>
    %eq3A_3891 = vector.broadcast %broadcast_in_dim3A_3890 : vector<56x1xf32> to vector<56x128xf32>
    %eq3A_3892 = arith.cmpf oeq, %select_n3A_3882, %eq3A_3891 : vector<56x128xf32>
    %select_n3A_3893 = arith.select %eq3A_3892, %select_n3A_3883, %select_n3A_3882 : vector<56x128xi1>, vector<56x128xf32>
    %select_n3A_3894 = arith.select %eq3A_3892, %select_n3A_3884, %select_n3A_3883 : vector<56x128xi1>, vector<56x128xf32>
    %select_n3A_3895 = arith.select %eq3A_3892, %select_n3A_3887, %select_n3A_3884 : vector<56x128xi1>, vector<56x128xf32>
    %reduce_min3A_3896 = arith.constant dense<0x7F800000> : vector<56xf32>
    %reduce_min3A_3897 = vector.multi_reduction <minimumf>, %select_n3A_3893, %reduce_min3A_3896 [1] : vector<56x128xf32> to vector<56xf32>
    %broadcast_in_dim3A_3898 = vector.shape_cast %reduce_min3A_3897 : vector<56xf32> to vector<56x1xf32>
    %eq3A_3899 = vector.broadcast %broadcast_in_dim3A_3898 : vector<56x1xf32> to vector<56x128xf32>
    %eq3A_3900 = arith.cmpf oeq, %select_n3A_3893, %eq3A_3899 : vector<56x128xf32>
    %select_n3A_3901 = arith.select %eq3A_3900, %select_n3A_3894, %select_n3A_3893 : vector<56x128xi1>, vector<56x128xf32>
    %select_n3A_3902 = arith.select %eq3A_3900, %select_n3A_3895, %select_n3A_3894 : vector<56x128xi1>, vector<56x128xf32>
    %reduce_min3A_3903 = arith.constant dense<0x7F800000> : vector<56xf32>
    %reduce_min3A_3904 = vector.multi_reduction <minimumf>, %select_n3A_3901, %reduce_min3A_3903 [1] : vector<56x128xf32> to vector<56xf32>
    %broadcast_in_dim3A_3905 = vector.shape_cast %reduce_min3A_3904 : vector<56xf32> to vector<56x1xf32>
    %eq3A_3906 = vector.broadcast %broadcast_in_dim3A_3905 : vector<56x1xf32> to vector<56x128xf32>
    %eq3A_3907 = arith.cmpf oeq, %select_n3A_3901, %eq3A_3906 : vector<56x128xf32>
    %select_n3A_3908 = arith.select %eq3A_3907, %select_n3A_3902, %select_n3A_3901 : vector<56x128xi1>, vector<56x128xf32>
    %reduce_min3A_3909 = arith.constant dense<0x7F800000> : vector<56xf32>
    %reduce_min3A_3910 = vector.multi_reduction <minimumf>, %select_n3A_3908, %reduce_min3A_3909 [1] : vector<56x128xf32> to vector<56xf32>
    %broadcast_in_dim3A_3911 = vector.shape_cast %reduce_min3A_3910 : vector<56xf32> to vector<56x1xf32>
    %le3A_3912 = vector.broadcast %broadcast_in_dim3A_3911 : vector<56x1xf32> to vector<56x512xf32>
    %le3A_3913 = arith.cmpf ole, %sub3A_3829, %le3A_3912 : vector<56x512xf32>
    %slice3A_3914 = vector.extract_strided_slice %dot_general3A_3823 {offsets = [0, 0], sizes = [56, 512], strides = [1, 1]} : vector<56x1024xf32> to vector<56x512xf32>
    %add3A_3915 = vector.broadcast %get3A_16 : vector<1x512xf32> to vector<56x512xf32>
    %add3A_3916 = arith.addf %slice3A_3914, %add3A_3915 : vector<56x512xf32>
    %exp3A_3917 = math.exp %add3A_3916 : vector<56x512xf32>
    %reduce_sum3A_3918 = arith.constant dense<0.000000e+00> : vector<56xf32>
    %reduce_sum3A_3919 = vector.multi_reduction <add>, %exp3A_3917, %reduce_sum3A_3918 [1] : vector<56x512xf32> to vector<56xf32>
    %broadcast_in_dim3A_3920 = vector.shape_cast %reduce_sum3A_3919 : vector<56xf32> to vector<56x1xf32>
    %div3A_3921 = arith.constant 1.000000e+00 : f32
    %div3A_3922 = vector.broadcast %div3A_3921 : f32 to vector<56x1xf32>
    %div3A_3923 = arith.divf %div3A_3922, %broadcast_in_dim3A_3920 : vector<56x1xf32>
    %mul3A_3924 = vector.broadcast %div3A_3923 : vector<56x1xf32> to vector<56x512xf32>
    %mul3A_3925 = arith.mulf %exp3A_3917, %mul3A_3924 : vector<56x512xf32>
    %jit3A_3926 = arith.constant 0.000000e+00 : f32
    %broadcast_in_dim3A_3927 = vector.broadcast %jit3A_3926 : f32 to vector<56x512xf32>
    %select_n3A_3928 = arith.select %le3A_3913, %mul3A_3925, %broadcast_in_dim3A_3927 : vector<56x512xi1>, vector<56x512xf32>
    %swap3A_3929 = arith.constant 1512 : index
    %swap3A_3930 = arith.constant 0 : index
    %swap3A_3931 = vector.load %arg7[%swap3A_3929, %swap3A_3930] : memref<1568x512xf32, #tpu.memory_space<vmem>>, vector<56x512xf32>
    tpu.vector_store %arg7[%swap3A_3929, %swap3A_3930], %select_n3A_3928 {strides = array<i32>} : memref<1568x512xf32, #tpu.memory_space<vmem>>, vector<56x512xf32>,
    %dot_general3A_3932 = arith.constant dense<0.000000e+00> : vector<56x32xf32>
    %dot_general3A_3933 = tpu.matmul %select_n3A_3928, %get3A_10, %dot_general3A_3932 {dimension_numbers = #tpu.dot_dimension_numbers<[1], [0], [0], [1], [0, 0, 1, 1], [], []>, transpose_lhs_hint = false} : vector<56x512xf32>, vector<512x32xf32>, vector<56x32xf32> -> vector<56x32xf32>
    %slice3A_3934 = vector.extract_strided_slice %get3A_7 {offsets = [1512, 0], sizes = [56, 32], strides = [1, 1]} : vector<1568x32xf32> to vector<56x32xf32>
    %sub3A_3935 = arith.subf %dot_general3A_3933, %slice3A_3934 : vector<56x32xf32>
    %add3A_3936 = arith.addf %slice3A_3934, %sub3A_3935 : vector<56x32xf32>
    %swap3A_3937 = arith.constant 1512 : index
    %swap3A_3938 = arith.constant 0 : index
    %swap3A_3939 = vector.load %arg8[%swap3A_3937, %swap3A_3938] : memref<1568x32xf32, #tpu.memory_space<vmem>>, vector<56x32xf32>
    tpu.vector_store %arg8[%swap3A_3937, %swap3A_3938], %add3A_3936 {strides = array<i32>} : memref<1568x32xf32, #tpu.memory_space<vmem>>, vector<56x32xf32>,
    %sub3A_3940 = arith.subf %slice3A_3934, %dot_general3A_3933 : vector<56x32xf32>
    %mul3A_3941 = arith.mulf %sub3A_3940, %sub3A_3940 : vector<56x32xf32>
    %reduce_sum3A_3942 = vector.shape_cast %mul3A_3941 : vector<56x32xf32> to vector<1x56x32xf32>
    %reduce_sum3A_3943 = arith.constant dense<0.000000e+00> : vector<1xf32>
    %reduce_sum3A_3944 = vector.multi_reduction <add>, %reduce_sum3A_3942, %reduce_sum3A_3943 [1, 2] : vector<1x56x32xf32> to vector<1xf32>
    %reduce_sum3A_3945 = vector.shape_cast %reduce_sum3A_3944 : vector<1xf32> to vector<1x1x1xf32>
    %reduce_sum3A_3946 = vector.extract %reduce_sum3A_3945[0, 0, 0] : f32 from vector<1x1x1xf32>
    %broadcast_in_dim3A_3947 = vector.broadcast %reduce_sum3A_3946 : f32 to vector<1x1xf32>
    %add3A_3948 = arith.addf %add3A_3807, %broadcast_in_dim3A_3947 : vector<1x1xf32>
    %reduce_sum3A_3949 = vector.shape_cast %select_n3A_3928 : vector<56x512xf32> to vector<1x56x512xf32>
    %reduce_sum3A_3950 = arith.constant dense<0.000000e+00> : vector<1xf32>
    %reduce_sum3A_3951 = vector.multi_reduction <add>, %reduce_sum3A_3949, %reduce_sum3A_3950 [1, 2] : vector<1x56x512xf32> to vector<1xf32>
    %reduce_sum3A_3952 = vector.shape_cast %reduce_sum3A_3951 : vector<1xf32> to vector<1x1x1xf32>
    %reduce_sum3A_3953 = vector.extract %reduce_sum3A_3952[0, 0, 0] : f32 from vector<1x1x1xf32>
    %broadcast_in_dim3A_3954 = vector.broadcast %reduce_sum3A_3953 : f32 to vector<1x1xf32>
    %add3A_3955 = arith.addf %add3A_3814, %broadcast_in_dim3A_3954 : vector<1x1xf32>
    %convert_element_type3A_3956 = arith.extui %le3A_3913 : vector<56x512xi1> to vector<56x512xi32>
    %convert_element_type3A_3957 = arith.sitofp %convert_element_type3A_3956 : vector<56x512xi32> to vector<56x512xf32>
    %reduce_sum3A_3958 = arith.constant dense<0.000000e+00> : vector<512xf32>
    %reduce_sum3A_3959 = vector.multi_reduction <add>, %convert_element_type3A_3957, %reduce_sum3A_3958 [0] : vector<56x512xf32> to vector<512xf32>
    %broadcast_in_dim3A_3960 = vector.shape_cast %reduce_sum3A_3959 : vector<512xf32> to vector<1x512xf32>
    %add3A_3961 = arith.addf %add3A_3820, %broadcast_in_dim3A_3960 : vector<1x512xf32>
    %convert_element_type3A_3962 = arith.extui %and3A : i1 to i32
    %cond3A = arith.constant 0 : i32
    %cond3A_3963 = arith.cmpi ne, %convert_element_type3A_3962, %cond3A : i32
    scf.if %cond3A_3963 {
      %broadcast_in_dim3A_3985 = arith.constant 0.000000e+00 : f32
      %broadcast_in_dim3A_3986 = vector.broadcast %broadcast_in_dim3A_3985 : f32 to vector<1x1xf32>
      %swap3A_3987 = arith.constant 0 : index
      %swap3A_3988 = arith.constant 0 : index
      %swap3A_3989 = vector.load %arg9[%swap3A_3987, %swap3A_3988] : memref<1x1xf32, #tpu.memory_space<vmem>>, vector<1x1xf32>
      tpu.vector_store %arg9[%swap3A_3987, %swap3A_3988], %broadcast_in_dim3A_3986 {strides = array<i32>} : memref<1x1xf32, #tpu.memory_space<vmem>>, vector<1x1xf32>,
      %broadcast_in_dim3A_3990 = arith.constant 0.000000e+00 : f32
      %broadcast_in_dim3A_3991 = vector.broadcast %broadcast_in_dim3A_3990 : f32 to vector<1x1xf32>
      %swap3A_3992 = arith.constant 0 : index
      %swap3A_3993 = arith.constant 0 : index
      %swap3A_3994 = vector.load %arg10[%swap3A_3992, %swap3A_3993] : memref<1x1xf32, #tpu.memory_space<vmem>>, vector<1x1xf32>
      tpu.vector_store %arg10[%swap3A_3992, %swap3A_3993], %broadcast_in_dim3A_3991 {strides = array<i32>} : memref<1x1xf32, #tpu.memory_space<vmem>>, vector<1x1xf32>,
      %broadcast_in_dim3A_3995 = arith.constant 0.000000e+00 : f32
      %broadcast_in_dim3A_3996 = vector.broadcast %broadcast_in_dim3A_3995 : f32 to vector<1x512xf32>
      %swap3A_3997 = arith.constant 0 : index
      %swap3A_3998 = arith.constant 0 : index
      %swap3A_3999 = vector.load %arg11[%swap3A_3997, %swap3A_3998] : memref<1x512xf32, #tpu.memory_space<vmem>>, vector<1x512xf32>
      tpu.vector_store %arg11[%swap3A_3997, %swap3A_3998], %broadcast_in_dim3A_3996 {strides = array<i32>} : memref<1x512xf32, #tpu.memory_space<vmem>>, vector<1x512xf32>,
    } else {
    }
    %get3A_3964 = arith.constant 0 : index
    %get3A_3965 = arith.constant 0 : index
    %get3A_3966 = vector.load %arg9[%get3A_3964, %get3A_3965] : memref<1x1xf32, #tpu.memory_space<vmem>>, vector<1x1xf32>
    %add3A_3967 = arith.addf %get3A_3966, %add3A_3948 : vector<1x1xf32>
    %swap3A_3968 = arith.constant 0 : index
    %swap3A_3969 = arith.constant 0 : index
    %swap3A_3970 = vector.load %arg9[%swap3A_3968, %swap3A_3969] : memref<1x1xf32, #tpu.memory_space<vmem>>, vector<1x1xf32>
    tpu.vector_store %arg9[%swap3A_3968, %swap3A_3969], %add3A_3967 {strides = array<i32>} : memref<1x1xf32, #tpu.memory_space<vmem>>, vector<1x1xf32>,
    %get3A_3971 = arith.constant 0 : index
    %get3A_3972 = arith.constant 0 : index
    %get3A_3973 = vector.load %arg10[%get3A_3971, %get3A_3972] : memref<1x1xf32, #tpu.memory_space<vmem>>, vector<1x1xf32>
    %add3A_3974 = arith.addf %get3A_3973, %add3A_3955 : vector<1x1xf32>
    %swap3A_3975 = arith.constant 0 : index
    %swap3A_3976 = arith.constant 0 : index
    %swap3A_3977 = vector.load %arg10[%swap3A_3975, %swap3A_3976] : memref<1x1xf32, #tpu.memory_space<vmem>>, vector<1x1xf32>
    tpu.vector_store %arg10[%swap3A_3975, %swap3A_3976], %add3A_3974 {strides = array<i32>} : memref<1x1xf32, #tpu.memory_space<vmem>>, vector<1x1xf32>,
    %get3A_3978 = arith.constant 0 : index
    %get3A_3979 = arith.constant 0 : index
    %get3A_3980 = vector.load %arg11[%get3A_3978, %get3A_3979] : memref<1x512xf32, #tpu.memory_space<vmem>>, vector<1x512xf32>
    %add3A_3981 = arith.addf %get3A_3980, %add3A_3961 : vector<1x512xf32>
    %swap3A_3982 = arith.constant 0 : index
    %swap3A_3983 = arith.constant 0 : index
    %swap3A_3984 = vector.load %arg11[%swap3A_3982, %swap3A_3983] : memref<1x512xf32, #tpu.memory_space<vmem>>, vector<1x512xf32>
    tpu.vector_store %arg11[%swap3A_3982, %swap3A_3983], %add3A_3981 {strides = array<i32>} : memref<1x512xf32, #tpu.memory_space<vmem>>, vector<1x512xf32>,
    return
  }
  func.func @transform_0(%arg0: i32, %arg1: i32) -> (i32, i32) {
    %mul3A = arith.constant 32 : i32
    %mul3A_0 = arith.muli %arg0, %mul3A : i32
    %add3A = arith.addi %mul3A_0, %arg1 : i32
    %c0_i32 = arith.constant 0 : i32
    %c0_i32_1 = arith.constant 0 : i32
    return %add3A, %c0_i32 : i32, i32
  }
  func.func @transform_1(%arg0: i32, %arg1: i32) -> (i32, i32, i32, i32) {
    %c0_i32 = arith.constant 0 : i32
    %c0_i32_0 = arith.constant 0 : i32
    %c0_i32_1 = arith.constant 0 : i32
    return %arg0, %arg1, %c0_i32, %c0_i32_0 : i32, i32, i32, i32
  }
  func.func @transform_2(%arg0: i32, %arg1: i32) -> (i32, i32) {
    %c0_i32 = arith.constant 0 : i32
    %c0_i32_0 = arith.constant 0 : i32
    %c0_i32_1 = arith.constant 0 : i32
    return %c0_i32, %c0_i32_0 : i32, i32
  }
  func.func @transform_3(%arg0: i32, %arg1: i32) -> (i32, i32) {
    %c0_i32 = arith.constant 0 : i32
    %c0_i32_0 = arith.constant 0 : i32
    %c0_i32_1 = arith.constant 0 : i32
    return %c0_i32, %c0_i32_0 : i32, i32
  }
  func.func @transform_4(%arg0: i32, %arg1: i32) -> (i32, i32) {
    %c0_i32 = arith.constant 0 : i32
    %c0_i32_0 = arith.constant 0 : i32
    %c0_i32_1 = arith.constant 0 : i32
    return %c0_i32, %c0_i32_0 : i32, i32
  }
  func.func @transform_5(%arg0: i32, %arg1: i32) -> (i32, i32) {
    %mul3A = arith.constant 32 : i32
    %mul3A_0 = arith.muli %arg0, %mul3A : i32
    %add3A = arith.addi %mul3A_0, %arg1 : i32
    %c0_i32 = arith.constant 0 : i32
    %c0_i32_1 = arith.constant 0 : i32
    return %add3A, %c0_i32 : i32, i32
  }
  func.func @transform_6(%arg0: i32, %arg1: i32) -> (i32, i32) {
    %mul3A = arith.constant 32 : i32
    %mul3A_0 = arith.muli %arg0, %mul3A : i32
    %add3A = arith.addi %mul3A_0, %arg1 : i32
    %c0_i32 = arith.constant 0 : i32
    %c0_i32_1 = arith.constant 0 : i32
    return %add3A, %c0_i32 : i32, i32
  }
  func.func @transform_7(%arg0: i32, %arg1: i32) -> (i32, i32) {
    %c0_i32 = arith.constant 0 : i32
    %c0_i32_0 = arith.constant 0 : i32
    %c0_i32_1 = arith.constant 0 : i32
    return %c0_i32, %c0_i32_0 : i32, i32
  }
  func.func @transform_8(%arg0: i32, %arg1: i32) -> (i32, i32) {
    %c0_i32 = arith.constant 0 : i32
    %c0_i32_0 = arith.constant 0 : i32
    %c0_i32_1 = arith.constant 0 : i32
    return %c0_i32, %c0_i32_0 : i32, i32
  }
  func.func @transform_9(%arg0: i32, %arg1: i32) -> (i32, i32) {
    %c0_i32 = arith.constant 0 : i32
    %c0_i32_0 = arith.constant 0 : i32
    %c0_i32_1 = arith.constant 0 : i32
    return %c0_i32, %c0_i32_0 : i32, i32
  }
}

</mosaic_0001>

<sc_bundles>
// kernel: sparse-core-data-format-call.cloned.1.call-start
scs
called_computation_lowered:
.L_overlay_start_0:
0x0: {  	s2 =	sld [smem:$0x3FD9]  }
0x1: {  	s3 =	sld [smem:$0x3FFE];
	_ =	sdelay $0x1  }
0x2: {  	s1 =	srdreg.scid  }
0x3: {  	s0 =	sand.u32 $0x1, s1  }
0x4: {  	s18 =	sshll.u32 s0, $0xA;
	s2 =	sadd.s32 s3, s2  }
0x5: {  	s2 =	sadd.s32 s2, s18  }
0x6: {  	[smem:$0x3FC4] =	sst s2  }
0x7: {  	_ = 	snop  }
0x8: {  	s2 =	sld [smem:$0x3FC9];
	(tm) =	ssettm $0x1  }
0x9: {  	s19 =	sld [smem:$0x3FFB];
	_ =	sdelay $0x3  }
0xa: {  	_ =	strace s19  }
0xb: {  	s3 =	sld [smem:$0x3FFC];
	_ =	sdelay $0x3  }
0xc: {  	_ =	strace s3  }
0xd: {  	s3 =	sld [smem:$0x3FFD];
	_ =	sdelay $0x3  }
0xe: {  	_ =	strace s3  }
0xf: {  	_ =	strace $0x8FFFFFFF  }
0x10: {  	s20 =	sld [smem:$0x3FDB];
	_ =	sdelay $0x1  }
0x11: {  	s4 =	simm.s32 $_scs_section_size  }
0x12: {  	s5 =	simm.s32 $_size__tile_overlayer_lowered;
	s6 =	simm.s32 $_tile_overlayer_lowered  }
0x13: {  	s23 =	simm.s32 $0x1BFF;
	s22 =	sshll.u32 s6, $0x1;
	s3 =	sadd.s32 s4, s20  }
0x14: {  	s7 =	simm.s32 $0x0;
	s21 =	sshll.u32 s5, $0x1;
	s5 =	sadd.s32 s22, s3  }
0x15: {  	[timem:s7], [sflag:s23] =	dma.local [hbm:s5], s21  }
0x16: {  	_ =	swait.ge [sflag:s23], s21  }
0x17: {  	s4 =	ssub.s32 $0x0, s21;
	[sflag:s23] =	ssyncset.done $0x0  }
0x18: {  	[sflag:s23] =	ssyncadd.s32 s4;
	_ =	sdelay $0x1  }
0x19: {  	s24 =	simm.s32 $0x1B8B  }
0x1a: {  	_ =	swait.ge [sflag:s24], $0x1  }
0x1b: {  	[sflag:s24] =	ssyncset.done $0x0  }
0x1c: {  	s26 =	simm.s32 $0x1B8E;
	s25 =	sld [smem:$0x3FFE];
	[sflag:s24] =	ssyncadd.s32 $0xFFFFFFFF  }
0x1d: {  	s27 =	simm.s32 $execute0_lowered;
	[smem:$0x3FD2] =	sst s26  }
0x1e: {  	s5 =	sshll.u32 s27, $0x1;
	_ =	strace $0x80000046;
	[dreg:$0x1] =	wrdreg $0xFFFFFFFF  }
0x1f: {  	s28 =	simm.s32 $_size_execute0_lowered;
	s3 =	sadd.s32 s3, s5;
	[dreg:$0x0] =	wrdreg $0x0  }
0x20: {  	s5 =	sshll.u32 s28, $0x1;
	[dreg:$0x2] =	wrdreg s3  }
0x21: {  	[dreg:$0x3] =	wrdreg s5  }
0x22: {  	[dreg:$0x4] =	wrdreg $0xC0  }
0x23: {  	_ =	task [dreg:s7], $0x5FFFF  }
0x24: {  	[dreg:$0x1] =	wrdreg $0xFFFFFFFF  }
0x25: {  	[dreg:$0x0] =	wrdreg $0x60  }
0x26: {  	[dreg:$0x2] =	wrdreg s2  }
0x27: {  	[dreg:$0x3] =	wrdreg s25  }
0x28: {  	[dreg:$0x4] =	wrdreg $0x9  }
0x29: {  	_ =	task.clear_ibuf [dreg:s7], $0x5FFFF;
	_ =	strace $0x90000046  }
0x2a: {  	s29 =	simm.s32 $0x9;
	_ =	strace $0x80000048  }
0x2b: {  	_ =	swait.ge [sflag:s29], $0x1  }
0x2c: {  	[sflag:s29] =	ssyncadd.s32 $0xFFFFFFFF  }
0x2d: {  	_ =	strace $0x90000048  }
0x2e: {  	_ =	sfence  }
0x2f: {  	s30 =	sld [smem:$0x0];
	_ =	sdelay $0x2  }
0x30: {  	s31 =	sshll.u32 s1, $0xD;
	s1 =	sshrl.u32 s1, $0x2  }
0x31: {  	s3 =	sand.u32 $0x4000, s31;
	s1 =	sadd.s32 s1, s30  }
0x32: {  	s0 =	sor.u32 s3, s0;
	s1 =	sshll.u32 s1, $0x11  }
0x33: {  	s0 =	sor.u32 s1, s0  }
0x34: {  	s0 =	sadd.s32 $0x8F2B, s0  }
0x35: {  	[sflag:s0] =	ssyncadd.remote.s32 $0x1  }
0x36: {  	_ =	sfence.sel $0xFFFF  }
0x37: {  	[dreg:$0x0] =	wrdreg $0xFFFFFFFF;
	(pc) =	sbr.abs _section_cstart, $3  }
0x38: {  	[dreg:$0x1] =	wrdreg $0xFFFFFFFF  }
0x39: {  	_ =	task.clear_ibuf [dreg:s7], $0x2FFFF;
	_ =	strace $0x9FFFFFFF  }
0x3a: {  	(tm) =	ssettm $0x7FFFFFFF  }
0x3b: {  	_ =	shalt  }
tec
execute0_lowered:
.L_overlay_start_1:
0x0: {  	(tag) =	ssettag $0x1  }
0x1: {  	s2 =	rddreg [dreg:$0x0]  }
0x2: {  	s3 =	rddreg [dreg:$0x1]  }
0x3: {  	s1 =	srdreg.scid;
	s0 =	rddreg [dreg:$0x2];
	_ =	strace $0x80000047  }
0x4: {  	s7 =	simm.s32 $0x2;
	s17 =	simm.s32 $0x0;
	p0 =	por $0x0, $0x0  }
0x5: {  	s19 =	simm.s32 $0x0;
	s18 =	simm.s32 $0x0;
	s20 =	simm.s32 $0x0  }
0x6: {  	s8 =	simm.s32 $0x0;
	s9 =	simm.s32 $0x0;
	s11 =	simm.s32 $0x0  }
0x7: {  	s12 =	simm.s32 $0x0;
	s13 =	simm.s32 $0x0;
	s15 =	simm.s32 $0x0  }
.Ltmp0:
0x8: {  	s10 =	simm.s32 $0x0;
	s4 =	sshll.u32 s1, $0x4;
	(pc) =	sbr.rel .LBB1_1-.Ltmp0, $4  }
0x9: {  	s1 =	stileid.u32;
	s3 =	sadd.s32 $0x200, s3;
	s4 =	sand.u32 $0x10, s4  }
0xa: {  	s5 =	sand.u32 $0x7, s1;
	s6 =	sor.u32 s1, s4;
	s4 =	simm.s32 $0x1  }
0xb: {  	s16 =	smov.u32 s5;
	[sflag:s4] =	ssyncpa.u1 $0x0;
	s6 =	sshrl.u32 s6, $0x3  }
0xc: {  	[sflag:s7] =	ssyncpa.u1 $0x0;
	s7 =	simm.s32 $0x80;
	s14 =	smov.u32 s6  }
.LBB1_5:
0xd: {  	p1 =	slt.u32 s10, $0x2;
	s21 =	smov.u32 s20  }
0xe: {  	s24 =	smov.u32 s16;
	s10 =	sadd.s32 $0x1, s10;
	p2 =	sgt.s32 @!p1 s20, $0x7  }
0xf: {  	p0 =	por !p0, !p0;
	s22 =	sshra.s32 @!p1 s20, $0x1F;
	p2 =	por !p2, p1  }
0x10: {  	s23 =	sshra.s32 @!p1 s19, $0x1F;
	s20 =	sand.u32 @!p1 s22, s20;
	s21 =	simm.s32 @p2 $0x7  }
0x11: {  	s22 =	smov.u32 s19;
	p2 =	sgt.s32 @!p1 s19, $0xDF;
	s20 =	ssub.s32 @!p1 s21, s20  }
0x12: {  	s19 =	sand.u32 @!p1 s23, s19;
	p2 =	por !p2, p1;
	s21 =	sadd.s32 @!p1 $0xFFFFFFF9, s20  }
0x13: {  	s22 =	simm.s32 @p2 $0xDF;
	s20 =	ssub.s32 @!p1 $0x8, s20;
	p3 =	sgt.s32 @!p1 s21, $0x0  }
0x14: {  	s19 =	ssub.s32 @!p1 s22, s19;
	s22 =	sshra.s32 @!p1 s18, $0x1F;
	p2 =	por !p3, p1  }
0x15: {  	s21 =	sadd.s32 @!p1 $0xFFFFFF21, s19;
	s19 =	ssub.s32 @!p1 $0xE0, s19;
	s20 =	simm.s32 @!p2 $0x0  }
0x16: {  	p2 =	sgt.s32 @!p1 s18, $0x60;
	p3 =	sgt.s32 @!p1 s21, $0x0;
	s21 =	smov.u32 s18  }
0x17: {  	s18 =	sand.u32 @!p1 s22, s18;
	s22 =	sshra.s32 @!p1 s17, $0x1F;
	p2 =	por !p2, p1  }
0x18: {  	p3 =	por !p3, p1;
	s21 =	simm.s32 @p2 $0x60;
	p2 =	sgt.s32 @!p1 s17, $0x60  }
0x19: {  	s19 =	simm.s32 @!p3 $0x0;
	s18 =	ssub.s32 @!p1 s21, s18;
	p2 =	por !p2, p1  }
0x1a: {  	s21 =	smov.u32 s17;
	s17 =	sand.u32 @!p1 s22, s17;
	s22 =	sadd.s32 @!p1 $0xFFFFFFA0, s18  }
0x1b: {  	s21 =	simm.s32 @p2 $0x60;
	s18 =	ssub.s32 @!p1 $0x80, s18;
	p2 =	sgt.s32 @!p1 s22, $0x1F  }
0x1c: {  	s17 =	ssub.s32 @!p1 s21, s17;
	s22 =	smov.u32 s14;
	p2 =	por !p2, p1  }
0x1d: {  	s21 =	sadd.s32 @!p1 $0xFFFFFFA0, s17;
	s17 =	ssub.s32 @!p1 $0xE0, s17;
	s18 =	simm.s32 @!p2 $0x0  }
0x1e: {  	p2 =	sgt.s32 @!p1 s21, $0x7F;
	s21 =	sadd.s32 $0x80, s13;
	s18 =	smul.u32 @!p1 s20, s18  }
0x1f: {  	p3 =	sgt.s32 s21, $0xDF;
	s20 =	sadd.s32 $0x4, s14;
	p2 =	por !p2, p1  }
0x20: {  	s23 =	smov.u32 s15;
	s22 =	smov.u32 @p3 s20;
	s17 =	simm.s32 @!p2 $0x0  }
0x21: {  	s18 =	smul.u32 @!p1 s19, s18;
	p2 =	sgt.s32 s22, $0xDF;
	s19 =	sadd.s32 $0x20, s15  }
0x22: {  	s25 =	simm.s32 @!p1 $0x2;
	s21 =	simm.s32 @p3 $0x0;
	s23 =	smov.u32 @p2 s19  }
0x23: {  	s17 =	smul.u32 @!p1 s17, s18;
	p3 =	sgt.s32 s23, $0x1F;
	s18 =	sadd.s32 $0x8, s16  }
0x24: {  	s20 =	smov.u32 s12;
	s12 =	smov.u32 s16;
	s24 =	smov.u32 @p3 s18  }
0x25: {  	s22 =	smov.u32 @p2 s6;
	s19 =	smov.u32 s9;
	p2 =	sgt.s32 s24, $0x7  }
0x26: {  	s9 =	smov.u32 s14;
	s24 =	smov.u32 @p2 s5;
	p2 =	sne.s32 s10, $0x72  }
.Ltmp1:
0x27: {  	s14 =	smov.u32 s22;
	s23 =	simm.s32 @p3 $0x0;
	(pc) =	sbr.rel @!p2 .LBB1_6-.Ltmp1, $4  }
0x28: {  	s18 =	smov.u32 s11;
	s11 =	smov.u32 s15;
	s17 =	sand.u32 @!p1 $0x3FFFFFFF, s17  }
0x29: {  	s15 =	smov.u32 s23;
	_ =	swait.ge @!p1 [sflag:s25], s17;
	s26 =	ssub.s32 @!p1 $0x0, s17  }
0x2a: {  	s17 =	smov.u32 s8;
	s8 =	smov.u32 s13;
	[sflag:s25] =	ssyncset.done @!p1 $0x0  }
0x2b: {  	s13 =	smov.u32 s21;
	s16 =	smov.u32 s24;
	[sflag:s25] =	ssyncadd.s32 @!p1 s26  }
.LBB1_1:
0x2c: {  	p1 =	sgt.u32 s10, $0x6F  }
0x2d: {  	s21 =	sshll.u32 @!p1 s14, $0x8;
	s22 =	sshll.u32 @!p1 s13, $0x3  }
0x2e: {  	s23 =	sshll.u32 @!p1 s14, $0x7;
	s21 =	sand.u32 @!p1 $0xFFFFF800, s21;
	s22 =	sand.u32 @!p1 $0xFFFFFC00, s22  }
0x2f: {  	s21 =	sadd.s32 @!p1 s21, s22;
	s22 =	sand.u32 @!p1 $0x300, s23  }
0x30: {  	s21 =	sor.u32 @!p1 s22, s21  }
0x31: {  	s21 =	sshrl.u32 @!p1 s21, $0x8  }
0x32: {  	s22 =	smulhi.u32 @!p1 $0x124924A, s21  }
0x33: {  	s24 =	sxor.u32 @!p1 $0xFFFFFFFF, s10;
	s26 =	smul.u32 @!p1 $0x38000, s16  }
0x34: {  	s25 =	sand.u32 @!p1 $0x78, s13;
	s23 =	sand.u32 @!p1 $0x80, s23;
	s22 =	smul.u32 @!p1 $0xE0, s22  }
0x35: {  	s24 =	sshll.u32 @!p1 s24, $0xC;
	s23 =	sor.u32 @!p1 s25, s23;
	s25 =	smul.u32 @!p1 $0x1C00, s15  }
0x36: {  	s21 =	ssub.s32 @!p1 s21, s22;
	s22 =	sand.u32 @!p1 $0x1000, s24;
	s24 =	sadd.s32 @!p1 s2, s26  }
0x37: {  	s23 =	sshrl.u32 @!p1 s23, $0x3;
	s24 =	sadd.s32 @!p1 s25, s24;
	s25 =	sand.u32 @!p1 $0x7, s13  }
0x38: {  	s21 =	sshll.u32 @!p1 s21, $0x5;
	s23 =	sadd.s32 @!p1 s23, s24;
	s24 =	sshll.u32 @!p1 s25, $0x12  }
0x39: {  	s21 =	sadd.s32 @!p1 s21, s23;
	s23 =	sor.u32 @!p1 $0x80, s24;
	s24 =	simm.s32 @!p1 $0xE000  }
0x3a: {  	[tilespmem:s22], [sflag:$0x1] =	stream.strided.gather @!p1 [hbm4b:s21+s23], $0x1000, s24, s23, $0x38;
	[tilespmem:$0x4100] =	vst v63  }
0x3b: {  	p1 =	seq.s32 s10, $0x0  }
0x3c: {  	p2 =	seq.s32 @!p1 s10, $0x71  }
0x3d: {  	p1 =	por p1, p2  }
.Ltmp2:
0x3e: {  	_ = 	snop;
	(pc) =	sbr.rel @p1 .LBB1_5-.Ltmp2, $1  }
0x3f: {  	_ =	sdelay $0x3  }
0x40: {  	s21 =	simm.s32 $0x1  }
0x41: {  	_ =	swait.ge [sflag:s4], $0x1000;
	s21 =	simm.s32 @!p0 $0x0  }
0x42: {  	[sflag:s4] =	ssyncset.done $0x0;
	s22 =	sshll.u32 s21, $0xC  }
0x43: {  	[sflag:s4] =	ssyncadd.s32 $0xFFFFF000;
	s22 =	sor.u32 $0x40, s22  }
0x44: {  	s21 =	smul.u32 $0x4200, s21;
	v0 =	vld [tilespmem:s22+$0x30]  }
0x45: {  	v1 =	vld [tilespmem:s22+$0xFFFFFFD0]  }
0x46: {  	s21 =	sshrl.u32 s21, $0x2;
	v5 =	vld [tilespmem:s22+$0xFFFFFFE0]  }
0x47: {  	v6 =	vld [tilespmem:s22+$0xFFFFFFF0];
	s24 =	sor.u32 $0x2000, s21  }
0x48: {  	s31 =	sand.u32 $0x1, s10;
	v4 =	vld [tilespmem:s22+$0x0];
	s23 =	sadd.s32 $0x0, s24  }
0x49: {  	v3 =	vld [tilespmem:s22+$0x10];
	s21 =	smul.u32 $0x4200, s31;
	[tilespmem:s23+$0xE70 ss:$0x21] =	vst.msk $0xffff, v0  }
0x4a: {  	v2 =	vld [tilespmem:s22+$0x20];
	[tilespmem:s23+$0x210 ss:$0x21] =	vst.msk $0xffff, v1  }
0x4b: {  	s21 =	sshrl.u32 s21, $0x2;
	v1 =	vld [tilespmem:s22+$0xFFFFFFC0];
	[tilespmem:s23+$0x420 ss:$0x21] =	vst.msk $0xffff, v5;
	s22 =	sadd.s32 $0x80, s22  }
0x4c: {  	s25 =	simm.s32 $0x4;
	s26 =	simm.s32 $0x8;
	s21 =	sor.u32 $0x2000, s21;
	[tilespmem:s23+$0x630 ss:$0x21] =	vst.msk $0xffff, v6;
	v0 =	vld [tilespmem:s22+$0x30]  }
.LBB1_3:
0x4d: {  	p1 =	sne.s32 s26, $0x7C;
	v5 =	vld [tilespmem:s22+$0xFFFFFFD0];
	[tilespmem:s23+$0x840 ss:$0x21] =	vst.msk $0xffff, v4  }
0x4e: {  	v6 =	vld [tilespmem:s22+$0xFFFFFFE0];
	[tilespmem:s23+$0xA50 ss:$0x21] =	vst.msk $0xffff, v3  }
0x4f: {  	s27 =	sshra.s32 s25, $0x2;
	s25 =	smov.u32 s26;
	v7 =	vld [tilespmem:s22+$0xFFFFFFF0];
	[tilespmem:s23+$0xC60 ss:$0x21] =	vst.msk $0xffff, v2  }
.Ltmp3:
0x50: {  	v4 =	vld [tilespmem:s22+$0x0];
	[tilespmem:s23+$0x0 ss:$0x21] =	vst.msk $0xffff, v1;
	s23 =	sadd.s32 s27, s24;
	(pc) =	sbr.rel @p1 .LBB1_3-.Ltmp3, $4  }
0x51: {  	v3 =	vld [tilespmem:s22+$0x10];
	[tilespmem:s23+$0xE70 ss:$0x21] =	vst.msk $0xffff, v0  }
0x52: {  	[tilespmem:s23+$0x210 ss:$0x21] =	vst.msk $0xffff, v5;
	v2 =	vld [tilespmem:s22+$0x20]  }
0x53: {  	v1 =	vld [tilespmem:s22+$0xFFFFFFC0];
	[tilespmem:s23+$0x420 ss:$0x21] =	vst.msk $0xffff, v6;
	s22 =	sadd.s32 $0x80, s22  }
0x54: {  	s26 =	sadd.s32 $0x4, s26;
	v0 =	vld [tilespmem:s22+$0x30];
	[tilespmem:s23+$0x630 ss:$0x21] =	vst.msk $0xffff, v7  }
0x55: {  	s26 =	sshll.u32 s8, $0x7;
	s27 =	sshll.u32 s11, $0x3;
	s25 =	sshra.s32 s25, $0x2  }
0x56: {  	p1 =	sgt.s32 s12, $0x7;
	s30 =	sshra.s32 s12, $0x1F;
	s29 =	smov.u32 s11  }
0x57: {  	s28 =	sand.u32 $0xFFFFFC00, s26;
	s27 =	sand.u32 $0xFFFFFC00, s27;
	s26 =	sand.u32 $0x380, s26  }
0x58: {  	s24 =	sadd.s32 s25, s24;
	s27 =	sadd.s32 s27, s28;
	s28 =	sand.u32 s30, s12  }
0x59: {  	s30 =	sshra.s32 s11, $0x1F;
	s26 =	sor.u32 s26, s27;
	s27 =	smov.u32 s12  }
0x5a: {  	s31 =	sand.u32 s30, s11;
	s30 =	smov.u32 s9;
	s26 =	sshrl.u32 s26, $0x7  }
0x5b: {  	s27 =	simm.s32 @!p1 $0x7;
	p1 =	sgt.s32 s11, $0x60;
	s25 =	smulhi.u32 $0x2492493, s26  }
0x5c: {  	s27 =	ssub.s32 s27, s28;
	s29 =	simm.s32 @!p1 $0x60;
	p1 =	sgt.s32 s9, $0xDF  }
0x5d: {  	s28 =	sadd.s32 $0xFFFFFFF9, s27;
	s27 =	ssub.s32 $0x8, s27;
	s30 =	simm.s32 @!p1 $0xDF  }
0x5e: {  	p2 =	sgt.s32 s28, $0x0;
	s28 =	ssub.s32 s29, s31;
	s31 =	sshra.s32 s9, $0x1F  }
0x5f: {  	s29 =	sand.u32 s31, s9;
	s27 =	simm.s32 @p2 $0x0;
	s31 =	sadd.s32 $0xFFFFFFA0, s28  }
0x60: {  	[tilespmem:s23+$0x840 ss:$0x21] =	vst.msk $0xffff, v4;
	s28 =	ssub.s32 $0x80, s28;
	s29 =	ssub.s32 s30, s29;
	p2 =	sgt.s32 s31, $0x1F  }
0x61: {  	v5 =	vld [tilespmem:s22+$0xFFFFFFD0];
	[tilespmem:s23+$0xA50 ss:$0x21] =	vst.msk $0xffff, v3;
	s30 =	smov.u32 s8;
	s31 =	sadd.s32 $0xFFFFFF21, s29;
	s28 =	simm.s32 @p2 $0x0  }
0x62: {  	v58 =	vld [tilespmem:s22+$0xFFFFFFE0];
	[tilespmem:s23+$0xC60 ss:$0x21] =	vst.msk $0xffff, v2;
	p1 =	sgt.s32 s31, $0x0;
	s27 =	smul.u32 s27, s28;
	s31 =	sshrl.u32 s25, $0x1  }
0x63: {  	v59 =	vld [tilespmem:s22+$0xFFFFFFF0];
	[tilespmem:s23+$0x0 ss:$0x21] =	vst.msk $0xffff, v1;
	p2 =	sgt.s32 s8, $0x60;
	s25 =	ssub.s32 $0xE0, s29;
	s23 =	smul.u32 $0xE0, s31  }
0x64: {  	v60 =	vld [tilespmem:s22+$0x0];
	s28 =	sshra.s32 s8, $0x1F;
	s25 =	simm.s32 @p1 $0x0;
	s31 =	smul.u32 $0xE00, s9  }
0x65: {  	v61 =	vld [tilespmem:s22+$0x10];
	[tilespmem:s24+$0xE70 ss:$0x21] =	vst.msk $0xffff, v0;
	s30 =	simm.s32 @!p2 $0x60;
	s28 =	sand.u32 s28, s8;
	s25 =	smul.u32 s25, s27  }
0x66: {  	v62 =	vld [tilespmem:s22+$0x20];
	[tilespmem:s24+$0x210 ss:$0x21] =	vst.msk $0xffff, v5;
	s28 =	ssub.s32 s30, s28;
	s30 =	smul.u32 $0xC4000, s12  }
0x67: {  	v63 =	vld [tilespmem:s22+$0xFFFFFFC0];
	[tilespmem:s24+$0x420 ss:$0x21] =	vst.msk $0xffff, v58;
	s29 =	sadd.s32 $0xFFFFFFA0, s28;
	s22 =	ssub.s32 $0xE0, s28;
	s23 =	ssub.s32 s26, s23  }
0x68: {  	[tilespmem:s24+$0x630 ss:$0x21] =	vst.msk $0xffff, v59;
	s28 =	sshrl.u32 s11, $0x3;
	p1 =	sgt.s32 s29, $0x7F;
	s27 =	sadd.s32 s3, s30  }
.Ltmp4:
0x69: {  	[tilespmem:s24+$0x840 ss:$0x21] =	vst.msk $0xffff, v60;
	s29 =	sand.u32 $0x7, s11;
	s22 =	simm.s32 @p1 $0x0;
	(pc) =	sbr.rel .LBB1_5-.Ltmp4, $4  }
0x6a: {  	[tilespmem:s24+$0xA50 ss:$0x21] =	vst.msk $0xffff, v61;
	s26 =	sadd.s32 s31, s27;
	s22 =	smul.u32 s22, s25;
	s25 =	sand.u32 $0xF, s28  }
0x6b: {  	[tilespmem:s24+$0xC60 ss:$0x21] =	vst.msk $0xffff, v62;
	s23 =	sshll.u32 s23, $0x4;
	s30 =	sshll.u32 s29, $0x12;
	s25 =	sadd.s32 s25, s26  }
0x6c: {  	[tilespmem:s24+$0x0 ss:$0x21] =	vst.msk $0xffff, v63;
	s31 =	sor.u32 $0x20, s30;
	s22 =	sand.u32 $0x3FFFFFFF, s22;
	s23 =	sadd.s32 s23, s25  }
0x6d: {  	[hbm4b:s23+s31] =	stream.strided.scatter [tilespmem:s21], [sflag:$0x2], s22, s7, s31, $0x10;
	[tilespmem:$0x4100] =	vst v63  }
.LBB1_6:
0x6e: {  	_ =	sfence.sel $0x180000  }
0x6f: {  	s2 =	simm.s32 $0x1;
	[bflag:$0x0] =	sbarrier.arrive $0xFFFF  }
0x70: {  	s31 =	simm.s32 $0x2;
	[sflag:s2] =	ssyncpa.u1 $0x1  }
0x71: {  	[sflag:s31] =	ssyncpa.u1 $0x1  }
0x72: {  	p0 =	sne.s32 s1, $0x0;
	_ =	strace $0x90000047  }
0x73: {  	s0 =	sadd.s32 @!p0 $0x100000, s0;
	[bflag:$0x2] =	sbarrier.arrive $0xFFFF  }
0x74: {  	[sflag:s0] =	ssyncadd.tile.s32 @!p0 $0x1;
	_ =	shalt  }
.Lfunc_end1:
_tile_overlayer_lowered:
.L_overlay_start_2:
0x75: {  	(tag) =	ssettag $0x2  }
0x76: {  	s0 =	rddreg [dreg:$0x0];
	s2 =	stileid.u32  }
0x77: {  	s1 =	rddreg [dreg:$0x1];
	p0 =	sne.s32 s2, $0x0  }
0x78: {  	s3 =	rddreg [dreg:$0x2];
	[bflag:$0x3] =	sbarrier.arrive $0xFFFF;
	s2 =	simm.s32 @!p0 $0x1C01  }
0x79: {  	[timem:s3], [sflag:s2] =	dma.local @!p0 [hbm:s0], s1  }
0x7a: {  	s0 =	simm.s32 @!p0 $0x1  }
0x7b: {  	_ =	swait.ge @!p0 [sflag:s0], s1  }
0x7c: {  	s1 =	ssub.s32 @!p0 $0x0, s1;
	[sflag:s0] =	ssyncset.done @!p0 $0x0  }
0x7d: {  	[sflag:s0] =	ssyncadd.s32 @!p0 s1  }
0x7e: {  	[bflag:$0x3] =	sbarrier.arrive $0xFFFF  }
0x7f: {  	_ =	shalt  }

</sc_bundles>
